<compile_context>
chip_gen: v7x
topology: tpu7x:2x2x1
jax: 0.10.2.dev20260603
libtpu: 0.0.44.dev20260713+nightly
codegen_flags: <defaults>
</compile_context>

<pallas_src>
import functools

import jax
import jax.numpy as jnp
from jax import lax
from jax.experimental import pallas as pl
from jax.experimental.pallas import tpu as pltpu
from jax.experimental.pallas import tpu_sc as plsc

N = 10000
E = 320000
NC = 2
NS = 16
NW = NC * NS
C = 125
NCH = E // C
CH_E = NCH // NW
G = CH_E // 2
SZ = 632
NP = NS * SZ
BLK = 5000
GRID = N // BLK

_MESH = dict(core_axis_name="c", subcore_axis_name="s")


def _deg_body(col_hbm, zeros_hbm, ones_hbm, out_hbm, colbuf, ones_v, acc, sem0, sem1):
    c = lax.axis_index("c")
    s = lax.axis_index("s")
    w = s * NC + c
    pltpu.async_copy(zeros_hbm, acc.at[pl.ds(s * SZ, SZ)], sem0)
    pltpu.sync_copy(col_hbm.at[pl.ds(w * CH_E, CH_E)], colbuf)
    pltpu.sync_copy(ones_hbm, ones_v)
    pltpu.make_async_copy(zeros_hbm, acc.at[pl.ds(s * SZ, SZ)], sem0).wait()
    plsc.subcore_barrier()

    pltpu.async_copy(ones_v, acc.at[colbuf.at[0]], sem0, add=True)

    def body(k, carry):
        i = 2 * k
        pltpu.async_copy(ones_v, acc.at[colbuf.at[i + 1]], sem1, add=True)
        pltpu.make_async_copy(ones_v, acc.at[colbuf.at[i]], sem0).wait()

        @pl.when(k + 1 < CH_E // 2)
        def _():
            pltpu.async_copy(ones_v, acc.at[colbuf.at[i + 2]], sem0, add=True)

        pltpu.make_async_copy(ones_v, acc.at[colbuf.at[i + 1]], sem1).wait()
        return carry

    lax.fori_loop(0, CH_E // 2, body, 0)
    plsc.subcore_barrier()
    pltpu.sync_copy(acc.at[pl.ds(s * SZ, SZ)], out_hbm.at[c, pl.ds(s * SZ, SZ)])


def _make_deg():
    return pl.kernel(
        _deg_body,
        out_type=jax.ShapeDtypeStruct((NC, NP, 16), jnp.float32),
        mesh=plsc.VectorSubcoreMesh(**_MESH),
        compiler_params=pltpu.CompilerParams(use_tc_tiling_on_sc=False),
        scratch_types=[
            pltpu.VMEM((CH_E, C), jnp.int32),
            pltpu.VMEM((C, 16), jnp.float32),
            pltpu.VMEM_SHARED((NP, 16), jnp.float32),
            pltpu.SemaphoreType.DMA,
            pltpu.SemaphoreType.DMA,
        ],
    )


def _agg_loop(table, rowbuf, colbuf, rows0, rows1, acc, sem0, sem1, nchunks):
    pltpu.async_copy(table.at[rowbuf.at[0]], rows0, sem0)

    def body(k, carry):
        i = 2 * k
        pltpu.async_copy(table.at[rowbuf.at[i + 1]], rows1, sem1)
        pltpu.make_async_copy(table.at[rowbuf.at[i]], rows0, sem0).wait()
        pltpu.sync_copy(rows0, acc.at[colbuf.at[i]], add=True)

        @pl.when(k + 1 < nchunks // 2)
        def _():
            pltpu.async_copy(table.at[rowbuf.at[i + 2]], rows0, sem0)

        pltpu.make_async_copy(table.at[rowbuf.at[i + 1]], rows1, sem1).wait()
        pltpu.sync_copy(rows1, acc.at[colbuf.at[i + 1]], add=True)
        return carry

    lax.fori_loop(0, nchunks // 2, body, 0)


def _agg128_body(hp_hbm, row_hbm, col_hbm, zeros_hbm, out_hbm,
                 rowbuf, colbuf, rows0, rows1, acc, sem0, sem1):
    c = lax.axis_index("c")
    s = lax.axis_index("s")
    w = s * NC + c
    pltpu.async_copy(zeros_hbm, acc.at[pl.ds(s * SZ, SZ)], sem0)
    pltpu.sync_copy(row_hbm.at[pl.ds(w * CH_E, G)], rowbuf)
    pltpu.sync_copy(col_hbm.at[pl.ds(w * CH_E, G)], colbuf)
    pltpu.make_async_copy(zeros_hbm, acc.at[pl.ds(s * SZ, SZ)], sem0).wait()
    plsc.subcore_barrier()
    for g in range(2):
        if g:
            base = w * CH_E + g * G
            pltpu.sync_copy(row_hbm.at[pl.ds(base, G)], rowbuf)
            pltpu.sync_copy(col_hbm.at[pl.ds(base, G)], colbuf)
        _agg_loop(hp_hbm, rowbuf, colbuf, rows0, rows1, acc, sem0, sem1, G)
    plsc.subcore_barrier()
    pltpu.sync_copy(acc.at[pl.ds(s * SZ, SZ)], out_hbm.at[c, pl.ds(s * SZ, SZ)])


def _make_agg128():
    return pl.kernel(
        _agg128_body,
        out_type=jax.ShapeDtypeStruct((NC, NP, 128), jnp.float32),
        mesh=plsc.VectorSubcoreMesh(**_MESH),
        scratch_types=[
            pltpu.VMEM((G, C), jnp.int32),
            pltpu.VMEM((G, C), jnp.int32),
            pltpu.VMEM((C, 128), jnp.float32),
            pltpu.VMEM((C, 128), jnp.float32),
            pltpu.VMEM_SHARED((NP, 128), jnp.float32),
            pltpu.SemaphoreType.DMA,
            pltpu.SemaphoreType.DMA,
        ],
    )


def _agg64_body(hp_hbm, row_hbm, col_hbm, zeros_hbm, out_hbm,
                rowbuf, colbuf, rows0, rows1, acc, sem0, sem1):
    c = lax.axis_index("c")
    s = lax.axis_index("s")
    w = s * NC + c
    pltpu.async_copy(zeros_hbm, acc.at[pl.ds(s * SZ, SZ)], sem0)
    pltpu.sync_copy(row_hbm.at[pl.ds(w * CH_E, CH_E)], rowbuf)
    pltpu.sync_copy(col_hbm.at[pl.ds(w * CH_E, CH_E)], colbuf)
    pltpu.make_async_copy(zeros_hbm, acc.at[pl.ds(s * SZ, SZ)], sem0).wait()
    plsc.subcore_barrier()
    _agg_loop(hp_hbm, rowbuf, colbuf, rows0, rows1, acc, sem0, sem1, CH_E)
    plsc.subcore_barrier()
    pltpu.sync_copy(acc.at[pl.ds(s * SZ, SZ)], out_hbm.at[c, pl.ds(s * SZ, SZ)])


def _make_agg64():
    return pl.kernel(
        _agg64_body,
        out_type=jax.ShapeDtypeStruct((NC, NP, 64), jnp.float32),
        mesh=plsc.VectorSubcoreMesh(**_MESH),
        compiler_params=pltpu.CompilerParams(use_tc_tiling_on_sc=False),
        scratch_types=[
            pltpu.VMEM((CH_E, C), jnp.int32),
            pltpu.VMEM((CH_E, C), jnp.int32),
            pltpu.VMEM((C, 64), jnp.float32),
            pltpu.VMEM((C, 64), jnp.float32),
            pltpu.VMEM_SHARED((NP, 64), jnp.float32),
            pltpu.SemaphoreType.DMA,
            pltpu.SemaphoreType.DMA,
        ],
    )


def _tc1_body(x_ref, w_ref, degp_ref, hp_ref, dis_ref):
    d = degp_ref[...]
    deg = 1.0 + d[0] + d[1]
    dis16 = lax.rsqrt(deg)
    h = jnp.dot(x_ref[...], w_ref[...], preferred_element_type=jnp.float32)
    hp_ref[...] = h * dis16[:, 0:1]
    dis_ref[...] = dis16


def _tc_mid_body(p_ref, hp_ref, dis_ref, b_ref, w_ref, o_ref):
    p = p_ref[...]
    dis = dis_ref[...][:, 0:1]
    z = (p[0] + p[1] + hp_ref[...]) * dis + b_ref[...]
    a = jnp.maximum(z, 0.0)
    o_ref[...] = jnp.dot(a, w_ref[...], preferred_element_type=jnp.float32) * dis


def _tc_final_body(p_ref, hp_ref, dis_ref, b_ref, o_ref):
    p = p_ref[...]
    dis = dis_ref[...][:, 0:1]
    o_ref[...] = (p[0] + p[1] + hp_ref[...]) * dis + b_ref[...]


def _tc1(x, w, degp):
    return pl.pallas_call(
        _tc1_body,
        grid=(GRID,),
        in_specs=[
            pl.BlockSpec((BLK, 128), lambda i: (i, 0)),
            pl.BlockSpec((128, 128), lambda i: (0, 0)),
            pl.BlockSpec((2, BLK, 16), lambda i: (0, i, 0)),
        ],
        out_specs=[
            pl.BlockSpec((BLK, 128), lambda i: (i, 0)),
            pl.BlockSpec((BLK, 16), lambda i: (i, 0)),
        ],
        out_shape=[
            jax.ShapeDtypeStruct((N, 128), jnp.float32),
            jax.ShapeDtypeStruct((N, 16), jnp.float32),
        ],
    )(x, w, degp)


def _tc_mid(p, hp, dis, b, w, dout):
    return pl.pallas_call(
        _tc_mid_body,
        grid=(GRID,),
        in_specs=[
            pl.BlockSpec((2, BLK, 128), lambda i: (0, i, 0)),
            pl.BlockSpec((BLK, 128), lambda i: (i, 0)),
            pl.BlockSpec((BLK, 16), lambda i: (i, 0)),
            pl.BlockSpec((1, 128), lambda i: (0, 0)),
            pl.BlockSpec((128, dout), lambda i: (0, 0)),
        ],
        out_specs=pl.BlockSpec((BLK, dout), lambda i: (i, 0)),
        out_shape=jax.ShapeDtypeStruct((N, dout), jnp.float32),
    )(p, hp, dis, b, w)


def _tc_final(p, hp, dis, b):
    return pl.pallas_call(
        _tc_final_body,
        grid=(GRID,),
        in_specs=[
            pl.BlockSpec((2, BLK, 64), lambda i: (0, i, 0)),
            pl.BlockSpec((BLK, 64), lambda i: (i, 0)),
            pl.BlockSpec((BLK, 16), lambda i: (i, 0)),
            pl.BlockSpec((1, 64), lambda i: (0, 0)),
        ],
        out_specs=pl.BlockSpec((BLK, 64), lambda i: (i, 0)),
        out_shape=jax.ShapeDtypeStruct((N, 64), jnp.float32),
    )(p, hp, dis, b)


def kernel(x, edge_index, W1, b1, W2, b2, W3, b3, W4, b4, W5, b5):
    row2d = edge_index[0].reshape(NCH, C)
    col2d = edge_index[1].reshape(NCH, C)
    z128 = jnp.zeros((SZ, 128), jnp.float32)
    z64 = jnp.zeros((SZ, 64), jnp.float32)
    z16 = jnp.zeros((SZ, 16), jnp.float32)
    ones16 = jnp.ones((C, 16), jnp.float32)

    degp = _make_deg()(col2d, z16, ones16)
    hp1, dis = _tc1(x, W1, degp)
    agg = _make_agg128()
    p = agg(hp1, row2d, col2d, z128)
    hp2 = _tc_mid(p, hp1, dis, b1.reshape(1, 128), W2, 128)
    p = agg(hp2, row2d, col2d, z128)
    hp3 = _tc_mid(p, hp2, dis, b2.reshape(1, 128), W3, 128)
    p = agg(hp3, row2d, col2d, z128)
    hp4 = _tc_mid(p, hp3, dis, b3.reshape(1, 128), W4, 128)
    p = agg(hp4, row2d, col2d, z128)
    hp5 = _tc_mid(p, hp4, dis, b4.reshape(1, 128), W5, 64)
    p = _make_agg64()(hp5, row2d, col2d, z64)
    return _tc_final(p, hp5, dis, b5.reshape(1, 64))

# --- scband reference (transcript-rebuilt; emitter-appended) ---
"""Pipeline reference for scband-gcn-32744830665494 (READ-ONLY COPY).

The authoritative reference and input builder live on the scoring server;
editing this copy changes nothing except your own understanding.
"""

import jax, jax.numpy as jnp
import numpy as np

N = 10000
E = 320000
DIMS = [128, 128, 128, 128, 128, 64]


def setup_inputs(seed: int = 0) -> dict:
    key = jax.random.key(seed)
    ks = jax.random.split(key, 12)
    inp = {}
    inp["x"] = jax.random.normal(ks[0], (N, DIMS[0]), dtype=jnp.float32)
    inp["edge_index"] = jax.random.randint(ks[1], (2, E), 0, N, dtype=jnp.int32)
    for i in range(5):
        fan_in = DIMS[i]
        inp[f"W{i+1}"] = jax.random.normal(ks[2 + i], (DIMS[i], DIMS[i + 1]), dtype=jnp.float32) * (1.0 / np.sqrt(fan_in))
        inp[f"b{i+1}"] = jnp.zeros((DIMS[i + 1],), dtype=jnp.float32)
    return inp


def _gcn_conv(x, row, col, norm, W, b):
    # GCNConv: linear transform, normalized gather-scatter aggregation, bias
    h = x @ W
    msg = norm[:, None] * jnp.take(h, row, axis=0)
    out = jax.ops.segment_sum(msg, col, num_segments=N)
    return out + b


def reference(x, edge_index, W1, b1, W2, b2, W3, b3, W4, b4, W5, b5):
    # add self loops (PyG GCNConv default add_self_loops=True)
    loop = jnp.arange(N, dtype=edge_index.dtype)
    row = jnp.concatenate([edge_index[0], loop])  # source nodes
    col = jnp.concatenate([edge_index[1], loop])  # target nodes
    # symmetric normalization deg^{-1/2} A deg^{-1/2}
    deg = jax.ops.segment_sum(jnp.ones_like(col, dtype=x.dtype), col, num_segments=N)
    dis = jnp.where(deg > 0, 1.0 / jnp.sqrt(deg), 0.0)
    norm = dis[row] * dis[col]
    # 5 GCN layers with relu between (dropout is identity in eval mode)
    h = _gcn_conv(x, row, col, norm, W1, b1)
    h = jax.nn.relu(h)
    h = _gcn_conv(h, row, col, norm, W2, b2)
    h = jax.nn.relu(h)
    h = _gcn_conv(h, row, col, norm, W3, b3)
    h = jax.nn.relu(h)
    h = _gcn_conv(h, row, col, norm, W4, b4)
    h = jax.nn.relu(h)
    h = _gcn_conv(h, row, col, norm, W5, b5)
    # sigmoid=False, reLU=False -> no final activation
    return h

if __name__ == "__main__":
    import jax
    _d = setup_inputs()
    print(jax.jit(kernel)(*tuple(_d.values())))

</pallas_src>

<mosaic_0001>
#map = affine_map<(d0, d1) -> (0, 0)>
#map1 = affine_map<(d0, d1) -> (0, 0, 0)>
module attributes {stable_mosaic.version = 14 : i64} {
  func.func @_agg128_body(%arg0: i32, %arg1: i32, %arg2: memref<10000x128xf32, #tpu.memory_space<hbm>>, %arg3: memref<2560x125xi32, #tpu.memory_space<hbm>>, %arg4: memref<2560x125xi32, #tpu.memory_space<hbm>>, %arg5: memref<632x128xf32, #tpu.memory_space<hbm>>, %arg6: memref<2x10112x128xf32, #tpu.memory_space<hbm>>, %arg7: memref<40x125xi32, #tpu.memory_space<vmem>>, %arg8: memref<40x125xi32, #tpu.memory_space<vmem>>, %arg9: memref<125x128xf32, #tpu.memory_space<vmem>>, %arg10: memref<125x128xf32, #tpu.memory_space<vmem>>, %arg11: memref<10112x128xf32, #tpu.memory_space<vmem_shared>>, %arg12: memref<!tpu.dma_semaphore, #tpu.memory_space<semaphore_mem>>, %arg13: memref<!tpu.dma_semaphore, #tpu.memory_space<semaphore_mem>>) attributes {dimension_semantics = [#tpu.dimension_semantics<core_parallel>, #tpu.dimension_semantics<subcore_parallel>], iteration_bounds = array<i64: 2, 16>, scalar_prefetch = 0 : i64, scratch_operands = 7 : i64, tpu.core_type = #tpu.core_type<sc_vector_subcore>, window_params = [{transform_indices = #map}, {transform_indices = #map}, {transform_indices = #map}, {transform_indices = #map}, {transform_indices = #map1}]} {
    %mul3A = arith.constant 2 : i32
    %mul3A_0 = arith.muli %arg1, %mul3A : i32
    %add3A = arith.addi %mul3A_0, %arg0 : i32
    %mul3A_1 = arith.constant 632 : i32
    %mul3A_2 = arith.muli %arg1, %mul3A_1 : i32
    %dma_start3A = arith.constant 0 : i32
    %dma_start3A_3 = tpu.memref_slice %arg11[%mul3A_2, %dma_start3A] : memref<10112x128xf32, #tpu.memory_space<vmem_shared>> -> memref<632x128xf32, #tpu.memory_space<vmem_shared>>
    tpu.enqueue_dma source(%arg5 : memref<632x128xf32, #tpu.memory_space<hbm>>) target(%dma_start3A_3 : memref<632x128xf32, #tpu.memory_space<vmem_shared>>) target_semaphore(%arg12 : memref<!tpu.dma_semaphore, #tpu.memory_space<semaphore_mem>>)
    %mul3A_4 = arith.constant 80 : i32
    %mul3A_5 = arith.muli %add3A, %mul3A_4 : i32
    "tpu.region"() ({
      %run_scoped3A = tpu.sem_alloc : memref<!tpu.dma_semaphore, #tpu.memory_space<semaphore_mem>>
      %dma_start3A_45 = arith.constant 0 : i32
      %dma_start3A_46 = tpu.memref_slice %arg3[%mul3A_5, %dma_start3A_45] : memref<2560x125xi32, #tpu.memory_space<hbm>> -> memref<40x125xi32, #tpu.memory_space<hbm>>
      %dma_start3A_47 = arith.constant 0 : i32
      %dma_start3A_48 = tpu.memref_slice %arg3[%mul3A_5, %dma_start3A_47] : memref<2560x125xi32, #tpu.memory_space<hbm>> -> memref<40x125xi32, #tpu.memory_space<hbm>>
      tpu.enqueue_dma source(%dma_start3A_48 : memref<40x125xi32, #tpu.memory_space<hbm>>) target(%arg7 : memref<40x125xi32, #tpu.memory_space<vmem>>) target_semaphore(%run_scoped3A : memref<!tpu.dma_semaphore, #tpu.memory_space<semaphore_mem>>)
      %dma_wait3A_49 = arith.constant 0 : i32
      %dma_wait3A_50 = tpu.memref_slice %arg3[%mul3A_5, %dma_wait3A_49] : memref<2560x125xi32, #tpu.memory_space<hbm>> -> memref<40x125xi32, #tpu.memory_space<hbm>>
      %dma_wait3A_51 = arith.constant 0 : i32
      %dma_wait3A_52 = tpu.memref_slice %arg3[%mul3A_5, %dma_wait3A_51] : memref<2560x125xi32, #tpu.memory_space<hbm>> -> memref<40x125xi32, #tpu.memory_space<hbm>>
      tpu.wait_dma2 semaphore(%run_scoped3A : memref<!tpu.dma_semaphore, #tpu.memory_space<semaphore_mem>>) src(%dma_wait3A_52 : memref<40x125xi32, #tpu.memory_space<hbm>>) dst(%arg7 : memref<40x125xi32, #tpu.memory_space<vmem>>)
      tpu.yield
    }) : () -> ()
    %mul3A_6 = arith.constant 80 : i32
    %mul3A_7 = arith.muli %add3A, %mul3A_6 : i32
    "tpu.region"() ({
      %run_scoped3A = tpu.sem_alloc : memref<!tpu.dma_semaphore, #tpu.memory_space<semaphore_mem>>
      %dma_start3A_45 = arith.constant 0 : i32
      %dma_start3A_46 = tpu.memref_slice %arg4[%mul3A_7, %dma_start3A_45] : memref<2560x125xi32, #tpu.memory_space<hbm>> -> memref<40x125xi32, #tpu.memory_space<hbm>>
      %dma_start3A_47 = arith.constant 0 : i32
      %dma_start3A_48 = tpu.memref_slice %arg4[%mul3A_7, %dma_start3A_47] : memref<2560x125xi32, #tpu.memory_space<hbm>> -> memref<40x125xi32, #tpu.memory_space<hbm>>
      tpu.enqueue_dma source(%dma_start3A_48 : memref<40x125xi32, #tpu.memory_space<hbm>>) target(%arg8 : memref<40x125xi32, #tpu.memory_space<vmem>>) target_semaphore(%run_scoped3A : memref<!tpu.dma_semaphore, #tpu.memory_space<semaphore_mem>>)
      %dma_wait3A_49 = arith.constant 0 : i32
      %dma_wait3A_50 = tpu.memref_slice %arg4[%mul3A_7, %dma_wait3A_49] : memref<2560x125xi32, #tpu.memory_space<hbm>> -> memref<40x125xi32, #tpu.memory_space<hbm>>
      %dma_wait3A_51 = arith.constant 0 : i32
      %dma_wait3A_52 = tpu.memref_slice %arg4[%mul3A_7, %dma_wait3A_51] : memref<2560x125xi32, #tpu.memory_space<hbm>> -> memref<40x125xi32, #tpu.memory_space<hbm>>
      tpu.wait_dma2 semaphore(%run_scoped3A : memref<!tpu.dma_semaphore, #tpu.memory_space<semaphore_mem>>) src(%dma_wait3A_52 : memref<40x125xi32, #tpu.memory_space<hbm>>) dst(%arg8 : memref<40x125xi32, #tpu.memory_space<vmem>>)
      tpu.yield
    }) : () -> ()
    %mul3A_8 = arith.constant 632 : i32
    %mul3A_9 = arith.muli %arg1, %mul3A_8 : i32
    %dma_wait3A = arith.constant 0 : i32
    %dma_wait3A_10 = tpu.memref_slice %arg11[%mul3A_9, %dma_wait3A] : memref<10112x128xf32, #tpu.memory_space<vmem_shared>> -> memref<632x128xf32, #tpu.memory_space<vmem_shared>>
    tpu.wait_dma2 semaphore(%arg12 : memref<!tpu.dma_semaphore, #tpu.memory_space<semaphore_mem>>) src(%arg5 : memref<632x128xf32, #tpu.memory_space<hbm>>) dst(%dma_wait3A_10 : memref<632x128xf32, #tpu.memory_space<vmem_shared>>)
    %barrier3A = arith.constant 0 : index
    tpu.barrier barrier_id(%barrier3A)
    %dma_start3A_11 = arith.constant 0 : i32
    %dma_start3A_12 = arith.constant 0 : i32
    %dma_start3A_13 = tpu.memref_slice %arg7[%dma_start3A_11, %dma_start3A_12] : memref<40x125xi32, #tpu.memory_space<vmem>> -> memref<1x125xi32, #tpu.memory_space<vmem>>
    %dma_start3A_14 = tpu.memref_squeeze %dma_start3A_13 : memref<1x125xi32, #tpu.memory_space<vmem>> -> memref<125xi32, #tpu.memory_space<vmem>>
    %dma_start3A_15 = arith.constant 0 : i32
    %dma_start3A_16 = arith.constant 0 : i32
    %dma_start3A_17 = tpu.memref_slice %arg2[%dma_start3A_15, %dma_start3A_16] : memref<10000x128xf32, #tpu.memory_space<hbm>> -> memref<10000x128xf32, #tpu.memory_space<hbm>>
    tpu.enqueue_indirect_dma source(%dma_start3A_17 : memref<10000x128xf32, #tpu.memory_space<hbm>>) target(%arg9 : memref<125x128xf32, #tpu.memory_space<vmem>>) offsets(%dma_start3A_14 : memref<125xi32, #tpu.memory_space<vmem>>) semaphore(%arg12 : memref<!tpu.dma_semaphore, #tpu.memory_space<semaphore_mem>>)
    %scan3A = arith.constant 0 : i32
    %scan3A_18 = arith.constant 0 : i32
    %scan3A_19 = arith.constant 20 : i32
    %scan3A_20 = arith.addi %scan3A_18, %scan3A_19 : i32
    %scan3A_21 = arith.constant 1 : i32
    scf.for %scan3A_45 = %scan3A_18 to %scan3A_20 step %scan3A_21  : i32 {
      %mul3A_46 = arith.constant 2 : i32
      %mul3A_47 = arith.muli %mul3A_46, %scan3A_45 : i32
      %add3A_48 = arith.constant 1 : i32
      %add3A_49 = arith.addi %mul3A_47, %add3A_48 : i32
      %dma_start3A_50 = arith.constant 0 : i32
      %dma_start3A_51 = tpu.memref_slice %arg7[%add3A_49, %dma_start3A_50] : memref<40x125xi32, #tpu.memory_space<vmem>> -> memref<1x125xi32, #tpu.memory_space<vmem>>
      %dma_start3A_52 = tpu.memref_squeeze %dma_start3A_51 : memref<1x125xi32, #tpu.memory_space<vmem>> -> memref<125xi32, #tpu.memory_space<vmem>>
      %dma_start3A_53 = arith.constant 0 : i32
      %dma_start3A_54 = arith.constant 0 : i32
      %dma_start3A_55 = tpu.memref_slice %arg2[%dma_start3A_53, %dma_start3A_54] : memref<10000x128xf32, #tpu.memory_space<hbm>> -> memref<10000x128xf32, #tpu.memory_space<hbm>>
      tpu.enqueue_indirect_dma source(%dma_start3A_55 : memref<10000x128xf32, #tpu.memory_space<hbm>>) target(%arg10 : memref<125x128xf32, #tpu.memory_space<vmem>>) offsets(%dma_start3A_52 : memref<125xi32, #tpu.memory_space<vmem>>) semaphore(%arg13 : memref<!tpu.dma_semaphore, #tpu.memory_space<semaphore_mem>>)
      %dma_wait3A_56 = arith.constant 0 : i32
      %dma_wait3A_57 = tpu.memref_slice %arg7[%mul3A_47, %dma_wait3A_56] : memref<40x125xi32, #tpu.memory_space<vmem>> -> memref<1x125xi32, #tpu.memory_space<vmem>>
      %dma_wait3A_58 = tpu.memref_squeeze %dma_wait3A_57 : memref<1x125xi32, #tpu.memory_space<vmem>> -> memref<125xi32, #tpu.memory_space<vmem>>
      %dma_wait3A_59 = arith.constant 0 : i32
      %dma_wait3A_60 = arith.constant 0 : i32
      %dma_wait3A_61 = tpu.memref_slice %arg2[%dma_wait3A_59, %dma_wait3A_60] : memref<10000x128xf32, #tpu.memory_space<hbm>> -> memref<10000x128xf32, #tpu.memory_space<hbm>>
      tpu.wait_indirect_dma semaphore(%arg12 : memref<!tpu.dma_semaphore, #tpu.memory_space<semaphore_mem>>) src(%dma_wait3A_61 : memref<10000x128xf32, #tpu.memory_space<hbm>>) dst(%arg9 : memref<125x128xf32, #tpu.memory_space<vmem>>)
      "tpu.region"() ({
        %run_scoped3A = tpu.sem_alloc : memref<!tpu.dma_semaphore, #tpu.memory_space<semaphore_mem>>
        %dma_start3A_76 = arith.constant 0 : i32
        %dma_start3A_77 = tpu.memref_slice %arg8[%mul3A_47, %dma_start3A_76] : memref<40x125xi32, #tpu.memory_space<vmem>> -> memref<1x125xi32, #tpu.memory_space<vmem>>
        %dma_start3A_78 = tpu.memref_squeeze %dma_start3A_77 : memref<1x125xi32, #tpu.memory_space<vmem>> -> memref<125xi32, #tpu.memory_space<vmem>>
        %dma_start3A_79 = arith.constant 0 : i32
        %dma_start3A_80 = arith.constant 0 : i32
        %dma_start3A_81 = tpu.memref_slice %arg11[%dma_start3A_79, %dma_start3A_80] : memref<10112x128xf32, #tpu.memory_space<vmem_shared>> -> memref<10112x128xf32, #tpu.memory_space<vmem_shared>>
        tpu.enqueue_indirect_dma source(%arg9 : memref<125x128xf32, #tpu.memory_space<vmem>>) target(%dma_start3A_81 : memref<10112x128xf32, #tpu.memory_space<vmem_shared>>) offsets(%dma_start3A_78 : memref<125xi32, #tpu.memory_space<vmem>>) semaphore(%run_scoped3A : memref<!tpu.dma_semaphore, #tpu.memory_space<semaphore_mem>>) {add = true}
        %dma_wait3A_82 = arith.constant 0 : i32
        %dma_wait3A_83 = tpu.memref_slice %arg8[%mul3A_47, %dma_wait3A_82] : memref<40x125xi32, #tpu.memory_space<vmem>> -> memref<1x125xi32, #tpu.memory_space<vmem>>
        %dma_wait3A_84 = tpu.memref_squeeze %dma_wait3A_83 : memref<1x125xi32, #tpu.memory_space<vmem>> -> memref<125xi32, #tpu.memory_space<vmem>>
        %dma_wait3A_85 = arith.constant 0 : i32
        %dma_wait3A_86 = arith.constant 0 : i32
        %dma_wait3A_87 = tpu.memref_slice %arg11[%dma_wait3A_85, %dma_wait3A_86] : memref<10112x128xf32, #tpu.memory_space<vmem_shared>> -> memref<10112x128xf32, #tpu.memory_space<vmem_shared>>
        tpu.wait_indirect_dma semaphore(%run_scoped3A : memref<!tpu.dma_semaphore, #tpu.memory_space<semaphore_mem>>) src(%arg9 : memref<125x128xf32, #tpu.memory_space<vmem>>) dst(%dma_wait3A_87 : memref<10112x128xf32, #tpu.memory_space<vmem_shared>>)
        tpu.yield
      }) : () -> ()
      %add3A_62 = arith.constant 1 : i32
      %add3A_63 = arith.addi %scan3A_45, %add3A_62 : i32
      %lt3A = arith.constant 20 : i32
      %lt3A_64 = arith.cmpi slt, %add3A_63, %lt3A : i32
      %convert_element_type3A = arith.extui %lt3A_64 : i1 to i32
      %cond3A = arith.constant 0 : i32
      %cond3A_65 = arith.cmpi ne, %convert_element_type3A, %cond3A : i32
      scf.if %cond3A_65 {
        %add3A_76 = arith.constant 2 : i32
        %add3A_77 = arith.addi %mul3A_47, %add3A_76 : i32
        %dma_start3A_78 = arith.constant 0 : i32
        %dma_start3A_79 = tpu.memref_slice %arg7[%add3A_77, %dma_start3A_78] : memref<40x125xi32, #tpu.memory_space<vmem>> -> memref<1x125xi32, #tpu.memory_space<vmem>>
        %dma_start3A_80 = tpu.memref_squeeze %dma_start3A_79 : memref<1x125xi32, #tpu.memory_space<vmem>> -> memref<125xi32, #tpu.memory_space<vmem>>
        %dma_start3A_81 = arith.constant 0 : i32
        %dma_start3A_82 = arith.constant 0 : i32
        %dma_start3A_83 = tpu.memref_slice %arg2[%dma_start3A_81, %dma_start3A_82] : memref<10000x128xf32, #tpu.memory_space<hbm>> -> memref<10000x128xf32, #tpu.memory_space<hbm>>
        tpu.enqueue_indirect_dma source(%dma_start3A_83 : memref<10000x128xf32, #tpu.memory_space<hbm>>) target(%arg9 : memref<125x128xf32, #tpu.memory_space<vmem>>) offsets(%dma_start3A_80 : memref<125xi32, #tpu.memory_space<vmem>>) semaphore(%arg12 : memref<!tpu.dma_semaphore, #tpu.memory_space<semaphore_mem>>)
      } else {
      }
      %add3A_66 = arith.constant 1 : i32
      %add3A_67 = arith.addi %mul3A_47, %add3A_66 : i32
      %dma_wait3A_68 = arith.constant 0 : i32
      %dma_wait3A_69 = tpu.memref_slice %arg7[%add3A_67, %dma_wait3A_68] : memref<40x125xi32, #tpu.memory_space<vmem>> -> memref<1x125xi32, #tpu.memory_space<vmem>>
      %dma_wait3A_70 = tpu.memref_squeeze %dma_wait3A_69 : memref<1x125xi32, #tpu.memory_space<vmem>> -> memref<125xi32, #tpu.memory_space<vmem>>
      %dma_wait3A_71 = arith.constant 0 : i32
      %dma_wait3A_72 = arith.constant 0 : i32
      %dma_wait3A_73 = tpu.memref_slice %arg2[%dma_wait3A_71, %dma_wait3A_72] : memref<10000x128xf32, #tpu.memory_space<hbm>> -> memref<10000x128xf32, #tpu.memory_space<hbm>>
      tpu.wait_indirect_dma semaphore(%arg13 : memref<!tpu.dma_semaphore, #tpu.memory_space<semaphore_mem>>) src(%dma_wait3A_73 : memref<10000x128xf32, #tpu.memory_space<hbm>>) dst(%arg10 : memref<125x128xf32, #tpu.memory_space<vmem>>)
      %add3A_74 = arith.constant 1 : i32
      %add3A_75 = arith.addi %mul3A_47, %add3A_74 : i32
      "tpu.region"() ({
        %run_scoped3A = tpu.sem_alloc : memref<!tpu.dma_semaphore, #tpu.memory_space<semaphore_mem>>
        %dma_start3A_76 = arith.constant 0 : i32
        %dma_start3A_77 = tpu.memref_slice %arg8[%add3A_75, %dma_start3A_76] : memref<40x125xi32, #tpu.memory_space<vmem>> -> memref<1x125xi32, #tpu.memory_space<vmem>>
        %dma_start3A_78 = tpu.memref_squeeze %dma_start3A_77 : memref<1x125xi32, #tpu.memory_space<vmem>> -> memref<125xi32, #tpu.memory_space<vmem>>
        %dma_start3A_79 = arith.constant 0 : i32
        %dma_start3A_80 = arith.constant 0 : i32
        %dma_start3A_81 = tpu.memref_slice %arg11[%dma_start3A_79, %dma_start3A_80] : memref<10112x128xf32, #tpu.memory_space<vmem_shared>> -> memref<10112x128xf32, #tpu.memory_space<vmem_shared>>
        tpu.enqueue_indirect_dma source(%arg10 : memref<125x128xf32, #tpu.memory_space<vmem>>) target(%dma_start3A_81 : memref<10112x128xf32, #tpu.memory_space<vmem_shared>>) offsets(%dma_start3A_78 : memref<125xi32, #tpu.memory_space<vmem>>) semaphore(%run_scoped3A : memref<!tpu.dma_semaphore, #tpu.memory_space<semaphore_mem>>) {add = true}
        %dma_wait3A_82 = arith.constant 0 : i32
        %dma_wait3A_83 = tpu.memref_slice %arg8[%add3A_75, %dma_wait3A_82] : memref<40x125xi32, #tpu.memory_space<vmem>> -> memref<1x125xi32, #tpu.memory_space<vmem>>
        %dma_wait3A_84 = tpu.memref_squeeze %dma_wait3A_83 : memref<1x125xi32, #tpu.memory_space<vmem>> -> memref<125xi32, #tpu.memory_space<vmem>>
        %dma_wait3A_85 = arith.constant 0 : i32
        %dma_wait3A_86 = arith.constant 0 : i32
        %dma_wait3A_87 = tpu.memref_slice %arg11[%dma_wait3A_85, %dma_wait3A_86] : memref<10112x128xf32, #tpu.memory_space<vmem_shared>> -> memref<10112x128xf32, #tpu.memory_space<vmem_shared>>
        tpu.wait_indirect_dma semaphore(%run_scoped3A : memref<!tpu.dma_semaphore, #tpu.memory_space<semaphore_mem>>) src(%arg10 : memref<125x128xf32, #tpu.memory_space<vmem>>) dst(%dma_wait3A_87 : memref<10112x128xf32, #tpu.memory_space<vmem_shared>>)
        tpu.yield
      }) : () -> ()
    }
    %scan3A_22 = arith.constant 20 : i32
    %mul3A_23 = arith.constant 80 : i32
    %mul3A_24 = arith.muli %add3A, %mul3A_23 : i32
    %add3A_25 = arith.constant 40 : i32
    %add3A_26 = arith.addi %mul3A_24, %add3A_25 : i32
    "tpu.region"() ({
      %run_scoped3A = tpu.sem_alloc : memref<!tpu.dma_semaphore, #tpu.memory_space<semaphore_mem>>
      %dma_start3A_45 = arith.constant 0 : i32
      %dma_start3A_46 = tpu.memref_slice %arg3[%add3A_26, %dma_start3A_45] : memref<2560x125xi32, #tpu.memory_space<hbm>> -> memref<40x125xi32, #tpu.memory_space<hbm>>
      %dma_start3A_47 = arith.constant 0 : i32
      %dma_start3A_48 = tpu.memref_slice %arg3[%add3A_26, %dma_start3A_47] : memref<2560x125xi32, #tpu.memory_space<hbm>> -> memref<40x125xi32, #tpu.memory_space<hbm>>
      tpu.enqueue_dma source(%dma_start3A_48 : memref<40x125xi32, #tpu.memory_space<hbm>>) target(%arg7 : memref<40x125xi32, #tpu.memory_space<vmem>>) target_semaphore(%run_scoped3A : memref<!tpu.dma_semaphore, #tpu.memory_space<semaphore_mem>>)
      %dma_wait3A_49 = arith.constant 0 : i32
      %dma_wait3A_50 = tpu.memref_slice %arg3[%add3A_26, %dma_wait3A_49] : memref<2560x125xi32, #tpu.memory_space<hbm>> -> memref<40x125xi32, #tpu.memory_space<hbm>>
      %dma_wait3A_51 = arith.constant 0 : i32
      %dma_wait3A_52 = tpu.memref_slice %arg3[%add3A_26, %dma_wait3A_51] : memref<2560x125xi32, #tpu.memory_space<hbm>> -> memref<40x125xi32, #tpu.memory_space<hbm>>
      tpu.wait_dma2 semaphore(%run_scoped3A : memref<!tpu.dma_semaphore, #tpu.memory_space<semaphore_mem>>) src(%dma_wait3A_52 : memref<40x125xi32, #tpu.memory_space<hbm>>) dst(%arg7 : memref<40x125xi32, #tpu.memory_space<vmem>>)
      tpu.yield
    }) : () -> ()
    "tpu.region"() ({
      %run_scoped3A = tpu.sem_alloc : memref<!tpu.dma_semaphore, #tpu.memory_space<semaphore_mem>>
      %dma_start3A_45 = arith.constant 0 : i32
      %dma_start3A_46 = tpu.memref_slice %arg4[%add3A_26, %dma_start3A_45] : memref<2560x125xi32, #tpu.memory_space<hbm>> -> memref<40x125xi32, #tpu.memory_space<hbm>>
      %dma_start3A_47 = arith.constant 0 : i32
      %dma_start3A_48 = tpu.memref_slice %arg4[%add3A_26, %dma_start3A_47] : memref<2560x125xi32, #tpu.memory_space<hbm>> -> memref<40x125xi32, #tpu.memory_space<hbm>>
      tpu.enqueue_dma source(%dma_start3A_48 : memref<40x125xi32, #tpu.memory_space<hbm>>) target(%arg8 : memref<40x125xi32, #tpu.memory_space<vmem>>) target_semaphore(%run_scoped3A : memref<!tpu.dma_semaphore, #tpu.memory_space<semaphore_mem>>)
      %dma_wait3A_49 = arith.constant 0 : i32
      %dma_wait3A_50 = tpu.memref_slice %arg4[%add3A_26, %dma_wait3A_49] : memref<2560x125xi32, #tpu.memory_space<hbm>> -> memref<40x125xi32, #tpu.memory_space<hbm>>
      %dma_wait3A_51 = arith.constant 0 : i32
      %dma_wait3A_52 = tpu.memref_slice %arg4[%add3A_26, %dma_wait3A_51] : memref<2560x125xi32, #tpu.memory_space<hbm>> -> memref<40x125xi32, #tpu.memory_space<hbm>>
      tpu.wait_dma2 semaphore(%run_scoped3A : memref<!tpu.dma_semaphore, #tpu.memory_space<semaphore_mem>>) src(%dma_wait3A_52 : memref<40x125xi32, #tpu.memory_space<hbm>>) dst(%arg8 : memref<40x125xi32, #tpu.memory_space<vmem>>)
      tpu.yield
    }) : () -> ()
    %dma_start3A_27 = arith.constant 0 : i32
    %dma_start3A_28 = arith.constant 0 : i32
    %dma_start3A_29 = tpu.memref_slice %arg7[%dma_start3A_27, %dma_start3A_28] : memref<40x125xi32, #tpu.memory_space<vmem>> -> memref<1x125xi32, #tpu.memory_space<vmem>>
    %dma_start3A_30 = tpu.memref_squeeze %dma_start3A_29 : memref<1x125xi32, #tpu.memory_space<vmem>> -> memref<125xi32, #tpu.memory_space<vmem>>
    %dma_start3A_31 = arith.constant 0 : i32
    %dma_start3A_32 = arith.constant 0 : i32
    %dma_start3A_33 = tpu.memref_slice %arg2[%dma_start3A_31, %dma_start3A_32] : memref<10000x128xf32, #tpu.memory_space<hbm>> -> memref<10000x128xf32, #tpu.memory_space<hbm>>
    tpu.enqueue_indirect_dma source(%dma_start3A_33 : memref<10000x128xf32, #tpu.memory_space<hbm>>) target(%arg9 : memref<125x128xf32, #tpu.memory_space<vmem>>) offsets(%dma_start3A_30 : memref<125xi32, #tpu.memory_space<vmem>>) semaphore(%arg12 : memref<!tpu.dma_semaphore, #tpu.memory_space<semaphore_mem>>)
    %scan3A_34 = arith.constant 0 : i32
    %scan3A_35 = arith.constant 0 : i32
    %scan3A_36 = arith.constant 20 : i32
    %scan3A_37 = arith.addi %scan3A_35, %scan3A_36 : i32
    %scan3A_38 = arith.constant 1 : i32
    scf.for %scan3A_45 = %scan3A_35 to %scan3A_37 step %scan3A_38  : i32 {
      %mul3A_46 = arith.constant 2 : i32
      %mul3A_47 = arith.muli %mul3A_46, %scan3A_45 : i32
      %add3A_48 = arith.constant 1 : i32
      %add3A_49 = arith.addi %mul3A_47, %add3A_48 : i32
      %dma_start3A_50 = arith.constant 0 : i32
      %dma_start3A_51 = tpu.memref_slice %arg7[%add3A_49, %dma_start3A_50] : memref<40x125xi32, #tpu.memory_space<vmem>> -> memref<1x125xi32, #tpu.memory_space<vmem>>
      %dma_start3A_52 = tpu.memref_squeeze %dma_start3A_51 : memref<1x125xi32, #tpu.memory_space<vmem>> -> memref<125xi32, #tpu.memory_space<vmem>>
      %dma_start3A_53 = arith.constant 0 : i32
      %dma_start3A_54 = arith.constant 0 : i32
      %dma_start3A_55 = tpu.memref_slice %arg2[%dma_start3A_53, %dma_start3A_54] : memref<10000x128xf32, #tpu.memory_space<hbm>> -> memref<10000x128xf32, #tpu.memory_space<hbm>>
      tpu.enqueue_indirect_dma source(%dma_start3A_55 : memref<10000x128xf32, #tpu.memory_space<hbm>>) target(%arg10 : memref<125x128xf32, #tpu.memory_space<vmem>>) offsets(%dma_start3A_52 : memref<125xi32, #tpu.memory_space<vmem>>) semaphore(%arg13 : memref<!tpu.dma_semaphore, #tpu.memory_space<semaphore_mem>>)
      %dma_wait3A_56 = arith.constant 0 : i32
      %dma_wait3A_57 = tpu.memref_slice %arg7[%mul3A_47, %dma_wait3A_56] : memref<40x125xi32, #tpu.memory_space<vmem>> -> memref<1x125xi32, #tpu.memory_space<vmem>>
      %dma_wait3A_58 = tpu.memref_squeeze %dma_wait3A_57 : memref<1x125xi32, #tpu.memory_space<vmem>> -> memref<125xi32, #tpu.memory_space<vmem>>
      %dma_wait3A_59 = arith.constant 0 : i32
      %dma_wait3A_60 = arith.constant 0 : i32
      %dma_wait3A_61 = tpu.memref_slice %arg2[%dma_wait3A_59, %dma_wait3A_60] : memref<10000x128xf32, #tpu.memory_space<hbm>> -> memref<10000x128xf32, #tpu.memory_space<hbm>>
      tpu.wait_indirect_dma semaphore(%arg12 : memref<!tpu.dma_semaphore, #tpu.memory_space<semaphore_mem>>) src(%dma_wait3A_61 : memref<10000x128xf32, #tpu.memory_space<hbm>>) dst(%arg9 : memref<125x128xf32, #tpu.memory_space<vmem>>)
      "tpu.region"() ({
        %run_scoped3A = tpu.sem_alloc : memref<!tpu.dma_semaphore, #tpu.memory_space<semaphore_mem>>
        %dma_start3A_76 = arith.constant 0 : i32
        %dma_start3A_77 = tpu.memref_slice %arg8[%mul3A_47, %dma_start3A_76] : memref<40x125xi32, #tpu.memory_space<vmem>> -> memref<1x125xi32, #tpu.memory_space<vmem>>
        %dma_start3A_78 = tpu.memref_squeeze %dma_start3A_77 : memref<1x125xi32, #tpu.memory_space<vmem>> -> memref<125xi32, #tpu.memory_space<vmem>>
        %dma_start3A_79 = arith.constant 0 : i32
        %dma_start3A_80 = arith.constant 0 : i32
        %dma_start3A_81 = tpu.memref_slice %arg11[%dma_start3A_79, %dma_start3A_80] : memref<10112x128xf32, #tpu.memory_space<vmem_shared>> -> memref<10112x128xf32, #tpu.memory_space<vmem_shared>>
        tpu.enqueue_indirect_dma source(%arg9 : memref<125x128xf32, #tpu.memory_space<vmem>>) target(%dma_start3A_81 : memref<10112x128xf32, #tpu.memory_space<vmem_shared>>) offsets(%dma_start3A_78 : memref<125xi32, #tpu.memory_space<vmem>>) semaphore(%run_scoped3A : memref<!tpu.dma_semaphore, #tpu.memory_space<semaphore_mem>>) {add = true}
        %dma_wait3A_82 = arith.constant 0 : i32
        %dma_wait3A_83 = tpu.memref_slice %arg8[%mul3A_47, %dma_wait3A_82] : memref<40x125xi32, #tpu.memory_space<vmem>> -> memref<1x125xi32, #tpu.memory_space<vmem>>
        %dma_wait3A_84 = tpu.memref_squeeze %dma_wait3A_83 : memref<1x125xi32, #tpu.memory_space<vmem>> -> memref<125xi32, #tpu.memory_space<vmem>>
        %dma_wait3A_85 = arith.constant 0 : i32
        %dma_wait3A_86 = arith.constant 0 : i32
        %dma_wait3A_87 = tpu.memref_slice %arg11[%dma_wait3A_85, %dma_wait3A_86] : memref<10112x128xf32, #tpu.memory_space<vmem_shared>> -> memref<10112x128xf32, #tpu.memory_space<vmem_shared>>
        tpu.wait_indirect_dma semaphore(%run_scoped3A : memref<!tpu.dma_semaphore, #tpu.memory_space<semaphore_mem>>) src(%arg9 : memref<125x128xf32, #tpu.memory_space<vmem>>) dst(%dma_wait3A_87 : memref<10112x128xf32, #tpu.memory_space<vmem_shared>>)
        tpu.yield
      }) : () -> ()
      %add3A_62 = arith.constant 1 : i32
      %add3A_63 = arith.addi %scan3A_45, %add3A_62 : i32
      %lt3A = arith.constant 20 : i32
      %lt3A_64 = arith.cmpi slt, %add3A_63, %lt3A : i32
      %convert_element_type3A = arith.extui %lt3A_64 : i1 to i32
      %cond3A = arith.constant 0 : i32
      %cond3A_65 = arith.cmpi ne, %convert_element_type3A, %cond3A : i32
      scf.if %cond3A_65 {
        %add3A_76 = arith.constant 2 : i32
        %add3A_77 = arith.addi %mul3A_47, %add3A_76 : i32
        %dma_start3A_78 = arith.constant 0 : i32
        %dma_start3A_79 = tpu.memref_slice %arg7[%add3A_77, %dma_start3A_78] : memref<40x125xi32, #tpu.memory_space<vmem>> -> memref<1x125xi32, #tpu.memory_space<vmem>>
        %dma_start3A_80 = tpu.memref_squeeze %dma_start3A_79 : memref<1x125xi32, #tpu.memory_space<vmem>> -> memref<125xi32, #tpu.memory_space<vmem>>
        %dma_start3A_81 = arith.constant 0 : i32
        %dma_start3A_82 = arith.constant 0 : i32
        %dma_start3A_83 = tpu.memref_slice %arg2[%dma_start3A_81, %dma_start3A_82] : memref<10000x128xf32, #tpu.memory_space<hbm>> -> memref<10000x128xf32, #tpu.memory_space<hbm>>
        tpu.enqueue_indirect_dma source(%dma_start3A_83 : memref<10000x128xf32, #tpu.memory_space<hbm>>) target(%arg9 : memref<125x128xf32, #tpu.memory_space<vmem>>) offsets(%dma_start3A_80 : memref<125xi32, #tpu.memory_space<vmem>>) semaphore(%arg12 : memref<!tpu.dma_semaphore, #tpu.memory_space<semaphore_mem>>)
      } else {
      }
      %add3A_66 = arith.constant 1 : i32
      %add3A_67 = arith.addi %mul3A_47, %add3A_66 : i32
      %dma_wait3A_68 = arith.constant 0 : i32
      %dma_wait3A_69 = tpu.memref_slice %arg7[%add3A_67, %dma_wait3A_68] : memref<40x125xi32, #tpu.memory_space<vmem>> -> memref<1x125xi32, #tpu.memory_space<vmem>>
      %dma_wait3A_70 = tpu.memref_squeeze %dma_wait3A_69 : memref<1x125xi32, #tpu.memory_space<vmem>> -> memref<125xi32, #tpu.memory_space<vmem>>
      %dma_wait3A_71 = arith.constant 0 : i32
      %dma_wait3A_72 = arith.constant 0 : i32
      %dma_wait3A_73 = tpu.memref_slice %arg2[%dma_wait3A_71, %dma_wait3A_72] : memref<10000x128xf32, #tpu.memory_space<hbm>> -> memref<10000x128xf32, #tpu.memory_space<hbm>>
      tpu.wait_indirect_dma semaphore(%arg13 : memref<!tpu.dma_semaphore, #tpu.memory_space<semaphore_mem>>) src(%dma_wait3A_73 : memref<10000x128xf32, #tpu.memory_space<hbm>>) dst(%arg10 : memref<125x128xf32, #tpu.memory_space<vmem>>)
      %add3A_74 = arith.constant 1 : i32
      %add3A_75 = arith.addi %mul3A_47, %add3A_74 : i32
      "tpu.region"() ({
        %run_scoped3A = tpu.sem_alloc : memref<!tpu.dma_semaphore, #tpu.memory_space<semaphore_mem>>
        %dma_start3A_76 = arith.constant 0 : i32
        %dma_start3A_77 = tpu.memref_slice %arg8[%add3A_75, %dma_start3A_76] : memref<40x125xi32, #tpu.memory_space<vmem>> -> memref<1x125xi32, #tpu.memory_space<vmem>>
        %dma_start3A_78 = tpu.memref_squeeze %dma_start3A_77 : memref<1x125xi32, #tpu.memory_space<vmem>> -> memref<125xi32, #tpu.memory_space<vmem>>
        %dma_start3A_79 = arith.constant 0 : i32
        %dma_start3A_80 = arith.constant 0 : i32
        %dma_start3A_81 = tpu.memref_slice %arg11[%dma_start3A_79, %dma_start3A_80] : memref<10112x128xf32, #tpu.memory_space<vmem_shared>> -> memref<10112x128xf32, #tpu.memory_space<vmem_shared>>
        tpu.enqueue_indirect_dma source(%arg10 : memref<125x128xf32, #tpu.memory_space<vmem>>) target(%dma_start3A_81 : memref<10112x128xf32, #tpu.memory_space<vmem_shared>>) offsets(%dma_start3A_78 : memref<125xi32, #tpu.memory_space<vmem>>) semaphore(%run_scoped3A : memref<!tpu.dma_semaphore, #tpu.memory_space<semaphore_mem>>) {add = true}
        %dma_wait3A_82 = arith.constant 0 : i32
        %dma_wait3A_83 = tpu.memref_slice %arg8[%add3A_75, %dma_wait3A_82] : memref<40x125xi32, #tpu.memory_space<vmem>> -> memref<1x125xi32, #tpu.memory_space<vmem>>
        %dma_wait3A_84 = tpu.memref_squeeze %dma_wait3A_83 : memref<1x125xi32, #tpu.memory_space<vmem>> -> memref<125xi32, #tpu.memory_space<vmem>>
        %dma_wait3A_85 = arith.constant 0 : i32
        %dma_wait3A_86 = arith.constant 0 : i32
        %dma_wait3A_87 = tpu.memref_slice %arg11[%dma_wait3A_85, %dma_wait3A_86] : memref<10112x128xf32, #tpu.memory_space<vmem_shared>> -> memref<10112x128xf32, #tpu.memory_space<vmem_shared>>
        tpu.wait_indirect_dma semaphore(%run_scoped3A : memref<!tpu.dma_semaphore, #tpu.memory_space<semaphore_mem>>) src(%arg10 : memref<125x128xf32, #tpu.memory_space<vmem>>) dst(%dma_wait3A_87 : memref<10112x128xf32, #tpu.memory_space<vmem_shared>>)
        tpu.yield
      }) : () -> ()
    }
    %scan3A_39 = arith.constant 20 : i32
    %barrier3A_40 = arith.constant 0 : index
    tpu.barrier barrier_id(%barrier3A_40)
    %mul3A_41 = arith.constant 632 : i32
    %mul3A_42 = arith.muli %arg1, %mul3A_41 : i32
    %mul3A_43 = arith.constant 632 : i32
    %mul3A_44 = arith.muli %arg1, %mul3A_43 : i32
    "tpu.region"() ({
      %run_scoped3A = tpu.sem_alloc : memref<!tpu.dma_semaphore, #tpu.memory_space<semaphore_mem>>
      %dma_start3A_45 = arith.constant 0 : i32
      %dma_start3A_46 = tpu.memref_slice %arg6[%arg0, %mul3A_44, %dma_start3A_45] : memref<2x10112x128xf32, #tpu.memory_space<hbm>> -> memref<1x632x128xf32, #tpu.memory_space<hbm>>
      %dma_start3A_47 = tpu.memref_squeeze %dma_start3A_46 : memref<1x632x128xf32, #tpu.memory_space<hbm>> -> memref<632x128xf32, #tpu.memory_space<hbm>>
      %dma_start3A_48 = arith.constant 0 : i32
      %dma_start3A_49 = tpu.memref_slice %arg11[%mul3A_42, %dma_start3A_48] : memref<10112x128xf32, #tpu.memory_space<vmem_shared>> -> memref<632x128xf32, #tpu.memory_space<vmem_shared>>
      tpu.enqueue_dma source(%dma_start3A_49 : memref<632x128xf32, #tpu.memory_space<vmem_shared>>) target(%dma_start3A_47 : memref<632x128xf32, #tpu.memory_space<hbm>>) target_semaphore(%run_scoped3A : memref<!tpu.dma_semaphore, #tpu.memory_space<semaphore_mem>>)
      %dma_wait3A_50 = arith.constant 0 : i32
      %dma_wait3A_51 = tpu.memref_slice %arg6[%arg0, %mul3A_44, %dma_wait3A_50] : memref<2x10112x128xf32, #tpu.memory_space<hbm>> -> memref<1x632x128xf32, #tpu.memory_space<hbm>>
      %dma_wait3A_52 = tpu.memref_squeeze %dma_wait3A_51 : memref<1x632x128xf32, #tpu.memory_space<hbm>> -> memref<632x128xf32, #tpu.memory_space<hbm>>
      %dma_wait3A_53 = arith.constant 0 : i32
      %dma_wait3A_54 = tpu.memref_slice %arg11[%mul3A_42, %dma_wait3A_53] : memref<10112x128xf32, #tpu.memory_space<vmem_shared>> -> memref<632x128xf32, #tpu.memory_space<vmem_shared>>
      tpu.wait_dma2 semaphore(%run_scoped3A : memref<!tpu.dma_semaphore, #tpu.memory_space<semaphore_mem>>) src(%dma_wait3A_54 : memref<632x128xf32, #tpu.memory_space<vmem_shared>>) dst(%dma_wait3A_52 : memref<632x128xf32, #tpu.memory_space<hbm>>)
      tpu.yield
    }) : () -> ()
    return
  }
}

#map = affine_map<(d0, d1) -> (0, 0)>
#map1 = affine_map<(d0, d1) -> (0, 0, 0)>
module attributes {stable_mosaic.version = 14 : i64} {
  func.func @_agg128_body(%arg0: i32, %arg1: i32, %arg2: memref<10000x128xf32, #tpu.memory_space<hbm>>, %arg3: memref<2560x125xi32, #tpu.memory_space<hbm>>, %arg4: memref<2560x125xi32, #tpu.memory_space<hbm>>, %arg5: memref<632x128xf32, #tpu.memory_space<hbm>>, %arg6: memref<2x10112x128xf32, #tpu.memory_space<hbm>>, %arg7: memref<40x125xi32, #tpu.memory_space<vmem>>, %arg8: memref<40x125xi32, #tpu.memory_space<vmem>>, %arg9: memref<125x128xf32, #tpu.memory_space<vmem>>, %arg10: memref<125x128xf32, #tpu.memory_space<vmem>>, %arg11: memref<10112x128xf32, #tpu.memory_space<vmem_shared>>, %arg12: memref<!tpu.dma_semaphore, #tpu.memory_space<semaphore_mem>>, %arg13: memref<!tpu.dma_semaphore, #tpu.memory_space<semaphore_mem>>) attributes {dimension_semantics = [#tpu.dimension_semantics<core_parallel>, #tpu.dimension_semantics<subcore_parallel>], iteration_bounds = array<i64: 2, 16>, scalar_prefetch = 0 : i64, scratch_operands = 7 : i64, tpu.core_type = #tpu.core_type<sc_vector_subcore>, window_params = [{transform_indices = #map}, {transform_indices = #map}, {transform_indices = #map}, {transform_indices = #map}, {transform_indices = #map1}]} {
    %mul3A = arith.constant 2 : i32
    %mul3A_0 = arith.muli %arg1, %mul3A : i32
    %add3A = arith.addi %mul3A_0, %arg0 : i32
    %mul3A_1 = arith.constant 632 : i32
    %mul3A_2 = arith.muli %arg1, %mul3A_1 : i32
    %dma_start3A = arith.constant 0 : i32
    %dma_start3A_3 = tpu.memref_slice %arg11[%mul3A_2, %dma_start3A] : memref<10112x128xf32, #tpu.memory_space<vmem_shared>> -> memref<632x128xf32, #tpu.memory_space<vmem_shared>>
    tpu.enqueue_dma source(%arg5 : memref<632x128xf32, #tpu.memory_space<hbm>>) target(%dma_start3A_3 : memref<632x128xf32, #tpu.memory_space<vmem_shared>>) target_semaphore(%arg12 : memref<!tpu.dma_semaphore, #tpu.memory_space<semaphore_mem>>)
    %mul3A_4 = arith.constant 80 : i32
    %mul3A_5 = arith.muli %add3A, %mul3A_4 : i32
    "tpu.region"() ({
      %run_scoped3A = tpu.sem_alloc : memref<!tpu.dma_semaphore, #tpu.memory_space<semaphore_mem>>
      %dma_start3A_45 = arith.constant 0 : i32
      %dma_start3A_46 = tpu.memref_slice %arg3[%mul3A_5, %dma_start3A_45] : memref<2560x125xi32, #tpu.memory_space<hbm>> -> memref<40x125xi32, #tpu.memory_space<hbm>>
      %dma_start3A_47 = arith.constant 0 : i32
      %dma_start3A_48 = tpu.memref_slice %arg3[%mul3A_5, %dma_start3A_47] : memref<2560x125xi32, #tpu.memory_space<hbm>> -> memref<40x125xi32, #tpu.memory_space<hbm>>
      tpu.enqueue_dma source(%dma_start3A_48 : memref<40x125xi32, #tpu.memory_space<hbm>>) target(%arg7 : memref<40x125xi32, #tpu.memory_space<vmem>>) target_semaphore(%run_scoped3A : memref<!tpu.dma_semaphore, #tpu.memory_space<semaphore_mem>>)
      %dma_wait3A_49 = arith.constant 0 : i32
      %dma_wait3A_50 = tpu.memref_slice %arg3[%mul3A_5, %dma_wait3A_49] : memref<2560x125xi32, #tpu.memory_space<hbm>> -> memref<40x125xi32, #tpu.memory_space<hbm>>
      %dma_wait3A_51 = arith.constant 0 : i32
      %dma_wait3A_52 = tpu.memref_slice %arg3[%mul3A_5, %dma_wait3A_51] : memref<2560x125xi32, #tpu.memory_space<hbm>> -> memref<40x125xi32, #tpu.memory_space<hbm>>
      tpu.wait_dma2 semaphore(%run_scoped3A : memref<!tpu.dma_semaphore, #tpu.memory_space<semaphore_mem>>) src(%dma_wait3A_52 : memref<40x125xi32, #tpu.memory_space<hbm>>) dst(%arg7 : memref<40x125xi32, #tpu.memory_space<vmem>>)
      tpu.yield
    }) : () -> ()
    %mul3A_6 = arith.constant 80 : i32
    %mul3A_7 = arith.muli %add3A, %mul3A_6 : i32
    "tpu.region"() ({
      %run_scoped3A = tpu.sem_alloc : memref<!tpu.dma_semaphore, #tpu.memory_space<semaphore_mem>>
      %dma_start3A_45 = arith.constant 0 : i32
      %dma_start3A_46 = tpu.memref_slice %arg4[%mul3A_7, %dma_start3A_45] : memref<2560x125xi32, #tpu.memory_space<hbm>> -> memref<40x125xi32, #tpu.memory_space<hbm>>
      %dma_start3A_47 = arith.constant 0 : i32
      %dma_start3A_48 = tpu.memref_slice %arg4[%mul3A_7, %dma_start3A_47] : memref<2560x125xi32, #tpu.memory_space<hbm>> -> memref<40x125xi32, #tpu.memory_space<hbm>>
      tpu.enqueue_dma source(%dma_start3A_48 : memref<40x125xi32, #tpu.memory_space<hbm>>) target(%arg8 : memref<40x125xi32, #tpu.memory_space<vmem>>) target_semaphore(%run_scoped3A : memref<!tpu.dma_semaphore, #tpu.memory_space<semaphore_mem>>)
      %dma_wait3A_49 = arith.constant 0 : i32
      %dma_wait3A_50 = tpu.memref_slice %arg4[%mul3A_7, %dma_wait3A_49] : memref<2560x125xi32, #tpu.memory_space<hbm>> -> memref<40x125xi32, #tpu.memory_space<hbm>>
      %dma_wait3A_51 = arith.constant 0 : i32
      %dma_wait3A_52 = tpu.memref_slice %arg4[%mul3A_7, %dma_wait3A_51] : memref<2560x125xi32, #tpu.memory_space<hbm>> -> memref<40x125xi32, #tpu.memory_space<hbm>>
      tpu.wait_dma2 semaphore(%run_scoped3A : memref<!tpu.dma_semaphore, #tpu.memory_space<semaphore_mem>>) src(%dma_wait3A_52 : memref<40x125xi32, #tpu.memory_space<hbm>>) dst(%arg8 : memref<40x125xi32, #tpu.memory_space<vmem>>)
      tpu.yield
    }) : () -> ()
    %mul3A_8 = arith.constant 632 : i32
    %mul3A_9 = arith.muli %arg1, %mul3A_8 : i32
    %dma_wait3A = arith.constant 0 : i32
    %dma_wait3A_10 = tpu.memref_slice %arg11[%mul3A_9, %dma_wait3A] : memref<10112x128xf32, #tpu.memory_space<vmem_shared>> -> memref<632x128xf32, #tpu.memory_space<vmem_shared>>
    tpu.wait_dma2 semaphore(%arg12 : memref<!tpu.dma_semaphore, #tpu.memory_space<semaphore_mem>>) src(%arg5 : memref<632x128xf32, #tpu.memory_space<hbm>>) dst(%dma_wait3A_10 : memref<632x128xf32, #tpu.memory_space<vmem_shared>>)
    %barrier3A = arith.constant 0 : index
    tpu.barrier barrier_id(%barrier3A)
    %dma_start3A_11 = arith.constant 0 : i32
    %dma_start3A_12 = arith.constant 0 : i32
    %dma_start3A_13 = tpu.memref_slice %arg7[%dma_start3A_11, %dma_start3A_12] : memref<40x125xi32, #tpu.memory_space<vmem>> -> memref<1x125xi32, #tpu.memory_space<vmem>>
    %dma_start3A_14 = tpu.memref_squeeze %dma_start3A_13 : memref<1x125xi32, #tpu.memory_space<vmem>> -> memref<125xi32, #tpu.memory_space<vmem>>
    %dma_start3A_15 = arith.constant 0 : i32
    %dma_start3A_16 = arith.constant 0 : i32
    %dma_start3A_17 = tpu.memref_slice %arg2[%dma_start3A_15, %dma_start3A_16] : memref<10000x128xf32, #tpu.memory_space<hbm>> -> memref<10000x128xf32, #tpu.memory_space<hbm>>
    tpu.enqueue_indirect_dma source(%dma_start3A_17 : memref<10000x128xf32, #tpu.memory_space<hbm>>) target(%arg9 : memref<125x128xf32, #tpu.memory_space<vmem>>) offsets(%dma_start3A_14 : memref<125xi32, #tpu.memory_space<vmem>>) semaphore(%arg12 : memref<!tpu.dma_semaphore, #tpu.memory_space<semaphore_mem>>)
    %scan3A = arith.constant 0 : i32
    %scan3A_18 = arith.constant 0 : i32
    %scan3A_19 = arith.constant 20 : i32
    %scan3A_20 = arith.addi %scan3A_18, %scan3A_19 : i32
    %scan3A_21 = arith.constant 1 : i32
    scf.for %scan3A_45 = %scan3A_18 to %scan3A_20 step %scan3A_21  : i32 {
      %mul3A_46 = arith.constant 2 : i32
      %mul3A_47 = arith.muli %mul3A_46, %scan3A_45 : i32
      %add3A_48 = arith.constant 1 : i32
      %add3A_49 = arith.addi %mul3A_47, %add3A_48 : i32
      %dma_start3A_50 = arith.constant 0 : i32
      %dma_start3A_51 = tpu.memref_slice %arg7[%add3A_49, %dma_start3A_50] : memref<40x125xi32, #tpu.memory_space<vmem>> -> memref<1x125xi32, #tpu.memory_space<vmem>>
      %dma_start3A_52 = tpu.memref_squeeze %dma_start3A_51 : memref<1x125xi32, #tpu.memory_space<vmem>> -> memref<125xi32, #tpu.memory_space<vmem>>
      %dma_start3A_53 = arith.constant 0 : i32
      %dma_start3A_54 = arith.constant 0 : i32
      %dma_start3A_55 = tpu.memref_slice %arg2[%dma_start3A_53, %dma_start3A_54] : memref<10000x128xf32, #tpu.memory_space<hbm>> -> memref<10000x128xf32, #tpu.memory_space<hbm>>
      tpu.enqueue_indirect_dma source(%dma_start3A_55 : memref<10000x128xf32, #tpu.memory_space<hbm>>) target(%arg10 : memref<125x128xf32, #tpu.memory_space<vmem>>) offsets(%dma_start3A_52 : memref<125xi32, #tpu.memory_space<vmem>>) semaphore(%arg13 : memref<!tpu.dma_semaphore, #tpu.memory_space<semaphore_mem>>)
      %dma_wait3A_56 = arith.constant 0 : i32
      %dma_wait3A_57 = tpu.memref_slice %arg7[%mul3A_47, %dma_wait3A_56] : memref<40x125xi32, #tpu.memory_space<vmem>> -> memref<1x125xi32, #tpu.memory_space<vmem>>
      %dma_wait3A_58 = tpu.memref_squeeze %dma_wait3A_57 : memref<1x125xi32, #tpu.memory_space<vmem>> -> memref<125xi32, #tpu.memory_space<vmem>>
      %dma_wait3A_59 = arith.constant 0 : i32
      %dma_wait3A_60 = arith.constant 0 : i32
      %dma_wait3A_61 = tpu.memref_slice %arg2[%dma_wait3A_59, %dma_wait3A_60] : memref<10000x128xf32, #tpu.memory_space<hbm>> -> memref<10000x128xf32, #tpu.memory_space<hbm>>
      tpu.wait_indirect_dma semaphore(%arg12 : memref<!tpu.dma_semaphore, #tpu.memory_space<semaphore_mem>>) src(%dma_wait3A_61 : memref<10000x128xf32, #tpu.memory_space<hbm>>) dst(%arg9 : memref<125x128xf32, #tpu.memory_space<vmem>>)
      "tpu.region"() ({
        %run_scoped3A = tpu.sem_alloc : memref<!tpu.dma_semaphore, #tpu.memory_space<semaphore_mem>>
        %dma_start3A_76 = arith.constant 0 : i32
        %dma_start3A_77 = tpu.memref_slice %arg8[%mul3A_47, %dma_start3A_76] : memref<40x125xi32, #tpu.memory_space<vmem>> -> memref<1x125xi32, #tpu.memory_space<vmem>>
        %dma_start3A_78 = tpu.memref_squeeze %dma_start3A_77 : memref<1x125xi32, #tpu.memory_space<vmem>> -> memref<125xi32, #tpu.memory_space<vmem>>
        %dma_start3A_79 = arith.constant 0 : i32
        %dma_start3A_80 = arith.constant 0 : i32
        %dma_start3A_81 = tpu.memref_slice %arg11[%dma_start3A_79, %dma_start3A_80] : memref<10112x128xf32, #tpu.memory_space<vmem_shared>> -> memref<10112x128xf32, #tpu.memory_space<vmem_shared>>
        tpu.enqueue_indirect_dma source(%arg9 : memref<125x128xf32, #tpu.memory_space<vmem>>) target(%dma_start3A_81 : memref<10112x128xf32, #tpu.memory_space<vmem_shared>>) offsets(%dma_start3A_78 : memref<125xi32, #tpu.memory_space<vmem>>) semaphore(%run_scoped3A : memref<!tpu.dma_semaphore, #tpu.memory_space<semaphore_mem>>) {add = true}
        %dma_wait3A_82 = arith.constant 0 : i32
        %dma_wait3A_83 = tpu.memref_slice %arg8[%mul3A_47, %dma_wait3A_82] : memref<40x125xi32, #tpu.memory_space<vmem>> -> memref<1x125xi32, #tpu.memory_space<vmem>>
        %dma_wait3A_84 = tpu.memref_squeeze %dma_wait3A_83 : memref<1x125xi32, #tpu.memory_space<vmem>> -> memref<125xi32, #tpu.memory_space<vmem>>
        %dma_wait3A_85 = arith.constant 0 : i32
        %dma_wait3A_86 = arith.constant 0 : i32
        %dma_wait3A_87 = tpu.memref_slice %arg11[%dma_wait3A_85, %dma_wait3A_86] : memref<10112x128xf32, #tpu.memory_space<vmem_shared>> -> memref<10112x128xf32, #tpu.memory_space<vmem_shared>>
        tpu.wait_indirect_dma semaphore(%run_scoped3A : memref<!tpu.dma_semaphore, #tpu.memory_space<semaphore_mem>>) src(%arg9 : memref<125x128xf32, #tpu.memory_space<vmem>>) dst(%dma_wait3A_87 : memref<10112x128xf32, #tpu.memory_space<vmem_shared>>)
        tpu.yield
      }) : () -> ()
      %add3A_62 = arith.constant 1 : i32
      %add3A_63 = arith.addi %scan3A_45, %add3A_62 : i32
      %lt3A = arith.constant 20 : i32
      %lt3A_64 = arith.cmpi slt, %add3A_63, %lt3A : i32
      %convert_element_type3A = arith.extui %lt3A_64 : i1 to i32
      %cond3A = arith.constant 0 : i32
      %cond3A_65 = arith.cmpi ne, %convert_element_type3A, %cond3A : i32
      scf.if %cond3A_65 {
        %add3A_76 = arith.constant 2 : i32
        %add3A_77 = arith.addi %mul3A_47, %add3A_76 : i32
        %dma_start3A_78 = arith.constant 0 : i32
        %dma_start3A_79 = tpu.memref_slice %arg7[%add3A_77, %dma_start3A_78] : memref<40x125xi32, #tpu.memory_space<vmem>> -> memref<1x125xi32, #tpu.memory_space<vmem>>
        %dma_start3A_80 = tpu.memref_squeeze %dma_start3A_79 : memref<1x125xi32, #tpu.memory_space<vmem>> -> memref<125xi32, #tpu.memory_space<vmem>>
        %dma_start3A_81 = arith.constant 0 : i32
        %dma_start3A_82 = arith.constant 0 : i32
        %dma_start3A_83 = tpu.memref_slice %arg2[%dma_start3A_81, %dma_start3A_82] : memref<10000x128xf32, #tpu.memory_space<hbm>> -> memref<10000x128xf32, #tpu.memory_space<hbm>>
        tpu.enqueue_indirect_dma source(%dma_start3A_83 : memref<10000x128xf32, #tpu.memory_space<hbm>>) target(%arg9 : memref<125x128xf32, #tpu.memory_space<vmem>>) offsets(%dma_start3A_80 : memref<125xi32, #tpu.memory_space<vmem>>) semaphore(%arg12 : memref<!tpu.dma_semaphore, #tpu.memory_space<semaphore_mem>>)
      } else {
      }
      %add3A_66 = arith.constant 1 : i32
      %add3A_67 = arith.addi %mul3A_47, %add3A_66 : i32
      %dma_wait3A_68 = arith.constant 0 : i32
      %dma_wait3A_69 = tpu.memref_slice %arg7[%add3A_67, %dma_wait3A_68] : memref<40x125xi32, #tpu.memory_space<vmem>> -> memref<1x125xi32, #tpu.memory_space<vmem>>
      %dma_wait3A_70 = tpu.memref_squeeze %dma_wait3A_69 : memref<1x125xi32, #tpu.memory_space<vmem>> -> memref<125xi32, #tpu.memory_space<vmem>>
      %dma_wait3A_71 = arith.constant 0 : i32
      %dma_wait3A_72 = arith.constant 0 : i32
      %dma_wait3A_73 = tpu.memref_slice %arg2[%dma_wait3A_71, %dma_wait3A_72] : memref<10000x128xf32, #tpu.memory_space<hbm>> -> memref<10000x128xf32, #tpu.memory_space<hbm>>
      tpu.wait_indirect_dma semaphore(%arg13 : memref<!tpu.dma_semaphore, #tpu.memory_space<semaphore_mem>>) src(%dma_wait3A_73 : memref<10000x128xf32, #tpu.memory_space<hbm>>) dst(%arg10 : memref<125x128xf32, #tpu.memory_space<vmem>>)
      %add3A_74 = arith.constant 1 : i32
      %add3A_75 = arith.addi %mul3A_47, %add3A_74 : i32
      "tpu.region"() ({
        %run_scoped3A = tpu.sem_alloc : memref<!tpu.dma_semaphore, #tpu.memory_space<semaphore_mem>>
        %dma_start3A_76 = arith.constant 0 : i32
        %dma_start3A_77 = tpu.memref_slice %arg8[%add3A_75, %dma_start3A_76] : memref<40x125xi32, #tpu.memory_space<vmem>> -> memref<1x125xi32, #tpu.memory_space<vmem>>
        %dma_start3A_78 = tpu.memref_squeeze %dma_start3A_77 : memref<1x125xi32, #tpu.memory_space<vmem>> -> memref<125xi32, #tpu.memory_space<vmem>>
        %dma_start3A_79 = arith.constant 0 : i32
        %dma_start3A_80 = arith.constant 0 : i32
        %dma_start3A_81 = tpu.memref_slice %arg11[%dma_start3A_79, %dma_start3A_80] : memref<10112x128xf32, #tpu.memory_space<vmem_shared>> -> memref<10112x128xf32, #tpu.memory_space<vmem_shared>>
        tpu.enqueue_indirect_dma source(%arg10 : memref<125x128xf32, #tpu.memory_space<vmem>>) target(%dma_start3A_81 : memref<10112x128xf32, #tpu.memory_space<vmem_shared>>) offsets(%dma_start3A_78 : memref<125xi32, #tpu.memory_space<vmem>>) semaphore(%run_scoped3A : memref<!tpu.dma_semaphore, #tpu.memory_space<semaphore_mem>>) {add = true}
        %dma_wait3A_82 = arith.constant 0 : i32
        %dma_wait3A_83 = tpu.memref_slice %arg8[%add3A_75, %dma_wait3A_82] : memref<40x125xi32, #tpu.memory_space<vmem>> -> memref<1x125xi32, #tpu.memory_space<vmem>>
        %dma_wait3A_84 = tpu.memref_squeeze %dma_wait3A_83 : memref<1x125xi32, #tpu.memory_space<vmem>> -> memref<125xi32, #tpu.memory_space<vmem>>
        %dma_wait3A_85 = arith.constant 0 : i32
        %dma_wait3A_86 = arith.constant 0 : i32
        %dma_wait3A_87 = tpu.memref_slice %arg11[%dma_wait3A_85, %dma_wait3A_86] : memref<10112x128xf32, #tpu.memory_space<vmem_shared>> -> memref<10112x128xf32, #tpu.memory_space<vmem_shared>>
        tpu.wait_indirect_dma semaphore(%run_scoped3A : memref<!tpu.dma_semaphore, #tpu.memory_space<semaphore_mem>>) src(%arg10 : memref<125x128xf32, #tpu.memory_space<vmem>>) dst(%dma_wait3A_87 : memref<10112x128xf32, #tpu.memory_space<vmem_shared>>)
        tpu.yield
      }) : () -> ()
    }
    %scan3A_22 = arith.constant 20 : i32
    %mul3A_23 = arith.constant 80 : i32
    %mul3A_24 = arith.muli %add3A, %mul3A_23 : i32
    %add3A_25 = arith.constant 40 : i32
    %add3A_26 = arith.addi %mul3A_24, %add3A_25 : i32
    "tpu.region"() ({
      %run_scoped3A = tpu.sem_alloc : memref<!tpu.dma_semaphore, #tpu.memory_space<semaphore_mem>>
      %dma_start3A_45 = arith.constant 0 : i32
      %dma_start3A_46 = tpu.memref_slice %arg3[%add3A_26, %dma_start3A_45] : memref<2560x125xi32, #tpu.memory_space<hbm>> -> memref<40x125xi32, #tpu.memory_space<hbm>>
      %dma_start3A_47 = arith.constant 0 : i32
      %dma_start3A_48 = tpu.memref_slice %arg3[%add3A_26, %dma_start3A_47] : memref<2560x125xi32, #tpu.memory_space<hbm>> -> memref<40x125xi32, #tpu.memory_space<hbm>>
      tpu.enqueue_dma source(%dma_start3A_48 : memref<40x125xi32, #tpu.memory_space<hbm>>) target(%arg7 : memref<40x125xi32, #tpu.memory_space<vmem>>) target_semaphore(%run_scoped3A : memref<!tpu.dma_semaphore, #tpu.memory_space<semaphore_mem>>)
      %dma_wait3A_49 = arith.constant 0 : i32
      %dma_wait3A_50 = tpu.memref_slice %arg3[%add3A_26, %dma_wait3A_49] : memref<2560x125xi32, #tpu.memory_space<hbm>> -> memref<40x125xi32, #tpu.memory_space<hbm>>
      %dma_wait3A_51 = arith.constant 0 : i32
      %dma_wait3A_52 = tpu.memref_slice %arg3[%add3A_26, %dma_wait3A_51] : memref<2560x125xi32, #tpu.memory_space<hbm>> -> memref<40x125xi32, #tpu.memory_space<hbm>>
      tpu.wait_dma2 semaphore(%run_scoped3A : memref<!tpu.dma_semaphore, #tpu.memory_space<semaphore_mem>>) src(%dma_wait3A_52 : memref<40x125xi32, #tpu.memory_space<hbm>>) dst(%arg7 : memref<40x125xi32, #tpu.memory_space<vmem>>)
      tpu.yield
    }) : () -> ()
    "tpu.region"() ({
      %run_scoped3A = tpu.sem_alloc : memref<!tpu.dma_semaphore, #tpu.memory_space<semaphore_mem>>
      %dma_start3A_45 = arith.constant 0 : i32
      %dma_start3A_46 = tpu.memref_slice %arg4[%add3A_26, %dma_start3A_45] : memref<2560x125xi32, #tpu.memory_space<hbm>> -> memref<40x125xi32, #tpu.memory_space<hbm>>
      %dma_start3A_47 = arith.constant 0 : i32
      %dma_start3A_48 = tpu.memref_slice %arg4[%add3A_26, %dma_start3A_47] : memref<2560x125xi32, #tpu.memory_space<hbm>> -> memref<40x125xi32, #tpu.memory_space<hbm>>
      tpu.enqueue_dma source(%dma_start3A_48 : memref<40x125xi32, #tpu.memory_space<hbm>>) target(%arg8 : memref<40x125xi32, #tpu.memory_space<vmem>>) target_semaphore(%run_scoped3A : memref<!tpu.dma_semaphore, #tpu.memory_space<semaphore_mem>>)
      %dma_wait3A_49 = arith.constant 0 : i32
      %dma_wait3A_50 = tpu.memref_slice %arg4[%add3A_26, %dma_wait3A_49] : memref<2560x125xi32, #tpu.memory_space<hbm>> -> memref<40x125xi32, #tpu.memory_space<hbm>>
      %dma_wait3A_51 = arith.constant 0 : i32
      %dma_wait3A_52 = tpu.memref_slice %arg4[%add3A_26, %dma_wait3A_51] : memref<2560x125xi32, #tpu.memory_space<hbm>> -> memref<40x125xi32, #tpu.memory_space<hbm>>
      tpu.wait_dma2 semaphore(%run_scoped3A : memref<!tpu.dma_semaphore, #tpu.memory_space<semaphore_mem>>) src(%dma_wait3A_52 : memref<40x125xi32, #tpu.memory_space<hbm>>) dst(%arg8 : memref<40x125xi32, #tpu.memory_space<vmem>>)
      tpu.yield
    }) : () -> ()
    %dma_start3A_27 = arith.constant 0 : i32
    %dma_start3A_28 = arith.constant 0 : i32
    %dma_start3A_29 = tpu.memref_slice %arg7[%dma_start3A_27, %dma_start3A_28] : memref<40x125xi32, #tpu.memory_space<vmem>> -> memref<1x125xi32, #tpu.memory_space<vmem>>
    %dma_start3A_30 = tpu.memref_squeeze %dma_start3A_29 : memref<1x125xi32, #tpu.memory_space<vmem>> -> memref<125xi32, #tpu.memory_space<vmem>>
    %dma_start3A_31 = arith.constant 0 : i32
    %dma_start3A_32 = arith.constant 0 : i32
    %dma_start3A_33 = tpu.memref_slice %arg2[%dma_start3A_31, %dma_start3A_32] : memref<10000x128xf32, #tpu.memory_space<hbm>> -> memref<10000x128xf32, #tpu.memory_space<hbm>>
    tpu.enqueue_indirect_dma source(%dma_start3A_33 : memref<10000x128xf32, #tpu.memory_space<hbm>>) target(%arg9 : memref<125x128xf32, #tpu.memory_space<vmem>>) offsets(%dma_start3A_30 : memref<125xi32, #tpu.memory_space<vmem>>) semaphore(%arg12 : memref<!tpu.dma_semaphore, #tpu.memory_space<semaphore_mem>>)
    %scan3A_34 = arith.constant 0 : i32
    %scan3A_35 = arith.constant 0 : i32
    %scan3A_36 = arith.constant 20 : i32
    %scan3A_37 = arith.addi %scan3A_35, %scan3A_36 : i32
    %scan3A_38 = arith.constant 1 : i32
    scf.for %scan3A_45 = %scan3A_35 to %scan3A_37 step %scan3A_38  : i32 {
      %mul3A_46 = arith.constant 2 : i32
      %mul3A_47 = arith.muli %mul3A_46, %scan3A_45 : i32
      %add3A_48 = arith.constant 1 : i32
      %add3A_49 = arith.addi %mul3A_47, %add3A_48 : i32
      %dma_start3A_50 = arith.constant 0 : i32
      %dma_start3A_51 = tpu.memref_slice %arg7[%add3A_49, %dma_start3A_50] : memref<40x125xi32, #tpu.memory_space<vmem>> -> memref<1x125xi32, #tpu.memory_space<vmem>>
      %dma_start3A_52 = tpu.memref_squeeze %dma_start3A_51 : memref<1x125xi32, #tpu.memory_space<vmem>> -> memref<125xi32, #tpu.memory_space<vmem>>
      %dma_start3A_53 = arith.constant 0 : i32
      %dma_start3A_54 = arith.constant 0 : i32
      %dma_start3A_55 = tpu.memref_slice %arg2[%dma_start3A_53, %dma_start3A_54] : memref<10000x128xf32, #tpu.memory_space<hbm>> -> memref<10000x128xf32, #tpu.memory_space<hbm>>
      tpu.enqueue_indirect_dma source(%dma_start3A_55 : memref<10000x128xf32, #tpu.memory_space<hbm>>) target(%arg10 : memref<125x128xf32, #tpu.memory_space<vmem>>) offsets(%dma_start3A_52 : memref<125xi32, #tpu.memory_space<vmem>>) semaphore(%arg13 : memref<!tpu.dma_semaphore, #tpu.memory_space<semaphore_mem>>)
      %dma_wait3A_56 = arith.constant 0 : i32
      %dma_wait3A_57 = tpu.memref_slice %arg7[%mul3A_47, %dma_wait3A_56] : memref<40x125xi32, #tpu.memory_space<vmem>> -> memref<1x125xi32, #tpu.memory_space<vmem>>
      %dma_wait3A_58 = tpu.memref_squeeze %dma_wait3A_57 : memref<1x125xi32, #tpu.memory_space<vmem>> -> memref<125xi32, #tpu.memory_space<vmem>>
      %dma_wait3A_59 = arith.constant 0 : i32
      %dma_wait3A_60 = arith.constant 0 : i32
      %dma_wait3A_61 = tpu.memref_slice %arg2[%dma_wait3A_59, %dma_wait3A_60] : memref<10000x128xf32, #tpu.memory_space<hbm>> -> memref<10000x128xf32, #tpu.memory_space<hbm>>
      tpu.wait_indirect_dma semaphore(%arg12 : memref<!tpu.dma_semaphore, #tpu.memory_space<semaphore_mem>>) src(%dma_wait3A_61 : memref<10000x128xf32, #tpu.memory_space<hbm>>) dst(%arg9 : memref<125x128xf32, #tpu.memory_space<vmem>>)
      "tpu.region"() ({
        %run_scoped3A = tpu.sem_alloc : memref<!tpu.dma_semaphore, #tpu.memory_space<semaphore_mem>>
        %dma_start3A_76 = arith.constant 0 : i32
        %dma_start3A_77 = tpu.memref_slice %arg8[%mul3A_47, %dma_start3A_76] : memref<40x125xi32, #tpu.memory_space<vmem>> -> memref<1x125xi32, #tpu.memory_space<vmem>>
        %dma_start3A_78 = tpu.memref_squeeze %dma_start3A_77 : memref<1x125xi32, #tpu.memory_space<vmem>> -> memref<125xi32, #tpu.memory_space<vmem>>
        %dma_start3A_79 = arith.constant 0 : i32
        %dma_start3A_80 = arith.constant 0 : i32
        %dma_start3A_81 = tpu.memref_slice %arg11[%dma_start3A_79, %dma_start3A_80] : memref<10112x128xf32, #tpu.memory_space<vmem_shared>> -> memref<10112x128xf32, #tpu.memory_space<vmem_shared>>
        tpu.enqueue_indirect_dma source(%arg9 : memref<125x128xf32, #tpu.memory_space<vmem>>) target(%dma_start3A_81 : memref<10112x128xf32, #tpu.memory_space<vmem_shared>>) offsets(%dma_start3A_78 : memref<125xi32, #tpu.memory_space<vmem>>) semaphore(%run_scoped3A : memref<!tpu.dma_semaphore, #tpu.memory_space<semaphore_mem>>) {add = true}
        %dma_wait3A_82 = arith.constant 0 : i32
        %dma_wait3A_83 = tpu.memref_slice %arg8[%mul3A_47, %dma_wait3A_82] : memref<40x125xi32, #tpu.memory_space<vmem>> -> memref<1x125xi32, #tpu.memory_space<vmem>>
        %dma_wait3A_84 = tpu.memref_squeeze %dma_wait3A_83 : memref<1x125xi32, #tpu.memory_space<vmem>> -> memref<125xi32, #tpu.memory_space<vmem>>
        %dma_wait3A_85 = arith.constant 0 : i32
        %dma_wait3A_86 = arith.constant 0 : i32
        %dma_wait3A_87 = tpu.memref_slice %arg11[%dma_wait3A_85, %dma_wait3A_86] : memref<10112x128xf32, #tpu.memory_space<vmem_shared>> -> memref<10112x128xf32, #tpu.memory_space<vmem_shared>>
        tpu.wait_indirect_dma semaphore(%run_scoped3A : memref<!tpu.dma_semaphore, #tpu.memory_space<semaphore_mem>>) src(%arg9 : memref<125x128xf32, #tpu.memory_space<vmem>>) dst(%dma_wait3A_87 : memref<10112x128xf32, #tpu.memory_space<vmem_shared>>)
        tpu.yield
      }) : () -> ()
      %add3A_62 = arith.constant 1 : i32
      %add3A_63 = arith.addi %scan3A_45, %add3A_62 : i32
      %lt3A = arith.constant 20 : i32
      %lt3A_64 = arith.cmpi slt, %add3A_63, %lt3A : i32
      %convert_element_type3A = arith.extui %lt3A_64 : i1 to i32
      %cond3A = arith.constant 0 : i32
      %cond3A_65 = arith.cmpi ne, %convert_element_type3A, %cond3A : i32
      scf.if %cond3A_65 {
        %add3A_76 = arith.constant 2 : i32
        %add3A_77 = arith.addi %mul3A_47, %add3A_76 : i32
        %dma_start3A_78 = arith.constant 0 : i32
        %dma_start3A_79 = tpu.memref_slice %arg7[%add3A_77, %dma_start3A_78] : memref<40x125xi32, #tpu.memory_space<vmem>> -> memref<1x125xi32, #tpu.memory_space<vmem>>
        %dma_start3A_80 = tpu.memref_squeeze %dma_start3A_79 : memref<1x125xi32, #tpu.memory_space<vmem>> -> memref<125xi32, #tpu.memory_space<vmem>>
        %dma_start3A_81 = arith.constant 0 : i32
        %dma_start3A_82 = arith.constant 0 : i32
        %dma_start3A_83 = tpu.memref_slice %arg2[%dma_start3A_81, %dma_start3A_82] : memref<10000x128xf32, #tpu.memory_space<hbm>> -> memref<10000x128xf32, #tpu.memory_space<hbm>>
        tpu.enqueue_indirect_dma source(%dma_start3A_83 : memref<10000x128xf32, #tpu.memory_space<hbm>>) target(%arg9 : memref<125x128xf32, #tpu.memory_space<vmem>>) offsets(%dma_start3A_80 : memref<125xi32, #tpu.memory_space<vmem>>) semaphore(%arg12 : memref<!tpu.dma_semaphore, #tpu.memory_space<semaphore_mem>>)
      } else {
      }
      %add3A_66 = arith.constant 1 : i32
      %add3A_67 = arith.addi %mul3A_47, %add3A_66 : i32
      %dma_wait3A_68 = arith.constant 0 : i32
      %dma_wait3A_69 = tpu.memref_slice %arg7[%add3A_67, %dma_wait3A_68] : memref<40x125xi32, #tpu.memory_space<vmem>> -> memref<1x125xi32, #tpu.memory_space<vmem>>
      %dma_wait3A_70 = tpu.memref_squeeze %dma_wait3A_69 : memref<1x125xi32, #tpu.memory_space<vmem>> -> memref<125xi32, #tpu.memory_space<vmem>>
      %dma_wait3A_71 = arith.constant 0 : i32
      %dma_wait3A_72 = arith.constant 0 : i32
      %dma_wait3A_73 = tpu.memref_slice %arg2[%dma_wait3A_71, %dma_wait3A_72] : memref<10000x128xf32, #tpu.memory_space<hbm>> -> memref<10000x128xf32, #tpu.memory_space<hbm>>
      tpu.wait_indirect_dma semaphore(%arg13 : memref<!tpu.dma_semaphore, #tpu.memory_space<semaphore_mem>>) src(%dma_wait3A_73 : memref<10000x128xf32, #tpu.memory_space<hbm>>) dst(%arg10 : memref<125x128xf32, #tpu.memory_space<vmem>>)
      %add3A_74 = arith.constant 1 : i32
      %add3A_75 = arith.addi %mul3A_47, %add3A_74 : i32
      "tpu.region"() ({
        %run_scoped3A = tpu.sem_alloc : memref<!tpu.dma_semaphore, #tpu.memory_space<semaphore_mem>>
        %dma_start3A_76 = arith.constant 0 : i32
        %dma_start3A_77 = tpu.memref_slice %arg8[%add3A_75, %dma_start3A_76] : memref<40x125xi32, #tpu.memory_space<vmem>> -> memref<1x125xi32, #tpu.memory_space<vmem>>
        %dma_start3A_78 = tpu.memref_squeeze %dma_start3A_77 : memref<1x125xi32, #tpu.memory_space<vmem>> -> memref<125xi32, #tpu.memory_space<vmem>>
        %dma_start3A_79 = arith.constant 0 : i32
        %dma_start3A_80 = arith.constant 0 : i32
        %dma_start3A_81 = tpu.memref_slice %arg11[%dma_start3A_79, %dma_start3A_80] : memref<10112x128xf32, #tpu.memory_space<vmem_shared>> -> memref<10112x128xf32, #tpu.memory_space<vmem_shared>>
        tpu.enqueue_indirect_dma source(%arg10 : memref<125x128xf32, #tpu.memory_space<vmem>>) target(%dma_start3A_81 : memref<10112x128xf32, #tpu.memory_space<vmem_shared>>) offsets(%dma_start3A_78 : memref<125xi32, #tpu.memory_space<vmem>>) semaphore(%run_scoped3A : memref<!tpu.dma_semaphore, #tpu.memory_space<semaphore_mem>>) {add = true}
        %dma_wait3A_82 = arith.constant 0 : i32
        %dma_wait3A_83 = tpu.memref_slice %arg8[%add3A_75, %dma_wait3A_82] : memref<40x125xi32, #tpu.memory_space<vmem>> -> memref<1x125xi32, #tpu.memory_space<vmem>>
        %dma_wait3A_84 = tpu.memref_squeeze %dma_wait3A_83 : memref<1x125xi32, #tpu.memory_space<vmem>> -> memref<125xi32, #tpu.memory_space<vmem>>
        %dma_wait3A_85 = arith.constant 0 : i32
        %dma_wait3A_86 = arith.constant 0 : i32
        %dma_wait3A_87 = tpu.memref_slice %arg11[%dma_wait3A_85, %dma_wait3A_86] : memref<10112x128xf32, #tpu.memory_space<vmem_shared>> -> memref<10112x128xf32, #tpu.memory_space<vmem_shared>>
        tpu.wait_indirect_dma semaphore(%run_scoped3A : memref<!tpu.dma_semaphore, #tpu.memory_space<semaphore_mem>>) src(%arg10 : memref<125x128xf32, #tpu.memory_space<vmem>>) dst(%dma_wait3A_87 : memref<10112x128xf32, #tpu.memory_space<vmem_shared>>)
        tpu.yield
      }) : () -> ()
    }
    %scan3A_39 = arith.constant 20 : i32
    %barrier3A_40 = arith.constant 0 : index
    tpu.barrier barrier_id(%barrier3A_40)
    %mul3A_41 = arith.constant 632 : i32
    %mul3A_42 = arith.muli %arg1, %mul3A_41 : i32
    %mul3A_43 = arith.constant 632 : i32
    %mul3A_44 = arith.muli %arg1, %mul3A_43 : i32
    "tpu.region"() ({
      %run_scoped3A = tpu.sem_alloc : memref<!tpu.dma_semaphore, #tpu.memory_space<semaphore_mem>>
      %dma_start3A_45 = arith.constant 0 : i32
      %dma_start3A_46 = tpu.memref_slice %arg6[%arg0, %mul3A_44, %dma_start3A_45] : memref<2x10112x128xf32, #tpu.memory_space<hbm>> -> memref<1x632x128xf32, #tpu.memory_space<hbm>>
      %dma_start3A_47 = tpu.memref_squeeze %dma_start3A_46 : memref<1x632x128xf32, #tpu.memory_space<hbm>> -> memref<632x128xf32, #tpu.memory_space<hbm>>
      %dma_start3A_48 = arith.constant 0 : i32
      %dma_start3A_49 = tpu.memref_slice %arg11[%mul3A_42, %dma_start3A_48] : memref<10112x128xf32, #tpu.memory_space<vmem_shared>> -> memref<632x128xf32, #tpu.memory_space<vmem_shared>>
      tpu.enqueue_dma source(%dma_start3A_49 : memref<632x128xf32, #tpu.memory_space<vmem_shared>>) target(%dma_start3A_47 : memref<632x128xf32, #tpu.memory_space<hbm>>) target_semaphore(%run_scoped3A : memref<!tpu.dma_semaphore, #tpu.memory_space<semaphore_mem>>)
      %dma_wait3A_50 = arith.constant 0 : i32
      %dma_wait3A_51 = tpu.memref_slice %arg6[%arg0, %mul3A_44, %dma_wait3A_50] : memref<2x10112x128xf32, #tpu.memory_space<hbm>> -> memref<1x632x128xf32, #tpu.memory_space<hbm>>
      %dma_wait3A_52 = tpu.memref_squeeze %dma_wait3A_51 : memref<1x632x128xf32, #tpu.memory_space<hbm>> -> memref<632x128xf32, #tpu.memory_space<hbm>>
      %dma_wait3A_53 = arith.constant 0 : i32
      %dma_wait3A_54 = tpu.memref_slice %arg11[%mul3A_42, %dma_wait3A_53] : memref<10112x128xf32, #tpu.memory_space<vmem_shared>> -> memref<632x128xf32, #tpu.memory_space<vmem_shared>>
      tpu.wait_dma2 semaphore(%run_scoped3A : memref<!tpu.dma_semaphore, #tpu.memory_space<semaphore_mem>>) src(%dma_wait3A_54 : memref<632x128xf32, #tpu.memory_space<vmem_shared>>) dst(%dma_wait3A_52 : memref<632x128xf32, #tpu.memory_space<hbm>>)
      tpu.yield
    }) : () -> ()
    return
  }
}

#map = affine_map<(d0, d1) -> (0, 0)>
#map1 = affine_map<(d0, d1) -> (0, 0, 0)>
module attributes {stable_mosaic.version = 14 : i64} {
  func.func @_deg_body(%arg0: i32, %arg1: i32, %arg2: memref<2560x125xi32, #tpu.memory_space<hbm>>, %arg3: memref<632x16xf32, #tpu.memory_space<hbm>>, %arg4: memref<125x16xf32, #tpu.memory_space<hbm>>, %arg5: memref<2x10112x16xf32, #tpu.memory_space<hbm>>, %arg6: memref<80x125xi32, #tpu.memory_space<vmem>>, %arg7: memref<125x16xf32, #tpu.memory_space<vmem>>, %arg8: memref<10112x16xf32, #tpu.memory_space<vmem_shared>>, %arg9: memref<!tpu.dma_semaphore, #tpu.memory_space<semaphore_mem>>, %arg10: memref<!tpu.dma_semaphore, #tpu.memory_space<semaphore_mem>>) attributes {dimension_semantics = [#tpu.dimension_semantics<core_parallel>, #tpu.dimension_semantics<subcore_parallel>], iteration_bounds = array<i64: 2, 16>, scalar_prefetch = 0 : i64, scratch_operands = 5 : i64, tpu.core_type = #tpu.core_type<sc_vector_subcore>, window_params = [{transform_indices = #map}, {transform_indices = #map}, {transform_indices = #map}, {transform_indices = #map1}]} {
    %mul3A = arith.constant 2 : i32
    %mul3A_0 = arith.muli %arg1, %mul3A : i32
    %add3A = arith.addi %mul3A_0, %arg0 : i32
    %mul3A_1 = arith.constant 632 : i32
    %mul3A_2 = arith.muli %arg1, %mul3A_1 : i32
    %dma_start3A = arith.constant 0 : i32
    %dma_start3A_3 = tpu.memref_slice %arg8[%mul3A_2, %dma_start3A] : memref<10112x16xf32, #tpu.memory_space<vmem_shared>> -> memref<632x16xf32, #tpu.memory_space<vmem_shared>>
    tpu.enqueue_dma source(%arg3 : memref<632x16xf32, #tpu.memory_space<hbm>>) target(%dma_start3A_3 : memref<632x16xf32, #tpu.memory_space<vmem_shared>>) target_semaphore(%arg9 : memref<!tpu.dma_semaphore, #tpu.memory_space<semaphore_mem>>)
    %mul3A_4 = arith.constant 80 : i32
    %mul3A_5 = arith.muli %add3A, %mul3A_4 : i32
    "tpu.region"() ({
      %run_scoped3A = tpu.sem_alloc : memref<!tpu.dma_semaphore, #tpu.memory_space<semaphore_mem>>
      %dma_start3A_26 = arith.constant 0 : i32
      %dma_start3A_27 = tpu.memref_slice %arg2[%mul3A_5, %dma_start3A_26] : memref<2560x125xi32, #tpu.memory_space<hbm>> -> memref<80x125xi32, #tpu.memory_space<hbm>>
      %dma_start3A_28 = arith.constant 0 : i32
      %dma_start3A_29 = tpu.memref_slice %arg2[%mul3A_5, %dma_start3A_28] : memref<2560x125xi32, #tpu.memory_space<hbm>> -> memref<80x125xi32, #tpu.memory_space<hbm>>
      tpu.enqueue_dma source(%dma_start3A_29 : memref<80x125xi32, #tpu.memory_space<hbm>>) target(%arg6 : memref<80x125xi32, #tpu.memory_space<vmem>>) target_semaphore(%run_scoped3A : memref<!tpu.dma_semaphore, #tpu.memory_space<semaphore_mem>>)
      %dma_wait3A_30 = arith.constant 0 : i32
      %dma_wait3A_31 = tpu.memref_slice %arg2[%mul3A_5, %dma_wait3A_30] : memref<2560x125xi32, #tpu.memory_space<hbm>> -> memref<80x125xi32, #tpu.memory_space<hbm>>
      %dma_wait3A_32 = arith.constant 0 : i32
      %dma_wait3A_33 = tpu.memref_slice %arg2[%mul3A_5, %dma_wait3A_32] : memref<2560x125xi32, #tpu.memory_space<hbm>> -> memref<80x125xi32, #tpu.memory_space<hbm>>
      tpu.wait_dma2 semaphore(%run_scoped3A : memref<!tpu.dma_semaphore, #tpu.memory_space<semaphore_mem>>) src(%dma_wait3A_33 : memref<80x125xi32, #tpu.memory_space<hbm>>) dst(%arg6 : memref<80x125xi32, #tpu.memory_space<vmem>>)
      tpu.yield
    }) : () -> ()
    "tpu.region"() ({
      %run_scoped3A = tpu.sem_alloc : memref<!tpu.dma_semaphore, #tpu.memory_space<semaphore_mem>>
      tpu.enqueue_dma source(%arg4 : memref<125x16xf32, #tpu.memory_space<hbm>>) target(%arg7 : memref<125x16xf32, #tpu.memory_space<vmem>>) target_semaphore(%run_scoped3A : memref<!tpu.dma_semaphore, #tpu.memory_space<semaphore_mem>>)
      tpu.wait_dma2 semaphore(%run_scoped3A : memref<!tpu.dma_semaphore, #tpu.memory_space<semaphore_mem>>) src(%arg4 : memref<125x16xf32, #tpu.memory_space<hbm>>) dst(%arg7 : memref<125x16xf32, #tpu.memory_space<vmem>>)
      tpu.yield
    }) : () -> ()
    %mul3A_6 = arith.constant 632 : i32
    %mul3A_7 = arith.muli %arg1, %mul3A_6 : i32
    %dma_wait3A = arith.constant 0 : i32
    %dma_wait3A_8 = tpu.memref_slice %arg8[%mul3A_7, %dma_wait3A] : memref<10112x16xf32, #tpu.memory_space<vmem_shared>> -> memref<632x16xf32, #tpu.memory_space<vmem_shared>>
    tpu.wait_dma2 semaphore(%arg9 : memref<!tpu.dma_semaphore, #tpu.memory_space<semaphore_mem>>) src(%arg3 : memref<632x16xf32, #tpu.memory_space<hbm>>) dst(%dma_wait3A_8 : memref<632x16xf32, #tpu.memory_space<vmem_shared>>)
    %barrier3A = arith.constant 0 : index
    tpu.barrier barrier_id(%barrier3A)
    %dma_start3A_9 = arith.constant 0 : i32
    %dma_start3A_10 = arith.constant 0 : i32
    %dma_start3A_11 = tpu.memref_slice %arg6[%dma_start3A_9, %dma_start3A_10] : memref<80x125xi32, #tpu.memory_space<vmem>> -> memref<1x125xi32, #tpu.memory_space<vmem>>
    %dma_start3A_12 = tpu.memref_squeeze %dma_start3A_11 : memref<1x125xi32, #tpu.memory_space<vmem>> -> memref<125xi32, #tpu.memory_space<vmem>>
    %dma_start3A_13 = arith.constant 0 : i32
    %dma_start3A_14 = arith.constant 0 : i32
    %dma_start3A_15 = tpu.memref_slice %arg8[%dma_start3A_13, %dma_start3A_14] : memref<10112x16xf32, #tpu.memory_space<vmem_shared>> -> memref<10112x16xf32, #tpu.memory_space<vmem_shared>>
    tpu.enqueue_indirect_dma source(%arg7 : memref<125x16xf32, #tpu.memory_space<vmem>>) target(%dma_start3A_15 : memref<10112x16xf32, #tpu.memory_space<vmem_shared>>) offsets(%dma_start3A_12 : memref<125xi32, #tpu.memory_space<vmem>>) semaphore(%arg9 : memref<!tpu.dma_semaphore, #tpu.memory_space<semaphore_mem>>) {add = true}
    %scan3A = arith.constant 0 : i32
    %scan3A_16 = arith.constant 0 : i32
    %scan3A_17 = arith.constant 40 : i32
    %scan3A_18 = arith.addi %scan3A_16, %scan3A_17 : i32
    %scan3A_19 = arith.constant 1 : i32
    scf.for %scan3A_26 = %scan3A_16 to %scan3A_18 step %scan3A_19  : i32 {
      %mul3A_27 = arith.constant 2 : i32
      %mul3A_28 = arith.muli %mul3A_27, %scan3A_26 : i32
      %add3A_29 = arith.constant 1 : i32
      %add3A_30 = arith.addi %mul3A_28, %add3A_29 : i32
      %dma_start3A_31 = arith.constant 0 : i32
      %dma_start3A_32 = tpu.memref_slice %arg6[%add3A_30, %dma_start3A_31] : memref<80x125xi32, #tpu.memory_space<vmem>> -> memref<1x125xi32, #tpu.memory_space<vmem>>
      %dma_start3A_33 = tpu.memref_squeeze %dma_start3A_32 : memref<1x125xi32, #tpu.memory_space<vmem>> -> memref<125xi32, #tpu.memory_space<vmem>>
      %dma_start3A_34 = arith.constant 0 : i32
      %dma_start3A_35 = arith.constant 0 : i32
      %dma_start3A_36 = tpu.memref_slice %arg8[%dma_start3A_34, %dma_start3A_35] : memref<10112x16xf32, #tpu.memory_space<vmem_shared>> -> memref<10112x16xf32, #tpu.memory_space<vmem_shared>>
      tpu.enqueue_indirect_dma source(%arg7 : memref<125x16xf32, #tpu.memory_space<vmem>>) target(%dma_start3A_36 : memref<10112x16xf32, #tpu.memory_space<vmem_shared>>) offsets(%dma_start3A_33 : memref<125xi32, #tpu.memory_space<vmem>>) semaphore(%arg10 : memref<!tpu.dma_semaphore, #tpu.memory_space<semaphore_mem>>) {add = true}
      %dma_wait3A_37 = arith.constant 0 : i32
      %dma_wait3A_38 = tpu.memref_slice %arg6[%mul3A_28, %dma_wait3A_37] : memref<80x125xi32, #tpu.memory_space<vmem>> -> memref<1x125xi32, #tpu.memory_space<vmem>>
      %dma_wait3A_39 = tpu.memref_squeeze %dma_wait3A_38 : memref<1x125xi32, #tpu.memory_space<vmem>> -> memref<125xi32, #tpu.memory_space<vmem>>
      %dma_wait3A_40 = arith.constant 0 : i32
      %dma_wait3A_41 = arith.constant 0 : i32
      %dma_wait3A_42 = tpu.memref_slice %arg8[%dma_wait3A_40, %dma_wait3A_41] : memref<10112x16xf32, #tpu.memory_space<vmem_shared>> -> memref<10112x16xf32, #tpu.memory_space<vmem_shared>>
      tpu.wait_indirect_dma semaphore(%arg9 : memref<!tpu.dma_semaphore, #tpu.memory_space<semaphore_mem>>) src(%arg7 : memref<125x16xf32, #tpu.memory_space<vmem>>) dst(%dma_wait3A_42 : memref<10112x16xf32, #tpu.memory_space<vmem_shared>>)
      %add3A_43 = arith.constant 1 : i32
      %add3A_44 = arith.addi %scan3A_26, %add3A_43 : i32
      %lt3A = arith.constant 40 : i32
      %lt3A_45 = arith.cmpi slt, %add3A_44, %lt3A : i32
      %convert_element_type3A = arith.extui %lt3A_45 : i1 to i32
      %cond3A = arith.constant 0 : i32
      %cond3A_46 = arith.cmpi ne, %convert_element_type3A, %cond3A : i32
      scf.if %cond3A_46 {
        %add3A_55 = arith.constant 2 : i32
        %add3A_56 = arith.addi %mul3A_28, %add3A_55 : i32
        %dma_start3A_57 = arith.constant 0 : i32
        %dma_start3A_58 = tpu.memref_slice %arg6[%add3A_56, %dma_start3A_57] : memref<80x125xi32, #tpu.memory_space<vmem>> -> memref<1x125xi32, #tpu.memory_space<vmem>>
        %dma_start3A_59 = tpu.memref_squeeze %dma_start3A_58 : memref<1x125xi32, #tpu.memory_space<vmem>> -> memref<125xi32, #tpu.memory_space<vmem>>
        %dma_start3A_60 = arith.constant 0 : i32
        %dma_start3A_61 = arith.constant 0 : i32
        %dma_start3A_62 = tpu.memref_slice %arg8[%dma_start3A_60, %dma_start3A_61] : memref<10112x16xf32, #tpu.memory_space<vmem_shared>> -> memref<10112x16xf32, #tpu.memory_space<vmem_shared>>
        tpu.enqueue_indirect_dma source(%arg7 : memref<125x16xf32, #tpu.memory_space<vmem>>) target(%dma_start3A_62 : memref<10112x16xf32, #tpu.memory_space<vmem_shared>>) offsets(%dma_start3A_59 : memref<125xi32, #tpu.memory_space<vmem>>) semaphore(%arg9 : memref<!tpu.dma_semaphore, #tpu.memory_space<semaphore_mem>>) {add = true}
      } else {
      }
      %add3A_47 = arith.constant 1 : i32
      %add3A_48 = arith.addi %mul3A_28, %add3A_47 : i32
      %dma_wait3A_49 = arith.constant 0 : i32
      %dma_wait3A_50 = tpu.memref_slice %arg6[%add3A_48, %dma_wait3A_49] : memref<80x125xi32, #tpu.memory_space<vmem>> -> memref<1x125xi32, #tpu.memory_space<vmem>>
      %dma_wait3A_51 = tpu.memref_squeeze %dma_wait3A_50 : memref<1x125xi32, #tpu.memory_space<vmem>> -> memref<125xi32, #tpu.memory_space<vmem>>
      %dma_wait3A_52 = arith.constant 0 : i32
      %dma_wait3A_53 = arith.constant 0 : i32
      %dma_wait3A_54 = tpu.memref_slice %arg8[%dma_wait3A_52, %dma_wait3A_53] : memref<10112x16xf32, #tpu.memory_space<vmem_shared>> -> memref<10112x16xf32, #tpu.memory_space<vmem_shared>>
      tpu.wait_indirect_dma semaphore(%arg10 : memref<!tpu.dma_semaphore, #tpu.memory_space<semaphore_mem>>) src(%arg7 : memref<125x16xf32, #tpu.memory_space<vmem>>) dst(%dma_wait3A_54 : memref<10112x16xf32, #tpu.memory_space<vmem_shared>>)
    }
    %scan3A_20 = arith.constant 40 : i32
    %barrier3A_21 = arith.constant 0 : index
    tpu.barrier barrier_id(%barrier3A_21)
    %mul3A_22 = arith.constant 632 : i32
    %mul3A_23 = arith.muli %arg1, %mul3A_22 : i32
    %mul3A_24 = arith.constant 632 : i32
    %mul3A_25 = arith.muli %arg1, %mul3A_24 : i32
    "tpu.region"() ({
      %run_scoped3A = tpu.sem_alloc : memref<!tpu.dma_semaphore, #tpu.memory_space<semaphore_mem>>
      %dma_start3A_26 = arith.constant 0 : i32
      %dma_start3A_27 = tpu.memref_slice %arg5[%arg0, %mul3A_25, %dma_start3A_26] : memref<2x10112x16xf32, #tpu.memory_space<hbm>> -> memref<1x632x16xf32, #tpu.memory_space<hbm>>
      %dma_start3A_28 = tpu.memref_squeeze %dma_start3A_27 : memref<1x632x16xf32, #tpu.memory_space<hbm>> -> memref<632x16xf32, #tpu.memory_space<hbm>>
      %dma_start3A_29 = arith.constant 0 : i32
      %dma_start3A_30 = tpu.memref_slice %arg8[%mul3A_23, %dma_start3A_29] : memref<10112x16xf32, #tpu.memory_space<vmem_shared>> -> memref<632x16xf32, #tpu.memory_space<vmem_shared>>
      tpu.enqueue_dma source(%dma_start3A_30 : memref<632x16xf32, #tpu.memory_space<vmem_shared>>) target(%dma_start3A_28 : memref<632x16xf32, #tpu.memory_space<hbm>>) target_semaphore(%run_scoped3A : memref<!tpu.dma_semaphore, #tpu.memory_space<semaphore_mem>>)
      %dma_wait3A_31 = arith.constant 0 : i32
      %dma_wait3A_32 = tpu.memref_slice %arg5[%arg0, %mul3A_25, %dma_wait3A_31] : memref<2x10112x16xf32, #tpu.memory_space<hbm>> -> memref<1x632x16xf32, #tpu.memory_space<hbm>>
      %dma_wait3A_33 = tpu.memref_squeeze %dma_wait3A_32 : memref<1x632x16xf32, #tpu.memory_space<hbm>> -> memref<632x16xf32, #tpu.memory_space<hbm>>
      %dma_wait3A_34 = arith.constant 0 : i32
      %dma_wait3A_35 = tpu.memref_slice %arg8[%mul3A_23, %dma_wait3A_34] : memref<10112x16xf32, #tpu.memory_space<vmem_shared>> -> memref<632x16xf32, #tpu.memory_space<vmem_shared>>
      tpu.wait_dma2 semaphore(%run_scoped3A : memref<!tpu.dma_semaphore, #tpu.memory_space<semaphore_mem>>) src(%dma_wait3A_35 : memref<632x16xf32, #tpu.memory_space<vmem_shared>>) dst(%dma_wait3A_33 : memref<632x16xf32, #tpu.memory_space<hbm>>)
      tpu.yield
    }) : () -> ()
    return
  }
}

#map = affine_map<(d0, d1) -> (0, 0)>
#map1 = affine_map<(d0, d1) -> (0, 0, 0)>
module attributes {stable_mosaic.version = 14 : i64} {
  func.func @_agg128_body(%arg0: i32, %arg1: i32, %arg2: memref<10000x128xf32, #tpu.memory_space<hbm>>, %arg3: memref<2560x125xi32, #tpu.memory_space<hbm>>, %arg4: memref<2560x125xi32, #tpu.memory_space<hbm>>, %arg5: memref<632x128xf32, #tpu.memory_space<hbm>>, %arg6: memref<2x10112x128xf32, #tpu.memory_space<hbm>>, %arg7: memref<40x125xi32, #tpu.memory_space<vmem>>, %arg8: memref<40x125xi32, #tpu.memory_space<vmem>>, %arg9: memref<125x128xf32, #tpu.memory_space<vmem>>, %arg10: memref<125x128xf32, #tpu.memory_space<vmem>>, %arg11: memref<10112x128xf32, #tpu.memory_space<vmem_shared>>, %arg12: memref<!tpu.dma_semaphore, #tpu.memory_space<semaphore_mem>>, %arg13: memref<!tpu.dma_semaphore, #tpu.memory_space<semaphore_mem>>) attributes {dimension_semantics = [#tpu.dimension_semantics<core_parallel>, #tpu.dimension_semantics<subcore_parallel>], iteration_bounds = array<i64: 2, 16>, scalar_prefetch = 0 : i64, scratch_operands = 7 : i64, tpu.core_type = #tpu.core_type<sc_vector_subcore>, window_params = [{transform_indices = #map}, {transform_indices = #map}, {transform_indices = #map}, {transform_indices = #map}, {transform_indices = #map1}]} {
    %mul3A = arith.constant 2 : i32
    %mul3A_0 = arith.muli %arg1, %mul3A : i32
    %add3A = arith.addi %mul3A_0, %arg0 : i32
    %mul3A_1 = arith.constant 632 : i32
    %mul3A_2 = arith.muli %arg1, %mul3A_1 : i32
    %dma_start3A = arith.constant 0 : i32
    %dma_start3A_3 = tpu.memref_slice %arg11[%mul3A_2, %dma_start3A] : memref<10112x128xf32, #tpu.memory_space<vmem_shared>> -> memref<632x128xf32, #tpu.memory_space<vmem_shared>>
    tpu.enqueue_dma source(%arg5 : memref<632x128xf32, #tpu.memory_space<hbm>>) target(%dma_start3A_3 : memref<632x128xf32, #tpu.memory_space<vmem_shared>>) target_semaphore(%arg12 : memref<!tpu.dma_semaphore, #tpu.memory_space<semaphore_mem>>)
    %mul3A_4 = arith.constant 80 : i32
    %mul3A_5 = arith.muli %add3A, %mul3A_4 : i32
    "tpu.region"() ({
      %run_scoped3A = tpu.sem_alloc : memref<!tpu.dma_semaphore, #tpu.memory_space<semaphore_mem>>
      %dma_start3A_45 = arith.constant 0 : i32
      %dma_start3A_46 = tpu.memref_slice %arg3[%mul3A_5, %dma_start3A_45] : memref<2560x125xi32, #tpu.memory_space<hbm>> -> memref<40x125xi32, #tpu.memory_space<hbm>>
      %dma_start3A_47 = arith.constant 0 : i32
      %dma_start3A_48 = tpu.memref_slice %arg3[%mul3A_5, %dma_start3A_47] : memref<2560x125xi32, #tpu.memory_space<hbm>> -> memref<40x125xi32, #tpu.memory_space<hbm>>
      tpu.enqueue_dma source(%dma_start3A_48 : memref<40x125xi32, #tpu.memory_space<hbm>>) target(%arg7 : memref<40x125xi32, #tpu.memory_space<vmem>>) target_semaphore(%run_scoped3A : memref<!tpu.dma_semaphore, #tpu.memory_space<semaphore_mem>>)
      %dma_wait3A_49 = arith.constant 0 : i32
      %dma_wait3A_50 = tpu.memref_slice %arg3[%mul3A_5, %dma_wait3A_49] : memref<2560x125xi32, #tpu.memory_space<hbm>> -> memref<40x125xi32, #tpu.memory_space<hbm>>
      %dma_wait3A_51 = arith.constant 0 : i32
      %dma_wait3A_52 = tpu.memref_slice %arg3[%mul3A_5, %dma_wait3A_51] : memref<2560x125xi32, #tpu.memory_space<hbm>> -> memref<40x125xi32, #tpu.memory_space<hbm>>
      tpu.wait_dma2 semaphore(%run_scoped3A : memref<!tpu.dma_semaphore, #tpu.memory_space<semaphore_mem>>) src(%dma_wait3A_52 : memref<40x125xi32, #tpu.memory_space<hbm>>) dst(%arg7 : memref<40x125xi32, #tpu.memory_space<vmem>>)
      tpu.yield
    }) : () -> ()
    %mul3A_6 = arith.constant 80 : i32
    %mul3A_7 = arith.muli %add3A, %mul3A_6 : i32
    "tpu.region"() ({
      %run_scoped3A = tpu.sem_alloc : memref<!tpu.dma_semaphore, #tpu.memory_space<semaphore_mem>>
      %dma_start3A_45 = arith.constant 0 : i32
      %dma_start3A_46 = tpu.memref_slice %arg4[%mul3A_7, %dma_start3A_45] : memref<2560x125xi32, #tpu.memory_space<hbm>> -> memref<40x125xi32, #tpu.memory_space<hbm>>
      %dma_start3A_47 = arith.constant 0 : i32
      %dma_start3A_48 = tpu.memref_slice %arg4[%mul3A_7, %dma_start3A_47] : memref<2560x125xi32, #tpu.memory_space<hbm>> -> memref<40x125xi32, #tpu.memory_space<hbm>>
      tpu.enqueue_dma source(%dma_start3A_48 : memref<40x125xi32, #tpu.memory_space<hbm>>) target(%arg8 : memref<40x125xi32, #tpu.memory_space<vmem>>) target_semaphore(%run_scoped3A : memref<!tpu.dma_semaphore, #tpu.memory_space<semaphore_mem>>)
      %dma_wait3A_49 = arith.constant 0 : i32
      %dma_wait3A_50 = tpu.memref_slice %arg4[%mul3A_7, %dma_wait3A_49] : memref<2560x125xi32, #tpu.memory_space<hbm>> -> memref<40x125xi32, #tpu.memory_space<hbm>>
      %dma_wait3A_51 = arith.constant 0 : i32
      %dma_wait3A_52 = tpu.memref_slice %arg4[%mul3A_7, %dma_wait3A_51] : memref<2560x125xi32, #tpu.memory_space<hbm>> -> memref<40x125xi32, #tpu.memory_space<hbm>>
      tpu.wait_dma2 semaphore(%run_scoped3A : memref<!tpu.dma_semaphore, #tpu.memory_space<semaphore_mem>>) src(%dma_wait3A_52 : memref<40x125xi32, #tpu.memory_space<hbm>>) dst(%arg8 : memref<40x125xi32, #tpu.memory_space<vmem>>)
      tpu.yield
    }) : () -> ()
    %mul3A_8 = arith.constant 632 : i32
    %mul3A_9 = arith.muli %arg1, %mul3A_8 : i32
    %dma_wait3A = arith.constant 0 : i32
    %dma_wait3A_10 = tpu.memref_slice %arg11[%mul3A_9, %dma_wait3A] : memref<10112x128xf32, #tpu.memory_space<vmem_shared>> -> memref<632x128xf32, #tpu.memory_space<vmem_shared>>
    tpu.wait_dma2 semaphore(%arg12 : memref<!tpu.dma_semaphore, #tpu.memory_space<semaphore_mem>>) src(%arg5 : memref<632x128xf32, #tpu.memory_space<hbm>>) dst(%dma_wait3A_10 : memref<632x128xf32, #tpu.memory_space<vmem_shared>>)
    %barrier3A = arith.constant 0 : index
    tpu.barrier barrier_id(%barrier3A)
    %dma_start3A_11 = arith.constant 0 : i32
    %dma_start3A_12 = arith.constant 0 : i32
    %dma_start3A_13 = tpu.memref_slice %arg7[%dma_start3A_11, %dma_start3A_12] : memref<40x125xi32, #tpu.memory_space<vmem>> -> memref<1x125xi32, #tpu.memory_space<vmem>>
    %dma_start3A_14 = tpu.memref_squeeze %dma_start3A_13 : memref<1x125xi32, #tpu.memory_space<vmem>> -> memref<125xi32, #tpu.memory_space<vmem>>
    %dma_start3A_15 = arith.constant 0 : i32
    %dma_start3A_16 = arith.constant 0 : i32
    %dma_start3A_17 = tpu.memref_slice %arg2[%dma_start3A_15, %dma_start3A_16] : memref<10000x128xf32, #tpu.memory_space<hbm>> -> memref<10000x128xf32, #tpu.memory_space<hbm>>
    tpu.enqueue_indirect_dma source(%dma_start3A_17 : memref<10000x128xf32, #tpu.memory_space<hbm>>) target(%arg9 : memref<125x128xf32, #tpu.memory_space<vmem>>) offsets(%dma_start3A_14 : memref<125xi32, #tpu.memory_space<vmem>>) semaphore(%arg12 : memref<!tpu.dma_semaphore, #tpu.memory_space<semaphore_mem>>)
    %scan3A = arith.constant 0 : i32
    %scan3A_18 = arith.constant 0 : i32
    %scan3A_19 = arith.constant 20 : i32
    %scan3A_20 = arith.addi %scan3A_18, %scan3A_19 : i32
    %scan3A_21 = arith.constant 1 : i32
    scf.for %scan3A_45 = %scan3A_18 to %scan3A_20 step %scan3A_21  : i32 {
      %mul3A_46 = arith.constant 2 : i32
      %mul3A_47 = arith.muli %mul3A_46, %scan3A_45 : i32
      %add3A_48 = arith.constant 1 : i32
      %add3A_49 = arith.addi %mul3A_47, %add3A_48 : i32
      %dma_start3A_50 = arith.constant 0 : i32
      %dma_start3A_51 = tpu.memref_slice %arg7[%add3A_49, %dma_start3A_50] : memref<40x125xi32, #tpu.memory_space<vmem>> -> memref<1x125xi32, #tpu.memory_space<vmem>>
      %dma_start3A_52 = tpu.memref_squeeze %dma_start3A_51 : memref<1x125xi32, #tpu.memory_space<vmem>> -> memref<125xi32, #tpu.memory_space<vmem>>
      %dma_start3A_53 = arith.constant 0 : i32
      %dma_start3A_54 = arith.constant 0 : i32
      %dma_start3A_55 = tpu.memref_slice %arg2[%dma_start3A_53, %dma_start3A_54] : memref<10000x128xf32, #tpu.memory_space<hbm>> -> memref<10000x128xf32, #tpu.memory_space<hbm>>
      tpu.enqueue_indirect_dma source(%dma_start3A_55 : memref<10000x128xf32, #tpu.memory_space<hbm>>) target(%arg10 : memref<125x128xf32, #tpu.memory_space<vmem>>) offsets(%dma_start3A_52 : memref<125xi32, #tpu.memory_space<vmem>>) semaphore(%arg13 : memref<!tpu.dma_semaphore, #tpu.memory_space<semaphore_mem>>)
      %dma_wait3A_56 = arith.constant 0 : i32
      %dma_wait3A_57 = tpu.memref_slice %arg7[%mul3A_47, %dma_wait3A_56] : memref<40x125xi32, #tpu.memory_space<vmem>> -> memref<1x125xi32, #tpu.memory_space<vmem>>
      %dma_wait3A_58 = tpu.memref_squeeze %dma_wait3A_57 : memref<1x125xi32, #tpu.memory_space<vmem>> -> memref<125xi32, #tpu.memory_space<vmem>>
      %dma_wait3A_59 = arith.constant 0 : i32
      %dma_wait3A_60 = arith.constant 0 : i32
      %dma_wait3A_61 = tpu.memref_slice %arg2[%dma_wait3A_59, %dma_wait3A_60] : memref<10000x128xf32, #tpu.memory_space<hbm>> -> memref<10000x128xf32, #tpu.memory_space<hbm>>
      tpu.wait_indirect_dma semaphore(%arg12 : memref<!tpu.dma_semaphore, #tpu.memory_space<semaphore_mem>>) src(%dma_wait3A_61 : memref<10000x128xf32, #tpu.memory_space<hbm>>) dst(%arg9 : memref<125x128xf32, #tpu.memory_space<vmem>>)
      "tpu.region"() ({
        %run_scoped3A = tpu.sem_alloc : memref<!tpu.dma_semaphore, #tpu.memory_space<semaphore_mem>>
        %dma_start3A_76 = arith.constant 0 : i32
        %dma_start3A_77 = tpu.memref_slice %arg8[%mul3A_47, %dma_start3A_76] : memref<40x125xi32, #tpu.memory_space<vmem>> -> memref<1x125xi32, #tpu.memory_space<vmem>>
        %dma_start3A_78 = tpu.memref_squeeze %dma_start3A_77 : memref<1x125xi32, #tpu.memory_space<vmem>> -> memref<125xi32, #tpu.memory_space<vmem>>
        %dma_start3A_79 = arith.constant 0 : i32
        %dma_start3A_80 = arith.constant 0 : i32
        %dma_start3A_81 = tpu.memref_slice %arg11[%dma_start3A_79, %dma_start3A_80] : memref<10112x128xf32, #tpu.memory_space<vmem_shared>> -> memref<10112x128xf32, #tpu.memory_space<vmem_shared>>
        tpu.enqueue_indirect_dma source(%arg9 : memref<125x128xf32, #tpu.memory_space<vmem>>) target(%dma_start3A_81 : memref<10112x128xf32, #tpu.memory_space<vmem_shared>>) offsets(%dma_start3A_78 : memref<125xi32, #tpu.memory_space<vmem>>) semaphore(%run_scoped3A : memref<!tpu.dma_semaphore, #tpu.memory_space<semaphore_mem>>) {add = true}
        %dma_wait3A_82 = arith.constant 0 : i32
        %dma_wait3A_83 = tpu.memref_slice %arg8[%mul3A_47, %dma_wait3A_82] : memref<40x125xi32, #tpu.memory_space<vmem>> -> memref<1x125xi32, #tpu.memory_space<vmem>>
        %dma_wait3A_84 = tpu.memref_squeeze %dma_wait3A_83 : memref<1x125xi32, #tpu.memory_space<vmem>> -> memref<125xi32, #tpu.memory_space<vmem>>
        %dma_wait3A_85 = arith.constant 0 : i32
        %dma_wait3A_86 = arith.constant 0 : i32
        %dma_wait3A_87 = tpu.memref_slice %arg11[%dma_wait3A_85, %dma_wait3A_86] : memref<10112x128xf32, #tpu.memory_space<vmem_shared>> -> memref<10112x128xf32, #tpu.memory_space<vmem_shared>>
        tpu.wait_indirect_dma semaphore(%run_scoped3A : memref<!tpu.dma_semaphore, #tpu.memory_space<semaphore_mem>>) src(%arg9 : memref<125x128xf32, #tpu.memory_space<vmem>>) dst(%dma_wait3A_87 : memref<10112x128xf32, #tpu.memory_space<vmem_shared>>)
        tpu.yield
      }) : () -> ()
      %add3A_62 = arith.constant 1 : i32
      %add3A_63 = arith.addi %scan3A_45, %add3A_62 : i32
      %lt3A = arith.constant 20 : i32
      %lt3A_64 = arith.cmpi slt, %add3A_63, %lt3A : i32
      %convert_element_type3A = arith.extui %lt3A_64 : i1 to i32
      %cond3A = arith.constant 0 : i32
      %cond3A_65 = arith.cmpi ne, %convert_element_type3A, %cond3A : i32
      scf.if %cond3A_65 {
        %add3A_76 = arith.constant 2 : i32
        %add3A_77 = arith.addi %mul3A_47, %add3A_76 : i32
        %dma_start3A_78 = arith.constant 0 : i32
        %dma_start3A_79 = tpu.memref_slice %arg7[%add3A_77, %dma_start3A_78] : memref<40x125xi32, #tpu.memory_space<vmem>> -> memref<1x125xi32, #tpu.memory_space<vmem>>
        %dma_start3A_80 = tpu.memref_squeeze %dma_start3A_79 : memref<1x125xi32, #tpu.memory_space<vmem>> -> memref<125xi32, #tpu.memory_space<vmem>>
        %dma_start3A_81 = arith.constant 0 : i32
        %dma_start3A_82 = arith.constant 0 : i32
        %dma_start3A_83 = tpu.memref_slice %arg2[%dma_start3A_81, %dma_start3A_82] : memref<10000x128xf32, #tpu.memory_space<hbm>> -> memref<10000x128xf32, #tpu.memory_space<hbm>>
        tpu.enqueue_indirect_dma source(%dma_start3A_83 : memref<10000x128xf32, #tpu.memory_space<hbm>>) target(%arg9 : memref<125x128xf32, #tpu.memory_space<vmem>>) offsets(%dma_start3A_80 : memref<125xi32, #tpu.memory_space<vmem>>) semaphore(%arg12 : memref<!tpu.dma_semaphore, #tpu.memory_space<semaphore_mem>>)
      } else {
      }
      %add3A_66 = arith.constant 1 : i32
      %add3A_67 = arith.addi %mul3A_47, %add3A_66 : i32
      %dma_wait3A_68 = arith.constant 0 : i32
      %dma_wait3A_69 = tpu.memref_slice %arg7[%add3A_67, %dma_wait3A_68] : memref<40x125xi32, #tpu.memory_space<vmem>> -> memref<1x125xi32, #tpu.memory_space<vmem>>
      %dma_wait3A_70 = tpu.memref_squeeze %dma_wait3A_69 : memref<1x125xi32, #tpu.memory_space<vmem>> -> memref<125xi32, #tpu.memory_space<vmem>>
      %dma_wait3A_71 = arith.constant 0 : i32
      %dma_wait3A_72 = arith.constant 0 : i32
      %dma_wait3A_73 = tpu.memref_slice %arg2[%dma_wait3A_71, %dma_wait3A_72] : memref<10000x128xf32, #tpu.memory_space<hbm>> -> memref<10000x128xf32, #tpu.memory_space<hbm>>
      tpu.wait_indirect_dma semaphore(%arg13 : memref<!tpu.dma_semaphore, #tpu.memory_space<semaphore_mem>>) src(%dma_wait3A_73 : memref<10000x128xf32, #tpu.memory_space<hbm>>) dst(%arg10 : memref<125x128xf32, #tpu.memory_space<vmem>>)
      %add3A_74 = arith.constant 1 : i32
      %add3A_75 = arith.addi %mul3A_47, %add3A_74 : i32
      "tpu.region"() ({
        %run_scoped3A = tpu.sem_alloc : memref<!tpu.dma_semaphore, #tpu.memory_space<semaphore_mem>>
        %dma_start3A_76 = arith.constant 0 : i32
        %dma_start3A_77 = tpu.memref_slice %arg8[%add3A_75, %dma_start3A_76] : memref<40x125xi32, #tpu.memory_space<vmem>> -> memref<1x125xi32, #tpu.memory_space<vmem>>
        %dma_start3A_78 = tpu.memref_squeeze %dma_start3A_77 : memref<1x125xi32, #tpu.memory_space<vmem>> -> memref<125xi32, #tpu.memory_space<vmem>>
        %dma_start3A_79 = arith.constant 0 : i32
        %dma_start3A_80 = arith.constant 0 : i32
        %dma_start3A_81 = tpu.memref_slice %arg11[%dma_start3A_79, %dma_start3A_80] : memref<10112x128xf32, #tpu.memory_space<vmem_shared>> -> memref<10112x128xf32, #tpu.memory_space<vmem_shared>>
        tpu.enqueue_indirect_dma source(%arg10 : memref<125x128xf32, #tpu.memory_space<vmem>>) target(%dma_start3A_81 : memref<10112x128xf32, #tpu.memory_space<vmem_shared>>) offsets(%dma_start3A_78 : memref<125xi32, #tpu.memory_space<vmem>>) semaphore(%run_scoped3A : memref<!tpu.dma_semaphore, #tpu.memory_space<semaphore_mem>>) {add = true}
        %dma_wait3A_82 = arith.constant 0 : i32
        %dma_wait3A_83 = tpu.memref_slice %arg8[%add3A_75, %dma_wait3A_82] : memref<40x125xi32, #tpu.memory_space<vmem>> -> memref<1x125xi32, #tpu.memory_space<vmem>>
        %dma_wait3A_84 = tpu.memref_squeeze %dma_wait3A_83 : memref<1x125xi32, #tpu.memory_space<vmem>> -> memref<125xi32, #tpu.memory_space<vmem>>
        %dma_wait3A_85 = arith.constant 0 : i32
        %dma_wait3A_86 = arith.constant 0 : i32
        %dma_wait3A_87 = tpu.memref_slice %arg11[%dma_wait3A_85, %dma_wait3A_86] : memref<10112x128xf32, #tpu.memory_space<vmem_shared>> -> memref<10112x128xf32, #tpu.memory_space<vmem_shared>>
        tpu.wait_indirect_dma semaphore(%run_scoped3A : memref<!tpu.dma_semaphore, #tpu.memory_space<semaphore_mem>>) src(%arg10 : memref<125x128xf32, #tpu.memory_space<vmem>>) dst(%dma_wait3A_87 : memref<10112x128xf32, #tpu.memory_space<vmem_shared>>)
        tpu.yield
      }) : () -> ()
    }
    %scan3A_22 = arith.constant 20 : i32
    %mul3A_23 = arith.constant 80 : i32
    %mul3A_24 = arith.muli %add3A, %mul3A_23 : i32
    %add3A_25 = arith.constant 40 : i32
    %add3A_26 = arith.addi %mul3A_24, %add3A_25 : i32
    "tpu.region"() ({
      %run_scoped3A = tpu.sem_alloc : memref<!tpu.dma_semaphore, #tpu.memory_space<semaphore_mem>>
      %dma_start3A_45 = arith.constant 0 : i32
      %dma_start3A_46 = tpu.memref_slice %arg3[%add3A_26, %dma_start3A_45] : memref<2560x125xi32, #tpu.memory_space<hbm>> -> memref<40x125xi32, #tpu.memory_space<hbm>>
      %dma_start3A_47 = arith.constant 0 : i32
      %dma_start3A_48 = tpu.memref_slice %arg3[%add3A_26, %dma_start3A_47] : memref<2560x125xi32, #tpu.memory_space<hbm>> -> memref<40x125xi32, #tpu.memory_space<hbm>>
      tpu.enqueue_dma source(%dma_start3A_48 : memref<40x125xi32, #tpu.memory_space<hbm>>) target(%arg7 : memref<40x125xi32, #tpu.memory_space<vmem>>) target_semaphore(%run_scoped3A : memref<!tpu.dma_semaphore, #tpu.memory_space<semaphore_mem>>)
      %dma_wait3A_49 = arith.constant 0 : i32
      %dma_wait3A_50 = tpu.memref_slice %arg3[%add3A_26, %dma_wait3A_49] : memref<2560x125xi32, #tpu.memory_space<hbm>> -> memref<40x125xi32, #tpu.memory_space<hbm>>
      %dma_wait3A_51 = arith.constant 0 : i32
      %dma_wait3A_52 = tpu.memref_slice %arg3[%add3A_26, %dma_wait3A_51] : memref<2560x125xi32, #tpu.memory_space<hbm>> -> memref<40x125xi32, #tpu.memory_space<hbm>>
      tpu.wait_dma2 semaphore(%run_scoped3A : memref<!tpu.dma_semaphore, #tpu.memory_space<semaphore_mem>>) src(%dma_wait3A_52 : memref<40x125xi32, #tpu.memory_space<hbm>>) dst(%arg7 : memref<40x125xi32, #tpu.memory_space<vmem>>)
      tpu.yield
    }) : () -> ()
    "tpu.region"() ({
      %run_scoped3A = tpu.sem_alloc : memref<!tpu.dma_semaphore, #tpu.memory_space<semaphore_mem>>
      %dma_start3A_45 = arith.constant 0 : i32
      %dma_start3A_46 = tpu.memref_slice %arg4[%add3A_26, %dma_start3A_45] : memref<2560x125xi32, #tpu.memory_space<hbm>> -> memref<40x125xi32, #tpu.memory_space<hbm>>
      %dma_start3A_47 = arith.constant 0 : i32
      %dma_start3A_48 = tpu.memref_slice %arg4[%add3A_26, %dma_start3A_47] : memref<2560x125xi32, #tpu.memory_space<hbm>> -> memref<40x125xi32, #tpu.memory_space<hbm>>
      tpu.enqueue_dma source(%dma_start3A_48 : memref<40x125xi32, #tpu.memory_space<hbm>>) target(%arg8 : memref<40x125xi32, #tpu.memory_space<vmem>>) target_semaphore(%run_scoped3A : memref<!tpu.dma_semaphore, #tpu.memory_space<semaphore_mem>>)
      %dma_wait3A_49 = arith.constant 0 : i32
      %dma_wait3A_50 = tpu.memref_slice %arg4[%add3A_26, %dma_wait3A_49] : memref<2560x125xi32, #tpu.memory_space<hbm>> -> memref<40x125xi32, #tpu.memory_space<hbm>>
      %dma_wait3A_51 = arith.constant 0 : i32
      %dma_wait3A_52 = tpu.memref_slice %arg4[%add3A_26, %dma_wait3A_51] : memref<2560x125xi32, #tpu.memory_space<hbm>> -> memref<40x125xi32, #tpu.memory_space<hbm>>
      tpu.wait_dma2 semaphore(%run_scoped3A : memref<!tpu.dma_semaphore, #tpu.memory_space<semaphore_mem>>) src(%dma_wait3A_52 : memref<40x125xi32, #tpu.memory_space<hbm>>) dst(%arg8 : memref<40x125xi32, #tpu.memory_space<vmem>>)
      tpu.yield
    }) : () -> ()
    %dma_start3A_27 = arith.constant 0 : i32
    %dma_start3A_28 = arith.constant 0 : i32
    %dma_start3A_29 = tpu.memref_slice %arg7[%dma_start3A_27, %dma_start3A_28] : memref<40x125xi32, #tpu.memory_space<vmem>> -> memref<1x125xi32, #tpu.memory_space<vmem>>
    %dma_start3A_30 = tpu.memref_squeeze %dma_start3A_29 : memref<1x125xi32, #tpu.memory_space<vmem>> -> memref<125xi32, #tpu.memory_space<vmem>>
    %dma_start3A_31 = arith.constant 0 : i32
    %dma_start3A_32 = arith.constant 0 : i32
    %dma_start3A_33 = tpu.memref_slice %arg2[%dma_start3A_31, %dma_start3A_32] : memref<10000x128xf32, #tpu.memory_space<hbm>> -> memref<10000x128xf32, #tpu.memory_space<hbm>>
    tpu.enqueue_indirect_dma source(%dma_start3A_33 : memref<10000x128xf32, #tpu.memory_space<hbm>>) target(%arg9 : memref<125x128xf32, #tpu.memory_space<vmem>>) offsets(%dma_start3A_30 : memref<125xi32, #tpu.memory_space<vmem>>) semaphore(%arg12 : memref<!tpu.dma_semaphore, #tpu.memory_space<semaphore_mem>>)
    %scan3A_34 = arith.constant 0 : i32
    %scan3A_35 = arith.constant 0 : i32
    %scan3A_36 = arith.constant 20 : i32
    %scan3A_37 = arith.addi %scan3A_35, %scan3A_36 : i32
    %scan3A_38 = arith.constant 1 : i32
    scf.for %scan3A_45 = %scan3A_35 to %scan3A_37 step %scan3A_38  : i32 {
      %mul3A_46 = arith.constant 2 : i32
      %mul3A_47 = arith.muli %mul3A_46, %scan3A_45 : i32
      %add3A_48 = arith.constant 1 : i32
      %add3A_49 = arith.addi %mul3A_47, %add3A_48 : i32
      %dma_start3A_50 = arith.constant 0 : i32
      %dma_start3A_51 = tpu.memref_slice %arg7[%add3A_49, %dma_start3A_50] : memref<40x125xi32, #tpu.memory_space<vmem>> -> memref<1x125xi32, #tpu.memory_space<vmem>>
      %dma_start3A_52 = tpu.memref_squeeze %dma_start3A_51 : memref<1x125xi32, #tpu.memory_space<vmem>> -> memref<125xi32, #tpu.memory_space<vmem>>
      %dma_start3A_53 = arith.constant 0 : i32
      %dma_start3A_54 = arith.constant 0 : i32
      %dma_start3A_55 = tpu.memref_slice %arg2[%dma_start3A_53, %dma_start3A_54] : memref<10000x128xf32, #tpu.memory_space<hbm>> -> memref<10000x128xf32, #tpu.memory_space<hbm>>
      tpu.enqueue_indirect_dma source(%dma_start3A_55 : memref<10000x128xf32, #tpu.memory_space<hbm>>) target(%arg10 : memref<125x128xf32, #tpu.memory_space<vmem>>) offsets(%dma_start3A_52 : memref<125xi32, #tpu.memory_space<vmem>>) semaphore(%arg13 : memref<!tpu.dma_semaphore, #tpu.memory_space<semaphore_mem>>)
      %dma_wait3A_56 = arith.constant 0 : i32
      %dma_wait3A_57 = tpu.memref_slice %arg7[%mul3A_47, %dma_wait3A_56] : memref<40x125xi32, #tpu.memory_space<vmem>> -> memref<1x125xi32, #tpu.memory_space<vmem>>
      %dma_wait3A_58 = tpu.memref_squeeze %dma_wait3A_57 : memref<1x125xi32, #tpu.memory_space<vmem>> -> memref<125xi32, #tpu.memory_space<vmem>>
      %dma_wait3A_59 = arith.constant 0 : i32
      %dma_wait3A_60 = arith.constant 0 : i32
      %dma_wait3A_61 = tpu.memref_slice %arg2[%dma_wait3A_59, %dma_wait3A_60] : memref<10000x128xf32, #tpu.memory_space<hbm>> -> memref<10000x128xf32, #tpu.memory_space<hbm>>
      tpu.wait_indirect_dma semaphore(%arg12 : memref<!tpu.dma_semaphore, #tpu.memory_space<semaphore_mem>>) src(%dma_wait3A_61 : memref<10000x128xf32, #tpu.memory_space<hbm>>) dst(%arg9 : memref<125x128xf32, #tpu.memory_space<vmem>>)
      "tpu.region"() ({
        %run_scoped3A = tpu.sem_alloc : memref<!tpu.dma_semaphore, #tpu.memory_space<semaphore_mem>>
        %dma_start3A_76 = arith.constant 0 : i32
        %dma_start3A_77 = tpu.memref_slice %arg8[%mul3A_47, %dma_start3A_76] : memref<40x125xi32, #tpu.memory_space<vmem>> -> memref<1x125xi32, #tpu.memory_space<vmem>>
        %dma_start3A_78 = tpu.memref_squeeze %dma_start3A_77 : memref<1x125xi32, #tpu.memory_space<vmem>> -> memref<125xi32, #tpu.memory_space<vmem>>
        %dma_start3A_79 = arith.constant 0 : i32
        %dma_start3A_80 = arith.constant 0 : i32
        %dma_start3A_81 = tpu.memref_slice %arg11[%dma_start3A_79, %dma_start3A_80] : memref<10112x128xf32, #tpu.memory_space<vmem_shared>> -> memref<10112x128xf32, #tpu.memory_space<vmem_shared>>
        tpu.enqueue_indirect_dma source(%arg9 : memref<125x128xf32, #tpu.memory_space<vmem>>) target(%dma_start3A_81 : memref<10112x128xf32, #tpu.memory_space<vmem_shared>>) offsets(%dma_start3A_78 : memref<125xi32, #tpu.memory_space<vmem>>) semaphore(%run_scoped3A : memref<!tpu.dma_semaphore, #tpu.memory_space<semaphore_mem>>) {add = true}
        %dma_wait3A_82 = arith.constant 0 : i32
        %dma_wait3A_83 = tpu.memref_slice %arg8[%mul3A_47, %dma_wait3A_82] : memref<40x125xi32, #tpu.memory_space<vmem>> -> memref<1x125xi32, #tpu.memory_space<vmem>>
        %dma_wait3A_84 = tpu.memref_squeeze %dma_wait3A_83 : memref<1x125xi32, #tpu.memory_space<vmem>> -> memref<125xi32, #tpu.memory_space<vmem>>
        %dma_wait3A_85 = arith.constant 0 : i32
        %dma_wait3A_86 = arith.constant 0 : i32
        %dma_wait3A_87 = tpu.memref_slice %arg11[%dma_wait3A_85, %dma_wait3A_86] : memref<10112x128xf32, #tpu.memory_space<vmem_shared>> -> memref<10112x128xf32, #tpu.memory_space<vmem_shared>>
        tpu.wait_indirect_dma semaphore(%run_scoped3A : memref<!tpu.dma_semaphore, #tpu.memory_space<semaphore_mem>>) src(%arg9 : memref<125x128xf32, #tpu.memory_space<vmem>>) dst(%dma_wait3A_87 : memref<10112x128xf32, #tpu.memory_space<vmem_shared>>)
        tpu.yield
      }) : () -> ()
      %add3A_62 = arith.constant 1 : i32
      %add3A_63 = arith.addi %scan3A_45, %add3A_62 : i32
      %lt3A = arith.constant 20 : i32
      %lt3A_64 = arith.cmpi slt, %add3A_63, %lt3A : i32
      %convert_element_type3A = arith.extui %lt3A_64 : i1 to i32
      %cond3A = arith.constant 0 : i32
      %cond3A_65 = arith.cmpi ne, %convert_element_type3A, %cond3A : i32
      scf.if %cond3A_65 {
        %add3A_76 = arith.constant 2 : i32
        %add3A_77 = arith.addi %mul3A_47, %add3A_76 : i32
        %dma_start3A_78 = arith.constant 0 : i32
        %dma_start3A_79 = tpu.memref_slice %arg7[%add3A_77, %dma_start3A_78] : memref<40x125xi32, #tpu.memory_space<vmem>> -> memref<1x125xi32, #tpu.memory_space<vmem>>
        %dma_start3A_80 = tpu.memref_squeeze %dma_start3A_79 : memref<1x125xi32, #tpu.memory_space<vmem>> -> memref<125xi32, #tpu.memory_space<vmem>>
        %dma_start3A_81 = arith.constant 0 : i32
        %dma_start3A_82 = arith.constant 0 : i32
        %dma_start3A_83 = tpu.memref_slice %arg2[%dma_start3A_81, %dma_start3A_82] : memref<10000x128xf32, #tpu.memory_space<hbm>> -> memref<10000x128xf32, #tpu.memory_space<hbm>>
        tpu.enqueue_indirect_dma source(%dma_start3A_83 : memref<10000x128xf32, #tpu.memory_space<hbm>>) target(%arg9 : memref<125x128xf32, #tpu.memory_space<vmem>>) offsets(%dma_start3A_80 : memref<125xi32, #tpu.memory_space<vmem>>) semaphore(%arg12 : memref<!tpu.dma_semaphore, #tpu.memory_space<semaphore_mem>>)
      } else {
      }
      %add3A_66 = arith.constant 1 : i32
      %add3A_67 = arith.addi %mul3A_47, %add3A_66 : i32
      %dma_wait3A_68 = arith.constant 0 : i32
      %dma_wait3A_69 = tpu.memref_slice %arg7[%add3A_67, %dma_wait3A_68] : memref<40x125xi32, #tpu.memory_space<vmem>> -> memref<1x125xi32, #tpu.memory_space<vmem>>
      %dma_wait3A_70 = tpu.memref_squeeze %dma_wait3A_69 : memref<1x125xi32, #tpu.memory_space<vmem>> -> memref<125xi32, #tpu.memory_space<vmem>>
      %dma_wait3A_71 = arith.constant 0 : i32
      %dma_wait3A_72 = arith.constant 0 : i32
      %dma_wait3A_73 = tpu.memref_slice %arg2[%dma_wait3A_71, %dma_wait3A_72] : memref<10000x128xf32, #tpu.memory_space<hbm>> -> memref<10000x128xf32, #tpu.memory_space<hbm>>
      tpu.wait_indirect_dma semaphore(%arg13 : memref<!tpu.dma_semaphore, #tpu.memory_space<semaphore_mem>>) src(%dma_wait3A_73 : memref<10000x128xf32, #tpu.memory_space<hbm>>) dst(%arg10 : memref<125x128xf32, #tpu.memory_space<vmem>>)
      %add3A_74 = arith.constant 1 : i32
      %add3A_75 = arith.addi %mul3A_47, %add3A_74 : i32
      "tpu.region"() ({
        %run_scoped3A = tpu.sem_alloc : memref<!tpu.dma_semaphore, #tpu.memory_space<semaphore_mem>>
        %dma_start3A_76 = arith.constant 0 : i32
        %dma_start3A_77 = tpu.memref_slice %arg8[%add3A_75, %dma_start3A_76] : memref<40x125xi32, #tpu.memory_space<vmem>> -> memref<1x125xi32, #tpu.memory_space<vmem>>
        %dma_start3A_78 = tpu.memref_squeeze %dma_start3A_77 : memref<1x125xi32, #tpu.memory_space<vmem>> -> memref<125xi32, #tpu.memory_space<vmem>>
        %dma_start3A_79 = arith.constant 0 : i32
        %dma_start3A_80 = arith.constant 0 : i32
        %dma_start3A_81 = tpu.memref_slice %arg11[%dma_start3A_79, %dma_start3A_80] : memref<10112x128xf32, #tpu.memory_space<vmem_shared>> -> memref<10112x128xf32, #tpu.memory_space<vmem_shared>>
        tpu.enqueue_indirect_dma source(%arg10 : memref<125x128xf32, #tpu.memory_space<vmem>>) target(%dma_start3A_81 : memref<10112x128xf32, #tpu.memory_space<vmem_shared>>) offsets(%dma_start3A_78 : memref<125xi32, #tpu.memory_space<vmem>>) semaphore(%run_scoped3A : memref<!tpu.dma_semaphore, #tpu.memory_space<semaphore_mem>>) {add = true}
        %dma_wait3A_82 = arith.constant 0 : i32
        %dma_wait3A_83 = tpu.memref_slice %arg8[%add3A_75, %dma_wait3A_82] : memref<40x125xi32, #tpu.memory_space<vmem>> -> memref<1x125xi32, #tpu.memory_space<vmem>>
        %dma_wait3A_84 = tpu.memref_squeeze %dma_wait3A_83 : memref<1x125xi32, #tpu.memory_space<vmem>> -> memref<125xi32, #tpu.memory_space<vmem>>
        %dma_wait3A_85 = arith.constant 0 : i32
        %dma_wait3A_86 = arith.constant 0 : i32
        %dma_wait3A_87 = tpu.memref_slice %arg11[%dma_wait3A_85, %dma_wait3A_86] : memref<10112x128xf32, #tpu.memory_space<vmem_shared>> -> memref<10112x128xf32, #tpu.memory_space<vmem_shared>>
        tpu.wait_indirect_dma semaphore(%run_scoped3A : memref<!tpu.dma_semaphore, #tpu.memory_space<semaphore_mem>>) src(%arg10 : memref<125x128xf32, #tpu.memory_space<vmem>>) dst(%dma_wait3A_87 : memref<10112x128xf32, #tpu.memory_space<vmem_shared>>)
        tpu.yield
      }) : () -> ()
    }
    %scan3A_39 = arith.constant 20 : i32
    %barrier3A_40 = arith.constant 0 : index
    tpu.barrier barrier_id(%barrier3A_40)
    %mul3A_41 = arith.constant 632 : i32
    %mul3A_42 = arith.muli %arg1, %mul3A_41 : i32
    %mul3A_43 = arith.constant 632 : i32
    %mul3A_44 = arith.muli %arg1, %mul3A_43 : i32
    "tpu.region"() ({
      %run_scoped3A = tpu.sem_alloc : memref<!tpu.dma_semaphore, #tpu.memory_space<semaphore_mem>>
      %dma_start3A_45 = arith.constant 0 : i32
      %dma_start3A_46 = tpu.memref_slice %arg6[%arg0, %mul3A_44, %dma_start3A_45] : memref<2x10112x128xf32, #tpu.memory_space<hbm>> -> memref<1x632x128xf32, #tpu.memory_space<hbm>>
      %dma_start3A_47 = tpu.memref_squeeze %dma_start3A_46 : memref<1x632x128xf32, #tpu.memory_space<hbm>> -> memref<632x128xf32, #tpu.memory_space<hbm>>
      %dma_start3A_48 = arith.constant 0 : i32
      %dma_start3A_49 = tpu.memref_slice %arg11[%mul3A_42, %dma_start3A_48] : memref<10112x128xf32, #tpu.memory_space<vmem_shared>> -> memref<632x128xf32, #tpu.memory_space<vmem_shared>>
      tpu.enqueue_dma source(%dma_start3A_49 : memref<632x128xf32, #tpu.memory_space<vmem_shared>>) target(%dma_start3A_47 : memref<632x128xf32, #tpu.memory_space<hbm>>) target_semaphore(%run_scoped3A : memref<!tpu.dma_semaphore, #tpu.memory_space<semaphore_mem>>)
      %dma_wait3A_50 = arith.constant 0 : i32
      %dma_wait3A_51 = tpu.memref_slice %arg6[%arg0, %mul3A_44, %dma_wait3A_50] : memref<2x10112x128xf32, #tpu.memory_space<hbm>> -> memref<1x632x128xf32, #tpu.memory_space<hbm>>
      %dma_wait3A_52 = tpu.memref_squeeze %dma_wait3A_51 : memref<1x632x128xf32, #tpu.memory_space<hbm>> -> memref<632x128xf32, #tpu.memory_space<hbm>>
      %dma_wait3A_53 = arith.constant 0 : i32
      %dma_wait3A_54 = tpu.memref_slice %arg11[%mul3A_42, %dma_wait3A_53] : memref<10112x128xf32, #tpu.memory_space<vmem_shared>> -> memref<632x128xf32, #tpu.memory_space<vmem_shared>>
      tpu.wait_dma2 semaphore(%run_scoped3A : memref<!tpu.dma_semaphore, #tpu.memory_space<semaphore_mem>>) src(%dma_wait3A_54 : memref<632x128xf32, #tpu.memory_space<vmem_shared>>) dst(%dma_wait3A_52 : memref<632x128xf32, #tpu.memory_space<hbm>>)
      tpu.yield
    }) : () -> ()
    return
  }
}

#map = affine_map<(d0, d1) -> (0, 0)>
#map1 = affine_map<(d0, d1) -> (0, 0, 0)>
module attributes {stable_mosaic.version = 14 : i64} {
  func.func @_agg128_body(%arg0: i32, %arg1: i32, %arg2: memref<10000x128xf32, #tpu.memory_space<hbm>>, %arg3: memref<2560x125xi32, #tpu.memory_space<hbm>>, %arg4: memref<2560x125xi32, #tpu.memory_space<hbm>>, %arg5: memref<632x128xf32, #tpu.memory_space<hbm>>, %arg6: memref<2x10112x128xf32, #tpu.memory_space<hbm>>, %arg7: memref<40x125xi32, #tpu.memory_space<vmem>>, %arg8: memref<40x125xi32, #tpu.memory_space<vmem>>, %arg9: memref<125x128xf32, #tpu.memory_space<vmem>>, %arg10: memref<125x128xf32, #tpu.memory_space<vmem>>, %arg11: memref<10112x128xf32, #tpu.memory_space<vmem_shared>>, %arg12: memref<!tpu.dma_semaphore, #tpu.memory_space<semaphore_mem>>, %arg13: memref<!tpu.dma_semaphore, #tpu.memory_space<semaphore_mem>>) attributes {dimension_semantics = [#tpu.dimension_semantics<core_parallel>, #tpu.dimension_semantics<subcore_parallel>], iteration_bounds = array<i64: 2, 16>, scalar_prefetch = 0 : i64, scratch_operands = 7 : i64, tpu.core_type = #tpu.core_type<sc_vector_subcore>, window_params = [{transform_indices = #map}, {transform_indices = #map}, {transform_indices = #map}, {transform_indices = #map}, {transform_indices = #map1}]} {
    %mul3A = arith.constant 2 : i32
    %mul3A_0 = arith.muli %arg1, %mul3A : i32
    %add3A = arith.addi %mul3A_0, %arg0 : i32
    %mul3A_1 = arith.constant 632 : i32
    %mul3A_2 = arith.muli %arg1, %mul3A_1 : i32
    %dma_start3A = arith.constant 0 : i32
    %dma_start3A_3 = tpu.memref_slice %arg11[%mul3A_2, %dma_start3A] : memref<10112x128xf32, #tpu.memory_space<vmem_shared>> -> memref<632x128xf32, #tpu.memory_space<vmem_shared>>
    tpu.enqueue_dma source(%arg5 : memref<632x128xf32, #tpu.memory_space<hbm>>) target(%dma_start3A_3 : memref<632x128xf32, #tpu.memory_space<vmem_shared>>) target_semaphore(%arg12 : memref<!tpu.dma_semaphore, #tpu.memory_space<semaphore_mem>>)
    %mul3A_4 = arith.constant 80 : i32
    %mul3A_5 = arith.muli %add3A, %mul3A_4 : i32
    "tpu.region"() ({
      %run_scoped3A = tpu.sem_alloc : memref<!tpu.dma_semaphore, #tpu.memory_space<semaphore_mem>>
      %dma_start3A_45 = arith.constant 0 : i32
      %dma_start3A_46 = tpu.memref_slice %arg3[%mul3A_5, %dma_start3A_45] : memref<2560x125xi32, #tpu.memory_space<hbm>> -> memref<40x125xi32, #tpu.memory_space<hbm>>
      %dma_start3A_47 = arith.constant 0 : i32
      %dma_start3A_48 = tpu.memref_slice %arg3[%mul3A_5, %dma_start3A_47] : memref<2560x125xi32, #tpu.memory_space<hbm>> -> memref<40x125xi32, #tpu.memory_space<hbm>>
      tpu.enqueue_dma source(%dma_start3A_48 : memref<40x125xi32, #tpu.memory_space<hbm>>) target(%arg7 : memref<40x125xi32, #tpu.memory_space<vmem>>) target_semaphore(%run_scoped3A : memref<!tpu.dma_semaphore, #tpu.memory_space<semaphore_mem>>)
      %dma_wait3A_49 = arith.constant 0 : i32
      %dma_wait3A_50 = tpu.memref_slice %arg3[%mul3A_5, %dma_wait3A_49] : memref<2560x125xi32, #tpu.memory_space<hbm>> -> memref<40x125xi32, #tpu.memory_space<hbm>>
      %dma_wait3A_51 = arith.constant 0 : i32
      %dma_wait3A_52 = tpu.memref_slice %arg3[%mul3A_5, %dma_wait3A_51] : memref<2560x125xi32, #tpu.memory_space<hbm>> -> memref<40x125xi32, #tpu.memory_space<hbm>>
      tpu.wait_dma2 semaphore(%run_scoped3A : memref<!tpu.dma_semaphore, #tpu.memory_space<semaphore_mem>>) src(%dma_wait3A_52 : memref<40x125xi32, #tpu.memory_space<hbm>>) dst(%arg7 : memref<40x125xi32, #tpu.memory_space<vmem>>)
      tpu.yield
    }) : () -> ()
    %mul3A_6 = arith.constant 80 : i32
    %mul3A_7 = arith.muli %add3A, %mul3A_6 : i32
    "tpu.region"() ({
      %run_scoped3A = tpu.sem_alloc : memref<!tpu.dma_semaphore, #tpu.memory_space<semaphore_mem>>
      %dma_start3A_45 = arith.constant 0 : i32
      %dma_start3A_46 = tpu.memref_slice %arg4[%mul3A_7, %dma_start3A_45] : memref<2560x125xi32, #tpu.memory_space<hbm>> -> memref<40x125xi32, #tpu.memory_space<hbm>>
      %dma_start3A_47 = arith.constant 0 : i32
      %dma_start3A_48 = tpu.memref_slice %arg4[%mul3A_7, %dma_start3A_47] : memref<2560x125xi32, #tpu.memory_space<hbm>> -> memref<40x125xi32, #tpu.memory_space<hbm>>
      tpu.enqueue_dma source(%dma_start3A_48 : memref<40x125xi32, #tpu.memory_space<hbm>>) target(%arg8 : memref<40x125xi32, #tpu.memory_space<vmem>>) target_semaphore(%run_scoped3A : memref<!tpu.dma_semaphore, #tpu.memory_space<semaphore_mem>>)
      %dma_wait3A_49 = arith.constant 0 : i32
      %dma_wait3A_50 = tpu.memref_slice %arg4[%mul3A_7, %dma_wait3A_49] : memref<2560x125xi32, #tpu.memory_space<hbm>> -> memref<40x125xi32, #tpu.memory_space<hbm>>
      %dma_wait3A_51 = arith.constant 0 : i32
      %dma_wait3A_52 = tpu.memref_slice %arg4[%mul3A_7, %dma_wait3A_51] : memref<2560x125xi32, #tpu.memory_space<hbm>> -> memref<40x125xi32, #tpu.memory_space<hbm>>
      tpu.wait_dma2 semaphore(%run_scoped3A : memref<!tpu.dma_semaphore, #tpu.memory_space<semaphore_mem>>) src(%dma_wait3A_52 : memref<40x125xi32, #tpu.memory_space<hbm>>) dst(%arg8 : memref<40x125xi32, #tpu.memory_space<vmem>>)
      tpu.yield
    }) : () -> ()
    %mul3A_8 = arith.constant 632 : i32
    %mul3A_9 = arith.muli %arg1, %mul3A_8 : i32
    %dma_wait3A = arith.constant 0 : i32
    %dma_wait3A_10 = tpu.memref_slice %arg11[%mul3A_9, %dma_wait3A] : memref<10112x128xf32, #tpu.memory_space<vmem_shared>> -> memref<632x128xf32, #tpu.memory_space<vmem_shared>>
    tpu.wait_dma2 semaphore(%arg12 : memref<!tpu.dma_semaphore, #tpu.memory_space<semaphore_mem>>) src(%arg5 : memref<632x128xf32, #tpu.memory_space<hbm>>) dst(%dma_wait3A_10 : memref<632x128xf32, #tpu.memory_space<vmem_shared>>)
    %barrier3A = arith.constant 0 : index
    tpu.barrier barrier_id(%barrier3A)
    %dma_start3A_11 = arith.constant 0 : i32
    %dma_start3A_12 = arith.constant 0 : i32
    %dma_start3A_13 = tpu.memref_slice %arg7[%dma_start3A_11, %dma_start3A_12] : memref<40x125xi32, #tpu.memory_space<vmem>> -> memref<1x125xi32, #tpu.memory_space<vmem>>
    %dma_start3A_14 = tpu.memref_squeeze %dma_start3A_13 : memref<1x125xi32, #tpu.memory_space<vmem>> -> memref<125xi32, #tpu.memory_space<vmem>>
    %dma_start3A_15 = arith.constant 0 : i32
    %dma_start3A_16 = arith.constant 0 : i32
    %dma_start3A_17 = tpu.memref_slice %arg2[%dma_start3A_15, %dma_start3A_16] : memref<10000x128xf32, #tpu.memory_space<hbm>> -> memref<10000x128xf32, #tpu.memory_space<hbm>>
    tpu.enqueue_indirect_dma source(%dma_start3A_17 : memref<10000x128xf32, #tpu.memory_space<hbm>>) target(%arg9 : memref<125x128xf32, #tpu.memory_space<vmem>>) offsets(%dma_start3A_14 : memref<125xi32, #tpu.memory_space<vmem>>) semaphore(%arg12 : memref<!tpu.dma_semaphore, #tpu.memory_space<semaphore_mem>>)
    %scan3A = arith.constant 0 : i32
    %scan3A_18 = arith.constant 0 : i32
    %scan3A_19 = arith.constant 20 : i32
    %scan3A_20 = arith.addi %scan3A_18, %scan3A_19 : i32
    %scan3A_21 = arith.constant 1 : i32
    scf.for %scan3A_45 = %scan3A_18 to %scan3A_20 step %scan3A_21  : i32 {
      %mul3A_46 = arith.constant 2 : i32
      %mul3A_47 = arith.muli %mul3A_46, %scan3A_45 : i32
      %add3A_48 = arith.constant 1 : i32
      %add3A_49 = arith.addi %mul3A_47, %add3A_48 : i32
      %dma_start3A_50 = arith.constant 0 : i32
      %dma_start3A_51 = tpu.memref_slice %arg7[%add3A_49, %dma_start3A_50] : memref<40x125xi32, #tpu.memory_space<vmem>> -> memref<1x125xi32, #tpu.memory_space<vmem>>
      %dma_start3A_52 = tpu.memref_squeeze %dma_start3A_51 : memref<1x125xi32, #tpu.memory_space<vmem>> -> memref<125xi32, #tpu.memory_space<vmem>>
      %dma_start3A_53 = arith.constant 0 : i32
      %dma_start3A_54 = arith.constant 0 : i32
      %dma_start3A_55 = tpu.memref_slice %arg2[%dma_start3A_53, %dma_start3A_54] : memref<10000x128xf32, #tpu.memory_space<hbm>> -> memref<10000x128xf32, #tpu.memory_space<hbm>>
      tpu.enqueue_indirect_dma source(%dma_start3A_55 : memref<10000x128xf32, #tpu.memory_space<hbm>>) target(%arg10 : memref<125x128xf32, #tpu.memory_space<vmem>>) offsets(%dma_start3A_52 : memref<125xi32, #tpu.memory_space<vmem>>) semaphore(%arg13 : memref<!tpu.dma_semaphore, #tpu.memory_space<semaphore_mem>>)
      %dma_wait3A_56 = arith.constant 0 : i32
      %dma_wait3A_57 = tpu.memref_slice %arg7[%mul3A_47, %dma_wait3A_56] : memref<40x125xi32, #tpu.memory_space<vmem>> -> memref<1x125xi32, #tpu.memory_space<vmem>>
      %dma_wait3A_58 = tpu.memref_squeeze %dma_wait3A_57 : memref<1x125xi32, #tpu.memory_space<vmem>> -> memref<125xi32, #tpu.memory_space<vmem>>
      %dma_wait3A_59 = arith.constant 0 : i32
      %dma_wait3A_60 = arith.constant 0 : i32
      %dma_wait3A_61 = tpu.memref_slice %arg2[%dma_wait3A_59, %dma_wait3A_60] : memref<10000x128xf32, #tpu.memory_space<hbm>> -> memref<10000x128xf32, #tpu.memory_space<hbm>>
      tpu.wait_indirect_dma semaphore(%arg12 : memref<!tpu.dma_semaphore, #tpu.memory_space<semaphore_mem>>) src(%dma_wait3A_61 : memref<10000x128xf32, #tpu.memory_space<hbm>>) dst(%arg9 : memref<125x128xf32, #tpu.memory_space<vmem>>)
      "tpu.region"() ({
        %run_scoped3A = tpu.sem_alloc : memref<!tpu.dma_semaphore, #tpu.memory_space<semaphore_mem>>
        %dma_start3A_76 = arith.constant 0 : i32
        %dma_start3A_77 = tpu.memref_slice %arg8[%mul3A_47, %dma_start3A_76] : memref<40x125xi32, #tpu.memory_space<vmem>> -> memref<1x125xi32, #tpu.memory_space<vmem>>
        %dma_start3A_78 = tpu.memref_squeeze %dma_start3A_77 : memref<1x125xi32, #tpu.memory_space<vmem>> -> memref<125xi32, #tpu.memory_space<vmem>>
        %dma_start3A_79 = arith.constant 0 : i32
        %dma_start3A_80 = arith.constant 0 : i32
        %dma_start3A_81 = tpu.memref_slice %arg11[%dma_start3A_79, %dma_start3A_80] : memref<10112x128xf32, #tpu.memory_space<vmem_shared>> -> memref<10112x128xf32, #tpu.memory_space<vmem_shared>>
        tpu.enqueue_indirect_dma source(%arg9 : memref<125x128xf32, #tpu.memory_space<vmem>>) target(%dma_start3A_81 : memref<10112x128xf32, #tpu.memory_space<vmem_shared>>) offsets(%dma_start3A_78 : memref<125xi32, #tpu.memory_space<vmem>>) semaphore(%run_scoped3A : memref<!tpu.dma_semaphore, #tpu.memory_space<semaphore_mem>>) {add = true}
        %dma_wait3A_82 = arith.constant 0 : i32
        %dma_wait3A_83 = tpu.memref_slice %arg8[%mul3A_47, %dma_wait3A_82] : memref<40x125xi32, #tpu.memory_space<vmem>> -> memref<1x125xi32, #tpu.memory_space<vmem>>
        %dma_wait3A_84 = tpu.memref_squeeze %dma_wait3A_83 : memref<1x125xi32, #tpu.memory_space<vmem>> -> memref<125xi32, #tpu.memory_space<vmem>>
        %dma_wait3A_85 = arith.constant 0 : i32
        %dma_wait3A_86 = arith.constant 0 : i32
        %dma_wait3A_87 = tpu.memref_slice %arg11[%dma_wait3A_85, %dma_wait3A_86] : memref<10112x128xf32, #tpu.memory_space<vmem_shared>> -> memref<10112x128xf32, #tpu.memory_space<vmem_shared>>
        tpu.wait_indirect_dma semaphore(%run_scoped3A : memref<!tpu.dma_semaphore, #tpu.memory_space<semaphore_mem>>) src(%arg9 : memref<125x128xf32, #tpu.memory_space<vmem>>) dst(%dma_wait3A_87 : memref<10112x128xf32, #tpu.memory_space<vmem_shared>>)
        tpu.yield
      }) : () -> ()
      %add3A_62 = arith.constant 1 : i32
      %add3A_63 = arith.addi %scan3A_45, %add3A_62 : i32
      %lt3A = arith.constant 20 : i32
      %lt3A_64 = arith.cmpi slt, %add3A_63, %lt3A : i32
      %convert_element_type3A = arith.extui %lt3A_64 : i1 to i32
      %cond3A = arith.constant 0 : i32
      %cond3A_65 = arith.cmpi ne, %convert_element_type3A, %cond3A : i32
      scf.if %cond3A_65 {
        %add3A_76 = arith.constant 2 : i32
        %add3A_77 = arith.addi %mul3A_47, %add3A_76 : i32
        %dma_start3A_78 = arith.constant 0 : i32
        %dma_start3A_79 = tpu.memref_slice %arg7[%add3A_77, %dma_start3A_78] : memref<40x125xi32, #tpu.memory_space<vmem>> -> memref<1x125xi32, #tpu.memory_space<vmem>>
        %dma_start3A_80 = tpu.memref_squeeze %dma_start3A_79 : memref<1x125xi32, #tpu.memory_space<vmem>> -> memref<125xi32, #tpu.memory_space<vmem>>
        %dma_start3A_81 = arith.constant 0 : i32
        %dma_start3A_82 = arith.constant 0 : i32
        %dma_start3A_83 = tpu.memref_slice %arg2[%dma_start3A_81, %dma_start3A_82] : memref<10000x128xf32, #tpu.memory_space<hbm>> -> memref<10000x128xf32, #tpu.memory_space<hbm>>
        tpu.enqueue_indirect_dma source(%dma_start3A_83 : memref<10000x128xf32, #tpu.memory_space<hbm>>) target(%arg9 : memref<125x128xf32, #tpu.memory_space<vmem>>) offsets(%dma_start3A_80 : memref<125xi32, #tpu.memory_space<vmem>>) semaphore(%arg12 : memref<!tpu.dma_semaphore, #tpu.memory_space<semaphore_mem>>)
      } else {
      }
      %add3A_66 = arith.constant 1 : i32
      %add3A_67 = arith.addi %mul3A_47, %add3A_66 : i32
      %dma_wait3A_68 = arith.constant 0 : i32
      %dma_wait3A_69 = tpu.memref_slice %arg7[%add3A_67, %dma_wait3A_68] : memref<40x125xi32, #tpu.memory_space<vmem>> -> memref<1x125xi32, #tpu.memory_space<vmem>>
      %dma_wait3A_70 = tpu.memref_squeeze %dma_wait3A_69 : memref<1x125xi32, #tpu.memory_space<vmem>> -> memref<125xi32, #tpu.memory_space<vmem>>
      %dma_wait3A_71 = arith.constant 0 : i32
      %dma_wait3A_72 = arith.constant 0 : i32
      %dma_wait3A_73 = tpu.memref_slice %arg2[%dma_wait3A_71, %dma_wait3A_72] : memref<10000x128xf32, #tpu.memory_space<hbm>> -> memref<10000x128xf32, #tpu.memory_space<hbm>>
      tpu.wait_indirect_dma semaphore(%arg13 : memref<!tpu.dma_semaphore, #tpu.memory_space<semaphore_mem>>) src(%dma_wait3A_73 : memref<10000x128xf32, #tpu.memory_space<hbm>>) dst(%arg10 : memref<125x128xf32, #tpu.memory_space<vmem>>)
      %add3A_74 = arith.constant 1 : i32
      %add3A_75 = arith.addi %mul3A_47, %add3A_74 : i32
      "tpu.region"() ({
        %run_scoped3A = tpu.sem_alloc : memref<!tpu.dma_semaphore, #tpu.memory_space<semaphore_mem>>
        %dma_start3A_76 = arith.constant 0 : i32
        %dma_start3A_77 = tpu.memref_slice %arg8[%add3A_75, %dma_start3A_76] : memref<40x125xi32, #tpu.memory_space<vmem>> -> memref<1x125xi32, #tpu.memory_space<vmem>>
        %dma_start3A_78 = tpu.memref_squeeze %dma_start3A_77 : memref<1x125xi32, #tpu.memory_space<vmem>> -> memref<125xi32, #tpu.memory_space<vmem>>
        %dma_start3A_79 = arith.constant 0 : i32
        %dma_start3A_80 = arith.constant 0 : i32
        %dma_start3A_81 = tpu.memref_slice %arg11[%dma_start3A_79, %dma_start3A_80] : memref<10112x128xf32, #tpu.memory_space<vmem_shared>> -> memref<10112x128xf32, #tpu.memory_space<vmem_shared>>
        tpu.enqueue_indirect_dma source(%arg10 : memref<125x128xf32, #tpu.memory_space<vmem>>) target(%dma_start3A_81 : memref<10112x128xf32, #tpu.memory_space<vmem_shared>>) offsets(%dma_start3A_78 : memref<125xi32, #tpu.memory_space<vmem>>) semaphore(%run_scoped3A : memref<!tpu.dma_semaphore, #tpu.memory_space<semaphore_mem>>) {add = true}
        %dma_wait3A_82 = arith.constant 0 : i32
        %dma_wait3A_83 = tpu.memref_slice %arg8[%add3A_75, %dma_wait3A_82] : memref<40x125xi32, #tpu.memory_space<vmem>> -> memref<1x125xi32, #tpu.memory_space<vmem>>
        %dma_wait3A_84 = tpu.memref_squeeze %dma_wait3A_83 : memref<1x125xi32, #tpu.memory_space<vmem>> -> memref<125xi32, #tpu.memory_space<vmem>>
        %dma_wait3A_85 = arith.constant 0 : i32
        %dma_wait3A_86 = arith.constant 0 : i32
        %dma_wait3A_87 = tpu.memref_slice %arg11[%dma_wait3A_85, %dma_wait3A_86] : memref<10112x128xf32, #tpu.memory_space<vmem_shared>> -> memref<10112x128xf32, #tpu.memory_space<vmem_shared>>
        tpu.wait_indirect_dma semaphore(%run_scoped3A : memref<!tpu.dma_semaphore, #tpu.memory_space<semaphore_mem>>) src(%arg10 : memref<125x128xf32, #tpu.memory_space<vmem>>) dst(%dma_wait3A_87 : memref<10112x128xf32, #tpu.memory_space<vmem_shared>>)
        tpu.yield
      }) : () -> ()
    }
    %scan3A_22 = arith.constant 20 : i32
    %mul3A_23 = arith.constant 80 : i32
    %mul3A_24 = arith.muli %add3A, %mul3A_23 : i32
    %add3A_25 = arith.constant 40 : i32
    %add3A_26 = arith.addi %mul3A_24, %add3A_25 : i32
    "tpu.region"() ({
      %run_scoped3A = tpu.sem_alloc : memref<!tpu.dma_semaphore, #tpu.memory_space<semaphore_mem>>
      %dma_start3A_45 = arith.constant 0 : i32
      %dma_start3A_46 = tpu.memref_slice %arg3[%add3A_26, %dma_start3A_45] : memref<2560x125xi32, #tpu.memory_space<hbm>> -> memref<40x125xi32, #tpu.memory_space<hbm>>
      %dma_start3A_47 = arith.constant 0 : i32
      %dma_start3A_48 = tpu.memref_slice %arg3[%add3A_26, %dma_start3A_47] : memref<2560x125xi32, #tpu.memory_space<hbm>> -> memref<40x125xi32, #tpu.memory_space<hbm>>
      tpu.enqueue_dma source(%dma_start3A_48 : memref<40x125xi32, #tpu.memory_space<hbm>>) target(%arg7 : memref<40x125xi32, #tpu.memory_space<vmem>>) target_semaphore(%run_scoped3A : memref<!tpu.dma_semaphore, #tpu.memory_space<semaphore_mem>>)
      %dma_wait3A_49 = arith.constant 0 : i32
      %dma_wait3A_50 = tpu.memref_slice %arg3[%add3A_26, %dma_wait3A_49] : memref<2560x125xi32, #tpu.memory_space<hbm>> -> memref<40x125xi32, #tpu.memory_space<hbm>>
      %dma_wait3A_51 = arith.constant 0 : i32
      %dma_wait3A_52 = tpu.memref_slice %arg3[%add3A_26, %dma_wait3A_51] : memref<2560x125xi32, #tpu.memory_space<hbm>> -> memref<40x125xi32, #tpu.memory_space<hbm>>
      tpu.wait_dma2 semaphore(%run_scoped3A : memref<!tpu.dma_semaphore, #tpu.memory_space<semaphore_mem>>) src(%dma_wait3A_52 : memref<40x125xi32, #tpu.memory_space<hbm>>) dst(%arg7 : memref<40x125xi32, #tpu.memory_space<vmem>>)
      tpu.yield
    }) : () -> ()
    "tpu.region"() ({
      %run_scoped3A = tpu.sem_alloc : memref<!tpu.dma_semaphore, #tpu.memory_space<semaphore_mem>>
      %dma_start3A_45 = arith.constant 0 : i32
      %dma_start3A_46 = tpu.memref_slice %arg4[%add3A_26, %dma_start3A_45] : memref<2560x125xi32, #tpu.memory_space<hbm>> -> memref<40x125xi32, #tpu.memory_space<hbm>>
      %dma_start3A_47 = arith.constant 0 : i32
      %dma_start3A_48 = tpu.memref_slice %arg4[%add3A_26, %dma_start3A_47] : memref<2560x125xi32, #tpu.memory_space<hbm>> -> memref<40x125xi32, #tpu.memory_space<hbm>>
      tpu.enqueue_dma source(%dma_start3A_48 : memref<40x125xi32, #tpu.memory_space<hbm>>) target(%arg8 : memref<40x125xi32, #tpu.memory_space<vmem>>) target_semaphore(%run_scoped3A : memref<!tpu.dma_semaphore, #tpu.memory_space<semaphore_mem>>)
      %dma_wait3A_49 = arith.constant 0 : i32
      %dma_wait3A_50 = tpu.memref_slice %arg4[%add3A_26, %dma_wait3A_49] : memref<2560x125xi32, #tpu.memory_space<hbm>> -> memref<40x125xi32, #tpu.memory_space<hbm>>
      %dma_wait3A_51 = arith.constant 0 : i32
      %dma_wait3A_52 = tpu.memref_slice %arg4[%add3A_26, %dma_wait3A_51] : memref<2560x125xi32, #tpu.memory_space<hbm>> -> memref<40x125xi32, #tpu.memory_space<hbm>>
      tpu.wait_dma2 semaphore(%run_scoped3A : memref<!tpu.dma_semaphore, #tpu.memory_space<semaphore_mem>>) src(%dma_wait3A_52 : memref<40x125xi32, #tpu.memory_space<hbm>>) dst(%arg8 : memref<40x125xi32, #tpu.memory_space<vmem>>)
      tpu.yield
    }) : () -> ()
    %dma_start3A_27 = arith.constant 0 : i32
    %dma_start3A_28 = arith.constant 0 : i32
    %dma_start3A_29 = tpu.memref_slice %arg7[%dma_start3A_27, %dma_start3A_28] : memref<40x125xi32, #tpu.memory_space<vmem>> -> memref<1x125xi32, #tpu.memory_space<vmem>>
    %dma_start3A_30 = tpu.memref_squeeze %dma_start3A_29 : memref<1x125xi32, #tpu.memory_space<vmem>> -> memref<125xi32, #tpu.memory_space<vmem>>
    %dma_start3A_31 = arith.constant 0 : i32
    %dma_start3A_32 = arith.constant 0 : i32
    %dma_start3A_33 = tpu.memref_slice %arg2[%dma_start3A_31, %dma_start3A_32] : memref<10000x128xf32, #tpu.memory_space<hbm>> -> memref<10000x128xf32, #tpu.memory_space<hbm>>
    tpu.enqueue_indirect_dma source(%dma_start3A_33 : memref<10000x128xf32, #tpu.memory_space<hbm>>) target(%arg9 : memref<125x128xf32, #tpu.memory_space<vmem>>) offsets(%dma_start3A_30 : memref<125xi32, #tpu.memory_space<vmem>>) semaphore(%arg12 : memref<!tpu.dma_semaphore, #tpu.memory_space<semaphore_mem>>)
    %scan3A_34 = arith.constant 0 : i32
    %scan3A_35 = arith.constant 0 : i32
    %scan3A_36 = arith.constant 20 : i32
    %scan3A_37 = arith.addi %scan3A_35, %scan3A_36 : i32
    %scan3A_38 = arith.constant 1 : i32
    scf.for %scan3A_45 = %scan3A_35 to %scan3A_37 step %scan3A_38  : i32 {
      %mul3A_46 = arith.constant 2 : i32
      %mul3A_47 = arith.muli %mul3A_46, %scan3A_45 : i32
      %add3A_48 = arith.constant 1 : i32
      %add3A_49 = arith.addi %mul3A_47, %add3A_48 : i32
      %dma_start3A_50 = arith.constant 0 : i32
      %dma_start3A_51 = tpu.memref_slice %arg7[%add3A_49, %dma_start3A_50] : memref<40x125xi32, #tpu.memory_space<vmem>> -> memref<1x125xi32, #tpu.memory_space<vmem>>
      %dma_start3A_52 = tpu.memref_squeeze %dma_start3A_51 : memref<1x125xi32, #tpu.memory_space<vmem>> -> memref<125xi32, #tpu.memory_space<vmem>>
      %dma_start3A_53 = arith.constant 0 : i32
      %dma_start3A_54 = arith.constant 0 : i32
      %dma_start3A_55 = tpu.memref_slice %arg2[%dma_start3A_53, %dma_start3A_54] : memref<10000x128xf32, #tpu.memory_space<hbm>> -> memref<10000x128xf32, #tpu.memory_space<hbm>>
      tpu.enqueue_indirect_dma source(%dma_start3A_55 : memref<10000x128xf32, #tpu.memory_space<hbm>>) target(%arg10 : memref<125x128xf32, #tpu.memory_space<vmem>>) offsets(%dma_start3A_52 : memref<125xi32, #tpu.memory_space<vmem>>) semaphore(%arg13 : memref<!tpu.dma_semaphore, #tpu.memory_space<semaphore_mem>>)
      %dma_wait3A_56 = arith.constant 0 : i32
      %dma_wait3A_57 = tpu.memref_slice %arg7[%mul3A_47, %dma_wait3A_56] : memref<40x125xi32, #tpu.memory_space<vmem>> -> memref<1x125xi32, #tpu.memory_space<vmem>>
      %dma_wait3A_58 = tpu.memref_squeeze %dma_wait3A_57 : memref<1x125xi32, #tpu.memory_space<vmem>> -> memref<125xi32, #tpu.memory_space<vmem>>
      %dma_wait3A_59 = arith.constant 0 : i32
      %dma_wait3A_60 = arith.constant 0 : i32
      %dma_wait3A_61 = tpu.memref_slice %arg2[%dma_wait3A_59, %dma_wait3A_60] : memref<10000x128xf32, #tpu.memory_space<hbm>> -> memref<10000x128xf32, #tpu.memory_space<hbm>>
      tpu.wait_indirect_dma semaphore(%arg12 : memref<!tpu.dma_semaphore, #tpu.memory_space<semaphore_mem>>) src(%dma_wait3A_61 : memref<10000x128xf32, #tpu.memory_space<hbm>>) dst(%arg9 : memref<125x128xf32, #tpu.memory_space<vmem>>)
      "tpu.region"() ({
        %run_scoped3A = tpu.sem_alloc : memref<!tpu.dma_semaphore, #tpu.memory_space<semaphore_mem>>
        %dma_start3A_76 = arith.constant 0 : i32
        %dma_start3A_77 = tpu.memref_slice %arg8[%mul3A_47, %dma_start3A_76] : memref<40x125xi32, #tpu.memory_space<vmem>> -> memref<1x125xi32, #tpu.memory_space<vmem>>
        %dma_start3A_78 = tpu.memref_squeeze %dma_start3A_77 : memref<1x125xi32, #tpu.memory_space<vmem>> -> memref<125xi32, #tpu.memory_space<vmem>>
        %dma_start3A_79 = arith.constant 0 : i32
        %dma_start3A_80 = arith.constant 0 : i32
        %dma_start3A_81 = tpu.memref_slice %arg11[%dma_start3A_79, %dma_start3A_80] : memref<10112x128xf32, #tpu.memory_space<vmem_shared>> -> memref<10112x128xf32, #tpu.memory_space<vmem_shared>>
        tpu.enqueue_indirect_dma source(%arg9 : memref<125x128xf32, #tpu.memory_space<vmem>>) target(%dma_start3A_81 : memref<10112x128xf32, #tpu.memory_space<vmem_shared>>) offsets(%dma_start3A_78 : memref<125xi32, #tpu.memory_space<vmem>>) semaphore(%run_scoped3A : memref<!tpu.dma_semaphore, #tpu.memory_space<semaphore_mem>>) {add = true}
        %dma_wait3A_82 = arith.constant 0 : i32
        %dma_wait3A_83 = tpu.memref_slice %arg8[%mul3A_47, %dma_wait3A_82] : memref<40x125xi32, #tpu.memory_space<vmem>> -> memref<1x125xi32, #tpu.memory_space<vmem>>
        %dma_wait3A_84 = tpu.memref_squeeze %dma_wait3A_83 : memref<1x125xi32, #tpu.memory_space<vmem>> -> memref<125xi32, #tpu.memory_space<vmem>>
        %dma_wait3A_85 = arith.constant 0 : i32
        %dma_wait3A_86 = arith.constant 0 : i32
        %dma_wait3A_87 = tpu.memref_slice %arg11[%dma_wait3A_85, %dma_wait3A_86] : memref<10112x128xf32, #tpu.memory_space<vmem_shared>> -> memref<10112x128xf32, #tpu.memory_space<vmem_shared>>
        tpu.wait_indirect_dma semaphore(%run_scoped3A : memref<!tpu.dma_semaphore, #tpu.memory_space<semaphore_mem>>) src(%arg9 : memref<125x128xf32, #tpu.memory_space<vmem>>) dst(%dma_wait3A_87 : memref<10112x128xf32, #tpu.memory_space<vmem_shared>>)
        tpu.yield
      }) : () -> ()
      %add3A_62 = arith.constant 1 : i32
      %add3A_63 = arith.addi %scan3A_45, %add3A_62 : i32
      %lt3A = arith.constant 20 : i32
      %lt3A_64 = arith.cmpi slt, %add3A_63, %lt3A : i32
      %convert_element_type3A = arith.extui %lt3A_64 : i1 to i32
      %cond3A = arith.constant 0 : i32
      %cond3A_65 = arith.cmpi ne, %convert_element_type3A, %cond3A : i32
      scf.if %cond3A_65 {
        %add3A_76 = arith.constant 2 : i32
        %add3A_77 = arith.addi %mul3A_47, %add3A_76 : i32
        %dma_start3A_78 = arith.constant 0 : i32
        %dma_start3A_79 = tpu.memref_slice %arg7[%add3A_77, %dma_start3A_78] : memref<40x125xi32, #tpu.memory_space<vmem>> -> memref<1x125xi32, #tpu.memory_space<vmem>>
        %dma_start3A_80 = tpu.memref_squeeze %dma_start3A_79 : memref<1x125xi32, #tpu.memory_space<vmem>> -> memref<125xi32, #tpu.memory_space<vmem>>
        %dma_start3A_81 = arith.constant 0 : i32
        %dma_start3A_82 = arith.constant 0 : i32
        %dma_start3A_83 = tpu.memref_slice %arg2[%dma_start3A_81, %dma_start3A_82] : memref<10000x128xf32, #tpu.memory_space<hbm>> -> memref<10000x128xf32, #tpu.memory_space<hbm>>
        tpu.enqueue_indirect_dma source(%dma_start3A_83 : memref<10000x128xf32, #tpu.memory_space<hbm>>) target(%arg9 : memref<125x128xf32, #tpu.memory_space<vmem>>) offsets(%dma_start3A_80 : memref<125xi32, #tpu.memory_space<vmem>>) semaphore(%arg12 : memref<!tpu.dma_semaphore, #tpu.memory_space<semaphore_mem>>)
      } else {
      }
      %add3A_66 = arith.constant 1 : i32
      %add3A_67 = arith.addi %mul3A_47, %add3A_66 : i32
      %dma_wait3A_68 = arith.constant 0 : i32
      %dma_wait3A_69 = tpu.memref_slice %arg7[%add3A_67, %dma_wait3A_68] : memref<40x125xi32, #tpu.memory_space<vmem>> -> memref<1x125xi32, #tpu.memory_space<vmem>>
      %dma_wait3A_70 = tpu.memref_squeeze %dma_wait3A_69 : memref<1x125xi32, #tpu.memory_space<vmem>> -> memref<125xi32, #tpu.memory_space<vmem>>
      %dma_wait3A_71 = arith.constant 0 : i32
      %dma_wait3A_72 = arith.constant 0 : i32
      %dma_wait3A_73 = tpu.memref_slice %arg2[%dma_wait3A_71, %dma_wait3A_72] : memref<10000x128xf32, #tpu.memory_space<hbm>> -> memref<10000x128xf32, #tpu.memory_space<hbm>>
      tpu.wait_indirect_dma semaphore(%arg13 : memref<!tpu.dma_semaphore, #tpu.memory_space<semaphore_mem>>) src(%dma_wait3A_73 : memref<10000x128xf32, #tpu.memory_space<hbm>>) dst(%arg10 : memref<125x128xf32, #tpu.memory_space<vmem>>)
      %add3A_74 = arith.constant 1 : i32
      %add3A_75 = arith.addi %mul3A_47, %add3A_74 : i32
      "tpu.region"() ({
        %run_scoped3A = tpu.sem_alloc : memref<!tpu.dma_semaphore, #tpu.memory_space<semaphore_mem>>
        %dma_start3A_76 = arith.constant 0 : i32
        %dma_start3A_77 = tpu.memref_slice %arg8[%add3A_75, %dma_start3A_76] : memref<40x125xi32, #tpu.memory_space<vmem>> -> memref<1x125xi32, #tpu.memory_space<vmem>>
        %dma_start3A_78 = tpu.memref_squeeze %dma_start3A_77 : memref<1x125xi32, #tpu.memory_space<vmem>> -> memref<125xi32, #tpu.memory_space<vmem>>
        %dma_start3A_79 = arith.constant 0 : i32
        %dma_start3A_80 = arith.constant 0 : i32
        %dma_start3A_81 = tpu.memref_slice %arg11[%dma_start3A_79, %dma_start3A_80] : memref<10112x128xf32, #tpu.memory_space<vmem_shared>> -> memref<10112x128xf32, #tpu.memory_space<vmem_shared>>
        tpu.enqueue_indirect_dma source(%arg10 : memref<125x128xf32, #tpu.memory_space<vmem>>) target(%dma_start3A_81 : memref<10112x128xf32, #tpu.memory_space<vmem_shared>>) offsets(%dma_start3A_78 : memref<125xi32, #tpu.memory_space<vmem>>) semaphore(%run_scoped3A : memref<!tpu.dma_semaphore, #tpu.memory_space<semaphore_mem>>) {add = true}
        %dma_wait3A_82 = arith.constant 0 : i32
        %dma_wait3A_83 = tpu.memref_slice %arg8[%add3A_75, %dma_wait3A_82] : memref<40x125xi32, #tpu.memory_space<vmem>> -> memref<1x125xi32, #tpu.memory_space<vmem>>
        %dma_wait3A_84 = tpu.memref_squeeze %dma_wait3A_83 : memref<1x125xi32, #tpu.memory_space<vmem>> -> memref<125xi32, #tpu.memory_space<vmem>>
        %dma_wait3A_85 = arith.constant 0 : i32
        %dma_wait3A_86 = arith.constant 0 : i32
        %dma_wait3A_87 = tpu.memref_slice %arg11[%dma_wait3A_85, %dma_wait3A_86] : memref<10112x128xf32, #tpu.memory_space<vmem_shared>> -> memref<10112x128xf32, #tpu.memory_space<vmem_shared>>
        tpu.wait_indirect_dma semaphore(%run_scoped3A : memref<!tpu.dma_semaphore, #tpu.memory_space<semaphore_mem>>) src(%arg10 : memref<125x128xf32, #tpu.memory_space<vmem>>) dst(%dma_wait3A_87 : memref<10112x128xf32, #tpu.memory_space<vmem_shared>>)
        tpu.yield
      }) : () -> ()
    }
    %scan3A_39 = arith.constant 20 : i32
    %barrier3A_40 = arith.constant 0 : index
    tpu.barrier barrier_id(%barrier3A_40)
    %mul3A_41 = arith.constant 632 : i32
    %mul3A_42 = arith.muli %arg1, %mul3A_41 : i32
    %mul3A_43 = arith.constant 632 : i32
    %mul3A_44 = arith.muli %arg1, %mul3A_43 : i32
    "tpu.region"() ({
      %run_scoped3A = tpu.sem_alloc : memref<!tpu.dma_semaphore, #tpu.memory_space<semaphore_mem>>
      %dma_start3A_45 = arith.constant 0 : i32
      %dma_start3A_46 = tpu.memref_slice %arg6[%arg0, %mul3A_44, %dma_start3A_45] : memref<2x10112x128xf32, #tpu.memory_space<hbm>> -> memref<1x632x128xf32, #tpu.memory_space<hbm>>
      %dma_start3A_47 = tpu.memref_squeeze %dma_start3A_46 : memref<1x632x128xf32, #tpu.memory_space<hbm>> -> memref<632x128xf32, #tpu.memory_space<hbm>>
      %dma_start3A_48 = arith.constant 0 : i32
      %dma_start3A_49 = tpu.memref_slice %arg11[%mul3A_42, %dma_start3A_48] : memref<10112x128xf32, #tpu.memory_space<vmem_shared>> -> memref<632x128xf32, #tpu.memory_space<vmem_shared>>
      tpu.enqueue_dma source(%dma_start3A_49 : memref<632x128xf32, #tpu.memory_space<vmem_shared>>) target(%dma_start3A_47 : memref<632x128xf32, #tpu.memory_space<hbm>>) target_semaphore(%run_scoped3A : memref<!tpu.dma_semaphore, #tpu.memory_space<semaphore_mem>>)
      %dma_wait3A_50 = arith.constant 0 : i32
      %dma_wait3A_51 = tpu.memref_slice %arg6[%arg0, %mul3A_44, %dma_wait3A_50] : memref<2x10112x128xf32, #tpu.memory_space<hbm>> -> memref<1x632x128xf32, #tpu.memory_space<hbm>>
      %dma_wait3A_52 = tpu.memref_squeeze %dma_wait3A_51 : memref<1x632x128xf32, #tpu.memory_space<hbm>> -> memref<632x128xf32, #tpu.memory_space<hbm>>
      %dma_wait3A_53 = arith.constant 0 : i32
      %dma_wait3A_54 = tpu.memref_slice %arg11[%mul3A_42, %dma_wait3A_53] : memref<10112x128xf32, #tpu.memory_space<vmem_shared>> -> memref<632x128xf32, #tpu.memory_space<vmem_shared>>
      tpu.wait_dma2 semaphore(%run_scoped3A : memref<!tpu.dma_semaphore, #tpu.memory_space<semaphore_mem>>) src(%dma_wait3A_54 : memref<632x128xf32, #tpu.memory_space<vmem_shared>>) dst(%dma_wait3A_52 : memref<632x128xf32, #tpu.memory_space<hbm>>)
      tpu.yield
    }) : () -> ()
    return
  }
}

#map = affine_map<(d0, d1) -> (0, 0)>
#map1 = affine_map<(d0, d1) -> (0, 0, 0)>
module attributes {stable_mosaic.version = 14 : i64} {
  func.func @_agg64_body(%arg0: i32, %arg1: i32, %arg2: memref<10000x64xf32, #tpu.memory_space<hbm>>, %arg3: memref<2560x125xi32, #tpu.memory_space<hbm>>, %arg4: memref<2560x125xi32, #tpu.memory_space<hbm>>, %arg5: memref<632x64xf32, #tpu.memory_space<hbm>>, %arg6: memref<2x10112x64xf32, #tpu.memory_space<hbm>>, %arg7: memref<80x125xi32, #tpu.memory_space<vmem>>, %arg8: memref<80x125xi32, #tpu.memory_space<vmem>>, %arg9: memref<125x64xf32, #tpu.memory_space<vmem>>, %arg10: memref<125x64xf32, #tpu.memory_space<vmem>>, %arg11: memref<10112x64xf32, #tpu.memory_space<vmem_shared>>, %arg12: memref<!tpu.dma_semaphore, #tpu.memory_space<semaphore_mem>>, %arg13: memref<!tpu.dma_semaphore, #tpu.memory_space<semaphore_mem>>) attributes {dimension_semantics = [#tpu.dimension_semantics<core_parallel>, #tpu.dimension_semantics<subcore_parallel>], iteration_bounds = array<i64: 2, 16>, scalar_prefetch = 0 : i64, scratch_operands = 7 : i64, tpu.core_type = #tpu.core_type<sc_vector_subcore>, window_params = [{transform_indices = #map}, {transform_indices = #map}, {transform_indices = #map}, {transform_indices = #map}, {transform_indices = #map1}]} {
    %mul3A = arith.constant 2 : i32
    %mul3A_0 = arith.muli %arg1, %mul3A : i32
    %add3A = arith.addi %mul3A_0, %arg0 : i32
    %mul3A_1 = arith.constant 632 : i32
    %mul3A_2 = arith.muli %arg1, %mul3A_1 : i32
    %dma_start3A = arith.constant 0 : i32
    %dma_start3A_3 = tpu.memref_slice %arg11[%mul3A_2, %dma_start3A] : memref<10112x64xf32, #tpu.memory_space<vmem_shared>> -> memref<632x64xf32, #tpu.memory_space<vmem_shared>>
    tpu.enqueue_dma source(%arg5 : memref<632x64xf32, #tpu.memory_space<hbm>>) target(%dma_start3A_3 : memref<632x64xf32, #tpu.memory_space<vmem_shared>>) target_semaphore(%arg12 : memref<!tpu.dma_semaphore, #tpu.memory_space<semaphore_mem>>)
    %mul3A_4 = arith.constant 80 : i32
    %mul3A_5 = arith.muli %add3A, %mul3A_4 : i32
    "tpu.region"() ({
      %run_scoped3A = tpu.sem_alloc : memref<!tpu.dma_semaphore, #tpu.memory_space<semaphore_mem>>
      %dma_start3A_28 = arith.constant 0 : i32
      %dma_start3A_29 = tpu.memref_slice %arg3[%mul3A_5, %dma_start3A_28] : memref<2560x125xi32, #tpu.memory_space<hbm>> -> memref<80x125xi32, #tpu.memory_space<hbm>>
      %dma_start3A_30 = arith.constant 0 : i32
      %dma_start3A_31 = tpu.memref_slice %arg3[%mul3A_5, %dma_start3A_30] : memref<2560x125xi32, #tpu.memory_space<hbm>> -> memref<80x125xi32, #tpu.memory_space<hbm>>
      tpu.enqueue_dma source(%dma_start3A_31 : memref<80x125xi32, #tpu.memory_space<hbm>>) target(%arg7 : memref<80x125xi32, #tpu.memory_space<vmem>>) target_semaphore(%run_scoped3A : memref<!tpu.dma_semaphore, #tpu.memory_space<semaphore_mem>>)
      %dma_wait3A_32 = arith.constant 0 : i32
      %dma_wait3A_33 = tpu.memref_slice %arg3[%mul3A_5, %dma_wait3A_32] : memref<2560x125xi32, #tpu.memory_space<hbm>> -> memref<80x125xi32, #tpu.memory_space<hbm>>
      %dma_wait3A_34 = arith.constant 0 : i32
      %dma_wait3A_35 = tpu.memref_slice %arg3[%mul3A_5, %dma_wait3A_34] : memref<2560x125xi32, #tpu.memory_space<hbm>> -> memref<80x125xi32, #tpu.memory_space<hbm>>
      tpu.wait_dma2 semaphore(%run_scoped3A : memref<!tpu.dma_semaphore, #tpu.memory_space<semaphore_mem>>) src(%dma_wait3A_35 : memref<80x125xi32, #tpu.memory_space<hbm>>) dst(%arg7 : memref<80x125xi32, #tpu.memory_space<vmem>>)
      tpu.yield
    }) : () -> ()
    %mul3A_6 = arith.constant 80 : i32
    %mul3A_7 = arith.muli %add3A, %mul3A_6 : i32
    "tpu.region"() ({
      %run_scoped3A = tpu.sem_alloc : memref<!tpu.dma_semaphore, #tpu.memory_space<semaphore_mem>>
      %dma_start3A_28 = arith.constant 0 : i32
      %dma_start3A_29 = tpu.memref_slice %arg4[%mul3A_7, %dma_start3A_28] : memref<2560x125xi32, #tpu.memory_space<hbm>> -> memref<80x125xi32, #tpu.memory_space<hbm>>
      %dma_start3A_30 = arith.constant 0 : i32
      %dma_start3A_31 = tpu.memref_slice %arg4[%mul3A_7, %dma_start3A_30] : memref<2560x125xi32, #tpu.memory_space<hbm>> -> memref<80x125xi32, #tpu.memory_space<hbm>>
      tpu.enqueue_dma source(%dma_start3A_31 : memref<80x125xi32, #tpu.memory_space<hbm>>) target(%arg8 : memref<80x125xi32, #tpu.memory_space<vmem>>) target_semaphore(%run_scoped3A : memref<!tpu.dma_semaphore, #tpu.memory_space<semaphore_mem>>)
      %dma_wait3A_32 = arith.constant 0 : i32
      %dma_wait3A_33 = tpu.memref_slice %arg4[%mul3A_7, %dma_wait3A_32] : memref<2560x125xi32, #tpu.memory_space<hbm>> -> memref<80x125xi32, #tpu.memory_space<hbm>>
      %dma_wait3A_34 = arith.constant 0 : i32
      %dma_wait3A_35 = tpu.memref_slice %arg4[%mul3A_7, %dma_wait3A_34] : memref<2560x125xi32, #tpu.memory_space<hbm>> -> memref<80x125xi32, #tpu.memory_space<hbm>>
      tpu.wait_dma2 semaphore(%run_scoped3A : memref<!tpu.dma_semaphore, #tpu.memory_space<semaphore_mem>>) src(%dma_wait3A_35 : memref<80x125xi32, #tpu.memory_space<hbm>>) dst(%arg8 : memref<80x125xi32, #tpu.memory_space<vmem>>)
      tpu.yield
    }) : () -> ()
    %mul3A_8 = arith.constant 632 : i32
    %mul3A_9 = arith.muli %arg1, %mul3A_8 : i32
    %dma_wait3A = arith.constant 0 : i32
    %dma_wait3A_10 = tpu.memref_slice %arg11[%mul3A_9, %dma_wait3A] : memref<10112x64xf32, #tpu.memory_space<vmem_shared>> -> memref<632x64xf32, #tpu.memory_space<vmem_shared>>
    tpu.wait_dma2 semaphore(%arg12 : memref<!tpu.dma_semaphore, #tpu.memory_space<semaphore_mem>>) src(%arg5 : memref<632x64xf32, #tpu.memory_space<hbm>>) dst(%dma_wait3A_10 : memref<632x64xf32, #tpu.memory_space<vmem_shared>>)
    %barrier3A = arith.constant 0 : index
    tpu.barrier barrier_id(%barrier3A)
    %dma_start3A_11 = arith.constant 0 : i32
    %dma_start3A_12 = arith.constant 0 : i32
    %dma_start3A_13 = tpu.memref_slice %arg7[%dma_start3A_11, %dma_start3A_12] : memref<80x125xi32, #tpu.memory_space<vmem>> -> memref<1x125xi32, #tpu.memory_space<vmem>>
    %dma_start3A_14 = tpu.memref_squeeze %dma_start3A_13 : memref<1x125xi32, #tpu.memory_space<vmem>> -> memref<125xi32, #tpu.memory_space<vmem>>
    %dma_start3A_15 = arith.constant 0 : i32
    %dma_start3A_16 = arith.constant 0 : i32
    %dma_start3A_17 = tpu.memref_slice %arg2[%dma_start3A_15, %dma_start3A_16] : memref<10000x64xf32, #tpu.memory_space<hbm>> -> memref<10000x64xf32, #tpu.memory_space<hbm>>
    tpu.enqueue_indirect_dma source(%dma_start3A_17 : memref<10000x64xf32, #tpu.memory_space<hbm>>) target(%arg9 : memref<125x64xf32, #tpu.memory_space<vmem>>) offsets(%dma_start3A_14 : memref<125xi32, #tpu.memory_space<vmem>>) semaphore(%arg12 : memref<!tpu.dma_semaphore, #tpu.memory_space<semaphore_mem>>)
    %scan3A = arith.constant 0 : i32
    %scan3A_18 = arith.constant 0 : i32
    %scan3A_19 = arith.constant 40 : i32
    %scan3A_20 = arith.addi %scan3A_18, %scan3A_19 : i32
    %scan3A_21 = arith.constant 1 : i32
    scf.for %scan3A_28 = %scan3A_18 to %scan3A_20 step %scan3A_21  : i32 {
      %mul3A_29 = arith.constant 2 : i32
      %mul3A_30 = arith.muli %mul3A_29, %scan3A_28 : i32
      %add3A_31 = arith.constant 1 : i32
      %add3A_32 = arith.addi %mul3A_30, %add3A_31 : i32
      %dma_start3A_33 = arith.constant 0 : i32
      %dma_start3A_34 = tpu.memref_slice %arg7[%add3A_32, %dma_start3A_33] : memref<80x125xi32, #tpu.memory_space<vmem>> -> memref<1x125xi32, #tpu.memory_space<vmem>>
      %dma_start3A_35 = tpu.memref_squeeze %dma_start3A_34 : memref<1x125xi32, #tpu.memory_space<vmem>> -> memref<125xi32, #tpu.memory_space<vmem>>
      %dma_start3A_36 = arith.constant 0 : i32
      %dma_start3A_37 = arith.constant 0 : i32
      %dma_start3A_38 = tpu.memref_slice %arg2[%dma_start3A_36, %dma_start3A_37] : memref<10000x64xf32, #tpu.memory_space<hbm>> -> memref<10000x64xf32, #tpu.memory_space<hbm>>
      tpu.enqueue_indirect_dma source(%dma_start3A_38 : memref<10000x64xf32, #tpu.memory_space<hbm>>) target(%arg10 : memref<125x64xf32, #tpu.memory_space<vmem>>) offsets(%dma_start3A_35 : memref<125xi32, #tpu.memory_space<vmem>>) semaphore(%arg13 : memref<!tpu.dma_semaphore, #tpu.memory_space<semaphore_mem>>)
      %dma_wait3A_39 = arith.constant 0 : i32
      %dma_wait3A_40 = tpu.memref_slice %arg7[%mul3A_30, %dma_wait3A_39] : memref<80x125xi32, #tpu.memory_space<vmem>> -> memref<1x125xi32, #tpu.memory_space<vmem>>
      %dma_wait3A_41 = tpu.memref_squeeze %dma_wait3A_40 : memref<1x125xi32, #tpu.memory_space<vmem>> -> memref<125xi32, #tpu.memory_space<vmem>>
      %dma_wait3A_42 = arith.constant 0 : i32
      %dma_wait3A_43 = arith.constant 0 : i32
      %dma_wait3A_44 = tpu.memref_slice %arg2[%dma_wait3A_42, %dma_wait3A_43] : memref<10000x64xf32, #tpu.memory_space<hbm>> -> memref<10000x64xf32, #tpu.memory_space<hbm>>
      tpu.wait_indirect_dma semaphore(%arg12 : memref<!tpu.dma_semaphore, #tpu.memory_space<semaphore_mem>>) src(%dma_wait3A_44 : memref<10000x64xf32, #tpu.memory_space<hbm>>) dst(%arg9 : memref<125x64xf32, #tpu.memory_space<vmem>>)
      "tpu.region"() ({
        %run_scoped3A = tpu.sem_alloc : memref<!tpu.dma_semaphore, #tpu.memory_space<semaphore_mem>>
        %dma_start3A_59 = arith.constant 0 : i32
        %dma_start3A_60 = tpu.memref_slice %arg8[%mul3A_30, %dma_start3A_59] : memref<80x125xi32, #tpu.memory_space<vmem>> -> memref<1x125xi32, #tpu.memory_space<vmem>>
        %dma_start3A_61 = tpu.memref_squeeze %dma_start3A_60 : memref<1x125xi32, #tpu.memory_space<vmem>> -> memref<125xi32, #tpu.memory_space<vmem>>
        %dma_start3A_62 = arith.constant 0 : i32
        %dma_start3A_63 = arith.constant 0 : i32
        %dma_start3A_64 = tpu.memref_slice %arg11[%dma_start3A_62, %dma_start3A_63] : memref<10112x64xf32, #tpu.memory_space<vmem_shared>> -> memref<10112x64xf32, #tpu.memory_space<vmem_shared>>
        tpu.enqueue_indirect_dma source(%arg9 : memref<125x64xf32, #tpu.memory_space<vmem>>) target(%dma_start3A_64 : memref<10112x64xf32, #tpu.memory_space<vmem_shared>>) offsets(%dma_start3A_61 : memref<125xi32, #tpu.memory_space<vmem>>) semaphore(%run_scoped3A : memref<!tpu.dma_semaphore, #tpu.memory_space<semaphore_mem>>) {add = true}
        %dma_wait3A_65 = arith.constant 0 : i32
        %dma_wait3A_66 = tpu.memref_slice %arg8[%mul3A_30, %dma_wait3A_65] : memref<80x125xi32, #tpu.memory_space<vmem>> -> memref<1x125xi32, #tpu.memory_space<vmem>>
        %dma_wait3A_67 = tpu.memref_squeeze %dma_wait3A_66 : memref<1x125xi32, #tpu.memory_space<vmem>> -> memref<125xi32, #tpu.memory_space<vmem>>
        %dma_wait3A_68 = arith.constant 0 : i32
        %dma_wait3A_69 = arith.constant 0 : i32
        %dma_wait3A_70 = tpu.memref_slice %arg11[%dma_wait3A_68, %dma_wait3A_69] : memref<10112x64xf32, #tpu.memory_space<vmem_shared>> -> memref<10112x64xf32, #tpu.memory_space<vmem_shared>>
        tpu.wait_indirect_dma semaphore(%run_scoped3A : memref<!tpu.dma_semaphore, #tpu.memory_space<semaphore_mem>>) src(%arg9 : memref<125x64xf32, #tpu.memory_space<vmem>>) dst(%dma_wait3A_70 : memref<10112x64xf32, #tpu.memory_space<vmem_shared>>)
        tpu.yield
      }) : () -> ()
      %add3A_45 = arith.constant 1 : i32
      %add3A_46 = arith.addi %scan3A_28, %add3A_45 : i32
      %lt3A = arith.constant 40 : i32
      %lt3A_47 = arith.cmpi slt, %add3A_46, %lt3A : i32
      %convert_element_type3A = arith.extui %lt3A_47 : i1 to i32
      %cond3A = arith.constant 0 : i32
      %cond3A_48 = arith.cmpi ne, %convert_element_type3A, %cond3A : i32
      scf.if %cond3A_48 {
        %add3A_59 = arith.constant 2 : i32
        %add3A_60 = arith.addi %mul3A_30, %add3A_59 : i32
        %dma_start3A_61 = arith.constant 0 : i32
        %dma_start3A_62 = tpu.memref_slice %arg7[%add3A_60, %dma_start3A_61] : memref<80x125xi32, #tpu.memory_space<vmem>> -> memref<1x125xi32, #tpu.memory_space<vmem>>
        %dma_start3A_63 = tpu.memref_squeeze %dma_start3A_62 : memref<1x125xi32, #tpu.memory_space<vmem>> -> memref<125xi32, #tpu.memory_space<vmem>>
        %dma_start3A_64 = arith.constant 0 : i32
        %dma_start3A_65 = arith.constant 0 : i32
        %dma_start3A_66 = tpu.memref_slice %arg2[%dma_start3A_64, %dma_start3A_65] : memref<10000x64xf32, #tpu.memory_space<hbm>> -> memref<10000x64xf32, #tpu.memory_space<hbm>>
        tpu.enqueue_indirect_dma source(%dma_start3A_66 : memref<10000x64xf32, #tpu.memory_space<hbm>>) target(%arg9 : memref<125x64xf32, #tpu.memory_space<vmem>>) offsets(%dma_start3A_63 : memref<125xi32, #tpu.memory_space<vmem>>) semaphore(%arg12 : memref<!tpu.dma_semaphore, #tpu.memory_space<semaphore_mem>>)
      } else {
      }
      %add3A_49 = arith.constant 1 : i32
      %add3A_50 = arith.addi %mul3A_30, %add3A_49 : i32
      %dma_wait3A_51 = arith.constant 0 : i32
      %dma_wait3A_52 = tpu.memref_slice %arg7[%add3A_50, %dma_wait3A_51] : memref<80x125xi32, #tpu.memory_space<vmem>> -> memref<1x125xi32, #tpu.memory_space<vmem>>
      %dma_wait3A_53 = tpu.memref_squeeze %dma_wait3A_52 : memref<1x125xi32, #tpu.memory_space<vmem>> -> memref<125xi32, #tpu.memory_space<vmem>>
      %dma_wait3A_54 = arith.constant 0 : i32
      %dma_wait3A_55 = arith.constant 0 : i32
      %dma_wait3A_56 = tpu.memref_slice %arg2[%dma_wait3A_54, %dma_wait3A_55] : memref<10000x64xf32, #tpu.memory_space<hbm>> -> memref<10000x64xf32, #tpu.memory_space<hbm>>
      tpu.wait_indirect_dma semaphore(%arg13 : memref<!tpu.dma_semaphore, #tpu.memory_space<semaphore_mem>>) src(%dma_wait3A_56 : memref<10000x64xf32, #tpu.memory_space<hbm>>) dst(%arg10 : memref<125x64xf32, #tpu.memory_space<vmem>>)
      %add3A_57 = arith.constant 1 : i32
      %add3A_58 = arith.addi %mul3A_30, %add3A_57 : i32
      "tpu.region"() ({
        %run_scoped3A = tpu.sem_alloc : memref<!tpu.dma_semaphore, #tpu.memory_space<semaphore_mem>>
        %dma_start3A_59 = arith.constant 0 : i32
        %dma_start3A_60 = tpu.memref_slice %arg8[%add3A_58, %dma_start3A_59] : memref<80x125xi32, #tpu.memory_space<vmem>> -> memref<1x125xi32, #tpu.memory_space<vmem>>
        %dma_start3A_61 = tpu.memref_squeeze %dma_start3A_60 : memref<1x125xi32, #tpu.memory_space<vmem>> -> memref<125xi32, #tpu.memory_space<vmem>>
        %dma_start3A_62 = arith.constant 0 : i32
        %dma_start3A_63 = arith.constant 0 : i32
        %dma_start3A_64 = tpu.memref_slice %arg11[%dma_start3A_62, %dma_start3A_63] : memref<10112x64xf32, #tpu.memory_space<vmem_shared>> -> memref<10112x64xf32, #tpu.memory_space<vmem_shared>>
        tpu.enqueue_indirect_dma source(%arg10 : memref<125x64xf32, #tpu.memory_space<vmem>>) target(%dma_start3A_64 : memref<10112x64xf32, #tpu.memory_space<vmem_shared>>) offsets(%dma_start3A_61 : memref<125xi32, #tpu.memory_space<vmem>>) semaphore(%run_scoped3A : memref<!tpu.dma_semaphore, #tpu.memory_space<semaphore_mem>>) {add = true}
        %dma_wait3A_65 = arith.constant 0 : i32
        %dma_wait3A_66 = tpu.memref_slice %arg8[%add3A_58, %dma_wait3A_65] : memref<80x125xi32, #tpu.memory_space<vmem>> -> memref<1x125xi32, #tpu.memory_space<vmem>>
        %dma_wait3A_67 = tpu.memref_squeeze %dma_wait3A_66 : memref<1x125xi32, #tpu.memory_space<vmem>> -> memref<125xi32, #tpu.memory_space<vmem>>
        %dma_wait3A_68 = arith.constant 0 : i32
        %dma_wait3A_69 = arith.constant 0 : i32
        %dma_wait3A_70 = tpu.memref_slice %arg11[%dma_wait3A_68, %dma_wait3A_69] : memref<10112x64xf32, #tpu.memory_space<vmem_shared>> -> memref<10112x64xf32, #tpu.memory_space<vmem_shared>>
        tpu.wait_indirect_dma semaphore(%run_scoped3A : memref<!tpu.dma_semaphore, #tpu.memory_space<semaphore_mem>>) src(%arg10 : memref<125x64xf32, #tpu.memory_space<vmem>>) dst(%dma_wait3A_70 : memref<10112x64xf32, #tpu.memory_space<vmem_shared>>)
        tpu.yield
      }) : () -> ()
    }
    %scan3A_22 = arith.constant 40 : i32
    %barrier3A_23 = arith.constant 0 : index
    tpu.barrier barrier_id(%barrier3A_23)
    %mul3A_24 = arith.constant 632 : i32
    %mul3A_25 = arith.muli %arg1, %mul3A_24 : i32
    %mul3A_26 = arith.constant 632 : i32
    %mul3A_27 = arith.muli %arg1, %mul3A_26 : i32
    "tpu.region"() ({
      %run_scoped3A = tpu.sem_alloc : memref<!tpu.dma_semaphore, #tpu.memory_space<semaphore_mem>>
      %dma_start3A_28 = arith.constant 0 : i32
      %dma_start3A_29 = tpu.memref_slice %arg6[%arg0, %mul3A_27, %dma_start3A_28] : memref<2x10112x64xf32, #tpu.memory_space<hbm>> -> memref<1x632x64xf32, #tpu.memory_space<hbm>>
      %dma_start3A_30 = tpu.memref_squeeze %dma_start3A_29 : memref<1x632x64xf32, #tpu.memory_space<hbm>> -> memref<632x64xf32, #tpu.memory_space<hbm>>
      %dma_start3A_31 = arith.constant 0 : i32
      %dma_start3A_32 = tpu.memref_slice %arg11[%mul3A_25, %dma_start3A_31] : memref<10112x64xf32, #tpu.memory_space<vmem_shared>> -> memref<632x64xf32, #tpu.memory_space<vmem_shared>>
      tpu.enqueue_dma source(%dma_start3A_32 : memref<632x64xf32, #tpu.memory_space<vmem_shared>>) target(%dma_start3A_30 : memref<632x64xf32, #tpu.memory_space<hbm>>) target_semaphore(%run_scoped3A : memref<!tpu.dma_semaphore, #tpu.memory_space<semaphore_mem>>)
      %dma_wait3A_33 = arith.constant 0 : i32
      %dma_wait3A_34 = tpu.memref_slice %arg6[%arg0, %mul3A_27, %dma_wait3A_33] : memref<2x10112x64xf32, #tpu.memory_space<hbm>> -> memref<1x632x64xf32, #tpu.memory_space<hbm>>
      %dma_wait3A_35 = tpu.memref_squeeze %dma_wait3A_34 : memref<1x632x64xf32, #tpu.memory_space<hbm>> -> memref<632x64xf32, #tpu.memory_space<hbm>>
      %dma_wait3A_36 = arith.constant 0 : i32
      %dma_wait3A_37 = tpu.memref_slice %arg11[%mul3A_25, %dma_wait3A_36] : memref<10112x64xf32, #tpu.memory_space<vmem_shared>> -> memref<632x64xf32, #tpu.memory_space<vmem_shared>>
      tpu.wait_dma2 semaphore(%run_scoped3A : memref<!tpu.dma_semaphore, #tpu.memory_space<semaphore_mem>>) src(%dma_wait3A_37 : memref<632x64xf32, #tpu.memory_space<vmem_shared>>) dst(%dma_wait3A_35 : memref<632x64xf32, #tpu.memory_space<hbm>>)
      tpu.yield
    }) : () -> ()
    return
  }
}

module attributes {stable_mosaic.version = 14 : i64} {
  func.func @_tc1_body(%arg0: i32, %arg1: memref<5000x128xf32, #tpu.memory_space<vmem>>, %arg2: memref<128x128xf32, #tpu.memory_space<vmem>>, %arg3: memref<2x5000x16xf32, #tpu.memory_space<vmem>>, %arg4: memref<5000x128xf32, #tpu.memory_space<vmem>>, %arg5: memref<5000x16xf32, #tpu.memory_space<vmem>>) attributes {dimension_semantics = [#tpu.dimension_semantics<arbitrary>], iteration_bounds = array<i64: 2>, scalar_prefetch = 0 : i64, scratch_operands = 0 : i64, tpu.core_type = #tpu.core_type<tc>, window_params = [{transform_indices = @transform_0, window_bounds = array<i64: 5000, 128>}, {pipeline_mode = #tpu.pipeline_mode<synchronous>, transform_indices = @transform_1, window_bounds = array<i64: 128, 128>}, {transform_indices = @transform_2, window_bounds = array<i64: 2, 5000, 16>}, {transform_indices = @transform_3, window_bounds = array<i64: 5000, 128>}, {transform_indices = @transform_4, window_bounds = array<i64: 5000, 16>}]} {
    %get3A = arith.constant 0 : index
    %get3A_0 = arith.constant 0 : index
    %get3A_1 = arith.constant 0 : index
    %get3A_2 = vector.load %arg3[%get3A, %get3A_0, %get3A_1] : memref<2x5000x16xf32, #tpu.memory_space<vmem>>, vector<2x5000x16xf32>
    %slice3A = vector.extract_strided_slice %get3A_2 {offsets = [0, 0, 0], sizes = [1, 5000, 16], strides = [1, 1, 1]} : vector<2x5000x16xf32> to vector<1x5000x16xf32>
    %squeeze3A = vector.shape_cast %slice3A : vector<1x5000x16xf32> to vector<5000x16xf32>
    %add3A = arith.constant 1.000000e+00 : f32
    %add3A_3 = vector.broadcast %add3A : f32 to vector<5000x16xf32>
    %add3A_4 = arith.addf %add3A_3, %squeeze3A : vector<5000x16xf32>
    %slice3A_5 = vector.extract_strided_slice %get3A_2 {offsets = [1, 0, 0], sizes = [1, 5000, 16], strides = [1, 1, 1]} : vector<2x5000x16xf32> to vector<1x5000x16xf32>
    %squeeze3A_6 = vector.shape_cast %slice3A_5 : vector<1x5000x16xf32> to vector<5000x16xf32>
    %add3A_7 = arith.addf %add3A_4, %squeeze3A_6 : vector<5000x16xf32>
    %rsqrt3A = math.rsqrt %add3A_7 : vector<5000x16xf32>
    %get3A_8 = arith.constant 0 : index
    %get3A_9 = arith.constant 0 : index
    %get3A_10 = vector.load %arg1[%get3A_8, %get3A_9] : memref<5000x128xf32, #tpu.memory_space<vmem>>, vector<5000x128xf32>
    %get3A_11 = arith.constant 0 : index
    %get3A_12 = arith.constant 0 : index
    %get3A_13 = vector.load %arg2[%get3A_11, %get3A_12] : memref<128x128xf32, #tpu.memory_space<vmem>>, vector<128x128xf32>
    %dot_general3A = arith.constant dense<0.000000e+00> : vector<5000x128xf32>
    %dot_general3A_14 = tpu.matmul %get3A_10, %get3A_13, %dot_general3A {dimension_numbers = #tpu.dot_dimension_numbers<[1], [0], [0], [1], [0, 0, 1, 1], [], []>, transpose_lhs_hint = false} : vector<5000x128xf32>, vector<128x128xf32>, vector<5000x128xf32> -> vector<5000x128xf32>
    %slice3A_15 = vector.extract_strided_slice %rsqrt3A {offsets = [0, 0], sizes = [5000, 1], strides = [1, 1]} : vector<5000x16xf32> to vector<5000x1xf32>
    %mul3A = vector.broadcast %slice3A_15 : vector<5000x1xf32> to vector<5000x128xf32>
    %mul3A_16 = arith.mulf %dot_general3A_14, %mul3A : vector<5000x128xf32>
    %swap3A = arith.constant 0 : index
    %swap3A_17 = arith.constant 0 : index
    %swap3A_18 = vector.load %arg4[%swap3A, %swap3A_17] : memref<5000x128xf32, #tpu.memory_space<vmem>>, vector<5000x128xf32>
    tpu.vector_store %arg4[%swap3A, %swap3A_17], %mul3A_16 {strides = array<i32>} : memref<5000x128xf32, #tpu.memory_space<vmem>>, vector<5000x128xf32>,
    %swap3A_19 = arith.constant 0 : index
    %swap3A_20 = arith.constant 0 : index
    %swap3A_21 = vector.load %arg5[%swap3A_19, %swap3A_20] : memref<5000x16xf32, #tpu.memory_space<vmem>>, vector<5000x16xf32>
    tpu.vector_store %arg5[%swap3A_19, %swap3A_20], %rsqrt3A {strides = array<i32>} : memref<5000x16xf32, #tpu.memory_space<vmem>>, vector<5000x16xf32>,
    return
  }
  func.func @transform_0(%arg0: i32) -> (i32, i32) {
    %c0_i32 = arith.constant 0 : i32
    %c0_i32_0 = arith.constant 0 : i32
    return %arg0, %c0_i32 : i32, i32
  }
  func.func @transform_1(%arg0: i32) -> (i32, i32) {
    %c0_i32 = arith.constant 0 : i32
    %c0_i32_0 = arith.constant 0 : i32
    %c0_i32_1 = arith.constant 0 : i32
    return %c0_i32, %c0_i32_0 : i32, i32
  }
  func.func @transform_2(%arg0: i32) -> (i32, i32, i32) {
    %c0_i32 = arith.constant 0 : i32
    %c0_i32_0 = arith.constant 0 : i32
    %c0_i32_1 = arith.constant 0 : i32
    return %c0_i32, %arg0, %c0_i32_0 : i32, i32, i32
  }
  func.func @transform_3(%arg0: i32) -> (i32, i32) {
    %c0_i32 = arith.constant 0 : i32
    %c0_i32_0 = arith.constant 0 : i32
    return %arg0, %c0_i32 : i32, i32
  }
  func.func @transform_4(%arg0: i32) -> (i32, i32) {
    %c0_i32 = arith.constant 0 : i32
    %c0_i32_0 = arith.constant 0 : i32
    return %arg0, %c0_i32 : i32, i32
  }
}

module attributes {stable_mosaic.version = 14 : i64} {
  func.func @_tc_mid_body(%arg0: i32, %arg1: memref<2x5000x128xf32, #tpu.memory_space<vmem>>, %arg2: memref<5000x128xf32, #tpu.memory_space<vmem>>, %arg3: memref<5000x16xf32, #tpu.memory_space<vmem>>, %arg4: memref<1x128xf32, #tpu.memory_space<vmem>>, %arg5: memref<128x128xf32, #tpu.memory_space<vmem>>, %arg6: memref<5000x128xf32, #tpu.memory_space<vmem>>) attributes {dimension_semantics = [#tpu.dimension_semantics<arbitrary>], iteration_bounds = array<i64: 2>, scalar_prefetch = 0 : i64, scratch_operands = 0 : i64, tpu.core_type = #tpu.core_type<tc>, window_params = [{transform_indices = @transform_0, window_bounds = array<i64: 2, 5000, 128>}, {transform_indices = @transform_1, window_bounds = array<i64: 5000, 128>}, {transform_indices = @transform_2, window_bounds = array<i64: 5000, 16>}, {pipeline_mode = #tpu.pipeline_mode<synchronous>, transform_indices = @transform_3, window_bounds = array<i64: 1, 128>}, {pipeline_mode = #tpu.pipeline_mode<synchronous>, transform_indices = @transform_4, window_bounds = array<i64: 128, 128>}, {transform_indices = @transform_5, window_bounds = array<i64: 5000, 128>}]} {
    %get3A = arith.constant 0 : index
    %get3A_0 = arith.constant 0 : index
    %get3A_1 = arith.constant 0 : index
    %get3A_2 = vector.load %arg1[%get3A, %get3A_0, %get3A_1] : memref<2x5000x128xf32, #tpu.memory_space<vmem>>, vector<2x5000x128xf32>
    %get3A_3 = arith.constant 0 : index
    %get3A_4 = arith.constant 0 : index
    %get3A_5 = vector.load %arg3[%get3A_3, %get3A_4] : memref<5000x16xf32, #tpu.memory_space<vmem>>, vector<5000x16xf32>
    %slice3A = vector.extract_strided_slice %get3A_5 {offsets = [0, 0], sizes = [5000, 1], strides = [1, 1]} : vector<5000x16xf32> to vector<5000x1xf32>
    %slice3A_6 = vector.extract_strided_slice %get3A_2 {offsets = [0, 0, 0], sizes = [1, 5000, 128], strides = [1, 1, 1]} : vector<2x5000x128xf32> to vector<1x5000x128xf32>
    %squeeze3A = vector.shape_cast %slice3A_6 : vector<1x5000x128xf32> to vector<5000x128xf32>
    %slice3A_7 = vector.extract_strided_slice %get3A_2 {offsets = [1, 0, 0], sizes = [1, 5000, 128], strides = [1, 1, 1]} : vector<2x5000x128xf32> to vector<1x5000x128xf32>
    %squeeze3A_8 = vector.shape_cast %slice3A_7 : vector<1x5000x128xf32> to vector<5000x128xf32>
    %add3A = arith.addf %squeeze3A, %squeeze3A_8 : vector<5000x128xf32>
    %get3A_9 = arith.constant 0 : index
    %get3A_10 = arith.constant 0 : index
    %get3A_11 = vector.load %arg2[%get3A_9, %get3A_10] : memref<5000x128xf32, #tpu.memory_space<vmem>>, vector<5000x128xf32>
    %add3A_12 = arith.addf %add3A, %get3A_11 : vector<5000x128xf32>
    %mul3A = vector.broadcast %slice3A : vector<5000x1xf32> to vector<5000x128xf32>
    %mul3A_13 = arith.mulf %add3A_12, %mul3A : vector<5000x128xf32>
    %get3A_14 = arith.constant 0 : index
    %get3A_15 = arith.constant 0 : index
    %get3A_16 = vector.load %arg4[%get3A_14, %get3A_15] : memref<1x128xf32, #tpu.memory_space<vmem>>, vector<1x128xf32>
    %add3A_17 = vector.broadcast %get3A_16 : vector<1x128xf32> to vector<5000x128xf32>
    %add3A_18 = arith.addf %mul3A_13, %add3A_17 : vector<5000x128xf32>
    %max3A = arith.constant 0.000000e+00 : f32
    %max3A_19 = vector.broadcast %max3A : f32 to vector<5000x128xf32>
    %max3A_20 = arith.maximumf %add3A_18, %max3A_19 : vector<5000x128xf32>
    %get3A_21 = arith.constant 0 : index
    %get3A_22 = arith.constant 0 : index
    %get3A_23 = vector.load %arg5[%get3A_21, %get3A_22] : memref<128x128xf32, #tpu.memory_space<vmem>>, vector<128x128xf32>
    %dot_general3A = arith.constant dense<0.000000e+00> : vector<5000x128xf32>
    %dot_general3A_24 = tpu.matmul %max3A_20, %get3A_23, %dot_general3A {dimension_numbers = #tpu.dot_dimension_numbers<[1], [0], [0], [1], [0, 0, 1, 1], [], []>, transpose_lhs_hint = false} : vector<5000x128xf32>, vector<128x128xf32>, vector<5000x128xf32> -> vector<5000x128xf32>
    %mul3A_25 = vector.broadcast %slice3A : vector<5000x1xf32> to vector<5000x128xf32>
    %mul3A_26 = arith.mulf %dot_general3A_24, %mul3A_25 : vector<5000x128xf32>
    %swap3A = arith.constant 0 : index
    %swap3A_27 = arith.constant 0 : index
    %swap3A_28 = vector.load %arg6[%swap3A, %swap3A_27] : memref<5000x128xf32, #tpu.memory_space<vmem>>, vector<5000x128xf32>
    tpu.vector_store %arg6[%swap3A, %swap3A_27], %mul3A_26 {strides = array<i32>} : memref<5000x128xf32, #tpu.memory_space<vmem>>, vector<5000x128xf32>,
    return
  }
  func.func @transform_0(%arg0: i32) -> (i32, i32, i32) {
    %c0_i32 = arith.constant 0 : i32
    %c0_i32_0 = arith.constant 0 : i32
    %c0_i32_1 = arith.constant 0 : i32
    return %c0_i32, %arg0, %c0_i32_0 : i32, i32, i32
  }
  func.func @transform_1(%arg0: i32) -> (i32, i32) {
    %c0_i32 = arith.constant 0 : i32
    %c0_i32_0 = arith.constant 0 : i32
    return %arg0, %c0_i32 : i32, i32
  }
  func.func @transform_2(%arg0: i32) -> (i32, i32) {
    %c0_i32 = arith.constant 0 : i32
    %c0_i32_0 = arith.constant 0 : i32
    return %arg0, %c0_i32 : i32, i32
  }
  func.func @transform_3(%arg0: i32) -> (i32, i32) {
    %c0_i32 = arith.constant 0 : i32
    %c0_i32_0 = arith.constant 0 : i32
    %c0_i32_1 = arith.constant 0 : i32
    return %c0_i32, %c0_i32_0 : i32, i32
  }
  func.func @transform_4(%arg0: i32) -> (i32, i32) {
    %c0_i32 = arith.constant 0 : i32
    %c0_i32_0 = arith.constant 0 : i32
    %c0_i32_1 = arith.constant 0 : i32
    return %c0_i32, %c0_i32_0 : i32, i32
  }
  func.func @transform_5(%arg0: i32) -> (i32, i32) {
    %c0_i32 = arith.constant 0 : i32
    %c0_i32_0 = arith.constant 0 : i32
    return %arg0, %c0_i32 : i32, i32
  }
}

module attributes {stable_mosaic.version = 14 : i64} {
  func.func @_tc_mid_body(%arg0: i32, %arg1: memref<2x5000x128xf32, #tpu.memory_space<vmem>>, %arg2: memref<5000x128xf32, #tpu.memory_space<vmem>>, %arg3: memref<5000x16xf32, #tpu.memory_space<vmem>>, %arg4: memref<1x128xf32, #tpu.memory_space<vmem>>, %arg5: memref<128x64xf32, #tpu.memory_space<vmem>>, %arg6: memref<5000x64xf32, #tpu.memory_space<vmem>>) attributes {dimension_semantics = [#tpu.dimension_semantics<arbitrary>], iteration_bounds = array<i64: 2>, scalar_prefetch = 0 : i64, scratch_operands = 0 : i64, tpu.core_type = #tpu.core_type<tc>, window_params = [{transform_indices = @transform_0, window_bounds = array<i64: 2, 5000, 128>}, {transform_indices = @transform_1, window_bounds = array<i64: 5000, 128>}, {transform_indices = @transform_2, window_bounds = array<i64: 5000, 16>}, {pipeline_mode = #tpu.pipeline_mode<synchronous>, transform_indices = @transform_3, window_bounds = array<i64: 1, 128>}, {pipeline_mode = #tpu.pipeline_mode<synchronous>, transform_indices = @transform_4, window_bounds = array<i64: 128, 64>}, {transform_indices = @transform_5, window_bounds = array<i64: 5000, 64>}]} {
    %get3A = arith.constant 0 : index
    %get3A_0 = arith.constant 0 : index
    %get3A_1 = arith.constant 0 : index
    %get3A_2 = vector.load %arg1[%get3A, %get3A_0, %get3A_1] : memref<2x5000x128xf32, #tpu.memory_space<vmem>>, vector<2x5000x128xf32>
    %get3A_3 = arith.constant 0 : index
    %get3A_4 = arith.constant 0 : index
    %get3A_5 = vector.load %arg3[%get3A_3, %get3A_4] : memref<5000x16xf32, #tpu.memory_space<vmem>>, vector<5000x16xf32>
    %slice3A = vector.extract_strided_slice %get3A_5 {offsets = [0, 0], sizes = [5000, 1], strides = [1, 1]} : vector<5000x16xf32> to vector<5000x1xf32>
    %slice3A_6 = vector.extract_strided_slice %get3A_2 {offsets = [0, 0, 0], sizes = [1, 5000, 128], strides = [1, 1, 1]} : vector<2x5000x128xf32> to vector<1x5000x128xf32>
    %squeeze3A = vector.shape_cast %slice3A_6 : vector<1x5000x128xf32> to vector<5000x128xf32>
    %slice3A_7 = vector.extract_strided_slice %get3A_2 {offsets = [1, 0, 0], sizes = [1, 5000, 128], strides = [1, 1, 1]} : vector<2x5000x128xf32> to vector<1x5000x128xf32>
    %squeeze3A_8 = vector.shape_cast %slice3A_7 : vector<1x5000x128xf32> to vector<5000x128xf32>
    %add3A = arith.addf %squeeze3A, %squeeze3A_8 : vector<5000x128xf32>
    %get3A_9 = arith.constant 0 : index
    %get3A_10 = arith.constant 0 : index
    %get3A_11 = vector.load %arg2[%get3A_9, %get3A_10] : memref<5000x128xf32, #tpu.memory_space<vmem>>, vector<5000x128xf32>
    %add3A_12 = arith.addf %add3A, %get3A_11 : vector<5000x128xf32>
    %mul3A = vector.broadcast %slice3A : vector<5000x1xf32> to vector<5000x128xf32>
    %mul3A_13 = arith.mulf %add3A_12, %mul3A : vector<5000x128xf32>
    %get3A_14 = arith.constant 0 : index
    %get3A_15 = arith.constant 0 : index
    %get3A_16 = vector.load %arg4[%get3A_14, %get3A_15] : memref<1x128xf32, #tpu.memory_space<vmem>>, vector<1x128xf32>
    %add3A_17 = vector.broadcast %get3A_16 : vector<1x128xf32> to vector<5000x128xf32>
    %add3A_18 = arith.addf %mul3A_13, %add3A_17 : vector<5000x128xf32>
    %max3A = arith.constant 0.000000e+00 : f32
    %max3A_19 = vector.broadcast %max3A : f32 to vector<5000x128xf32>
    %max3A_20 = arith.maximumf %add3A_18, %max3A_19 : vector<5000x128xf32>
    %get3A_21 = arith.constant 0 : index
    %get3A_22 = arith.constant 0 : index
    %get3A_23 = vector.load %arg5[%get3A_21, %get3A_22] : memref<128x64xf32, #tpu.memory_space<vmem>>, vector<128x64xf32>
    %dot_general3A = arith.constant dense<0.000000e+00> : vector<5000x64xf32>
    %dot_general3A_24 = tpu.matmul %max3A_20, %get3A_23, %dot_general3A {dimension_numbers = #tpu.dot_dimension_numbers<[1], [0], [0], [1], [0, 0, 1, 1], [], []>, transpose_lhs_hint = false} : vector<5000x128xf32>, vector<128x64xf32>, vector<5000x64xf32> -> vector<5000x64xf32>
    %mul3A_25 = vector.broadcast %slice3A : vector<5000x1xf32> to vector<5000x64xf32>
    %mul3A_26 = arith.mulf %dot_general3A_24, %mul3A_25 : vector<5000x64xf32>
    %swap3A = arith.constant 0 : index
    %swap3A_27 = arith.constant 0 : index
    %swap3A_28 = vector.load %arg6[%swap3A, %swap3A_27] : memref<5000x64xf32, #tpu.memory_space<vmem>>, vector<5000x64xf32>
    tpu.vector_store %arg6[%swap3A, %swap3A_27], %mul3A_26 {strides = array<i32>} : memref<5000x64xf32, #tpu.memory_space<vmem>>, vector<5000x64xf32>,
    return
  }
  func.func @transform_0(%arg0: i32) -> (i32, i32, i32) {
    %c0_i32 = arith.constant 0 : i32
    %c0_i32_0 = arith.constant 0 : i32
    %c0_i32_1 = arith.constant 0 : i32
    return %c0_i32, %arg0, %c0_i32_0 : i32, i32, i32
  }
  func.func @transform_1(%arg0: i32) -> (i32, i32) {
    %c0_i32 = arith.constant 0 : i32
    %c0_i32_0 = arith.constant 0 : i32
    return %arg0, %c0_i32 : i32, i32
  }
  func.func @transform_2(%arg0: i32) -> (i32, i32) {
    %c0_i32 = arith.constant 0 : i32
    %c0_i32_0 = arith.constant 0 : i32
    return %arg0, %c0_i32 : i32, i32
  }
  func.func @transform_3(%arg0: i32) -> (i32, i32) {
    %c0_i32 = arith.constant 0 : i32
    %c0_i32_0 = arith.constant 0 : i32
    %c0_i32_1 = arith.constant 0 : i32
    return %c0_i32, %c0_i32_0 : i32, i32
  }
  func.func @transform_4(%arg0: i32) -> (i32, i32) {
    %c0_i32 = arith.constant 0 : i32
    %c0_i32_0 = arith.constant 0 : i32
    %c0_i32_1 = arith.constant 0 : i32
    return %c0_i32, %c0_i32_0 : i32, i32
  }
  func.func @transform_5(%arg0: i32) -> (i32, i32) {
    %c0_i32 = arith.constant 0 : i32
    %c0_i32_0 = arith.constant 0 : i32
    return %arg0, %c0_i32 : i32, i32
  }
}

module attributes {stable_mosaic.version = 14 : i64} {
  func.func @_tc_final_body(%arg0: i32, %arg1: memref<2x5000x64xf32, #tpu.memory_space<vmem>>, %arg2: memref<5000x64xf32, #tpu.memory_space<vmem>>, %arg3: memref<5000x16xf32, #tpu.memory_space<vmem>>, %arg4: memref<1x64xf32, #tpu.memory_space<vmem>>, %arg5: memref<5000x64xf32, #tpu.memory_space<vmem>>) attributes {dimension_semantics = [#tpu.dimension_semantics<arbitrary>], iteration_bounds = array<i64: 2>, scalar_prefetch = 0 : i64, scratch_operands = 0 : i64, tpu.core_type = #tpu.core_type<tc>, window_params = [{transform_indices = @transform_0, window_bounds = array<i64: 2, 5000, 64>}, {transform_indices = @transform_1, window_bounds = array<i64: 5000, 64>}, {transform_indices = @transform_2, window_bounds = array<i64: 5000, 16>}, {pipeline_mode = #tpu.pipeline_mode<synchronous>, transform_indices = @transform_3, window_bounds = array<i64: 1, 64>}, {transform_indices = @transform_4, window_bounds = array<i64: 5000, 64>}]} {
    %get3A = arith.constant 0 : index
    %get3A_0 = arith.constant 0 : index
    %get3A_1 = arith.constant 0 : index
    %get3A_2 = vector.load %arg1[%get3A, %get3A_0, %get3A_1] : memref<2x5000x64xf32, #tpu.memory_space<vmem>>, vector<2x5000x64xf32>
    %get3A_3 = arith.constant 0 : index
    %get3A_4 = arith.constant 0 : index
    %get3A_5 = vector.load %arg3[%get3A_3, %get3A_4] : memref<5000x16xf32, #tpu.memory_space<vmem>>, vector<5000x16xf32>
    %slice3A = vector.extract_strided_slice %get3A_5 {offsets = [0, 0], sizes = [5000, 1], strides = [1, 1]} : vector<5000x16xf32> to vector<5000x1xf32>
    %slice3A_6 = vector.extract_strided_slice %get3A_2 {offsets = [0, 0, 0], sizes = [1, 5000, 64], strides = [1, 1, 1]} : vector<2x5000x64xf32> to vector<1x5000x64xf32>
    %squeeze3A = vector.shape_cast %slice3A_6 : vector<1x5000x64xf32> to vector<5000x64xf32>
    %slice3A_7 = vector.extract_strided_slice %get3A_2 {offsets = [1, 0, 0], sizes = [1, 5000, 64], strides = [1, 1, 1]} : vector<2x5000x64xf32> to vector<1x5000x64xf32>
    %squeeze3A_8 = vector.shape_cast %slice3A_7 : vector<1x5000x64xf32> to vector<5000x64xf32>
    %add3A = arith.addf %squeeze3A, %squeeze3A_8 : vector<5000x64xf32>
    %get3A_9 = arith.constant 0 : index
    %get3A_10 = arith.constant 0 : index
    %get3A_11 = vector.load %arg2[%get3A_9, %get3A_10] : memref<5000x64xf32, #tpu.memory_space<vmem>>, vector<5000x64xf32>
    %add3A_12 = arith.addf %add3A, %get3A_11 : vector<5000x64xf32>
    %mul3A = vector.broadcast %slice3A : vector<5000x1xf32> to vector<5000x64xf32>
    %mul3A_13 = arith.mulf %add3A_12, %mul3A : vector<5000x64xf32>
    %get3A_14 = arith.constant 0 : index
    %get3A_15 = arith.constant 0 : index
    %get3A_16 = vector.load %arg4[%get3A_14, %get3A_15] : memref<1x64xf32, #tpu.memory_space<vmem>>, vector<1x64xf32>
    %add3A_17 = vector.broadcast %get3A_16 : vector<1x64xf32> to vector<5000x64xf32>
    %add3A_18 = arith.addf %mul3A_13, %add3A_17 : vector<5000x64xf32>
    %swap3A = arith.constant 0 : index
    %swap3A_19 = arith.constant 0 : index
    %swap3A_20 = vector.load %arg5[%swap3A, %swap3A_19] : memref<5000x64xf32, #tpu.memory_space<vmem>>, vector<5000x64xf32>
    tpu.vector_store %arg5[%swap3A, %swap3A_19], %add3A_18 {strides = array<i32>} : memref<5000x64xf32, #tpu.memory_space<vmem>>, vector<5000x64xf32>,
    return
  }
  func.func @transform_0(%arg0: i32) -> (i32, i32, i32) {
    %c0_i32 = arith.constant 0 : i32
    %c0_i32_0 = arith.constant 0 : i32
    %c0_i32_1 = arith.constant 0 : i32
    return %c0_i32, %arg0, %c0_i32_0 : i32, i32, i32
  }
  func.func @transform_1(%arg0: i32) -> (i32, i32) {
    %c0_i32 = arith.constant 0 : i32
    %c0_i32_0 = arith.constant 0 : i32
    return %arg0, %c0_i32 : i32, i32
  }
  func.func @transform_2(%arg0: i32) -> (i32, i32) {
    %c0_i32 = arith.constant 0 : i32
    %c0_i32_0 = arith.constant 0 : i32
    return %arg0, %c0_i32 : i32, i32
  }
  func.func @transform_3(%arg0: i32) -> (i32, i32) {
    %c0_i32 = arith.constant 0 : i32
    %c0_i32_0 = arith.constant 0 : i32
    %c0_i32_1 = arith.constant 0 : i32
    return %c0_i32, %c0_i32_0 : i32, i32
  }
  func.func @transform_4(%arg0: i32) -> (i32, i32) {
    %c0_i32 = arith.constant 0 : i32
    %c0_i32_0 = arith.constant 0 : i32
    return %arg0, %c0_i32 : i32, i32
  }
}

</mosaic_0001>

<sc_bundles>
// kernel: kernel.14.cloned.1.call-start
scs
__scs_entry_jumppad:
0x0: {  	(pc) =	sbr.rel $0x88, $3  }
0x1: {  	(tag) =	ssettag $0x0;
	lr =	simm.s32 $0x1  }
0x2: {  	[smem:$0x3F95] =	sst lr;
	_ =	strace $0xD0000000  }
0x3: {  	_ = 	snop  }
0x4: {  	_ = 	snop  }
0x5: {  	_ = 	snop  }
0x6: {  	_ = 	snop  }
0x7: {  	_ = 	snop  }
__scs_overlays_trampoline_lowered:
0x8: {  	[smem:$0x3FA4] =	sst s0  }
0x9: {  	[smem:$0x3FA5] =	sst s1  }
0xa: {  	[smem:$0x3FA6] =	sst s2  }
0xb: {  	[smem:$0x3FA7] =	sst s3  }
0xc: {  	[smem:$0x3FA8] =	sst s4  }
0xd: {  	[smem:$0x3FA9] =	sst s5  }
0xe: {  	[smem:$0x3FAA] =	sst s6  }
0xf: {  	[smem:$0x3FAB] =	sst s7  }
0x10: {  	[smem:$0x3FAC] =	sst s8  }
0x11: {  	[smem:$0x3FAD] =	sst s9;
	s0 =	simm.s32 @!p0 $0x0  }
0x12: {  	s1 =	sld [smem:$0x3F93];
	s0 =	simm.s32 @p0 $0x1  }
0x13: {  	[smem:$0x3FAE] =	sst s0;
	s0 =	simm.s32 @!p1 $0x0  }
0x14: {  	s2 =	sld [smem:$0x3F92];
	s0 =	simm.s32 @p1 $0x1  }
0x15: {  	[smem:$0x3FAF] =	sst s0;
	s0 =	simm.s32 @!p2 $0x0  }
0x16: {  	s3 =	sld [smem:$0x3FDB];
	s0 =	simm.s32 @p2 $0x1  }
0x17: {  	s4 =	simm.s32 $0x1BF5;
	[smem:$0x3FB1] =	sst s0  }
0x18: {  	s0 =	sld [smem:$0x3F94];
	_ =	swait.ge [sflag:s4], $0x0  }
0x19: {  	s7 =	sld [smem:$0x3F95]  }
0x1a: {  	s8 =	sadd.s32 $0xFFFFE003, lr  }
0x1b: {  	s9 =	sadd.s32 $0xFFFFFEF7, lr;
	s5 =	simm.s32 $0xFFFFFFFF;
	p2 =	slt.u32 s8, $0xFFFFF086  }
0x1c: {  	p1 =	slt.u32 s9, $0xF7A;
	s5 =	simm.s32 @!p2 $0x0  }
0x1d: {  	s5 =	simm.s32 @p1 $0x1;
	p0 =	seq.s32 s7, s2  }
0x1e: {  	s7 =	smul.u32 @!p0 $0xF7A, s2;
	p2 =	seq.s32 @!p0 s5, $0x0  }
0x1f: {  	s9 =	smul.u32 $0xF7A, s1;
	s8 =	simm.s32 @!p0 $0x1BF5;
	p2 =	por !p2, p0  }
0x20: {  	[sflag:s8] =	ssyncset.s32 @!p0 $0xFFFFF086;
	s6 =	sadd.s32 @!p0 s3, s7;
	s7 =	simm.s32 @!p0 $0x108  }
0x21: {  	s3 =	sadd.s32 s3, s9;
	s6 =	sadd.s32 @!p0 $0x88, s6;
	s7 =	simm.s32 @p2 $0x1082  }
0x22: {  	[simem:s7], [sflag:s8] =	dma.local @!p0 [hbm:s6], $0xF7A  }
0x23: {  	s9 =	sor.u32 $0xD0000000, s2;
	s6 =	simm.s32 $0x108;
	_ =	swait.ge @!p0 [sflag:s8], $0x0  }
0x24: {  	s3 =	sadd.s32 $0x88, s3;
	s6 =	simm.s32 @!p1 $0x1082;
	[sflag:s4] =	ssyncset.s32 $0xFFFFF086  }
0x25: {  	[simem:s6], [sflag:s4] =	dma.local [hbm:s3], $0xF7A  }
0x26: {  	[smem:$0x3F95] =	sst s1;
	(tag) =	ssettag s2;
	_ =	strace s9  }
0x27: {  	s1 =	sld [smem:$0x3FA5]  }
0x28: {  	s2 =	sld [smem:$0x3FA6]  }
0x29: {  	s4 =	sld [smem:$0x3FA8]  }
0x2a: {  	p0 =	seq.s32 s5, $0x0;
	s5 =	sld [smem:$0x3FA9]  }
0x2b: {  	s6 =	sld [smem:$0x3FAA]  }
0x2c: {  	s7 =	sld [smem:$0x3FAB]  }
0x2d: {  	s3 =	simm.s32 $0x108;
	s8 =	sld [smem:$0x3FAC]  }
0x2e: {  	s3 =	simm.s32 @!p0 $0x1082;
	s9 =	sld [smem:$0x3FAD]  }
0x2f: {  	lr =	sadd.s32 s0, s3;
	s0 =	sld [smem:$0x3FA4]  }
0x30: {  	s3 =	sld [smem:$0x3FA7]  }
0x31: {  	[smem:$0x3FB0] =	sst s10  }
0x32: {  	s10 =	sld [smem:$0x3FAE];
	_ =	sdelay $0x3  }
0x33: {  	p0 =	seq.s32 s10, $0x1;
	s10 =	sld [smem:$0x3FB0];
	_ =	sdelay $0x3  }
0x34: {  	[smem:$0x3FB0] =	sst s10  }
0x35: {  	s10 =	sld [smem:$0x3FAF];
	_ =	sdelay $0x3  }
0x36: {  	p1 =	seq.s32 s10, $0x1;
	s10 =	sld [smem:$0x3FB0];
	_ =	sdelay $0x3  }
0x37: {  	[smem:$0x3FB0] =	sst s10  }
0x38: {  	s10 =	sld [smem:$0x3FB1]  }
0x39: {  	_ = 	snop;
	(pc) =	sbr.ind lr, $3  }
0x3a: {  	_ = 	snop  }
0x3b: {  	_ = 	snop  }
0x3c: {  	p2 =	seq.s32 s10, $0x1;
	s10 =	sld [smem:$0x3FB0]  }
0x3d: {  	_ =	shalt  }
0x3e: {  	_ =	shalt  }
0x3f: {  	_ =	shalt  }
0x40: {  	_ =	shalt  }
0x41: {  	_ =	shalt  }
0x42: {  	_ =	shalt  }
0x43: {  	_ =	shalt  }
0x44: {  	_ =	shalt  }
0x45: {  	_ =	shalt  }
0x46: {  	_ =	shalt  }
0x47: {  	_ =	shalt  }
0x48: {  	_ =	shalt  }
0x49: {  	_ =	shalt  }
0x4a: {  	_ =	shalt  }
0x4b: {  	_ =	shalt  }
0x4c: {  	_ =	shalt  }
0x4d: {  	_ =	shalt  }
0x4e: {  	_ =	shalt  }
0x4f: {  	_ =	shalt  }
0x50: {  	_ =	shalt  }
0x51: {  	_ =	shalt  }
0x52: {  	_ =	shalt  }
0x53: {  	_ =	shalt  }
0x54: {  	_ =	shalt  }
0x55: {  	_ =	shalt  }
0x56: {  	_ =	shalt  }
0x57: {  	_ =	shalt  }
0x58: {  	_ =	shalt  }
0x59: {  	_ =	shalt  }
0x5a: {  	_ =	shalt  }
0x5b: {  	_ =	shalt  }
0x5c: {  	_ =	shalt  }
0x5d: {  	_ =	shalt  }
0x5e: {  	_ =	shalt  }
0x5f: {  	_ =	shalt  }
0x60: {  	_ =	shalt  }
0x61: {  	_ =	shalt  }
0x62: {  	_ =	shalt  }
0x63: {  	_ =	shalt  }
0x64: {  	_ =	shalt  }
0x65: {  	_ =	shalt  }
0x66: {  	_ =	shalt  }
0x67: {  	_ =	shalt  }
0x68: {  	_ =	shalt  }
0x69: {  	_ =	shalt  }
0x6a: {  	_ =	shalt  }
0x6b: {  	_ =	shalt  }
0x6c: {  	_ =	shalt  }
0x6d: {  	_ =	shalt  }
0x6e: {  	_ =	shalt  }
0x6f: {  	_ =	shalt  }
0x70: {  	_ =	shalt  }
0x71: {  	_ =	shalt  }
0x72: {  	_ =	shalt  }
0x73: {  	_ =	shalt  }
0x74: {  	_ =	shalt  }
0x75: {  	_ =	shalt  }
0x76: {  	_ =	shalt  }
0x77: {  	_ =	shalt  }
0x78: {  	_ =	shalt  }
0x79: {  	_ =	shalt  }
0x7a: {  	_ =	shalt  }
0x7b: {  	_ =	shalt  }
0x7c: {  	_ =	shalt  }
0x7d: {  	_ =	shalt  }
0x7e: {  	_ =	shalt  }
0x7f: {  	_ =	shalt  }
0x80: {  	_ =	shalt  }
0x81: {  	_ =	shalt  }
0x82: {  	_ =	shalt  }
0x83: {  	_ =	shalt  }
0x84: {  	_ =	shalt  }
0x85: {  	_ =	shalt  }
0x86: {  	_ =	shalt  }
0x87: {  	_ =	shalt  }
.Lfunc_end0:
.L_simem_size_0:
called_computation_lowered:
.L_overlay_start_0:
0x88: {  	s2 =	sld [smem:$0x3FD9]  }
0x89: {  	s3 =	sld [smem:$0x3FFE];
	_ =	sdelay $0x1  }
0x8a: {  	s1 =	srdreg.scid  }
0x8b: {  	s0 =	sand.u32 $0x1, s1  }
0x8c: {  	s16 =	sshll.u32 s0, $0xA;
	s2 =	sadd.s32 s3, s2  }
0x8d: {  	s2 =	sadd.s32 s2, s16  }
0x8e: {  	[smem:$0x3FBC] =	sst s2  }
0x8f: {  	_ = 	snop  }
0x90: {  	(tm) =	ssettm $0x1  }
0x91: {  	s17 =	sld [smem:$0x3FFB];
	_ =	sdelay $0x3  }
0x92: {  	_ =	strace s17  }
0x93: {  	s2 =	sld [smem:$0x3FFC];
	_ =	sdelay $0x3  }
0x94: {  	_ =	strace s2  }
0x95: {  	s2 =	sld [smem:$0x3FFD];
	_ =	sdelay $0x3  }
0x96: {  	_ =	strace s2  }
0x97: {  	_ =	strace $0x8FFFFFFF  }
0x98: {  	s18 =	sld [smem:$0x3FDB];
	_ =	sdelay $0x1  }
0x99: {  	s19 =	simm.s32 $_scs_section_size  }
0x9a: {  	s4 =	simm.s32 $_size__tile_overlayer_lowered;
	s5 =	simm.s32 $_tile_overlayer_lowered  }
0x9b: {  	s22 =	simm.s32 $0x1BFF;
	s21 =	sshll.u32 s5, $0x1;
	s2 =	sadd.s32 s19, s18  }
0x9c: {  	s6 =	simm.s32 $0x0;
	s20 =	sshll.u32 s4, $0x1;
	s4 =	sadd.s32 s21, s2  }
0x9d: {  	[timem:s6], [sflag:s22] =	dma.local [hbm:s4], s20  }
0x9e: {  	_ =	swait.ge [sflag:s22], s20  }
0x9f: {  	s3 =	ssub.s32 $0x0, s20;
	[sflag:s22] =	ssyncset.done $0x0  }
0xa0: {  	[sflag:s22] =	ssyncadd.s32 s3;
	_ =	sdelay $0x1  }
0xa1: {  	s23 =	simm.s32 $0x1B8B  }
0xa2: {  	_ =	swait.ge [sflag:s23], $0x1  }
0xa3: {  	[sflag:s23] =	ssyncset.done $0x0  }
0xa4: {  	s25 =	simm.s32 $0x1B8E;
	s24 =	sld [smem:$0x3FFE];
	[sflag:s23] =	ssyncadd.s32 $0xFFFFFFFF  }
0xa5: {  	s26 =	simm.s32 $execute0_lowered;
	[smem:$0x3FD2] =	sst s25  }
0xa6: {  	s4 =	sshll.u32 s26, $0x1;
	_ =	strace $0x80000046;
	[dreg:$0x1] =	wrdreg $0xFFFFFFFF  }
0xa7: {  	s28 =	simm.s32 $_size_execute0_lowered;
	s2 =	sadd.s32 s2, s4;
	[dreg:$0x0] =	wrdreg $0x0  }
0xa8: {  	s4 =	sshll.u32 s28, $0x1;
	[dreg:$0x2] =	wrdreg s2  }
0xa9: {  	[dreg:$0x3] =	wrdreg s4  }
0xaa: {  	[dreg:$0x4] =	wrdreg $0xC0  }
0xab: {  	_ =	task [dreg:s6], $0x5FFFF  }
0xac: {  	[dreg:$0x1] =	wrdreg $0xFFFFFFFF  }
0xad: {  	[dreg:$0x0] =	wrdreg $0x60  }
0xae: {  	[dreg:$0x2] =	wrdreg s24  }
0xaf: {  	[dreg:$0x3] =	wrdreg $0x2FD00  }
0xb0: {  	[dreg:$0x4] =	wrdreg $0x9  }
0xb1: {  	_ =	task.clear_ibuf [dreg:s6], $0x5FFFF;
	_ =	strace $0x90000046  }
0xb2: {  	s29 =	simm.s32 $0x9;
	_ =	strace $0x80000048  }
0xb3: {  	_ =	swait.ge [sflag:s29], $0x1  }
0xb4: {  	[sflag:s29] =	ssyncadd.s32 $0xFFFFFFFF  }
0xb5: {  	_ =	strace $0x90000048  }
0xb6: {  	_ =	sfence  }
0xb7: {  	s30 =	sld [smem:$0x0];
	_ =	sdelay $0x2  }
0xb8: {  	s31 =	sshll.u32 s1, $0xD;
	s1 =	sshrl.u32 s1, $0x2  }
0xb9: {  	s3 =	sand.u32 $0x4000, s31;
	s1 =	sadd.s32 s1, s30  }
0xba: {  	s0 =	sor.u32 s3, s0;
	s1 =	sshll.u32 s1, $0x11  }
0xbb: {  	s0 =	sor.u32 s1, s0  }
0xbc: {  	s0 =	sadd.s32 $0x8F2B, s0  }
0xbd: {  	[sflag:s0] =	ssyncadd.remote.s32 $0x1  }
0xbe: {  	_ =	sfence.sel $0xFFFF  }
0xbf: {  	[dreg:$0x0] =	wrdreg $0xFFFFFFFF;
	(pc) =	sbr.abs _section_cstart, $3  }
0xc0: {  	[dreg:$0x1] =	wrdreg $0xFFFFFFFF  }
0xc1: {  	_ =	task.clear_ibuf [dreg:s6], $0x2FFFF;
	_ =	strace $0x9FFFFFFF  }
0xc2: {  	(tm) =	ssettm $0x7FFFFFFF  }
0xc3: {  	_ =	shalt  }
tec
execute0_lowered:
.L_overlay_start_1:
0x0: {  	(tag) =	ssettag $0x1  }
0x1: {  	s1 =	srdreg.scid;
	s7 =	rddreg [dreg:$0x0]  }
0x2: {  	s0 =	stileid.u32;
	s2 =	rddreg [dreg:$0x1];
	s3 =	simm.s32 $0x0  }
0x3: {  	s13 =	simm.s32 $0x1;
	s14 =	simm.s32 $0x7D;
	s15 =	simm.s32 $0x2  }
0x4: {  	s16 =	simm.s32 $0x2780;
	s18 =	simm.s32 $0x0;
	s6 =	sand.u32 $0x1, s1  }
0x5: {  	s30 =	sshll.u32 s0, $0x1;
	s8 =	smul.u32 $0x2780, s0;
	[smem:$0x7FF] =	sst s3  }
0x6: {  	s17 =	sshll.u32 s0, $0x6;
	s1 =	sor.u32 s6, s30;
	s5 =	smul.u32 $0x27800, s6  }
0x7: {  	s6 =	ssub.s32 $0x2, s6;
	s4 =	smul.u32 $0x500, s1;
	s1 =	rddreg [dreg:$0x2]  }
0x8: {  	_ =	strace $0x80000047;
	s31 =	sshrl.u32 s6, $0x1;
	s12 =	sadd.s32 s8, s2  }
0x9: {  	s10 =	sadd.s32 s8, s5;
	s5 =	sadd.s32 $0x18800, s7;
	s11 =	ssub.s32 s6, s31  }
0xa: {  	s6 =	sor.u32 $0x1C01, s17;
	s17 =	sor.u32 $0x1C03, s17;
	s10 =	sshrl.u32 s10, $0x3  }
0xb: {  	s9 =	sadd.s32 s4, s7;
	s4 =	sadd.s32 $0x18200, s7;
	s10 =	sadd.s32 s10, s7  }
0xc: {  	s7 =	sadd.s32 $0xE200, s9;
	s9 =	smax.u32 s11, $0x1;
	s11 =	simm.s32 $0x3  }
0xd: {  	s8 =	sadd.s32 $0x18A00, s10;
	s10 =	sshrl.u32 s12, $0x3;
	s12 =	simm.s32 $0x2800  }
.LBB2_1:
0xe: {  	[spmem:s10], [sflag:s6] =	dma.local [hbm:s4], $0x4F0  }
0xf: {  	[tilespmem:s3], [sflag:$0x3] =	stream.linear.gather [hbm4b:s7+s3], $0x2800, $0x38;
	[tilespmem:$0x5750] =	vst v63  }
0x10: {  	_ =	swait.ge [sflag:s11], $0x2800  }
0x11: {  	[sflag:s11] =	ssyncset.done $0x0  }
0x12: {  	[sflag:s11] =	ssyncadd.s32 $0xFFFFD800  }
0x13: {  	[tilespmem:s12], [sflag:$0x3] =	stream.linear.gather [hbm4b:s5+s3], $0x7D0, $0x38;
	[tilespmem:$0x5750] =	vst v63  }
0x14: {  	_ =	swait.ge [sflag:s11], $0x7D0  }
0x15: {  	[sflag:s11] =	ssyncset.done $0x0  }
0x16: {  	[sflag:s11] =	ssyncadd.s32 $0xFFFFF830  }
0x17: {  	_ =	swait.ge [sflag:s13], $0x4F0  }
0x18: {  	[sflag:s13] =	ssyncset.done $0x0  }
0x19: {  	[sflag:s13] =	ssyncadd.s32 $0xFFFFFB10  }
0x1a: {  	[bflag:$0x0] =	sbarrier.arrive $0xFFFF  }
0x1b: {  	[spmem:s2] =	stream.indirect.scatter.add.f32 [tilespmem:s12], [sflag:$0x1], $0x10, s3, s14, $0xb8;
	[tilespmem:$0x5750] =	vst v63  }
0x1c: {  	s19 =	simm.s32 $0x80  }
0x1d: {  	[spmem:s2] =	stream.indirect.scatter.add.f32 [tilespmem:s12], [sflag:$0x2], $0x10, s19, s14, $0xb8;
	[tilespmem:$0x5750] =	vst v63  }
0x1e: {  	_ =	swait.ge [sflag:s13], $0x7D0  }
0x1f: {  	[sflag:s13] =	ssyncset.done $0x0  }
0x20: {  	s31 =	simm.s32 $0x100;
	[sflag:s13] =	ssyncadd.s32 $0xFFFFF830  }
0x21: {  	[spmem:s2] =	stream.indirect.scatter.add.f32 [tilespmem:s12], [sflag:$0x1], $0x10, s31, s14, $0xb8;
	[tilespmem:$0x5750] =	vst v63  }
0x22: {  	_ =	swait.ge [sflag:s15], $0x7D0  }
0x23: {  	s20 =	simm.s32 $0xFFFF6C00;
	s19 =	simm.s32 $0xFFFFDA00;
	[sflag:s15] =	ssyncset.done $0x0  }
.LBB2_2:
0x24: {  	s21 =	sadd.s32 $0x2780, s19  }
0x25: {  	[sflag:s15] =	ssyncadd.s32 $0xFFFFF830;
	s22 =	smov.u32 s20;
	s23 =	sadd.s32 $0x400, s20  }
0x26: {  	[spmem:s2] =	stream.indirect.scatter.add.f32 [tilespmem:s12], [sflag:$0x2], $0x10, s21, s14, $0xb8;
	[tilespmem:$0x5750] =	vst v63  }
0x27: {  	p0 =	sne.s32 s20, $0xFFFFFC00;
	_ =	swait.ge [sflag:s13], $0x7D0  }
.Ltmp0:
0x28: {  	[sflag:s13] =	ssyncset.done $0x0;
	(pc) =	sbr.rel @p0 .LBB2_2-.Ltmp0, $4  }
0x29: {  	s19 =	sadd.s32 $0x2800, s19;
	[sflag:s13] =	ssyncadd.s32 $0xFFFFF830  }
0x2a: {  	[spmem:s2] =	stream.indirect.scatter.add.f32 [tilespmem:s12], [sflag:$0x1], $0x10, s19, s14, $0xb8;
	[tilespmem:$0x5750] =	vst v63  }
0x2b: {  	_ =	swait.ge [sflag:s15], $0x7D0  }
0x2c: {  	s20 =	smov.u32 s23;
	s19 =	sshra.s32 s22, $0x2;
	[sflag:s15] =	ssyncset.done $0x0  }
0x2d: {  	s20 =	sadd.s32 $0x2780, s19;
	[sflag:s15] =	ssyncadd.s32 $0xFFFFF830  }
0x2e: {  	[spmem:s2] =	stream.indirect.scatter.add.f32 [tilespmem:s12], [sflag:$0x2], $0x10, s20, s14, $0xb8;
	[tilespmem:$0x5750] =	vst v63  }
0x2f: {  	_ =	swait.ge [sflag:s13], $0x7D0  }
0x30: {  	[sflag:s13] =	ssyncset.done $0x0  }
0x31: {  	s31 =	sadd.s32 $0x2800, s19;
	[sflag:s13] =	ssyncadd.s32 $0xFFFFF830  }
0x32: {  	[spmem:s2] =	stream.indirect.scatter.add.f32 [tilespmem:s12], [sflag:$0x1], $0x10, s31, s14, $0xb8;
	[tilespmem:$0x5750] =	vst v63  }
0x33: {  	_ =	swait.ge [sflag:s15], $0x7D0  }
0x34: {  	[sflag:s15] =	ssyncset.done $0x0  }
0x35: {  	[sflag:s15] =	ssyncadd.s32 $0xFFFFF830  }
0x36: {  	[spmem:s2] =	stream.indirect.scatter.add.f32 [tilespmem:s12], [sflag:$0x2], $0x10, s16, s14, $0xb8;
	[tilespmem:$0x5750] =	vst v63  }
0x37: {  	_ =	swait.ge [sflag:s13], $0x7D0  }
0x38: {  	[sflag:s13] =	ssyncset.done $0x0  }
0x39: {  	[sflag:s13] =	ssyncadd.s32 $0xFFFFF830  }
0x3a: {  	_ =	swait.ge [sflag:s15], $0x7D0  }
0x3b: {  	s18 =	sadd.s32 $0x1, s18;
	[sflag:s15] =	ssyncset.done $0x0  }
0x3c: {  	p0 =	sne.s32 s18, s9;
	[sflag:s15] =	ssyncadd.s32 $0xFFFFF830  }
.Ltmp1:
0x3d: {  	[bflag:$0x0] =	sbarrier.arrive $0xFFFF;
	(pc) =	sbr.rel @p0 .LBB2_1-.Ltmp1, $4  }
0x3e: {  	[hbm:s8], [sflag:s17] =	dma.local [spmem:s10], $0x4F0  }
0x3f: {  	_ =	swait.ge [sflag:s11], $0x4F0  }
0x40: {  	[sflag:s11] =	ssyncset.done $0x0  }
0x41: {  	[sflag:s11] =	ssyncadd.s32 $0xFFFFFB10  }
0x42: {  	_ =	sfence.sel $0x180000  }
0x43: {  	[bflag:$0x0] =	sbarrier.arrive $0xFFFF  }
0x44: {  	p0 =	sne.s32 s0, $0x0;
	_ =	strace $0x90000047  }
0x45: {  	s0 =	sadd.s32 @!p0 $0x100000, s1;
	[bflag:$0x2] =	sbarrier.arrive $0xFFFF  }
0x46: {  	[sflag:s0] =	ssyncadd.tile.s32 @!p0 $0x1;
	_ =	shalt  }
.Lfunc_end2:
_tile_overlayer_lowered:
.L_overlay_start_2:
0x47: {  	(tag) =	ssettag $0x2  }
0x48: {  	s0 =	rddreg [dreg:$0x0];
	s2 =	stileid.u32  }
0x49: {  	s1 =	rddreg [dreg:$0x1];
	p0 =	sne.s32 s2, $0x0  }
0x4a: {  	s3 =	rddreg [dreg:$0x2];
	[bflag:$0x3] =	sbarrier.arrive $0xFFFF;
	s2 =	simm.s32 @!p0 $0x1C03  }
0x4b: {  	[timem:s3], [sflag:s2] =	dma.local @!p0 [hbm:s0], s1  }
0x4c: {  	s0 =	simm.s32 @!p0 $0x3  }
0x4d: {  	_ =	swait.ge @!p0 [sflag:s0], s1  }
0x4e: {  	s1 =	ssub.s32 @!p0 $0x0, s1;
	[sflag:s0] =	ssyncset.done @!p0 $0x0  }
0x4f: {  	[sflag:s0] =	ssyncadd.s32 @!p0 s1  }
0x50: {  	[bflag:$0x3] =	sbarrier.arrive $0xFFFF  }
0x51: {  	_ =	shalt  }

// kernel: kernel.17.cloned.1.call-start
scs
__scs_entry_jumppad:
0x0: {  	(pc) =	sbr.rel $0x88, $3  }
0x1: {  	(tag) =	ssettag $0x0;
	lr =	simm.s32 $0x1  }
0x2: {  	[smem:$0x3F95] =	sst lr;
	_ =	strace $0xD0000000  }
0x3: {  	_ = 	snop  }
0x4: {  	_ = 	snop  }
0x5: {  	_ = 	snop  }
0x6: {  	_ = 	snop  }
0x7: {  	_ = 	snop  }
__scs_overlays_trampoline_lowered:
0x8: {  	[smem:$0x3FA4] =	sst s0  }
0x9: {  	[smem:$0x3FA5] =	sst s1  }
0xa: {  	[smem:$0x3FA6] =	sst s2  }
0xb: {  	[smem:$0x3FA7] =	sst s3  }
0xc: {  	[smem:$0x3FA8] =	sst s4  }
0xd: {  	[smem:$0x3FA9] =	sst s5  }
0xe: {  	[smem:$0x3FAA] =	sst s6  }
0xf: {  	[smem:$0x3FAB] =	sst s7  }
0x10: {  	[smem:$0x3FAC] =	sst s8  }
0x11: {  	[smem:$0x3FAD] =	sst s9;
	s0 =	simm.s32 @!p0 $0x0  }
0x12: {  	s1 =	sld [smem:$0x3F93];
	s0 =	simm.s32 @p0 $0x1  }
0x13: {  	[smem:$0x3FAE] =	sst s0;
	s0 =	simm.s32 @!p1 $0x0  }
0x14: {  	s2 =	sld [smem:$0x3F92];
	s0 =	simm.s32 @p1 $0x1  }
0x15: {  	[smem:$0x3FAF] =	sst s0;
	s0 =	simm.s32 @!p2 $0x0  }
0x16: {  	s3 =	sld [smem:$0x3FDB];
	s0 =	simm.s32 @p2 $0x1  }
0x17: {  	s4 =	simm.s32 $0x1BF5;
	[smem:$0x3FB1] =	sst s0  }
0x18: {  	s0 =	sld [smem:$0x3F94];
	_ =	swait.ge [sflag:s4], $0x0  }
0x19: {  	s7 =	sld [smem:$0x3F95]  }
0x1a: {  	s8 =	sadd.s32 $0xFFFFE003, lr  }
0x1b: {  	s9 =	sadd.s32 $0xFFFFFEF7, lr;
	s5 =	simm.s32 $0xFFFFFFFF;
	p2 =	slt.u32 s8, $0xFFFFF086  }
0x1c: {  	p1 =	slt.u32 s9, $0xF7A;
	s5 =	simm.s32 @!p2 $0x0  }
0x1d: {  	s5 =	simm.s32 @p1 $0x1;
	p0 =	seq.s32 s7, s2  }
0x1e: {  	s7 =	smul.u32 @!p0 $0xF7A, s2;
	p2 =	seq.s32 @!p0 s5, $0x0  }
0x1f: {  	s9 =	smul.u32 $0xF7A, s1;
	s8 =	simm.s32 @!p0 $0x1BF5;
	p2 =	por !p2, p0  }
0x20: {  	[sflag:s8] =	ssyncset.s32 @!p0 $0xFFFFF086;
	s6 =	sadd.s32 @!p0 s3, s7;
	s7 =	simm.s32 @!p0 $0x108  }
0x21: {  	s3 =	sadd.s32 s3, s9;
	s6 =	sadd.s32 @!p0 $0x88, s6;
	s7 =	simm.s32 @p2 $0x1082  }
0x22: {  	[simem:s7], [sflag:s8] =	dma.local @!p0 [hbm:s6], $0xF7A  }
0x23: {  	s9 =	sor.u32 $0xD0000000, s2;
	s6 =	simm.s32 $0x108;
	_ =	swait.ge @!p0 [sflag:s8], $0x0  }
0x24: {  	s3 =	sadd.s32 $0x88, s3;
	s6 =	simm.s32 @!p1 $0x1082;
	[sflag:s4] =	ssyncset.s32 $0xFFFFF086  }
0x25: {  	[simem:s6], [sflag:s4] =	dma.local [hbm:s3], $0xF7A  }
0x26: {  	[smem:$0x3F95] =	sst s1;
	(tag) =	ssettag s2;
	_ =	strace s9  }
0x27: {  	s1 =	sld [smem:$0x3FA5]  }
0x28: {  	s2 =	sld [smem:$0x3FA6]  }
0x29: {  	s4 =	sld [smem:$0x3FA8]  }
0x2a: {  	p0 =	seq.s32 s5, $0x0;
	s5 =	sld [smem:$0x3FA9]  }
0x2b: {  	s6 =	sld [smem:$0x3FAA]  }
0x2c: {  	s7 =	sld [smem:$0x3FAB]  }
0x2d: {  	s3 =	simm.s32 $0x108;
	s8 =	sld [smem:$0x3FAC]  }
0x2e: {  	s3 =	simm.s32 @!p0 $0x1082;
	s9 =	sld [smem:$0x3FAD]  }
0x2f: {  	lr =	sadd.s32 s0, s3;
	s0 =	sld [smem:$0x3FA4]  }
0x30: {  	s3 =	sld [smem:$0x3FA7]  }
0x31: {  	[smem:$0x3FB0] =	sst s10  }
0x32: {  	s10 =	sld [smem:$0x3FAE];
	_ =	sdelay $0x3  }
0x33: {  	p0 =	seq.s32 s10, $0x1;
	s10 =	sld [smem:$0x3FB0];
	_ =	sdelay $0x3  }
0x34: {  	[smem:$0x3FB0] =	sst s10  }
0x35: {  	s10 =	sld [smem:$0x3FAF];
	_ =	sdelay $0x3  }
0x36: {  	p1 =	seq.s32 s10, $0x1;
	s10 =	sld [smem:$0x3FB0];
	_ =	sdelay $0x3  }
0x37: {  	[smem:$0x3FB0] =	sst s10  }
0x38: {  	s10 =	sld [smem:$0x3FB1]  }
0x39: {  	_ = 	snop;
	(pc) =	sbr.ind lr, $3  }
0x3a: {  	_ = 	snop  }
0x3b: {  	_ = 	snop  }
0x3c: {  	p2 =	seq.s32 s10, $0x1;
	s10 =	sld [smem:$0x3FB0]  }
0x3d: {  	_ =	shalt  }
0x3e: {  	_ =	shalt  }
0x3f: {  	_ =	shalt  }
0x40: {  	_ =	shalt  }
0x41: {  	_ =	shalt  }
0x42: {  	_ =	shalt  }
0x43: {  	_ =	shalt  }
0x44: {  	_ =	shalt  }
0x45: {  	_ =	shalt  }
0x46: {  	_ =	shalt  }
0x47: {  	_ =	shalt  }
0x48: {  	_ =	shalt  }
0x49: {  	_ =	shalt  }
0x4a: {  	_ =	shalt  }
0x4b: {  	_ =	shalt  }
0x4c: {  	_ =	shalt  }
0x4d: {  	_ =	shalt  }
0x4e: {  	_ =	shalt  }
0x4f: {  	_ =	shalt  }
0x50: {  	_ =	shalt  }
0x51: {  	_ =	shalt  }
0x52: {  	_ =	shalt  }
0x53: {  	_ =	shalt  }
0x54: {  	_ =	shalt  }
0x55: {  	_ =	shalt  }
0x56: {  	_ =	shalt  }
0x57: {  	_ =	shalt  }
0x58: {  	_ =	shalt  }
0x59: {  	_ =	shalt  }
0x5a: {  	_ =	shalt  }
0x5b: {  	_ =	shalt  }
0x5c: {  	_ =	shalt  }
0x5d: {  	_ =	shalt  }
0x5e: {  	_ =	shalt  }
0x5f: {  	_ =	shalt  }
0x60: {  	_ =	shalt  }
0x61: {  	_ =	shalt  }
0x62: {  	_ =	shalt  }
0x63: {  	_ =	shalt  }
0x64: {  	_ =	shalt  }
0x65: {  	_ =	shalt  }
0x66: {  	_ =	shalt  }
0x67: {  	_ =	shalt  }
0x68: {  	_ =	shalt  }
0x69: {  	_ =	shalt  }
0x6a: {  	_ =	shalt  }
0x6b: {  	_ =	shalt  }
0x6c: {  	_ =	shalt  }
0x6d: {  	_ =	shalt  }
0x6e: {  	_ =	shalt  }
0x6f: {  	_ =	shalt  }
0x70: {  	_ =	shalt  }
0x71: {  	_ =	shalt  }
0x72: {  	_ =	shalt  }
0x73: {  	_ =	shalt  }
0x74: {  	_ =	shalt  }
0x75: {  	_ =	shalt  }
0x76: {  	_ =	shalt  }
0x77: {  	_ =	shalt  }
0x78: {  	_ =	shalt  }
0x79: {  	_ =	shalt  }
0x7a: {  	_ =	shalt  }
0x7b: {  	_ =	shalt  }
0x7c: {  	_ =	shalt  }
0x7d: {  	_ =	shalt  }
0x7e: {  	_ =	shalt  }
0x7f: {  	_ =	shalt  }
0x80: {  	_ =	shalt  }
0x81: {  	_ =	shalt  }
0x82: {  	_ =	shalt  }
0x83: {  	_ =	shalt  }
0x84: {  	_ =	shalt  }
0x85: {  	_ =	shalt  }
0x86: {  	_ =	shalt  }
0x87: {  	_ =	shalt  }
.Lfunc_end0:
.L_simem_size_0:
called_computation.1_lowered:
.L_overlay_start_0:
0x88: {  	s2 =	sld [smem:$0x3FD9]  }
0x89: {  	s3 =	sld [smem:$0x3FFE];
	_ =	sdelay $0x1  }
0x8a: {  	s1 =	srdreg.scid  }
0x8b: {  	s0 =	sand.u32 $0x1, s1  }
0x8c: {  	s17 =	sshll.u32 s0, $0xA;
	s2 =	sadd.s32 s3, s2  }
0x8d: {  	s2 =	sadd.s32 s2, s17  }
0x8e: {  	[smem:$0x3FBC] =	sst s2  }
0x8f: {  	_ = 	snop  }
0x90: {  	s2 =	sld [smem:$0x3FD0];
	(tm) =	ssettm $0x1  }
0x91: {  	s18 =	sld [smem:$0x3FFB];
	_ =	sdelay $0x3  }
0x92: {  	_ =	strace s18  }
0x93: {  	s3 =	sld [smem:$0x3FFC];
	_ =	sdelay $0x3  }
0x94: {  	_ =	strace s3  }
0x95: {  	s3 =	sld [smem:$0x3FFD];
	_ =	sdelay $0x3  }
0x96: {  	_ =	strace s3  }
0x97: {  	_ =	strace $0x8FFFFFFF  }
0x98: {  	s19 =	sld [smem:$0x3FDB];
	_ =	sdelay $0x1  }
0x99: {  	s4 =	simm.s32 $_scs_section_size  }
0x9a: {  	s5 =	simm.s32 $_size__tile_overlayer_lowered;
	s6 =	simm.s32 $_tile_overlayer_lowered  }
0x9b: {  	s22 =	simm.s32 $0x1BFF;
	s21 =	sshll.u32 s6, $0x1;
	s3 =	sadd.s32 s4, s19  }
0x9c: {  	s7 =	simm.s32 $0x0;
	s20 =	sshll.u32 s5, $0x1;
	s5 =	sadd.s32 s21, s3  }
0x9d: {  	[timem:s7], [sflag:s22] =	dma.local [hbm:s5], s20  }
0x9e: {  	_ =	swait.ge [sflag:s22], s20  }
0x9f: {  	s4 =	ssub.s32 $0x0, s20;
	[sflag:s22] =	ssyncset.done $0x0  }
0xa0: {  	[sflag:s22] =	ssyncadd.s32 s4;
	_ =	sdelay $0x1  }
0xa1: {  	s23 =	simm.s32 $0x1B8B  }
0xa2: {  	_ =	swait.ge [sflag:s23], $0x1  }
0xa3: {  	[sflag:s23] =	ssyncset.done $0x0  }
0xa4: {  	s25 =	simm.s32 $0x1B8E;
	s24 =	sld [smem:$0x3FFE];
	[sflag:s23] =	ssyncadd.s32 $0xFFFFFFFF  }
0xa5: {  	s26 =	simm.s32 $execute0_lowered;
	[smem:$0x3FD2] =	sst s25  }
0xa6: {  	s5 =	sshll.u32 s26, $0x1;
	_ =	strace $0x80000049;
	[dreg:$0x1] =	wrdreg $0xFFFFFFFF  }
0xa7: {  	s28 =	simm.s32 $_size_execute0_lowered;
	s3 =	sadd.s32 s3, s5;
	[dreg:$0x0] =	wrdreg $0x0  }
0xa8: {  	s5 =	sshll.u32 s28, $0x1;
	[dreg:$0x2] =	wrdreg s3  }
0xa9: {  	[dreg:$0x3] =	wrdreg s5  }
0xaa: {  	[dreg:$0x4] =	wrdreg $0xC0  }
0xab: {  	_ =	task [dreg:s7], $0x5FFFF  }
0xac: {  	[dreg:$0x1] =	wrdreg $0xFFFFFFFF  }
0xad: {  	[dreg:$0x0] =	wrdreg $0x60  }
0xae: {  	[dreg:$0x2] =	wrdreg s24  }
0xaf: {  	[dreg:$0x3] =	wrdreg s2  }
0xb0: {  	[dreg:$0x4] =	wrdreg $0xA8000  }
0xb1: {  	[dreg:$0x5] =	wrdreg $0x9  }
0xb2: {  	_ =	task.clear_ibuf [dreg:s7], $0x6FFFF;
	_ =	strace $0x90000049  }
0xb3: {  	s29 =	simm.s32 $0x9;
	_ =	strace $0x8000004B  }
0xb4: {  	_ =	swait.ge [sflag:s29], $0x1  }
0xb5: {  	[sflag:s29] =	ssyncadd.s32 $0xFFFFFFFF  }
0xb6: {  	_ =	strace $0x9000004B  }
0xb7: {  	_ =	sfence  }
0xb8: {  	s30 =	sld [smem:$0x0];
	_ =	sdelay $0x2  }
0xb9: {  	s31 =	sshll.u32 s1, $0xD;
	s1 =	sshrl.u32 s1, $0x2  }
0xba: {  	s3 =	sand.u32 $0x4000, s31;
	s1 =	sadd.s32 s1, s30  }
0xbb: {  	s0 =	sor.u32 s3, s0;
	s1 =	sshll.u32 s1, $0x11  }
0xbc: {  	s0 =	sor.u32 s1, s0  }
0xbd: {  	s0 =	sadd.s32 $0x8F2B, s0  }
0xbe: {  	[sflag:s0] =	ssyncadd.remote.s32 $0x1  }
0xbf: {  	_ =	sfence.sel $0xFFFF  }
0xc0: {  	[dreg:$0x0] =	wrdreg $0xFFFFFFFF;
	(pc) =	sbr.abs _section_cstart, $3  }
0xc1: {  	[dreg:$0x1] =	wrdreg $0xFFFFFFFF  }
0xc2: {  	_ =	task.clear_ibuf [dreg:s7], $0x2FFFF;
	_ =	strace $0x9FFFFFFF  }
0xc3: {  	(tm) =	ssettm $0x7FFFFFFF  }
tec
execute0_lowered:
.L_overlay_start_1:
0x0: {  	(tag) =	ssettag $0x1  }
0x1: {  	s6 =	rddreg [dreg:$0x0]  }
0x2: {  	s10 =	rddreg [dreg:$0x1]  }
0x3: {  	s1 =	rddreg [dreg:$0x2]  }
0x4: {  	s2 =	srdreg.scid;
	s0 =	rddreg [dreg:$0x3]  }
0x5: {  	s3 =	simm.s32 $0x0;
	s16 =	simm.s32 $0x1400;
	s17 =	simm.s32 $0x1  }
0x6: {  	s18 =	simm.s32 $0x7D;
	s19 =	simm.s32 $0x2800;
	s20 =	simm.s32 $0x6800  }
0x7: {  	s21 =	simm.s32 $0x2;
	s22 =	simm.s32 $0x1380;
	s23 =	simm.s32 $0x2700  }
0x8: {  	s24 =	simm.s32 $0x2780;
	s7 =	sand.u32 $0x1, s2;
	s2 =	stileid.u32  }
0x9: {  	[smem:$0x7FF] =	sst s3;
	s4 =	sadd.s32 $0x18200, s6;
	s8 =	smul.u32 $0x13C000, s7  }
0xa: {  	s11 =	sadd.s32 $0x4200, s6;
	s5 =	sadd.s32 $0x3F400, s6;
	s9 =	smul.u32 $0x13C00, s2  }
0xb: {  	_ =	strace $0x8000004A;
	s25 =	sshll.u32 s2, $0x1;
	s12 =	ssub.s32 $0x2, s7  }
0xc: {  	s26 =	smul.u32 $0x4F000, s2;
	s7 =	sor.u32 s7, s25;
	s13 =	sshrl.u32 s12, $0x1  }
0xd: {  	s25 =	simm.s32 $0x0;
	s8 =	sadd.s32 s9, s8;
	s14 =	smul.u32 $0x2800, s7  }
0xe: {  	s13 =	ssub.s32 s12, s13;
	s28 =	sshrl.u32 s26, $0x2;
	s29 =	smul.u32 $0x500, s7  }
0xf: {  	s8 =	sshrl.u32 s8, $0x3;
	s31 =	sadd.s32 s28, s1;
	s13 =	smax.u32 s13, $0x1  }
0x10: {  	s15 =	sadd.s32 s8, s6;
	s6 =	sshll.u32 s2, $0x6;
	s30 =	sshrl.u32 s14, $0x3  }
0x11: {  	s8 =	sadd.s32 s10, s29;
	s9 =	sadd.s32 s11, s29;
	s12 =	sadd.s32 $0x280, s30  }
0x12: {  	s14 =	sshrl.u32 s31, $0x3;
	s7 =	sor.u32 $0x1C01, s6;
	s10 =	sadd.s32 s10, s12  }
0x13: {  	s11 =	sadd.s32 s11, s12;
	s12 =	sadd.s32 $0x41C00, s15;
	s15 =	simm.s32 $0x3  }
.LBB2_1:
0x14: {  	[spmem:s14], [sflag:s7] =	dma.local [hbm:s5], $0x2780  }
0x15: {  	[tilespmem:s3], [sflag:$0x3] =	stream.linear.gather [hbm4b:s8+s3], $0x1400, $0x38;
	[tilespmem:$0x1E400] =	vst v63  }
0x16: {  	_ =	swait.ge [sflag:s15], $0x1400  }
0x17: {  	[sflag:s15] =	ssyncset.done $0x0  }
0x18: {  	[sflag:s15] =	ssyncadd.s32 $0xFFFFEC00  }
0x19: {  	[tilespmem:s16], [sflag:$0x3] =	stream.linear.gather [hbm4b:s9+s3], $0x1400, $0x38;
	[tilespmem:$0x1E400] =	vst v63  }
0x1a: {  	_ =	swait.ge [sflag:s15], $0x1400  }
0x1b: {  	[sflag:s15] =	ssyncset.done $0x0  }
0x1c: {  	[sflag:s15] =	ssyncadd.s32 $0xFFFFEC00  }
0x1d: {  	_ =	swait.ge [sflag:s17], $0x2780  }
0x1e: {  	[sflag:s17] =	ssyncset.done $0x0  }
0x1f: {  	[sflag:s17] =	ssyncadd.s32 $0xFFFFD880  }
0x20: {  	[bflag:$0x0] =	sbarrier.arrive $0xFFFF  }
0x21: {  	[tilespmem:s19], [sflag:$0x1] =	stream.indirect.gather [hbm4b:s4+s18], $0x80, s3, s18, $0xb8;
	[tilespmem:$0x1E400] =	vst v63  }
0x22: {  	s26 =	simm.s32 $0x80  }
0x23: {  	[tilespmem:s20], [sflag:$0x2] =	stream.indirect.gather [hbm4b:s4+s18], $0x80, s26, s18, $0xb8;
	[tilespmem:$0x1E400] =	vst v63  }
0x24: {  	_ =	swait.ge [sflag:s17], $0x3E80  }
0x25: {  	[sflag:s17] =	ssyncset.done $0x0  }
0x26: {  	s29 =	simm.s32 $0x1400;
	[sflag:s17] =	ssyncadd.s32 $0xFFFFC180  }
0x27: {  	[spmem:s1] =	stream.indirect.scatter.add.f32 [tilespmem:s19], [sflag:$0x3], $0x80, s29, s18, $0xb8;
	[tilespmem:$0x1E400] =	vst v63  }
0x28: {  	_ =	swait.ge [sflag:s15], $0x3E80  }
0x29: {  	[sflag:s15] =	ssyncset.done $0x0  }
0x2a: {  	s30 =	simm.s32 $0x100;
	[sflag:s15] =	ssyncadd.s32 $0xFFFFC180  }
0x2b: {  	[tilespmem:s19], [sflag:$0x1] =	stream.indirect.gather [hbm4b:s4+s18], $0x80, s30, s18, $0xb8;
	[tilespmem:$0x1E400] =	vst v63  }
0x2c: {  	_ =	swait.ge [sflag:s21], $0x3E80  }
0x2d: {  	[sflag:s21] =	ssyncset.done $0x0  }
0x2e: {  	s31 =	simm.s32 $0x1480;
	[sflag:s21] =	ssyncadd.s32 $0xFFFFC180  }
0x2f: {  	[spmem:s1] =	stream.indirect.scatter.add.f32 [tilespmem:s20], [sflag:$0x3], $0x80, s31, s18, $0xb8;
	[tilespmem:$0x1E400] =	vst v63  }
0x30: {  	_ =	swait.ge [sflag:s15], $0x3E80  }
0x31: {  	s28 =	simm.s32 $0x800;
	s26 =	simm.s32 $0x100;
	[sflag:s15] =	ssyncset.done $0x0  }
.LBB2_2:
0x32: {  	s29 =	sadd.s32 $0x80, s26  }
0x33: {  	[sflag:s15] =	ssyncadd.s32 $0xFFFFC180;
	s30 =	smov.u32 s28;
	s31 =	sadd.s32 $0x400, s28  }
0x34: {  	[tilespmem:s20], [sflag:$0x2] =	stream.indirect.gather [hbm4b:s4+s18], $0x80, s29, s18, $0xb8;
	[tilespmem:$0x1E400] =	vst v63  }
0x35: {  	p0 =	sne.s32 s28, $0x4800;
	_ =	swait.ge [sflag:s17], $0x3E80  }
0x36: {  	[sflag:s17] =	ssyncset.done $0x0  }
0x37: {  	s28 =	sadd.s32 $0x1400, s26;
	[sflag:s17] =	ssyncadd.s32 $0xFFFFC180  }
0x38: {  	[spmem:s1] =	stream.indirect.scatter.add.f32 [tilespmem:s19], [sflag:$0x3], $0x80, s28, s18, $0xb8;
	[tilespmem:$0x1E400] =	vst v63  }
0x39: {  	_ =	swait.ge [sflag:s15], $0x3E80  }
0x3a: {  	[sflag:s15] =	ssyncset.done $0x0  }
0x3b: {  	s28 =	sadd.s32 $0x100, s26;
	[sflag:s15] =	ssyncadd.s32 $0xFFFFC180  }
0x3c: {  	[tilespmem:s19], [sflag:$0x1] =	stream.indirect.gather [hbm4b:s4+s18], $0x80, s28, s18, $0xb8;
	[tilespmem:$0x1E400] =	vst v63  }
0x3d: {  	_ =	swait.ge [sflag:s21], $0x3E80  }
.Ltmp0:
0x3e: {  	[sflag:s21] =	ssyncset.done $0x0;
	(pc) =	sbr.rel @p0 .LBB2_2-.Ltmp0, $4  }
0x3f: {  	s26 =	sadd.s32 $0x1480, s26;
	[sflag:s21] =	ssyncadd.s32 $0xFFFFC180  }
0x40: {  	[spmem:s1] =	stream.indirect.scatter.add.f32 [tilespmem:s20], [sflag:$0x3], $0x80, s26, s18, $0xb8;
	[tilespmem:$0x1E400] =	vst v63  }
0x41: {  	_ =	swait.ge [sflag:s15], $0x3E80  }
0x42: {  	s28 =	smov.u32 s31;
	s26 =	sshra.s32 s30, $0x2;
	[sflag:s15] =	ssyncset.done $0x0  }
0x43: {  	s28 =	sadd.s32 $0x80, s26;
	[sflag:s15] =	ssyncadd.s32 $0xFFFFC180  }
0x44: {  	[tilespmem:s20], [sflag:$0x2] =	stream.indirect.gather [hbm4b:s4+s18], $0x80, s28, s18, $0xb8;
	[tilespmem:$0x1E400] =	vst v63  }
0x45: {  	_ =	swait.ge [sflag:s17], $0x3E80  }
0x46: {  	[sflag:s17] =	ssyncset.done $0x0  }
0x47: {  	s28 =	sadd.s32 $0x1400, s26;
	[sflag:s17] =	ssyncadd.s32 $0xFFFFC180  }
0x48: {  	[spmem:s1] =	stream.indirect.scatter.add.f32 [tilespmem:s19], [sflag:$0x3], $0x80, s28, s18, $0xb8;
	[tilespmem:$0x1E400] =	vst v63  }
0x49: {  	_ =	swait.ge [sflag:s15], $0x3E80  }
0x4a: {  	[sflag:s15] =	ssyncset.done $0x0  }
0x4b: {  	s28 =	sadd.s32 $0x100, s26;
	[sflag:s15] =	ssyncadd.s32 $0xFFFFC180  }
0x4c: {  	[tilespmem:s19], [sflag:$0x1] =	stream.indirect.gather [hbm4b:s4+s18], $0x80, s28, s18, $0xb8;
	[tilespmem:$0x1E400] =	vst v63  }
0x4d: {  	_ =	swait.ge [sflag:s21], $0x3E80  }
0x4e: {  	[sflag:s21] =	ssyncset.done $0x0  }
0x4f: {  	s29 =	sadd.s32 $0x1480, s26;
	[sflag:s21] =	ssyncadd.s32 $0xFFFFC180  }
0x50: {  	[spmem:s1] =	stream.indirect.scatter.add.f32 [tilespmem:s20], [sflag:$0x3], $0x80, s29, s18, $0xb8;
	[tilespmem:$0x1E400] =	vst v63  }
0x51: {  	_ =	swait.ge [sflag:s15], $0x3E80  }
0x52: {  	[sflag:s15] =	ssyncset.done $0x0  }
0x53: {  	[sflag:s15] =	ssyncadd.s32 $0xFFFFC180  }
0x54: {  	[tilespmem:s20], [sflag:$0x2] =	stream.indirect.gather [hbm4b:s4+s18], $0x80, s22, s18, $0xb8;
	[tilespmem:$0x1E400] =	vst v63  }
0x55: {  	_ =	swait.ge [sflag:s17], $0x3E80  }
0x56: {  	[sflag:s17] =	ssyncset.done $0x0  }
0x57: {  	[sflag:s17] =	ssyncadd.s32 $0xFFFFC180  }
0x58: {  	[spmem:s1] =	stream.indirect.scatter.add.f32 [tilespmem:s19], [sflag:$0x3], $0x80, s23, s18, $0xb8;
	[tilespmem:$0x1E400] =	vst v63  }
0x59: {  	_ =	swait.ge [sflag:s15], $0x3E80  }
0x5a: {  	[sflag:s15] =	ssyncset.done $0x0  }
0x5b: {  	[sflag:s15] =	ssyncadd.s32 $0xFFFFC180  }
0x5c: {  	_ =	swait.ge [sflag:s21], $0x3E80  }
0x5d: {  	[sflag:s21] =	ssyncset.done $0x0  }
0x5e: {  	[sflag:s21] =	ssyncadd.s32 $0xFFFFC180  }
0x5f: {  	[spmem:s1] =	stream.indirect.scatter.add.f32 [tilespmem:s20], [sflag:$0x3], $0x80, s24, s18, $0xb8;
	[tilespmem:$0x1E400] =	vst v63  }
0x60: {  	_ =	swait.ge [sflag:s15], $0x3E80  }
0x61: {  	[sflag:s15] =	ssyncset.done $0x0  }
0x62: {  	s30 =	simm.s32 $0x0;
	[sflag:s15] =	ssyncadd.s32 $0xFFFFC180  }
0x63: {  	[tilespmem:s30], [sflag:$0x3] =	stream.linear.gather [hbm4b:s10+s30], $0x1400, $0x38;
	[tilespmem:$0x1E400] =	vst v63  }
0x64: {  	_ =	swait.ge [sflag:s15], $0x1400  }
0x65: {  	[sflag:s15] =	ssyncset.done $0x0  }
0x66: {  	[sflag:s15] =	ssyncadd.s32 $0xFFFFEC00  }
0x67: {  	[tilespmem:s16], [sflag:$0x3] =	stream.linear.gather [hbm4b:s11+s30], $0x1400, $0x38;
	[tilespmem:$0x1E400] =	vst v63  }
0x68: {  	_ =	swait.ge [sflag:s15], $0x1400  }
0x69: {  	[sflag:s15] =	ssyncset.done $0x0  }
0x6a: {  	[sflag:s15] =	ssyncadd.s32 $0xFFFFEC00  }
0x6b: {  	[tilespmem:s19], [sflag:$0x1] =	stream.indirect.gather [hbm4b:s4+s18], $0x80, s30, s18, $0xb8;
	[tilespmem:$0x1E400] =	vst v63  }
0x6c: {  	s31 =	simm.s32 $0x80  }
0x6d: {  	[tilespmem:s20], [sflag:$0x2] =	stream.indirect.gather [hbm4b:s4+s18], $0x80, s31, s18, $0xb8;
	[tilespmem:$0x1E400] =	vst v63  }
0x6e: {  	_ =	swait.ge [sflag:s17], $0x3E80  }
0x6f: {  	[sflag:s17] =	ssyncset.done $0x0  }
0x70: {  	s29 =	simm.s32 $0x1400;
	[sflag:s17] =	ssyncadd.s32 $0xFFFFC180  }
0x71: {  	[spmem:s1] =	stream.indirect.scatter.add.f32 [tilespmem:s19], [sflag:$0x3], $0x80, s29, s18, $0xb8;
	[tilespmem:$0x1E400] =	vst v63  }
0x72: {  	_ =	swait.ge [sflag:s15], $0x3E80  }
0x73: {  	[sflag:s15] =	ssyncset.done $0x0  }
0x74: {  	s30 =	simm.s32 $0x100;
	[sflag:s15] =	ssyncadd.s32 $0xFFFFC180  }
0x75: {  	[tilespmem:s19], [sflag:$0x1] =	stream.indirect.gather [hbm4b:s4+s18], $0x80, s30, s18, $0xb8;
	[tilespmem:$0x1E400] =	vst v63  }
0x76: {  	_ =	swait.ge [sflag:s21], $0x3E80  }
0x77: {  	[sflag:s21] =	ssyncset.done $0x0  }
0x78: {  	s31 =	simm.s32 $0x1480;
	[sflag:s21] =	ssyncadd.s32 $0xFFFFC180  }
0x79: {  	[spmem:s1] =	stream.indirect.scatter.add.f32 [tilespmem:s20], [sflag:$0x3], $0x80, s31, s18, $0xb8;
	[tilespmem:$0x1E400] =	vst v63  }
0x7a: {  	_ =	swait.ge [sflag:s15], $0x3E80  }
0x7b: {  	s26 =	simm.s32 $0x100;
	s28 =	simm.s32 $0x800;
	[sflag:s15] =	ssyncset.done $0x0  }
.LBB2_4:
0x7c: {  	s29 =	sadd.s32 $0x80, s26  }
0x7d: {  	[sflag:s15] =	ssyncadd.s32 $0xFFFFC180;
	s30 =	smov.u32 s28;
	s31 =	sadd.s32 $0x400, s28  }
0x7e: {  	[tilespmem:s20], [sflag:$0x2] =	stream.indirect.gather [hbm4b:s4+s18], $0x80, s29, s18, $0xb8;
	[tilespmem:$0x1E400] =	vst v63  }
0x7f: {  	p0 =	sne.s32 s28, $0x4800;
	_ =	swait.ge [sflag:s17], $0x3E80  }
0x80: {  	[sflag:s17] =	ssyncset.done $0x0  }
0x81: {  	s28 =	sadd.s32 $0x1400, s26;
	[sflag:s17] =	ssyncadd.s32 $0xFFFFC180  }
0x82: {  	[spmem:s1] =	stream.indirect.scatter.add.f32 [tilespmem:s19], [sflag:$0x3], $0x80, s28, s18, $0xb8;
	[tilespmem:$0x1E400] =	vst v63  }
0x83: {  	_ =	swait.ge [sflag:s15], $0x3E80  }
0x84: {  	[sflag:s15] =	ssyncset.done $0x0  }
0x85: {  	s28 =	sadd.s32 $0x100, s26;
	[sflag:s15] =	ssyncadd.s32 $0xFFFFC180  }
0x86: {  	[tilespmem:s19], [sflag:$0x1] =	stream.indirect.gather [hbm4b:s4+s18], $0x80, s28, s18, $0xb8;
	[tilespmem:$0x1E400] =	vst v63  }
0x87: {  	_ =	swait.ge [sflag:s21], $0x3E80  }
.Ltmp1:
0x88: {  	[sflag:s21] =	ssyncset.done $0x0;
	(pc) =	sbr.rel @p0 .LBB2_4-.Ltmp1, $4  }
0x89: {  	s26 =	sadd.s32 $0x1480, s26;
	[sflag:s21] =	ssyncadd.s32 $0xFFFFC180  }
0x8a: {  	[spmem:s1] =	stream.indirect.scatter.add.f32 [tilespmem:s20], [sflag:$0x3], $0x80, s26, s18, $0xb8;
	[tilespmem:$0x1E400] =	vst v63  }
0x8b: {  	_ =	swait.ge [sflag:s15], $0x3E80  }
0x8c: {  	s28 =	smov.u32 s31;
	s26 =	sshra.s32 s30, $0x2;
	[sflag:s15] =	ssyncset.done $0x0  }
0x8d: {  	s28 =	sadd.s32 $0x80, s26;
	[sflag:s15] =	ssyncadd.s32 $0xFFFFC180  }
0x8e: {  	[tilespmem:s20], [sflag:$0x2] =	stream.indirect.gather [hbm4b:s4+s18], $0x80, s28, s18, $0xb8;
	[tilespmem:$0x1E400] =	vst v63  }
0x8f: {  	_ =	swait.ge [sflag:s17], $0x3E80  }
0x90: {  	[sflag:s17] =	ssyncset.done $0x0  }
0x91: {  	s31 =	sadd.s32 $0x1400, s26;
	[sflag:s17] =	ssyncadd.s32 $0xFFFFC180  }
0x92: {  	[spmem:s1] =	stream.indirect.scatter.add.f32 [tilespmem:s19], [sflag:$0x3], $0x80, s31, s18, $0xb8;
	[tilespmem:$0x1E400] =	vst v63  }
0x93: {  	_ =	swait.ge [sflag:s15], $0x3E80  }
0x94: {  	[sflag:s15] =	ssyncset.done $0x0  }
0x95: {  	s29 =	sadd.s32 $0x100, s26;
	[sflag:s15] =	ssyncadd.s32 $0xFFFFC180  }
0x96: {  	[tilespmem:s19], [sflag:$0x1] =	stream.indirect.gather [hbm4b:s4+s18], $0x80, s29, s18, $0xb8;
	[tilespmem:$0x1E400] =	vst v63  }
0x97: {  	_ =	swait.ge [sflag:s21], $0x3E80  }
0x98: {  	[sflag:s21] =	ssyncset.done $0x0  }
0x99: {  	s30 =	sadd.s32 $0x1480, s26;
	[sflag:s21] =	ssyncadd.s32 $0xFFFFC180  }
0x9a: {  	[spmem:s1] =	stream.indirect.scatter.add.f32 [tilespmem:s20], [sflag:$0x3], $0x80, s30, s18, $0xb8;
	[tilespmem:$0x1E400] =	vst v63  }
0x9b: {  	_ =	swait.ge [sflag:s15], $0x3E80  }
0x9c: {  	[sflag:s15] =	ssyncset.done $0x0  }
0x9d: {  	[sflag:s15] =	ssyncadd.s32 $0xFFFFC180  }
0x9e: {  	[tilespmem:s20], [sflag:$0x2] =	stream.indirect.gather [hbm4b:s4+s18], $0x80, s22, s18, $0xb8;
	[tilespmem:$0x1E400] =	vst v63  }
0x9f: {  	_ =	swait.ge [sflag:s17], $0x3E80  }
0xa0: {  	[sflag:s17] =	ssyncset.done $0x0  }
0xa1: {  	[sflag:s17] =	ssyncadd.s32 $0xFFFFC180  }
0xa2: {  	[spmem:s1] =	stream.indirect.scatter.add.f32 [tilespmem:s19], [sflag:$0x3], $0x80, s23, s18, $0xb8;
	[tilespmem:$0x1E400] =	vst v63  }
0xa3: {  	_ =	swait.ge [sflag:s15], $0x3E80  }
0xa4: {  	[sflag:s15] =	ssyncset.done $0x0  }
0xa5: {  	[sflag:s15] =	ssyncadd.s32 $0xFFFFC180  }
0xa6: {  	_ =	swait.ge [sflag:s21], $0x3E80  }
0xa7: {  	[sflag:s21] =	ssyncset.done $0x0  }
0xa8: {  	[sflag:s21] =	ssyncadd.s32 $0xFFFFC180  }
0xa9: {  	[spmem:s1] =	stream.indirect.scatter.add.f32 [tilespmem:s20], [sflag:$0x3], $0x80, s24, s18, $0xb8;
	[tilespmem:$0x1E400] =	vst v63  }
0xaa: {  	_ =	swait.ge [sflag:s15], $0x3E80  }
0xab: {  	s25 =	sadd.s32 $0x1, s25;
	[sflag:s15] =	ssyncset.done $0x0  }
0xac: {  	p0 =	sne.s32 s25, s13;
	[sflag:s15] =	ssyncadd.s32 $0xFFFFC180  }
.Ltmp2:
0xad: {  	s31 =	sor.u32 $0x1C03, s6;
	[bflag:$0x0] =	sbarrier.arrive $0xFFFF;
	(pc) =	sbr.rel @p0 .LBB2_1-.Ltmp2, $4  }
0xae: {  	[hbm:s12], [sflag:s31] =	dma.local [spmem:s14], $0x2780  }
0xaf: {  	_ =	swait.ge [sflag:s15], $0x2780  }
0xb0: {  	[sflag:s15] =	ssyncset.done $0x0  }
0xb1: {  	[sflag:s15] =	ssyncadd.s32 $0xFFFFD880  }
0xb2: {  	_ =	sfence.sel $0x180000  }
0xb3: {  	[bflag:$0x0] =	sbarrier.arrive $0xFFFF  }
0xb4: {  	p0 =	sne.s32 s2, $0x0;
	_ =	strace $0x9000004A  }
0xb5: {  	s0 =	sadd.s32 @!p0 $0x100000, s0;
	[bflag:$0x2] =	sbarrier.arrive $0xFFFF  }
0xb6: {  	[sflag:s0] =	ssyncadd.tile.s32 @!p0 $0x1;
	_ =	shalt  }
.Lfunc_end2:
_tile_overlayer_lowered:
.L_overlay_start_2:
0xb7: {  	(tag) =	ssettag $0x2  }
0xb8: {  	s0 =	rddreg [dreg:$0x0];
	s2 =	stileid.u32  }
0xb9: {  	s1 =	rddreg [dreg:$0x1];
	p0 =	sne.s32 s2, $0x0  }
0xba: {  	s3 =	rddreg [dreg:$0x2];
	[bflag:$0x3] =	sbarrier.arrive $0xFFFF;
	s2 =	simm.s32 @!p0 $0x1C03  }
0xbb: {  	[timem:s3], [sflag:s2] =	dma.local @!p0 [hbm:s0], s1  }
0xbc: {  	s0 =	simm.s32 @!p0 $0x3  }
0xbd: {  	_ =	swait.ge @!p0 [sflag:s0], s1  }
0xbe: {  	s1 =	ssub.s32 @!p0 $0x0, s1;
	[sflag:s0] =	ssyncset.done @!p0 $0x0  }
0xbf: {  	[sflag:s0] =	ssyncadd.s32 @!p0 s1  }
0xc0: {  	[bflag:$0x3] =	sbarrier.arrive $0xFFFF  }
0xc1: {  	_ =	shalt  }

// kernel: kernel.20.cloned.1.call-start
scs
__scs_entry_jumppad:
0x0: {  	(pc) =	sbr.rel $0x88, $3  }
0x1: {  	(tag) =	ssettag $0x0;
	lr =	simm.s32 $0x1  }
0x2: {  	[smem:$0x3F95] =	sst lr;
	_ =	strace $0xD0000000  }
0x3: {  	_ = 	snop  }
0x4: {  	_ = 	snop  }
0x5: {  	_ = 	snop  }
0x6: {  	_ = 	snop  }
0x7: {  	_ = 	snop  }
__scs_overlays_trampoline_lowered:
0x8: {  	[smem:$0x3FA4] =	sst s0  }
0x9: {  	[smem:$0x3FA5] =	sst s1  }
0xa: {  	[smem:$0x3FA6] =	sst s2  }
0xb: {  	[smem:$0x3FA7] =	sst s3  }
0xc: {  	[smem:$0x3FA8] =	sst s4  }
0xd: {  	[smem:$0x3FA9] =	sst s5  }
0xe: {  	[smem:$0x3FAA] =	sst s6  }
0xf: {  	[smem:$0x3FAB] =	sst s7  }
0x10: {  	[smem:$0x3FAC] =	sst s8  }
0x11: {  	[smem:$0x3FAD] =	sst s9;
	s0 =	simm.s32 @!p0 $0x0  }
0x12: {  	s1 =	sld [smem:$0x3F93];
	s0 =	simm.s32 @p0 $0x1  }
0x13: {  	[smem:$0x3FAE] =	sst s0;
	s0 =	simm.s32 @!p1 $0x0  }
0x14: {  	s2 =	sld [smem:$0x3F92];
	s0 =	simm.s32 @p1 $0x1  }
0x15: {  	[smem:$0x3FAF] =	sst s0;
	s0 =	simm.s32 @!p2 $0x0  }
0x16: {  	s3 =	sld [smem:$0x3FDB];
	s0 =	simm.s32 @p2 $0x1  }
0x17: {  	s4 =	simm.s32 $0x1BF5;
	[smem:$0x3FB1] =	sst s0  }
0x18: {  	s0 =	sld [smem:$0x3F94];
	_ =	swait.ge [sflag:s4], $0x0  }
0x19: {  	s7 =	sld [smem:$0x3F95]  }
0x1a: {  	s8 =	sadd.s32 $0xFFFFE003, lr  }
0x1b: {  	s9 =	sadd.s32 $0xFFFFFEF7, lr;
	s5 =	simm.s32 $0xFFFFFFFF;
	p2 =	slt.u32 s8, $0xFFFFF086  }
0x1c: {  	p1 =	slt.u32 s9, $0xF7A;
	s5 =	simm.s32 @!p2 $0x0  }
0x1d: {  	s5 =	simm.s32 @p1 $0x1;
	p0 =	seq.s32 s7, s2  }
0x1e: {  	s7 =	smul.u32 @!p0 $0xF7A, s2;
	p2 =	seq.s32 @!p0 s5, $0x0  }
0x1f: {  	s9 =	smul.u32 $0xF7A, s1;
	s8 =	simm.s32 @!p0 $0x1BF5;
	p2 =	por !p2, p0  }
0x20: {  	[sflag:s8] =	ssyncset.s32 @!p0 $0xFFFFF086;
	s6 =	sadd.s32 @!p0 s3, s7;
	s7 =	simm.s32 @!p0 $0x108  }
0x21: {  	s3 =	sadd.s32 s3, s9;
	s6 =	sadd.s32 @!p0 $0x88, s6;
	s7 =	simm.s32 @p2 $0x1082  }
0x22: {  	[simem:s7], [sflag:s8] =	dma.local @!p0 [hbm:s6], $0xF7A  }
0x23: {  	s9 =	sor.u32 $0xD0000000, s2;
	s6 =	simm.s32 $0x108;
	_ =	swait.ge @!p0 [sflag:s8], $0x0  }
0x24: {  	s3 =	sadd.s32 $0x88, s3;
	s6 =	simm.s32 @!p1 $0x1082;
	[sflag:s4] =	ssyncset.s32 $0xFFFFF086  }
0x25: {  	[simem:s6], [sflag:s4] =	dma.local [hbm:s3], $0xF7A  }
0x26: {  	[smem:$0x3F95] =	sst s1;
	(tag) =	ssettag s2;
	_ =	strace s9  }
0x27: {  	s1 =	sld [smem:$0x3FA5]  }
0x28: {  	s2 =	sld [smem:$0x3FA6]  }
0x29: {  	s4 =	sld [smem:$0x3FA8]  }
0x2a: {  	p0 =	seq.s32 s5, $0x0;
	s5 =	sld [smem:$0x3FA9]  }
0x2b: {  	s6 =	sld [smem:$0x3FAA]  }
0x2c: {  	s7 =	sld [smem:$0x3FAB]  }
0x2d: {  	s3 =	simm.s32 $0x108;
	s8 =	sld [smem:$0x3FAC]  }
0x2e: {  	s3 =	simm.s32 @!p0 $0x1082;
	s9 =	sld [smem:$0x3FAD]  }
0x2f: {  	lr =	sadd.s32 s0, s3;
	s0 =	sld [smem:$0x3FA4]  }
0x30: {  	s3 =	sld [smem:$0x3FA7]  }
0x31: {  	[smem:$0x3FB0] =	sst s10  }
0x32: {  	s10 =	sld [smem:$0x3FAE];
	_ =	sdelay $0x3  }
0x33: {  	p0 =	seq.s32 s10, $0x1;
	s10 =	sld [smem:$0x3FB0];
	_ =	sdelay $0x3  }
0x34: {  	[smem:$0x3FB0] =	sst s10  }
0x35: {  	s10 =	sld [smem:$0x3FAF];
	_ =	sdelay $0x3  }
0x36: {  	p1 =	seq.s32 s10, $0x1;
	s10 =	sld [smem:$0x3FB0];
	_ =	sdelay $0x3  }
0x37: {  	[smem:$0x3FB0] =	sst s10  }
0x38: {  	s10 =	sld [smem:$0x3FB1]  }
0x39: {  	_ = 	snop;
	(pc) =	sbr.ind lr, $3  }
0x3a: {  	_ = 	snop  }
0x3b: {  	_ = 	snop  }
0x3c: {  	p2 =	seq.s32 s10, $0x1;
	s10 =	sld [smem:$0x3FB0]  }
0x3d: {  	_ =	shalt  }
0x3e: {  	_ =	shalt  }
0x3f: {  	_ =	shalt  }
0x40: {  	_ =	shalt  }
0x41: {  	_ =	shalt  }
0x42: {  	_ =	shalt  }
0x43: {  	_ =	shalt  }
0x44: {  	_ =	shalt  }
0x45: {  	_ =	shalt  }
0x46: {  	_ =	shalt  }
0x47: {  	_ =	shalt  }
0x48: {  	_ =	shalt  }
0x49: {  	_ =	shalt  }
0x4a: {  	_ =	shalt  }
0x4b: {  	_ =	shalt  }
0x4c: {  	_ =	shalt  }
0x4d: {  	_ =	shalt  }
0x4e: {  	_ =	shalt  }
0x4f: {  	_ =	shalt  }
0x50: {  	_ =	shalt  }
0x51: {  	_ =	shalt  }
0x52: {  	_ =	shalt  }
0x53: {  	_ =	shalt  }
0x54: {  	_ =	shalt  }
0x55: {  	_ =	shalt  }
0x56: {  	_ =	shalt  }
0x57: {  	_ =	shalt  }
0x58: {  	_ =	shalt  }
0x59: {  	_ =	shalt  }
0x5a: {  	_ =	shalt  }
0x5b: {  	_ =	shalt  }
0x5c: {  	_ =	shalt  }
0x5d: {  	_ =	shalt  }
0x5e: {  	_ =	shalt  }
0x5f: {  	_ =	shalt  }
0x60: {  	_ =	shalt  }
0x61: {  	_ =	shalt  }
0x62: {  	_ =	shalt  }
0x63: {  	_ =	shalt  }
0x64: {  	_ =	shalt  }
0x65: {  	_ =	shalt  }
0x66: {  	_ =	shalt  }
0x67: {  	_ =	shalt  }
0x68: {  	_ =	shalt  }
0x69: {  	_ =	shalt  }
0x6a: {  	_ =	shalt  }
0x6b: {  	_ =	shalt  }
0x6c: {  	_ =	shalt  }
0x6d: {  	_ =	shalt  }
0x6e: {  	_ =	shalt  }
0x6f: {  	_ =	shalt  }
0x70: {  	_ =	shalt  }
0x71: {  	_ =	shalt  }
0x72: {  	_ =	shalt  }
0x73: {  	_ =	shalt  }
0x74: {  	_ =	shalt  }
0x75: {  	_ =	shalt  }
0x76: {  	_ =	shalt  }
0x77: {  	_ =	shalt  }
0x78: {  	_ =	shalt  }
0x79: {  	_ =	shalt  }
0x7a: {  	_ =	shalt  }
0x7b: {  	_ =	shalt  }
0x7c: {  	_ =	shalt  }
0x7d: {  	_ =	shalt  }
0x7e: {  	_ =	shalt  }
0x7f: {  	_ =	shalt  }
0x80: {  	_ =	shalt  }
0x81: {  	_ =	shalt  }
0x82: {  	_ =	shalt  }
0x83: {  	_ =	shalt  }
0x84: {  	_ =	shalt  }
0x85: {  	_ =	shalt  }
0x86: {  	_ =	shalt  }
0x87: {  	_ =	shalt  }
.Lfunc_end0:
.L_simem_size_0:
called_computation.2_lowered:
.L_overlay_start_0:
0x88: {  	s2 =	sld [smem:$0x3FD9]  }
0x89: {  	s3 =	sld [smem:$0x3FFE];
	_ =	sdelay $0x1  }
0x8a: {  	s1 =	srdreg.scid  }
0x8b: {  	s0 =	sand.u32 $0x1, s1  }
0x8c: {  	s17 =	sshll.u32 s0, $0xA;
	s2 =	sadd.s32 s3, s2  }
0x8d: {  	s2 =	sadd.s32 s2, s17  }
0x8e: {  	[smem:$0x3FBC] =	sst s2  }
0x8f: {  	_ = 	snop  }
0x90: {  	s2 =	sld [smem:$0x3FD0];
	(tm) =	ssettm $0x1  }
0x91: {  	s18 =	sld [smem:$0x3FFB];
	_ =	sdelay $0x3  }
0x92: {  	_ =	strace s18  }
0x93: {  	s3 =	sld [smem:$0x3FFC];
	_ =	sdelay $0x3  }
0x94: {  	_ =	strace s3  }
0x95: {  	s3 =	sld [smem:$0x3FFD];
	_ =	sdelay $0x3  }
0x96: {  	_ =	strace s3  }
0x97: {  	_ =	strace $0x8FFFFFFF  }
0x98: {  	s19 =	sld [smem:$0x3FDB];
	_ =	sdelay $0x1  }
0x99: {  	s4 =	simm.s32 $_scs_section_size  }
0x9a: {  	s5 =	simm.s32 $_size__tile_overlayer_lowered;
	s6 =	simm.s32 $_tile_overlayer_lowered  }
0x9b: {  	s22 =	simm.s32 $0x1BFF;
	s21 =	sshll.u32 s6, $0x1;
	s3 =	sadd.s32 s4, s19  }
0x9c: {  	s7 =	simm.s32 $0x0;
	s20 =	sshll.u32 s5, $0x1;
	s5 =	sadd.s32 s21, s3  }
0x9d: {  	[timem:s7], [sflag:s22] =	dma.local [hbm:s5], s20  }
0x9e: {  	_ =	swait.ge [sflag:s22], s20  }
0x9f: {  	s4 =	ssub.s32 $0x0, s20;
	[sflag:s22] =	ssyncset.done $0x0  }
0xa0: {  	[sflag:s22] =	ssyncadd.s32 s4;
	_ =	sdelay $0x1  }
0xa1: {  	s23 =	simm.s32 $0x1B8B  }
0xa2: {  	_ =	swait.ge [sflag:s23], $0x1  }
0xa3: {  	[sflag:s23] =	ssyncset.done $0x0  }
0xa4: {  	s25 =	simm.s32 $0x1B8E;
	s24 =	sld [smem:$0x3FFE];
	[sflag:s23] =	ssyncadd.s32 $0xFFFFFFFF  }
0xa5: {  	s26 =	simm.s32 $execute0_lowered;
	[smem:$0x3FD2] =	sst s25  }
0xa6: {  	s5 =	sshll.u32 s26, $0x1;
	_ =	strace $0x8000004C;
	[dreg:$0x1] =	wrdreg $0xFFFFFFFF  }
0xa7: {  	s28 =	simm.s32 $_size_execute0_lowered;
	s3 =	sadd.s32 s3, s5;
	[dreg:$0x0] =	wrdreg $0x0  }
0xa8: {  	s5 =	sshll.u32 s28, $0x1;
	[dreg:$0x2] =	wrdreg s3  }
0xa9: {  	[dreg:$0x3] =	wrdreg s5  }
0xaa: {  	[dreg:$0x4] =	wrdreg $0xC0  }
0xab: {  	_ =	task [dreg:s7], $0x5FFFF  }
0xac: {  	[dreg:$0x1] =	wrdreg $0xFFFFFFFF  }
0xad: {  	[dreg:$0x0] =	wrdreg $0x60  }
0xae: {  	[dreg:$0x2] =	wrdreg s24  }
0xaf: {  	[dreg:$0x3] =	wrdreg s2  }
0xb0: {  	[dreg:$0x4] =	wrdreg $0xA8000  }
0xb1: {  	[dreg:$0x5] =	wrdreg $0x9  }
0xb2: {  	_ =	task.clear_ibuf [dreg:s7], $0x6FFFF;
	_ =	strace $0x9000004C  }
0xb3: {  	s29 =	simm.s32 $0x9;
	_ =	strace $0x8000004E  }
0xb4: {  	_ =	swait.ge [sflag:s29], $0x1  }
0xb5: {  	[sflag:s29] =	ssyncadd.s32 $0xFFFFFFFF  }
0xb6: {  	_ =	strace $0x9000004E  }
0xb7: {  	_ =	sfence  }
0xb8: {  	s30 =	sld [smem:$0x0];
	_ =	sdelay $0x2  }
0xb9: {  	s31 =	sshll.u32 s1, $0xD;
	s1 =	sshrl.u32 s1, $0x2  }
0xba: {  	s3 =	sand.u32 $0x4000, s31;
	s1 =	sadd.s32 s1, s30  }
0xbb: {  	s0 =	sor.u32 s3, s0;
	s1 =	sshll.u32 s1, $0x11  }
0xbc: {  	s0 =	sor.u32 s1, s0  }
0xbd: {  	s0 =	sadd.s32 $0x8F2B, s0  }
0xbe: {  	[sflag:s0] =	ssyncadd.remote.s32 $0x1  }
0xbf: {  	_ =	sfence.sel $0xFFFF  }
0xc0: {  	[dreg:$0x0] =	wrdreg $0xFFFFFFFF;
	(pc) =	sbr.abs _section_cstart, $3  }
0xc1: {  	[dreg:$0x1] =	wrdreg $0xFFFFFFFF  }
0xc2: {  	_ =	task.clear_ibuf [dreg:s7], $0x2FFFF;
	_ =	strace $0x9FFFFFFF  }
0xc3: {  	(tm) =	ssettm $0x7FFFFFFF  }
tec
execute0_lowered:
.L_overlay_start_1:
0x0: {  	(tag) =	ssettag $0x1  }
0x1: {  	s6 =	rddreg [dreg:$0x0]  }
0x2: {  	s10 =	rddreg [dreg:$0x1]  }
0x3: {  	s1 =	rddreg [dreg:$0x2]  }
0x4: {  	s2 =	srdreg.scid;
	s0 =	rddreg [dreg:$0x3]  }
0x5: {  	s3 =	simm.s32 $0x0;
	s16 =	simm.s32 $0x1400;
	s17 =	simm.s32 $0x1  }
0x6: {  	s18 =	simm.s32 $0x7D;
	s19 =	simm.s32 $0x2800;
	s20 =	simm.s32 $0x6800  }
0x7: {  	s21 =	simm.s32 $0x2;
	s22 =	simm.s32 $0x1380;
	s23 =	simm.s32 $0x2700  }
0x8: {  	s24 =	simm.s32 $0x2780;
	s7 =	sand.u32 $0x1, s2;
	s2 =	stileid.u32  }
0x9: {  	[smem:$0x7FF] =	sst s3;
	s4 =	sadd.s32 $0x18200, s6;
	s8 =	smul.u32 $0x13C000, s7  }
0xa: {  	s11 =	sadd.s32 $0x4200, s6;
	s5 =	sadd.s32 $0x3F400, s6;
	s9 =	smul.u32 $0x13C00, s2  }
0xb: {  	_ =	strace $0x8000004D;
	s25 =	sshll.u32 s2, $0x1;
	s12 =	ssub.s32 $0x2, s7  }
0xc: {  	s26 =	smul.u32 $0x4F000, s2;
	s7 =	sor.u32 s7, s25;
	s13 =	sshrl.u32 s12, $0x1  }
0xd: {  	s25 =	simm.s32 $0x0;
	s8 =	sadd.s32 s9, s8;
	s14 =	smul.u32 $0x2800, s7  }
0xe: {  	s13 =	ssub.s32 s12, s13;
	s28 =	sshrl.u32 s26, $0x2;
	s29 =	smul.u32 $0x500, s7  }
0xf: {  	s8 =	sshrl.u32 s8, $0x3;
	s31 =	sadd.s32 s28, s1;
	s13 =	smax.u32 s13, $0x1  }
0x10: {  	s15 =	sadd.s32 s8, s6;
	s6 =	sshll.u32 s2, $0x6;
	s30 =	sshrl.u32 s14, $0x3  }
0x11: {  	s8 =	sadd.s32 s10, s29;
	s9 =	sadd.s32 s11, s29;
	s12 =	sadd.s32 $0x280, s30  }
0x12: {  	s14 =	sshrl.u32 s31, $0x3;
	s7 =	sor.u32 $0x1C01, s6;
	s10 =	sadd.s32 s10, s12  }
0x13: {  	s11 =	sadd.s32 s11, s12;
	s12 =	sadd.s32 $0x41C00, s15;
	s15 =	simm.s32 $0x3  }
.LBB2_1:
0x14: {  	[spmem:s14], [sflag:s7] =	dma.local [hbm:s5], $0x2780  }
0x15: {  	[tilespmem:s3], [sflag:$0x3] =	stream.linear.gather [hbm4b:s8+s3], $0x1400, $0x38;
	[tilespmem:$0x1E400] =	vst v63  }
0x16: {  	_ =	swait.ge [sflag:s15], $0x1400  }
0x17: {  	[sflag:s15] =	ssyncset.done $0x0  }
0x18: {  	[sflag:s15] =	ssyncadd.s32 $0xFFFFEC00  }
0x19: {  	[tilespmem:s16], [sflag:$0x3] =	stream.linear.gather [hbm4b:s9+s3], $0x1400, $0x38;
	[tilespmem:$0x1E400] =	vst v63  }
0x1a: {  	_ =	swait.ge [sflag:s15], $0x1400  }
0x1b: {  	[sflag:s15] =	ssyncset.done $0x0  }
0x1c: {  	[sflag:s15] =	ssyncadd.s32 $0xFFFFEC00  }
0x1d: {  	_ =	swait.ge [sflag:s17], $0x2780  }
0x1e: {  	[sflag:s17] =	ssyncset.done $0x0  }
0x1f: {  	[sflag:s17] =	ssyncadd.s32 $0xFFFFD880  }
0x20: {  	[bflag:$0x0] =	sbarrier.arrive $0xFFFF  }
0x21: {  	[tilespmem:s19], [sflag:$0x1] =	stream.indirect.gather [hbm4b:s4+s18], $0x80, s3, s18, $0xb8;
	[tilespmem:$0x1E400] =	vst v63  }
0x22: {  	s26 =	simm.s32 $0x80  }
0x23: {  	[tilespmem:s20], [sflag:$0x2] =	stream.indirect.gather [hbm4b:s4+s18], $0x80, s26, s18, $0xb8;
	[tilespmem:$0x1E400] =	vst v63  }
0x24: {  	_ =	swait.ge [sflag:s17], $0x3E80  }
0x25: {  	[sflag:s17] =	ssyncset.done $0x0  }
0x26: {  	s29 =	simm.s32 $0x1400;
	[sflag:s17] =	ssyncadd.s32 $0xFFFFC180  }
0x27: {  	[spmem:s1] =	stream.indirect.scatter.add.f32 [tilespmem:s19], [sflag:$0x3], $0x80, s29, s18, $0xb8;
	[tilespmem:$0x1E400] =	vst v63  }
0x28: {  	_ =	swait.ge [sflag:s15], $0x3E80  }
0x29: {  	[sflag:s15] =	ssyncset.done $0x0  }
0x2a: {  	s30 =	simm.s32 $0x100;
	[sflag:s15] =	ssyncadd.s32 $0xFFFFC180  }
0x2b: {  	[tilespmem:s19], [sflag:$0x1] =	stream.indirect.gather [hbm4b:s4+s18], $0x80, s30, s18, $0xb8;
	[tilespmem:$0x1E400] =	vst v63  }
0x2c: {  	_ =	swait.ge [sflag:s21], $0x3E80  }
0x2d: {  	[sflag:s21] =	ssyncset.done $0x0  }
0x2e: {  	s31 =	simm.s32 $0x1480;
	[sflag:s21] =	ssyncadd.s32 $0xFFFFC180  }
0x2f: {  	[spmem:s1] =	stream.indirect.scatter.add.f32 [tilespmem:s20], [sflag:$0x3], $0x80, s31, s18, $0xb8;
	[tilespmem:$0x1E400] =	vst v63  }
0x30: {  	_ =	swait.ge [sflag:s15], $0x3E80  }
0x31: {  	s28 =	simm.s32 $0x800;
	s26 =	simm.s32 $0x100;
	[sflag:s15] =	ssyncset.done $0x0  }
.LBB2_2:
0x32: {  	s29 =	sadd.s32 $0x80, s26  }
0x33: {  	[sflag:s15] =	ssyncadd.s32 $0xFFFFC180;
	s30 =	smov.u32 s28;
	s31 =	sadd.s32 $0x400, s28  }
0x34: {  	[tilespmem:s20], [sflag:$0x2] =	stream.indirect.gather [hbm4b:s4+s18], $0x80, s29, s18, $0xb8;
	[tilespmem:$0x1E400] =	vst v63  }
0x35: {  	p0 =	sne.s32 s28, $0x4800;
	_ =	swait.ge [sflag:s17], $0x3E80  }
0x36: {  	[sflag:s17] =	ssyncset.done $0x0  }
0x37: {  	s28 =	sadd.s32 $0x1400, s26;
	[sflag:s17] =	ssyncadd.s32 $0xFFFFC180  }
0x38: {  	[spmem:s1] =	stream.indirect.scatter.add.f32 [tilespmem:s19], [sflag:$0x3], $0x80, s28, s18, $0xb8;
	[tilespmem:$0x1E400] =	vst v63  }
0x39: {  	_ =	swait.ge [sflag:s15], $0x3E80  }
0x3a: {  	[sflag:s15] =	ssyncset.done $0x0  }
0x3b: {  	s28 =	sadd.s32 $0x100, s26;
	[sflag:s15] =	ssyncadd.s32 $0xFFFFC180  }
0x3c: {  	[tilespmem:s19], [sflag:$0x1] =	stream.indirect.gather [hbm4b:s4+s18], $0x80, s28, s18, $0xb8;
	[tilespmem:$0x1E400] =	vst v63  }
0x3d: {  	_ =	swait.ge [sflag:s21], $0x3E80  }
.Ltmp0:
0x3e: {  	[sflag:s21] =	ssyncset.done $0x0;
	(pc) =	sbr.rel @p0 .LBB2_2-.Ltmp0, $4  }
0x3f: {  	s26 =	sadd.s32 $0x1480, s26;
	[sflag:s21] =	ssyncadd.s32 $0xFFFFC180  }
0x40: {  	[spmem:s1] =	stream.indirect.scatter.add.f32 [tilespmem:s20], [sflag:$0x3], $0x80, s26, s18, $0xb8;
	[tilespmem:$0x1E400] =	vst v63  }
0x41: {  	_ =	swait.ge [sflag:s15], $0x3E80  }
0x42: {  	s28 =	smov.u32 s31;
	s26 =	sshra.s32 s30, $0x2;
	[sflag:s15] =	ssyncset.done $0x0  }
0x43: {  	s28 =	sadd.s32 $0x80, s26;
	[sflag:s15] =	ssyncadd.s32 $0xFFFFC180  }
0x44: {  	[tilespmem:s20], [sflag:$0x2] =	stream.indirect.gather [hbm4b:s4+s18], $0x80, s28, s18, $0xb8;
	[tilespmem:$0x1E400] =	vst v63  }
0x45: {  	_ =	swait.ge [sflag:s17], $0x3E80  }
0x46: {  	[sflag:s17] =	ssyncset.done $0x0  }
0x47: {  	s28 =	sadd.s32 $0x1400, s26;
	[sflag:s17] =	ssyncadd.s32 $0xFFFFC180  }
0x48: {  	[spmem:s1] =	stream.indirect.scatter.add.f32 [tilespmem:s19], [sflag:$0x3], $0x80, s28, s18, $0xb8;
	[tilespmem:$0x1E400] =	vst v63  }
0x49: {  	_ =	swait.ge [sflag:s15], $0x3E80  }
0x4a: {  	[sflag:s15] =	ssyncset.done $0x0  }
0x4b: {  	s28 =	sadd.s32 $0x100, s26;
	[sflag:s15] =	ssyncadd.s32 $0xFFFFC180  }
0x4c: {  	[tilespmem:s19], [sflag:$0x1] =	stream.indirect.gather [hbm4b:s4+s18], $0x80, s28, s18, $0xb8;
	[tilespmem:$0x1E400] =	vst v63  }
0x4d: {  	_ =	swait.ge [sflag:s21], $0x3E80  }
0x4e: {  	[sflag:s21] =	ssyncset.done $0x0  }
0x4f: {  	s29 =	sadd.s32 $0x1480, s26;
	[sflag:s21] =	ssyncadd.s32 $0xFFFFC180  }
0x50: {  	[spmem:s1] =	stream.indirect.scatter.add.f32 [tilespmem:s20], [sflag:$0x3], $0x80, s29, s18, $0xb8;
	[tilespmem:$0x1E400] =	vst v63  }
0x51: {  	_ =	swait.ge [sflag:s15], $0x3E80  }
0x52: {  	[sflag:s15] =	ssyncset.done $0x0  }
0x53: {  	[sflag:s15] =	ssyncadd.s32 $0xFFFFC180  }
0x54: {  	[tilespmem:s20], [sflag:$0x2] =	stream.indirect.gather [hbm4b:s4+s18], $0x80, s22, s18, $0xb8;
	[tilespmem:$0x1E400] =	vst v63  }
0x55: {  	_ =	swait.ge [sflag:s17], $0x3E80  }
0x56: {  	[sflag:s17] =	ssyncset.done $0x0  }
0x57: {  	[sflag:s17] =	ssyncadd.s32 $0xFFFFC180  }
0x58: {  	[spmem:s1] =	stream.indirect.scatter.add.f32 [tilespmem:s19], [sflag:$0x3], $0x80, s23, s18, $0xb8;
	[tilespmem:$0x1E400] =	vst v63  }
0x59: {  	_ =	swait.ge [sflag:s15], $0x3E80  }
0x5a: {  	[sflag:s15] =	ssyncset.done $0x0  }
0x5b: {  	[sflag:s15] =	ssyncadd.s32 $0xFFFFC180  }
0x5c: {  	_ =	swait.ge [sflag:s21], $0x3E80  }
0x5d: {  	[sflag:s21] =	ssyncset.done $0x0  }
0x5e: {  	[sflag:s21] =	ssyncadd.s32 $0xFFFFC180  }
0x5f: {  	[spmem:s1] =	stream.indirect.scatter.add.f32 [tilespmem:s20], [sflag:$0x3], $0x80, s24, s18, $0xb8;
	[tilespmem:$0x1E400] =	vst v63  }
0x60: {  	_ =	swait.ge [sflag:s15], $0x3E80  }
0x61: {  	[sflag:s15] =	ssyncset.done $0x0  }
0x62: {  	s30 =	simm.s32 $0x0;
	[sflag:s15] =	ssyncadd.s32 $0xFFFFC180  }
0x63: {  	[tilespmem:s30], [sflag:$0x3] =	stream.linear.gather [hbm4b:s10+s30], $0x1400, $0x38;
	[tilespmem:$0x1E400] =	vst v63  }
0x64: {  	_ =	swait.ge [sflag:s15], $0x1400  }
0x65: {  	[sflag:s15] =	ssyncset.done $0x0  }
0x66: {  	[sflag:s15] =	ssyncadd.s32 $0xFFFFEC00  }
0x67: {  	[tilespmem:s16], [sflag:$0x3] =	stream.linear.gather [hbm4b:s11+s30], $0x1400, $0x38;
	[tilespmem:$0x1E400] =	vst v63  }
0x68: {  	_ =	swait.ge [sflag:s15], $0x1400  }
0x69: {  	[sflag:s15] =	ssyncset.done $0x0  }
0x6a: {  	[sflag:s15] =	ssyncadd.s32 $0xFFFFEC00  }
0x6b: {  	[tilespmem:s19], [sflag:$0x1] =	stream.indirect.gather [hbm4b:s4+s18], $0x80, s30, s18, $0xb8;
	[tilespmem:$0x1E400] =	vst v63  }
0x6c: {  	s31 =	simm.s32 $0x80  }
0x6d: {  	[tilespmem:s20], [sflag:$0x2] =	stream.indirect.gather [hbm4b:s4+s18], $0x80, s31, s18, $0xb8;
	[tilespmem:$0x1E400] =	vst v63  }
0x6e: {  	_ =	swait.ge [sflag:s17], $0x3E80  }
0x6f: {  	[sflag:s17] =	ssyncset.done $0x0  }
0x70: {  	s29 =	simm.s32 $0x1400;
	[sflag:s17] =	ssyncadd.s32 $0xFFFFC180  }
0x71: {  	[spmem:s1] =	stream.indirect.scatter.add.f32 [tilespmem:s19], [sflag:$0x3], $0x80, s29, s18, $0xb8;
	[tilespmem:$0x1E400] =	vst v63  }
0x72: {  	_ =	swait.ge [sflag:s15], $0x3E80  }
0x73: {  	[sflag:s15] =	ssyncset.done $0x0  }
0x74: {  	s30 =	simm.s32 $0x100;
	[sflag:s15] =	ssyncadd.s32 $0xFFFFC180  }
0x75: {  	[tilespmem:s19], [sflag:$0x1] =	stream.indirect.gather [hbm4b:s4+s18], $0x80, s30, s18, $0xb8;
	[tilespmem:$0x1E400] =	vst v63  }
0x76: {  	_ =	swait.ge [sflag:s21], $0x3E80  }
0x77: {  	[sflag:s21] =	ssyncset.done $0x0  }
0x78: {  	s31 =	simm.s32 $0x1480;
	[sflag:s21] =	ssyncadd.s32 $0xFFFFC180  }
0x79: {  	[spmem:s1] =	stream.indirect.scatter.add.f32 [tilespmem:s20], [sflag:$0x3], $0x80, s31, s18, $0xb8;
	[tilespmem:$0x1E400] =	vst v63  }
0x7a: {  	_ =	swait.ge [sflag:s15], $0x3E80  }
0x7b: {  	s26 =	simm.s32 $0x100;
	s28 =	simm.s32 $0x800;
	[sflag:s15] =	ssyncset.done $0x0  }
.LBB2_4:
0x7c: {  	s29 =	sadd.s32 $0x80, s26  }
0x7d: {  	[sflag:s15] =	ssyncadd.s32 $0xFFFFC180;
	s30 =	smov.u32 s28;
	s31 =	sadd.s32 $0x400, s28  }
0x7e: {  	[tilespmem:s20], [sflag:$0x2] =	stream.indirect.gather [hbm4b:s4+s18], $0x80, s29, s18, $0xb8;
	[tilespmem:$0x1E400] =	vst v63  }
0x7f: {  	p0 =	sne.s32 s28, $0x4800;
	_ =	swait.ge [sflag:s17], $0x3E80  }
0x80: {  	[sflag:s17] =	ssyncset.done $0x0  }
0x81: {  	s28 =	sadd.s32 $0x1400, s26;
	[sflag:s17] =	ssyncadd.s32 $0xFFFFC180  }
0x82: {  	[spmem:s1] =	stream.indirect.scatter.add.f32 [tilespmem:s19], [sflag:$0x3], $0x80, s28, s18, $0xb8;
	[tilespmem:$0x1E400] =	vst v63  }
0x83: {  	_ =	swait.ge [sflag:s15], $0x3E80  }
0x84: {  	[sflag:s15] =	ssyncset.done $0x0  }
0x85: {  	s28 =	sadd.s32 $0x100, s26;
	[sflag:s15] =	ssyncadd.s32 $0xFFFFC180  }
0x86: {  	[tilespmem:s19], [sflag:$0x1] =	stream.indirect.gather [hbm4b:s4+s18], $0x80, s28, s18, $0xb8;
	[tilespmem:$0x1E400] =	vst v63  }
0x87: {  	_ =	swait.ge [sflag:s21], $0x3E80  }
.Ltmp1:
0x88: {  	[sflag:s21] =	ssyncset.done $0x0;
	(pc) =	sbr.rel @p0 .LBB2_4-.Ltmp1, $4  }
0x89: {  	s26 =	sadd.s32 $0x1480, s26;
	[sflag:s21] =	ssyncadd.s32 $0xFFFFC180  }
0x8a: {  	[spmem:s1] =	stream.indirect.scatter.add.f32 [tilespmem:s20], [sflag:$0x3], $0x80, s26, s18, $0xb8;
	[tilespmem:$0x1E400] =	vst v63  }
0x8b: {  	_ =	swait.ge [sflag:s15], $0x3E80  }
0x8c: {  	s28 =	smov.u32 s31;
	s26 =	sshra.s32 s30, $0x2;
	[sflag:s15] =	ssyncset.done $0x0  }
0x8d: {  	s28 =	sadd.s32 $0x80, s26;
	[sflag:s15] =	ssyncadd.s32 $0xFFFFC180  }
0x8e: {  	[tilespmem:s20], [sflag:$0x2] =	stream.indirect.gather [hbm4b:s4+s18], $0x80, s28, s18, $0xb8;
	[tilespmem:$0x1E400] =	vst v63  }
0x8f: {  	_ =	swait.ge [sflag:s17], $0x3E80  }
0x90: {  	[sflag:s17] =	ssyncset.done $0x0  }
0x91: {  	s31 =	sadd.s32 $0x1400, s26;
	[sflag:s17] =	ssyncadd.s32 $0xFFFFC180  }
0x92: {  	[spmem:s1] =	stream.indirect.scatter.add.f32 [tilespmem:s19], [sflag:$0x3], $0x80, s31, s18, $0xb8;
	[tilespmem:$0x1E400] =	vst v63  }
0x93: {  	_ =	swait.ge [sflag:s15], $0x3E80  }
0x94: {  	[sflag:s15] =	ssyncset.done $0x0  }
0x95: {  	s29 =	sadd.s32 $0x100, s26;
	[sflag:s15] =	ssyncadd.s32 $0xFFFFC180  }
0x96: {  	[tilespmem:s19], [sflag:$0x1] =	stream.indirect.gather [hbm4b:s4+s18], $0x80, s29, s18, $0xb8;
	[tilespmem:$0x1E400] =	vst v63  }
0x97: {  	_ =	swait.ge [sflag:s21], $0x3E80  }
0x98: {  	[sflag:s21] =	ssyncset.done $0x0  }
0x99: {  	s30 =	sadd.s32 $0x1480, s26;
	[sflag:s21] =	ssyncadd.s32 $0xFFFFC180  }
0x9a: {  	[spmem:s1] =	stream.indirect.scatter.add.f32 [tilespmem:s20], [sflag:$0x3], $0x80, s30, s18, $0xb8;
	[tilespmem:$0x1E400] =	vst v63  }
0x9b: {  	_ =	swait.ge [sflag:s15], $0x3E80  }
0x9c: {  	[sflag:s15] =	ssyncset.done $0x0  }
0x9d: {  	[sflag:s15] =	ssyncadd.s32 $0xFFFFC180  }
0x9e: {  	[tilespmem:s20], [sflag:$0x2] =	stream.indirect.gather [hbm4b:s4+s18], $0x80, s22, s18, $0xb8;
	[tilespmem:$0x1E400] =	vst v63  }
0x9f: {  	_ =	swait.ge [sflag:s17], $0x3E80  }
0xa0: {  	[sflag:s17] =	ssyncset.done $0x0  }
0xa1: {  	[sflag:s17] =	ssyncadd.s32 $0xFFFFC180  }
0xa2: {  	[spmem:s1] =	stream.indirect.scatter.add.f32 [tilespmem:s19], [sflag:$0x3], $0x80, s23, s18, $0xb8;
	[tilespmem:$0x1E400] =	vst v63  }
0xa3: {  	_ =	swait.ge [sflag:s15], $0x3E80  }
0xa4: {  	[sflag:s15] =	ssyncset.done $0x0  }
0xa5: {  	[sflag:s15] =	ssyncadd.s32 $0xFFFFC180  }
0xa6: {  	_ =	swait.ge [sflag:s21], $0x3E80  }
0xa7: {  	[sflag:s21] =	ssyncset.done $0x0  }
0xa8: {  	[sflag:s21] =	ssyncadd.s32 $0xFFFFC180  }
0xa9: {  	[spmem:s1] =	stream.indirect.scatter.add.f32 [tilespmem:s20], [sflag:$0x3], $0x80, s24, s18, $0xb8;
	[tilespmem:$0x1E400] =	vst v63  }
0xaa: {  	_ =	swait.ge [sflag:s15], $0x3E80  }
0xab: {  	s25 =	sadd.s32 $0x1, s25;
	[sflag:s15] =	ssyncset.done $0x0  }
0xac: {  	p0 =	sne.s32 s25, s13;
	[sflag:s15] =	ssyncadd.s32 $0xFFFFC180  }
.Ltmp2:
0xad: {  	s31 =	sor.u32 $0x1C03, s6;
	[bflag:$0x0] =	sbarrier.arrive $0xFFFF;
	(pc) =	sbr.rel @p0 .LBB2_1-.Ltmp2, $4  }
0xae: {  	[hbm:s12], [sflag:s31] =	dma.local [spmem:s14], $0x2780  }
0xaf: {  	_ =	swait.ge [sflag:s15], $0x2780  }
0xb0: {  	[sflag:s15] =	ssyncset.done $0x0  }
0xb1: {  	[sflag:s15] =	ssyncadd.s32 $0xFFFFD880  }
0xb2: {  	_ =	sfence.sel $0x180000  }
0xb3: {  	[bflag:$0x0] =	sbarrier.arrive $0xFFFF  }
0xb4: {  	p0 =	sne.s32 s2, $0x0;
	_ =	strace $0x9000004D  }
0xb5: {  	s0 =	sadd.s32 @!p0 $0x100000, s0;
	[bflag:$0x2] =	sbarrier.arrive $0xFFFF  }
0xb6: {  	[sflag:s0] =	ssyncadd.tile.s32 @!p0 $0x1;
	_ =	shalt  }
.Lfunc_end2:
_tile_overlayer_lowered:
.L_overlay_start_2:
0xb7: {  	(tag) =	ssettag $0x2  }
0xb8: {  	s0 =	rddreg [dreg:$0x0];
	s2 =	stileid.u32  }
0xb9: {  	s1 =	rddreg [dreg:$0x1];
	p0 =	sne.s32 s2, $0x0  }
0xba: {  	s3 =	rddreg [dreg:$0x2];
	[bflag:$0x3] =	sbarrier.arrive $0xFFFF;
	s2 =	simm.s32 @!p0 $0x1C03  }
0xbb: {  	[timem:s3], [sflag:s2] =	dma.local @!p0 [hbm:s0], s1  }
0xbc: {  	s0 =	simm.s32 @!p0 $0x3  }
0xbd: {  	_ =	swait.ge @!p0 [sflag:s0], s1  }
0xbe: {  	s1 =	ssub.s32 @!p0 $0x0, s1;
	[sflag:s0] =	ssyncset.done @!p0 $0x0  }
0xbf: {  	[sflag:s0] =	ssyncadd.s32 @!p0 s1  }
0xc0: {  	[bflag:$0x3] =	sbarrier.arrive $0xFFFF  }
0xc1: {  	_ =	shalt  }

// kernel: kernel.23.cloned.1.call-start
scs
__scs_entry_jumppad:
0x0: {  	(pc) =	sbr.rel $0x88, $3  }
0x1: {  	(tag) =	ssettag $0x0;
	lr =	simm.s32 $0x1  }
0x2: {  	[smem:$0x3F95] =	sst lr;
	_ =	strace $0xD0000000  }
0x3: {  	_ = 	snop  }
0x4: {  	_ = 	snop  }
0x5: {  	_ = 	snop  }
0x6: {  	_ = 	snop  }
0x7: {  	_ = 	snop  }
__scs_overlays_trampoline_lowered:
0x8: {  	[smem:$0x3FA4] =	sst s0  }
0x9: {  	[smem:$0x3FA5] =	sst s1  }
0xa: {  	[smem:$0x3FA6] =	sst s2  }
0xb: {  	[smem:$0x3FA7] =	sst s3  }
0xc: {  	[smem:$0x3FA8] =	sst s4  }
0xd: {  	[smem:$0x3FA9] =	sst s5  }
0xe: {  	[smem:$0x3FAA] =	sst s6  }
0xf: {  	[smem:$0x3FAB] =	sst s7  }
0x10: {  	[smem:$0x3FAC] =	sst s8  }
0x11: {  	[smem:$0x3FAD] =	sst s9;
	s0 =	simm.s32 @!p0 $0x0  }
0x12: {  	s1 =	sld [smem:$0x3F93];
	s0 =	simm.s32 @p0 $0x1  }
0x13: {  	[smem:$0x3FAE] =	sst s0;
	s0 =	simm.s32 @!p1 $0x0  }
0x14: {  	s2 =	sld [smem:$0x3F92];
	s0 =	simm.s32 @p1 $0x1  }
0x15: {  	[smem:$0x3FAF] =	sst s0;
	s0 =	simm.s32 @!p2 $0x0  }
0x16: {  	s3 =	sld [smem:$0x3FDB];
	s0 =	simm.s32 @p2 $0x1  }
0x17: {  	s4 =	simm.s32 $0x1BF5;
	[smem:$0x3FB1] =	sst s0  }
0x18: {  	s0 =	sld [smem:$0x3F94];
	_ =	swait.ge [sflag:s4], $0x0  }
0x19: {  	s7 =	sld [smem:$0x3F95]  }
0x1a: {  	s8 =	sadd.s32 $0xFFFFE003, lr  }
0x1b: {  	s9 =	sadd.s32 $0xFFFFFEF7, lr;
	s5 =	simm.s32 $0xFFFFFFFF;
	p2 =	slt.u32 s8, $0xFFFFF086  }
0x1c: {  	p1 =	slt.u32 s9, $0xF7A;
	s5 =	simm.s32 @!p2 $0x0  }
0x1d: {  	s5 =	simm.s32 @p1 $0x1;
	p0 =	seq.s32 s7, s2  }
0x1e: {  	s7 =	smul.u32 @!p0 $0xF7A, s2;
	p2 =	seq.s32 @!p0 s5, $0x0  }
0x1f: {  	s9 =	smul.u32 $0xF7A, s1;
	s8 =	simm.s32 @!p0 $0x1BF5;
	p2 =	por !p2, p0  }
0x20: {  	[sflag:s8] =	ssyncset.s32 @!p0 $0xFFFFF086;
	s6 =	sadd.s32 @!p0 s3, s7;
	s7 =	simm.s32 @!p0 $0x108  }
0x21: {  	s3 =	sadd.s32 s3, s9;
	s6 =	sadd.s32 @!p0 $0x88, s6;
	s7 =	simm.s32 @p2 $0x1082  }
0x22: {  	[simem:s7], [sflag:s8] =	dma.local @!p0 [hbm:s6], $0xF7A  }
0x23: {  	s9 =	sor.u32 $0xD0000000, s2;
	s6 =	simm.s32 $0x108;
	_ =	swait.ge @!p0 [sflag:s8], $0x0  }
0x24: {  	s3 =	sadd.s32 $0x88, s3;
	s6 =	simm.s32 @!p1 $0x1082;
	[sflag:s4] =	ssyncset.s32 $0xFFFFF086  }
0x25: {  	[simem:s6], [sflag:s4] =	dma.local [hbm:s3], $0xF7A  }
0x26: {  	[smem:$0x3F95] =	sst s1;
	(tag) =	ssettag s2;
	_ =	strace s9  }
0x27: {  	s1 =	sld [smem:$0x3FA5]  }
0x28: {  	s2 =	sld [smem:$0x3FA6]  }
0x29: {  	s4 =	sld [smem:$0x3FA8]  }
0x2a: {  	p0 =	seq.s32 s5, $0x0;
	s5 =	sld [smem:$0x3FA9]  }
0x2b: {  	s6 =	sld [smem:$0x3FAA]  }
0x2c: {  	s7 =	sld [smem:$0x3FAB]  }
0x2d: {  	s3 =	simm.s32 $0x108;
	s8 =	sld [smem:$0x3FAC]  }
0x2e: {  	s3 =	simm.s32 @!p0 $0x1082;
	s9 =	sld [smem:$0x3FAD]  }
0x2f: {  	lr =	sadd.s32 s0, s3;
	s0 =	sld [smem:$0x3FA4]  }
0x30: {  	s3 =	sld [smem:$0x3FA7]  }
0x31: {  	[smem:$0x3FB0] =	sst s10  }
0x32: {  	s10 =	sld [smem:$0x3FAE];
	_ =	sdelay $0x3  }
0x33: {  	p0 =	seq.s32 s10, $0x1;
	s10 =	sld [smem:$0x3FB0];
	_ =	sdelay $0x3  }
0x34: {  	[smem:$0x3FB0] =	sst s10  }
0x35: {  	s10 =	sld [smem:$0x3FAF];
	_ =	sdelay $0x3  }
0x36: {  	p1 =	seq.s32 s10, $0x1;
	s10 =	sld [smem:$0x3FB0];
	_ =	sdelay $0x3  }
0x37: {  	[smem:$0x3FB0] =	sst s10  }
0x38: {  	s10 =	sld [smem:$0x3FB1]  }
0x39: {  	_ = 	snop;
	(pc) =	sbr.ind lr, $3  }
0x3a: {  	_ = 	snop  }
0x3b: {  	_ = 	snop  }
0x3c: {  	p2 =	seq.s32 s10, $0x1;
	s10 =	sld [smem:$0x3FB0]  }
0x3d: {  	_ =	shalt  }
0x3e: {  	_ =	shalt  }
0x3f: {  	_ =	shalt  }
0x40: {  	_ =	shalt  }
0x41: {  	_ =	shalt  }
0x42: {  	_ =	shalt  }
0x43: {  	_ =	shalt  }
0x44: {  	_ =	shalt  }
0x45: {  	_ =	shalt  }
0x46: {  	_ =	shalt  }
0x47: {  	_ =	shalt  }
0x48: {  	_ =	shalt  }
0x49: {  	_ =	shalt  }
0x4a: {  	_ =	shalt  }
0x4b: {  	_ =	shalt  }
0x4c: {  	_ =	shalt  }
0x4d: {  	_ =	shalt  }
0x4e: {  	_ =	shalt  }
0x4f: {  	_ =	shalt  }
0x50: {  	_ =	shalt  }
0x51: {  	_ =	shalt  }
0x52: {  	_ =	shalt  }
0x53: {  	_ =	shalt  }
0x54: {  	_ =	shalt  }
0x55: {  	_ =	shalt  }
0x56: {  	_ =	shalt  }
0x57: {  	_ =	shalt  }
0x58: {  	_ =	shalt  }
0x59: {  	_ =	shalt  }
0x5a: {  	_ =	shalt  }
0x5b: {  	_ =	shalt  }
0x5c: {  	_ =	shalt  }
0x5d: {  	_ =	shalt  }
0x5e: {  	_ =	shalt  }
0x5f: {  	_ =	shalt  }
0x60: {  	_ =	shalt  }
0x61: {  	_ =	shalt  }
0x62: {  	_ =	shalt  }
0x63: {  	_ =	shalt  }
0x64: {  	_ =	shalt  }
0x65: {  	_ =	shalt  }
0x66: {  	_ =	shalt  }
0x67: {  	_ =	shalt  }
0x68: {  	_ =	shalt  }
0x69: {  	_ =	shalt  }
0x6a: {  	_ =	shalt  }
0x6b: {  	_ =	shalt  }
0x6c: {  	_ =	shalt  }
0x6d: {  	_ =	shalt  }
0x6e: {  	_ =	shalt  }
0x6f: {  	_ =	shalt  }
0x70: {  	_ =	shalt  }
0x71: {  	_ =	shalt  }
0x72: {  	_ =	shalt  }
0x73: {  	_ =	shalt  }
0x74: {  	_ =	shalt  }
0x75: {  	_ =	shalt  }
0x76: {  	_ =	shalt  }
0x77: {  	_ =	shalt  }
0x78: {  	_ =	shalt  }
0x79: {  	_ =	shalt  }
0x7a: {  	_ =	shalt  }
0x7b: {  	_ =	shalt  }
0x7c: {  	_ =	shalt  }
0x7d: {  	_ =	shalt  }
0x7e: {  	_ =	shalt  }
0x7f: {  	_ =	shalt  }
0x80: {  	_ =	shalt  }
0x81: {  	_ =	shalt  }
0x82: {  	_ =	shalt  }
0x83: {  	_ =	shalt  }
0x84: {  	_ =	shalt  }
0x85: {  	_ =	shalt  }
0x86: {  	_ =	shalt  }
0x87: {  	_ =	shalt  }
.Lfunc_end0:
.L_simem_size_0:
called_computation.3_lowered:
.L_overlay_start_0:
0x88: {  	s2 =	sld [smem:$0x3FD9]  }
0x89: {  	s3 =	sld [smem:$0x3FFE];
	_ =	sdelay $0x1  }
0x8a: {  	s1 =	srdreg.scid  }
0x8b: {  	s0 =	sand.u32 $0x1, s1  }
0x8c: {  	s17 =	sshll.u32 s0, $0xA;
	s2 =	sadd.s32 s3, s2  }
0x8d: {  	s2 =	sadd.s32 s2, s17  }
0x8e: {  	[smem:$0x3FBC] =	sst s2  }
0x8f: {  	_ = 	snop  }
0x90: {  	s2 =	sld [smem:$0x3FD0];
	(tm) =	ssettm $0x1  }
0x91: {  	s18 =	sld [smem:$0x3FFB];
	_ =	sdelay $0x3  }
0x92: {  	_ =	strace s18  }
0x93: {  	s3 =	sld [smem:$0x3FFC];
	_ =	sdelay $0x3  }
0x94: {  	_ =	strace s3  }
0x95: {  	s3 =	sld [smem:$0x3FFD];
	_ =	sdelay $0x3  }
0x96: {  	_ =	strace s3  }
0x97: {  	_ =	strace $0x8FFFFFFF  }
0x98: {  	s19 =	sld [smem:$0x3FDB];
	_ =	sdelay $0x1  }
0x99: {  	s4 =	simm.s32 $_scs_section_size  }
0x9a: {  	s5 =	simm.s32 $_size__tile_overlayer_lowered;
	s6 =	simm.s32 $_tile_overlayer_lowered  }
0x9b: {  	s22 =	simm.s32 $0x1BFF;
	s21 =	sshll.u32 s6, $0x1;
	s3 =	sadd.s32 s4, s19  }
0x9c: {  	s7 =	simm.s32 $0x0;
	s20 =	sshll.u32 s5, $0x1;
	s5 =	sadd.s32 s21, s3  }
0x9d: {  	[timem:s7], [sflag:s22] =	dma.local [hbm:s5], s20  }
0x9e: {  	_ =	swait.ge [sflag:s22], s20  }
0x9f: {  	s4 =	ssub.s32 $0x0, s20;
	[sflag:s22] =	ssyncset.done $0x0  }
0xa0: {  	[sflag:s22] =	ssyncadd.s32 s4;
	_ =	sdelay $0x1  }
0xa1: {  	s23 =	simm.s32 $0x1B8B  }
0xa2: {  	_ =	swait.ge [sflag:s23], $0x1  }
0xa3: {  	[sflag:s23] =	ssyncset.done $0x0  }
0xa4: {  	s25 =	simm.s32 $0x1B8E;
	s24 =	sld [smem:$0x3FFE];
	[sflag:s23] =	ssyncadd.s32 $0xFFFFFFFF  }
0xa5: {  	s26 =	simm.s32 $execute0_lowered;
	[smem:$0x3FD2] =	sst s25  }
0xa6: {  	s5 =	sshll.u32 s26, $0x1;
	_ =	strace $0x8000004F;
	[dreg:$0x1] =	wrdreg $0xFFFFFFFF  }
0xa7: {  	s28 =	simm.s32 $_size_execute0_lowered;
	s3 =	sadd.s32 s3, s5;
	[dreg:$0x0] =	wrdreg $0x0  }
0xa8: {  	s5 =	sshll.u32 s28, $0x1;
	[dreg:$0x2] =	wrdreg s3  }
0xa9: {  	[dreg:$0x3] =	wrdreg s5  }
0xaa: {  	[dreg:$0x4] =	wrdreg $0xC0  }
0xab: {  	_ =	task [dreg:s7], $0x5FFFF  }
0xac: {  	[dreg:$0x1] =	wrdreg $0xFFFFFFFF  }
0xad: {  	[dreg:$0x0] =	wrdreg $0x60  }
0xae: {  	[dreg:$0x2] =	wrdreg s24  }
0xaf: {  	[dreg:$0x3] =	wrdreg s2  }
0xb0: {  	[dreg:$0x4] =	wrdreg $0xA8000  }
0xb1: {  	[dreg:$0x5] =	wrdreg $0x9  }
0xb2: {  	_ =	task.clear_ibuf [dreg:s7], $0x6FFFF;
	_ =	strace $0x9000004F  }
0xb3: {  	s29 =	simm.s32 $0x9;
	_ =	strace $0x80000051  }
0xb4: {  	_ =	swait.ge [sflag:s29], $0x1  }
0xb5: {  	[sflag:s29] =	ssyncadd.s32 $0xFFFFFFFF  }
0xb6: {  	_ =	strace $0x90000051  }
0xb7: {  	_ =	sfence  }
0xb8: {  	s30 =	sld [smem:$0x0];
	_ =	sdelay $0x2  }
0xb9: {  	s31 =	sshll.u32 s1, $0xD;
	s1 =	sshrl.u32 s1, $0x2  }
0xba: {  	s3 =	sand.u32 $0x4000, s31;
	s1 =	sadd.s32 s1, s30  }
0xbb: {  	s0 =	sor.u32 s3, s0;
	s1 =	sshll.u32 s1, $0x11  }
0xbc: {  	s0 =	sor.u32 s1, s0  }
0xbd: {  	s0 =	sadd.s32 $0x8F2B, s0  }
0xbe: {  	[sflag:s0] =	ssyncadd.remote.s32 $0x1  }
0xbf: {  	_ =	sfence.sel $0xFFFF  }
0xc0: {  	[dreg:$0x0] =	wrdreg $0xFFFFFFFF;
	(pc) =	sbr.abs _section_cstart, $3  }
0xc1: {  	[dreg:$0x1] =	wrdreg $0xFFFFFFFF  }
0xc2: {  	_ =	task.clear_ibuf [dreg:s7], $0x2FFFF;
	_ =	strace $0x9FFFFFFF  }
0xc3: {  	(tm) =	ssettm $0x7FFFFFFF  }
tec
execute0_lowered:
.L_overlay_start_1:
0x0: {  	(tag) =	ssettag $0x1  }
0x1: {  	s6 =	rddreg [dreg:$0x0]  }
0x2: {  	s10 =	rddreg [dreg:$0x1]  }
0x3: {  	s1 =	rddreg [dreg:$0x2]  }
0x4: {  	s2 =	srdreg.scid;
	s0 =	rddreg [dreg:$0x3]  }
0x5: {  	s3 =	simm.s32 $0x0;
	s16 =	simm.s32 $0x1400;
	s17 =	simm.s32 $0x1  }
0x6: {  	s18 =	simm.s32 $0x7D;
	s19 =	simm.s32 $0x2800;
	s20 =	simm.s32 $0x6800  }
0x7: {  	s21 =	simm.s32 $0x2;
	s22 =	simm.s32 $0x1380;
	s23 =	simm.s32 $0x2700  }
0x8: {  	s24 =	simm.s32 $0x2780;
	s7 =	sand.u32 $0x1, s2;
	s2 =	stileid.u32  }
0x9: {  	[smem:$0x7FF] =	sst s3;
	s4 =	sadd.s32 $0x18200, s6;
	s8 =	smul.u32 $0x13C000, s7  }
0xa: {  	s11 =	sadd.s32 $0x4200, s6;
	s5 =	sadd.s32 $0x3F400, s6;
	s9 =	smul.u32 $0x13C00, s2  }
0xb: {  	_ =	strace $0x80000050;
	s25 =	sshll.u32 s2, $0x1;
	s12 =	ssub.s32 $0x2, s7  }
0xc: {  	s26 =	smul.u32 $0x4F000, s2;
	s7 =	sor.u32 s7, s25;
	s13 =	sshrl.u32 s12, $0x1  }
0xd: {  	s25 =	simm.s32 $0x0;
	s8 =	sadd.s32 s9, s8;
	s14 =	smul.u32 $0x2800, s7  }
0xe: {  	s13 =	ssub.s32 s12, s13;
	s28 =	sshrl.u32 s26, $0x2;
	s29 =	smul.u32 $0x500, s7  }
0xf: {  	s8 =	sshrl.u32 s8, $0x3;
	s31 =	sadd.s32 s28, s1;
	s13 =	smax.u32 s13, $0x1  }
0x10: {  	s15 =	sadd.s32 s8, s6;
	s6 =	sshll.u32 s2, $0x6;
	s30 =	sshrl.u32 s14, $0x3  }
0x11: {  	s8 =	sadd.s32 s10, s29;
	s9 =	sadd.s32 s11, s29;
	s12 =	sadd.s32 $0x280, s30  }
0x12: {  	s14 =	sshrl.u32 s31, $0x3;
	s7 =	sor.u32 $0x1C01, s6;
	s10 =	sadd.s32 s10, s12  }
0x13: {  	s11 =	sadd.s32 s11, s12;
	s12 =	sadd.s32 $0x41C00, s15;
	s15 =	simm.s32 $0x3  }
.LBB2_1:
0x14: {  	[spmem:s14], [sflag:s7] =	dma.local [hbm:s5], $0x2780  }
0x15: {  	[tilespmem:s3], [sflag:$0x3] =	stream.linear.gather [hbm4b:s8+s3], $0x1400, $0x38;
	[tilespmem:$0x1E400] =	vst v63  }
0x16: {  	_ =	swait.ge [sflag:s15], $0x1400  }
0x17: {  	[sflag:s15] =	ssyncset.done $0x0  }
0x18: {  	[sflag:s15] =	ssyncadd.s32 $0xFFFFEC00  }
0x19: {  	[tilespmem:s16], [sflag:$0x3] =	stream.linear.gather [hbm4b:s9+s3], $0x1400, $0x38;
	[tilespmem:$0x1E400] =	vst v63  }
0x1a: {  	_ =	swait.ge [sflag:s15], $0x1400  }
0x1b: {  	[sflag:s15] =	ssyncset.done $0x0  }
0x1c: {  	[sflag:s15] =	ssyncadd.s32 $0xFFFFEC00  }
0x1d: {  	_ =	swait.ge [sflag:s17], $0x2780  }
0x1e: {  	[sflag:s17] =	ssyncset.done $0x0  }
0x1f: {  	[sflag:s17] =	ssyncadd.s32 $0xFFFFD880  }
0x20: {  	[bflag:$0x0] =	sbarrier.arrive $0xFFFF  }
0x21: {  	[tilespmem:s19], [sflag:$0x1] =	stream.indirect.gather [hbm4b:s4+s18], $0x80, s3, s18, $0xb8;
	[tilespmem:$0x1E400] =	vst v63  }
0x22: {  	s26 =	simm.s32 $0x80  }
0x23: {  	[tilespmem:s20], [sflag:$0x2] =	stream.indirect.gather [hbm4b:s4+s18], $0x80, s26, s18, $0xb8;
	[tilespmem:$0x1E400] =	vst v63  }
0x24: {  	_ =	swait.ge [sflag:s17], $0x3E80  }
0x25: {  	[sflag:s17] =	ssyncset.done $0x0  }
0x26: {  	s29 =	simm.s32 $0x1400;
	[sflag:s17] =	ssyncadd.s32 $0xFFFFC180  }
0x27: {  	[spmem:s1] =	stream.indirect.scatter.add.f32 [tilespmem:s19], [sflag:$0x3], $0x80, s29, s18, $0xb8;
	[tilespmem:$0x1E400] =	vst v63  }
0x28: {  	_ =	swait.ge [sflag:s15], $0x3E80  }
0x29: {  	[sflag:s15] =	ssyncset.done $0x0  }
0x2a: {  	s30 =	simm.s32 $0x100;
	[sflag:s15] =	ssyncadd.s32 $0xFFFFC180  }
0x2b: {  	[tilespmem:s19], [sflag:$0x1] =	stream.indirect.gather [hbm4b:s4+s18], $0x80, s30, s18, $0xb8;
	[tilespmem:$0x1E400] =	vst v63  }
0x2c: {  	_ =	swait.ge [sflag:s21], $0x3E80  }
0x2d: {  	[sflag:s21] =	ssyncset.done $0x0  }
0x2e: {  	s31 =	simm.s32 $0x1480;
	[sflag:s21] =	ssyncadd.s32 $0xFFFFC180  }
0x2f: {  	[spmem:s1] =	stream.indirect.scatter.add.f32 [tilespmem:s20], [sflag:$0x3], $0x80, s31, s18, $0xb8;
	[tilespmem:$0x1E400] =	vst v63  }
0x30: {  	_ =	swait.ge [sflag:s15], $0x3E80  }
0x31: {  	s28 =	simm.s32 $0x800;
	s26 =	simm.s32 $0x100;
	[sflag:s15] =	ssyncset.done $0x0  }
.LBB2_2:
0x32: {  	s29 =	sadd.s32 $0x80, s26  }
0x33: {  	[sflag:s15] =	ssyncadd.s32 $0xFFFFC180;
	s30 =	smov.u32 s28;
	s31 =	sadd.s32 $0x400, s28  }
0x34: {  	[tilespmem:s20], [sflag:$0x2] =	stream.indirect.gather [hbm4b:s4+s18], $0x80, s29, s18, $0xb8;
	[tilespmem:$0x1E400] =	vst v63  }
0x35: {  	p0 =	sne.s32 s28, $0x4800;
	_ =	swait.ge [sflag:s17], $0x3E80  }
0x36: {  	[sflag:s17] =	ssyncset.done $0x0  }
0x37: {  	s28 =	sadd.s32 $0x1400, s26;
	[sflag:s17] =	ssyncadd.s32 $0xFFFFC180  }
0x38: {  	[spmem:s1] =	stream.indirect.scatter.add.f32 [tilespmem:s19], [sflag:$0x3], $0x80, s28, s18, $0xb8;
	[tilespmem:$0x1E400] =	vst v63  }
0x39: {  	_ =	swait.ge [sflag:s15], $0x3E80  }
0x3a: {  	[sflag:s15] =	ssyncset.done $0x0  }
0x3b: {  	s28 =	sadd.s32 $0x100, s26;
	[sflag:s15] =	ssyncadd.s32 $0xFFFFC180  }
0x3c: {  	[tilespmem:s19], [sflag:$0x1] =	stream.indirect.gather [hbm4b:s4+s18], $0x80, s28, s18, $0xb8;
	[tilespmem:$0x1E400] =	vst v63  }
0x3d: {  	_ =	swait.ge [sflag:s21], $0x3E80  }
.Ltmp0:
0x3e: {  	[sflag:s21] =	ssyncset.done $0x0;
	(pc) =	sbr.rel @p0 .LBB2_2-.Ltmp0, $4  }
0x3f: {  	s26 =	sadd.s32 $0x1480, s26;
	[sflag:s21] =	ssyncadd.s32 $0xFFFFC180  }
0x40: {  	[spmem:s1] =	stream.indirect.scatter.add.f32 [tilespmem:s20], [sflag:$0x3], $0x80, s26, s18, $0xb8;
	[tilespmem:$0x1E400] =	vst v63  }
0x41: {  	_ =	swait.ge [sflag:s15], $0x3E80  }
0x42: {  	s28 =	smov.u32 s31;
	s26 =	sshra.s32 s30, $0x2;
	[sflag:s15] =	ssyncset.done $0x0  }
0x43: {  	s28 =	sadd.s32 $0x80, s26;
	[sflag:s15] =	ssyncadd.s32 $0xFFFFC180  }
0x44: {  	[tilespmem:s20], [sflag:$0x2] =	stream.indirect.gather [hbm4b:s4+s18], $0x80, s28, s18, $0xb8;
	[tilespmem:$0x1E400] =	vst v63  }
0x45: {  	_ =	swait.ge [sflag:s17], $0x3E80  }
0x46: {  	[sflag:s17] =	ssyncset.done $0x0  }
0x47: {  	s28 =	sadd.s32 $0x1400, s26;
	[sflag:s17] =	ssyncadd.s32 $0xFFFFC180  }
0x48: {  	[spmem:s1] =	stream.indirect.scatter.add.f32 [tilespmem:s19], [sflag:$0x3], $0x80, s28, s18, $0xb8;
	[tilespmem:$0x1E400] =	vst v63  }
0x49: {  	_ =	swait.ge [sflag:s15], $0x3E80  }
0x4a: {  	[sflag:s15] =	ssyncset.done $0x0  }
0x4b: {  	s28 =	sadd.s32 $0x100, s26;
	[sflag:s15] =	ssyncadd.s32 $0xFFFFC180  }
0x4c: {  	[tilespmem:s19], [sflag:$0x1] =	stream.indirect.gather [hbm4b:s4+s18], $0x80, s28, s18, $0xb8;
	[tilespmem:$0x1E400] =	vst v63  }
0x4d: {  	_ =	swait.ge [sflag:s21], $0x3E80  }
0x4e: {  	[sflag:s21] =	ssyncset.done $0x0  }
0x4f: {  	s29 =	sadd.s32 $0x1480, s26;
	[sflag:s21] =	ssyncadd.s32 $0xFFFFC180  }
0x50: {  	[spmem:s1] =	stream.indirect.scatter.add.f32 [tilespmem:s20], [sflag:$0x3], $0x80, s29, s18, $0xb8;
	[tilespmem:$0x1E400] =	vst v63  }
0x51: {  	_ =	swait.ge [sflag:s15], $0x3E80  }
0x52: {  	[sflag:s15] =	ssyncset.done $0x0  }
0x53: {  	[sflag:s15] =	ssyncadd.s32 $0xFFFFC180  }
0x54: {  	[tilespmem:s20], [sflag:$0x2] =	stream.indirect.gather [hbm4b:s4+s18], $0x80, s22, s18, $0xb8;
	[tilespmem:$0x1E400] =	vst v63  }
0x55: {  	_ =	swait.ge [sflag:s17], $0x3E80  }
0x56: {  	[sflag:s17] =	ssyncset.done $0x0  }
0x57: {  	[sflag:s17] =	ssyncadd.s32 $0xFFFFC180  }
0x58: {  	[spmem:s1] =	stream.indirect.scatter.add.f32 [tilespmem:s19], [sflag:$0x3], $0x80, s23, s18, $0xb8;
	[tilespmem:$0x1E400] =	vst v63  }
0x59: {  	_ =	swait.ge [sflag:s15], $0x3E80  }
0x5a: {  	[sflag:s15] =	ssyncset.done $0x0  }
0x5b: {  	[sflag:s15] =	ssyncadd.s32 $0xFFFFC180  }
0x5c: {  	_ =	swait.ge [sflag:s21], $0x3E80  }
0x5d: {  	[sflag:s21] =	ssyncset.done $0x0  }
0x5e: {  	[sflag:s21] =	ssyncadd.s32 $0xFFFFC180  }
0x5f: {  	[spmem:s1] =	stream.indirect.scatter.add.f32 [tilespmem:s20], [sflag:$0x3], $0x80, s24, s18, $0xb8;
	[tilespmem:$0x1E400] =	vst v63  }
0x60: {  	_ =	swait.ge [sflag:s15], $0x3E80  }
0x61: {  	[sflag:s15] =	ssyncset.done $0x0  }
0x62: {  	s30 =	simm.s32 $0x0;
	[sflag:s15] =	ssyncadd.s32 $0xFFFFC180  }
0x63: {  	[tilespmem:s30], [sflag:$0x3] =	stream.linear.gather [hbm4b:s10+s30], $0x1400, $0x38;
	[tilespmem:$0x1E400] =	vst v63  }
0x64: {  	_ =	swait.ge [sflag:s15], $0x1400  }
0x65: {  	[sflag:s15] =	ssyncset.done $0x0  }
0x66: {  	[sflag:s15] =	ssyncadd.s32 $0xFFFFEC00  }
0x67: {  	[tilespmem:s16], [sflag:$0x3] =	stream.linear.gather [hbm4b:s11+s30], $0x1400, $0x38;
	[tilespmem:$0x1E400] =	vst v63  }
0x68: {  	_ =	swait.ge [sflag:s15], $0x1400  }
0x69: {  	[sflag:s15] =	ssyncset.done $0x0  }
0x6a: {  	[sflag:s15] =	ssyncadd.s32 $0xFFFFEC00  }
0x6b: {  	[tilespmem:s19], [sflag:$0x1] =	stream.indirect.gather [hbm4b:s4+s18], $0x80, s30, s18, $0xb8;
	[tilespmem:$0x1E400] =	vst v63  }
0x6c: {  	s31 =	simm.s32 $0x80  }
0x6d: {  	[tilespmem:s20], [sflag:$0x2] =	stream.indirect.gather [hbm4b:s4+s18], $0x80, s31, s18, $0xb8;
	[tilespmem:$0x1E400] =	vst v63  }
0x6e: {  	_ =	swait.ge [sflag:s17], $0x3E80  }
0x6f: {  	[sflag:s17] =	ssyncset.done $0x0  }
0x70: {  	s29 =	simm.s32 $0x1400;
	[sflag:s17] =	ssyncadd.s32 $0xFFFFC180  }
0x71: {  	[spmem:s1] =	stream.indirect.scatter.add.f32 [tilespmem:s19], [sflag:$0x3], $0x80, s29, s18, $0xb8;
	[tilespmem:$0x1E400] =	vst v63  }
0x72: {  	_ =	swait.ge [sflag:s15], $0x3E80  }
0x73: {  	[sflag:s15] =	ssyncset.done $0x0  }
0x74: {  	s30 =	simm.s32 $0x100;
	[sflag:s15] =	ssyncadd.s32 $0xFFFFC180  }
0x75: {  	[tilespmem:s19], [sflag:$0x1] =	stream.indirect.gather [hbm4b:s4+s18], $0x80, s30, s18, $0xb8;
	[tilespmem:$0x1E400] =	vst v63  }
0x76: {  	_ =	swait.ge [sflag:s21], $0x3E80  }
0x77: {  	[sflag:s21] =	ssyncset.done $0x0  }
0x78: {  	s31 =	simm.s32 $0x1480;
	[sflag:s21] =	ssyncadd.s32 $0xFFFFC180  }
0x79: {  	[spmem:s1] =	stream.indirect.scatter.add.f32 [tilespmem:s20], [sflag:$0x3], $0x80, s31, s18, $0xb8;
	[tilespmem:$0x1E400] =	vst v63  }
0x7a: {  	_ =	swait.ge [sflag:s15], $0x3E80  }
0x7b: {  	s26 =	simm.s32 $0x100;
	s28 =	simm.s32 $0x800;
	[sflag:s15] =	ssyncset.done $0x0  }
.LBB2_4:
0x7c: {  	s29 =	sadd.s32 $0x80, s26  }
0x7d: {  	[sflag:s15] =	ssyncadd.s32 $0xFFFFC180;
	s30 =	smov.u32 s28;
	s31 =	sadd.s32 $0x400, s28  }
0x7e: {  	[tilespmem:s20], [sflag:$0x2] =	stream.indirect.gather [hbm4b:s4+s18], $0x80, s29, s18, $0xb8;
	[tilespmem:$0x1E400] =	vst v63  }
0x7f: {  	p0 =	sne.s32 s28, $0x4800;
	_ =	swait.ge [sflag:s17], $0x3E80  }
0x80: {  	[sflag:s17] =	ssyncset.done $0x0  }
0x81: {  	s28 =	sadd.s32 $0x1400, s26;
	[sflag:s17] =	ssyncadd.s32 $0xFFFFC180  }
0x82: {  	[spmem:s1] =	stream.indirect.scatter.add.f32 [tilespmem:s19], [sflag:$0x3], $0x80, s28, s18, $0xb8;
	[tilespmem:$0x1E400] =	vst v63  }
0x83: {  	_ =	swait.ge [sflag:s15], $0x3E80  }
0x84: {  	[sflag:s15] =	ssyncset.done $0x0  }
0x85: {  	s28 =	sadd.s32 $0x100, s26;
	[sflag:s15] =	ssyncadd.s32 $0xFFFFC180  }
0x86: {  	[tilespmem:s19], [sflag:$0x1] =	stream.indirect.gather [hbm4b:s4+s18], $0x80, s28, s18, $0xb8;
	[tilespmem:$0x1E400] =	vst v63  }
0x87: {  	_ =	swait.ge [sflag:s21], $0x3E80  }
.Ltmp1:
0x88: {  	[sflag:s21] =	ssyncset.done $0x0;
	(pc) =	sbr.rel @p0 .LBB2_4-.Ltmp1, $4  }
0x89: {  	s26 =	sadd.s32 $0x1480, s26;
	[sflag:s21] =	ssyncadd.s32 $0xFFFFC180  }
0x8a: {  	[spmem:s1] =	stream.indirect.scatter.add.f32 [tilespmem:s20], [sflag:$0x3], $0x80, s26, s18, $0xb8;
	[tilespmem:$0x1E400] =	vst v63  }
0x8b: {  	_ =	swait.ge [sflag:s15], $0x3E80  }
0x8c: {  	s28 =	smov.u32 s31;
	s26 =	sshra.s32 s30, $0x2;
	[sflag:s15] =	ssyncset.done $0x0  }
0x8d: {  	s28 =	sadd.s32 $0x80, s26;
	[sflag:s15] =	ssyncadd.s32 $0xFFFFC180  }
0x8e: {  	[tilespmem:s20], [sflag:$0x2] =	stream.indirect.gather [hbm4b:s4+s18], $0x80, s28, s18, $0xb8;
	[tilespmem:$0x1E400] =	vst v63  }
0x8f: {  	_ =	swait.ge [sflag:s17], $0x3E80  }
0x90: {  	[sflag:s17] =	ssyncset.done $0x0  }
0x91: {  	s31 =	sadd.s32 $0x1400, s26;
	[sflag:s17] =	ssyncadd.s32 $0xFFFFC180  }
0x92: {  	[spmem:s1] =	stream.indirect.scatter.add.f32 [tilespmem:s19], [sflag:$0x3], $0x80, s31, s18, $0xb8;
	[tilespmem:$0x1E400] =	vst v63  }
0x93: {  	_ =	swait.ge [sflag:s15], $0x3E80  }
0x94: {  	[sflag:s15] =	ssyncset.done $0x0  }
0x95: {  	s29 =	sadd.s32 $0x100, s26;
	[sflag:s15] =	ssyncadd.s32 $0xFFFFC180  }
0x96: {  	[tilespmem:s19], [sflag:$0x1] =	stream.indirect.gather [hbm4b:s4+s18], $0x80, s29, s18, $0xb8;
	[tilespmem:$0x1E400] =	vst v63  }
0x97: {  	_ =	swait.ge [sflag:s21], $0x3E80  }
0x98: {  	[sflag:s21] =	ssyncset.done $0x0  }
0x99: {  	s30 =	sadd.s32 $0x1480, s26;
	[sflag:s21] =	ssyncadd.s32 $0xFFFFC180  }
0x9a: {  	[spmem:s1] =	stream.indirect.scatter.add.f32 [tilespmem:s20], [sflag:$0x3], $0x80, s30, s18, $0xb8;
	[tilespmem:$0x1E400] =	vst v63  }
0x9b: {  	_ =	swait.ge [sflag:s15], $0x3E80  }
0x9c: {  	[sflag:s15] =	ssyncset.done $0x0  }
0x9d: {  	[sflag:s15] =	ssyncadd.s32 $0xFFFFC180  }
0x9e: {  	[tilespmem:s20], [sflag:$0x2] =	stream.indirect.gather [hbm4b:s4+s18], $0x80, s22, s18, $0xb8;
	[tilespmem:$0x1E400] =	vst v63  }
0x9f: {  	_ =	swait.ge [sflag:s17], $0x3E80  }
0xa0: {  	[sflag:s17] =	ssyncset.done $0x0  }
0xa1: {  	[sflag:s17] =	ssyncadd.s32 $0xFFFFC180  }
0xa2: {  	[spmem:s1] =	stream.indirect.scatter.add.f32 [tilespmem:s19], [sflag:$0x3], $0x80, s23, s18, $0xb8;
	[tilespmem:$0x1E400] =	vst v63  }
0xa3: {  	_ =	swait.ge [sflag:s15], $0x3E80  }
0xa4: {  	[sflag:s15] =	ssyncset.done $0x0  }
0xa5: {  	[sflag:s15] =	ssyncadd.s32 $0xFFFFC180  }
0xa6: {  	_ =	swait.ge [sflag:s21], $0x3E80  }
0xa7: {  	[sflag:s21] =	ssyncset.done $0x0  }
0xa8: {  	[sflag:s21] =	ssyncadd.s32 $0xFFFFC180  }
0xa9: {  	[spmem:s1] =	stream.indirect.scatter.add.f32 [tilespmem:s20], [sflag:$0x3], $0x80, s24, s18, $0xb8;
	[tilespmem:$0x1E400] =	vst v63  }
0xaa: {  	_ =	swait.ge [sflag:s15], $0x3E80  }
0xab: {  	s25 =	sadd.s32 $0x1, s25;
	[sflag:s15] =	ssyncset.done $0x0  }
0xac: {  	p0 =	sne.s32 s25, s13;
	[sflag:s15] =	ssyncadd.s32 $0xFFFFC180  }
.Ltmp2:
0xad: {  	s31 =	sor.u32 $0x1C03, s6;
	[bflag:$0x0] =	sbarrier.arrive $0xFFFF;
	(pc) =	sbr.rel @p0 .LBB2_1-.Ltmp2, $4  }
0xae: {  	[hbm:s12], [sflag:s31] =	dma.local [spmem:s14], $0x2780  }
0xaf: {  	_ =	swait.ge [sflag:s15], $0x2780  }
0xb0: {  	[sflag:s15] =	ssyncset.done $0x0  }
0xb1: {  	[sflag:s15] =	ssyncadd.s32 $0xFFFFD880  }
0xb2: {  	_ =	sfence.sel $0x180000  }
0xb3: {  	[bflag:$0x0] =	sbarrier.arrive $0xFFFF  }
0xb4: {  	p0 =	sne.s32 s2, $0x0;
	_ =	strace $0x90000050  }
0xb5: {  	s0 =	sadd.s32 @!p0 $0x100000, s0;
	[bflag:$0x2] =	sbarrier.arrive $0xFFFF  }
0xb6: {  	[sflag:s0] =	ssyncadd.tile.s32 @!p0 $0x1;
	_ =	shalt  }
.Lfunc_end2:
_tile_overlayer_lowered:
.L_overlay_start_2:
0xb7: {  	(tag) =	ssettag $0x2  }
0xb8: {  	s0 =	rddreg [dreg:$0x0];
	s2 =	stileid.u32  }
0xb9: {  	s1 =	rddreg [dreg:$0x1];
	p0 =	sne.s32 s2, $0x0  }
0xba: {  	s3 =	rddreg [dreg:$0x2];
	[bflag:$0x3] =	sbarrier.arrive $0xFFFF;
	s2 =	simm.s32 @!p0 $0x1C03  }
0xbb: {  	[timem:s3], [sflag:s2] =	dma.local @!p0 [hbm:s0], s1  }
0xbc: {  	s0 =	simm.s32 @!p0 $0x3  }
0xbd: {  	_ =	swait.ge @!p0 [sflag:s0], s1  }
0xbe: {  	s1 =	ssub.s32 @!p0 $0x0, s1;
	[sflag:s0] =	ssyncset.done @!p0 $0x0  }
0xbf: {  	[sflag:s0] =	ssyncadd.s32 @!p0 s1  }
0xc0: {  	[bflag:$0x3] =	sbarrier.arrive $0xFFFF  }
0xc1: {  	_ =	shalt  }

// kernel: kernel.26.cloned.1.call-start
scs
__scs_entry_jumppad:
0x0: {  	(pc) =	sbr.rel $0x88, $3  }
0x1: {  	(tag) =	ssettag $0x0;
	lr =	simm.s32 $0x1  }
0x2: {  	[smem:$0x3F95] =	sst lr;
	_ =	strace $0xD0000000  }
0x3: {  	_ = 	snop  }
0x4: {  	_ = 	snop  }
0x5: {  	_ = 	snop  }
0x6: {  	_ = 	snop  }
0x7: {  	_ = 	snop  }
__scs_overlays_trampoline_lowered:
0x8: {  	[smem:$0x3FA4] =	sst s0  }
0x9: {  	[smem:$0x3FA5] =	sst s1  }
0xa: {  	[smem:$0x3FA6] =	sst s2  }
0xb: {  	[smem:$0x3FA7] =	sst s3  }
0xc: {  	[smem:$0x3FA8] =	sst s4  }
0xd: {  	[smem:$0x3FA9] =	sst s5  }
0xe: {  	[smem:$0x3FAA] =	sst s6  }
0xf: {  	[smem:$0x3FAB] =	sst s7  }
0x10: {  	[smem:$0x3FAC] =	sst s8  }
0x11: {  	[smem:$0x3FAD] =	sst s9;
	s0 =	simm.s32 @!p0 $0x0  }
0x12: {  	s1 =	sld [smem:$0x3F93];
	s0 =	simm.s32 @p0 $0x1  }
0x13: {  	[smem:$0x3FAE] =	sst s0;
	s0 =	simm.s32 @!p1 $0x0  }
0x14: {  	s2 =	sld [smem:$0x3F92];
	s0 =	simm.s32 @p1 $0x1  }
0x15: {  	[smem:$0x3FAF] =	sst s0;
	s0 =	simm.s32 @!p2 $0x0  }
0x16: {  	s3 =	sld [smem:$0x3FDB];
	s0 =	simm.s32 @p2 $0x1  }
0x17: {  	s4 =	simm.s32 $0x1BF5;
	[smem:$0x3FB1] =	sst s0  }
0x18: {  	s0 =	sld [smem:$0x3F94];
	_ =	swait.ge [sflag:s4], $0x0  }
0x19: {  	s7 =	sld [smem:$0x3F95]  }
0x1a: {  	s8 =	sadd.s32 $0xFFFFE003, lr  }
0x1b: {  	s9 =	sadd.s32 $0xFFFFFEF7, lr;
	s5 =	simm.s32 $0xFFFFFFFF;
	p2 =	slt.u32 s8, $0xFFFFF086  }
0x1c: {  	p1 =	slt.u32 s9, $0xF7A;
	s5 =	simm.s32 @!p2 $0x0  }
0x1d: {  	s5 =	simm.s32 @p1 $0x1;
	p0 =	seq.s32 s7, s2  }
0x1e: {  	s7 =	smul.u32 @!p0 $0xF7A, s2;
	p2 =	seq.s32 @!p0 s5, $0x0  }
0x1f: {  	s9 =	smul.u32 $0xF7A, s1;
	s8 =	simm.s32 @!p0 $0x1BF5;
	p2 =	por !p2, p0  }
0x20: {  	[sflag:s8] =	ssyncset.s32 @!p0 $0xFFFFF086;
	s6 =	sadd.s32 @!p0 s3, s7;
	s7 =	simm.s32 @!p0 $0x108  }
0x21: {  	s3 =	sadd.s32 s3, s9;
	s6 =	sadd.s32 @!p0 $0x88, s6;
	s7 =	simm.s32 @p2 $0x1082  }
0x22: {  	[simem:s7], [sflag:s8] =	dma.local @!p0 [hbm:s6], $0xF7A  }
0x23: {  	s9 =	sor.u32 $0xD0000000, s2;
	s6 =	simm.s32 $0x108;
	_ =	swait.ge @!p0 [sflag:s8], $0x0  }
0x24: {  	s3 =	sadd.s32 $0x88, s3;
	s6 =	simm.s32 @!p1 $0x1082;
	[sflag:s4] =	ssyncset.s32 $0xFFFFF086  }
0x25: {  	[simem:s6], [sflag:s4] =	dma.local [hbm:s3], $0xF7A  }
0x26: {  	[smem:$0x3F95] =	sst s1;
	(tag) =	ssettag s2;
	_ =	strace s9  }
0x27: {  	s1 =	sld [smem:$0x3FA5]  }
0x28: {  	s2 =	sld [smem:$0x3FA6]  }
0x29: {  	s4 =	sld [smem:$0x3FA8]  }
0x2a: {  	p0 =	seq.s32 s5, $0x0;
	s5 =	sld [smem:$0x3FA9]  }
0x2b: {  	s6 =	sld [smem:$0x3FAA]  }
0x2c: {  	s7 =	sld [smem:$0x3FAB]  }
0x2d: {  	s3 =	simm.s32 $0x108;
	s8 =	sld [smem:$0x3FAC]  }
0x2e: {  	s3 =	simm.s32 @!p0 $0x1082;
	s9 =	sld [smem:$0x3FAD]  }
0x2f: {  	lr =	sadd.s32 s0, s3;
	s0 =	sld [smem:$0x3FA4]  }
0x30: {  	s3 =	sld [smem:$0x3FA7]  }
0x31: {  	[smem:$0x3FB0] =	sst s10  }
0x32: {  	s10 =	sld [smem:$0x3FAE];
	_ =	sdelay $0x3  }
0x33: {  	p0 =	seq.s32 s10, $0x1;
	s10 =	sld [smem:$0x3FB0];
	_ =	sdelay $0x3  }
0x34: {  	[smem:$0x3FB0] =	sst s10  }
0x35: {  	s10 =	sld [smem:$0x3FAF];
	_ =	sdelay $0x3  }
0x36: {  	p1 =	seq.s32 s10, $0x1;
	s10 =	sld [smem:$0x3FB0];
	_ =	sdelay $0x3  }
0x37: {  	[smem:$0x3FB0] =	sst s10  }
0x38: {  	s10 =	sld [smem:$0x3FB1]  }
0x39: {  	_ = 	snop;
	(pc) =	sbr.ind lr, $3  }
0x3a: {  	_ = 	snop  }
0x3b: {  	_ = 	snop  }
0x3c: {  	p2 =	seq.s32 s10, $0x1;
	s10 =	sld [smem:$0x3FB0]  }
0x3d: {  	_ =	shalt  }
0x3e: {  	_ =	shalt  }
0x3f: {  	_ =	shalt  }
0x40: {  	_ =	shalt  }
0x41: {  	_ =	shalt  }
0x42: {  	_ =	shalt  }
0x43: {  	_ =	shalt  }
0x44: {  	_ =	shalt  }
0x45: {  	_ =	shalt  }
0x46: {  	_ =	shalt  }
0x47: {  	_ =	shalt  }
0x48: {  	_ =	shalt  }
0x49: {  	_ =	shalt  }
0x4a: {  	_ =	shalt  }
0x4b: {  	_ =	shalt  }
0x4c: {  	_ =	shalt  }
0x4d: {  	_ =	shalt  }
0x4e: {  	_ =	shalt  }
0x4f: {  	_ =	shalt  }
0x50: {  	_ =	shalt  }
0x51: {  	_ =	shalt  }
0x52: {  	_ =	shalt  }
0x53: {  	_ =	shalt  }
0x54: {  	_ =	shalt  }
0x55: {  	_ =	shalt  }
0x56: {  	_ =	shalt  }
0x57: {  	_ =	shalt  }
0x58: {  	_ =	shalt  }
0x59: {  	_ =	shalt  }
0x5a: {  	_ =	shalt  }
0x5b: {  	_ =	shalt  }
0x5c: {  	_ =	shalt  }
0x5d: {  	_ =	shalt  }
0x5e: {  	_ =	shalt  }
0x5f: {  	_ =	shalt  }
0x60: {  	_ =	shalt  }
0x61: {  	_ =	shalt  }
0x62: {  	_ =	shalt  }
0x63: {  	_ =	shalt  }
0x64: {  	_ =	shalt  }
0x65: {  	_ =	shalt  }
0x66: {  	_ =	shalt  }
0x67: {  	_ =	shalt  }
0x68: {  	_ =	shalt  }
0x69: {  	_ =	shalt  }
0x6a: {  	_ =	shalt  }
0x6b: {  	_ =	shalt  }
0x6c: {  	_ =	shalt  }
0x6d: {  	_ =	shalt  }
0x6e: {  	_ =	shalt  }
0x6f: {  	_ =	shalt  }
0x70: {  	_ =	shalt  }
0x71: {  	_ =	shalt  }
0x72: {  	_ =	shalt  }
0x73: {  	_ =	shalt  }
0x74: {  	_ =	shalt  }
0x75: {  	_ =	shalt  }
0x76: {  	_ =	shalt  }
0x77: {  	_ =	shalt  }
0x78: {  	_ =	shalt  }
0x79: {  	_ =	shalt  }
0x7a: {  	_ =	shalt  }
0x7b: {  	_ =	shalt  }
0x7c: {  	_ =	shalt  }
0x7d: {  	_ =	shalt  }
0x7e: {  	_ =	shalt  }
0x7f: {  	_ =	shalt  }
0x80: {  	_ =	shalt  }
0x81: {  	_ =	shalt  }
0x82: {  	_ =	shalt  }
0x83: {  	_ =	shalt  }
0x84: {  	_ =	shalt  }
0x85: {  	_ =	shalt  }
0x86: {  	_ =	shalt  }
0x87: {  	_ =	shalt  }
.Lfunc_end0:
.L_simem_size_0:
called_computation.4_lowered:
.L_overlay_start_0:
0x88: {  	s2 =	sld [smem:$0x3FD9]  }
0x89: {  	s3 =	sld [smem:$0x3FFE];
	_ =	sdelay $0x1  }
0x8a: {  	s1 =	srdreg.scid  }
0x8b: {  	s0 =	sand.u32 $0x1, s1  }
0x8c: {  	s17 =	sshll.u32 s0, $0xA;
	s2 =	sadd.s32 s3, s2  }
0x8d: {  	s2 =	sadd.s32 s2, s17  }
0x8e: {  	[smem:$0x3FBC] =	sst s2  }
0x8f: {  	_ = 	snop  }
0x90: {  	s2 =	sld [smem:$0x3FD0];
	(tm) =	ssettm $0x1  }
0x91: {  	s18 =	sld [smem:$0x3FFB];
	_ =	sdelay $0x3  }
0x92: {  	_ =	strace s18  }
0x93: {  	s3 =	sld [smem:$0x3FFC];
	_ =	sdelay $0x3  }
0x94: {  	_ =	strace s3  }
0x95: {  	s3 =	sld [smem:$0x3FFD];
	_ =	sdelay $0x3  }
0x96: {  	_ =	strace s3  }
0x97: {  	_ =	strace $0x8FFFFFFF  }
0x98: {  	s19 =	sld [smem:$0x3FDB];
	_ =	sdelay $0x1  }
0x99: {  	s4 =	simm.s32 $_scs_section_size  }
0x9a: {  	s5 =	simm.s32 $_size__tile_overlayer_lowered;
	s6 =	simm.s32 $_tile_overlayer_lowered  }
0x9b: {  	s22 =	simm.s32 $0x1BFF;
	s21 =	sshll.u32 s6, $0x1;
	s3 =	sadd.s32 s4, s19  }
0x9c: {  	s7 =	simm.s32 $0x0;
	s20 =	sshll.u32 s5, $0x1;
	s5 =	sadd.s32 s21, s3  }
0x9d: {  	[timem:s7], [sflag:s22] =	dma.local [hbm:s5], s20  }
0x9e: {  	_ =	swait.ge [sflag:s22], s20  }
0x9f: {  	s4 =	ssub.s32 $0x0, s20;
	[sflag:s22] =	ssyncset.done $0x0  }
0xa0: {  	[sflag:s22] =	ssyncadd.s32 s4;
	_ =	sdelay $0x1  }
0xa1: {  	s23 =	simm.s32 $0x1B8B  }
0xa2: {  	_ =	swait.ge [sflag:s23], $0x1  }
0xa3: {  	[sflag:s23] =	ssyncset.done $0x0  }
0xa4: {  	s25 =	simm.s32 $0x1B8E;
	s24 =	sld [smem:$0x3FFE];
	[sflag:s23] =	ssyncadd.s32 $0xFFFFFFFF  }
0xa5: {  	s26 =	simm.s32 $execute0_lowered;
	[smem:$0x3FD2] =	sst s25  }
0xa6: {  	s5 =	sshll.u32 s26, $0x1;
	_ =	strace $0x80000052;
	[dreg:$0x1] =	wrdreg $0xFFFFFFFF  }
0xa7: {  	s28 =	simm.s32 $_size_execute0_lowered;
	s3 =	sadd.s32 s3, s5;
	[dreg:$0x0] =	wrdreg $0x0  }
0xa8: {  	s5 =	sshll.u32 s28, $0x1;
	[dreg:$0x2] =	wrdreg s3  }
0xa9: {  	[dreg:$0x3] =	wrdreg s5  }
0xaa: {  	[dreg:$0x4] =	wrdreg $0xC0  }
0xab: {  	_ =	task [dreg:s7], $0x5FFFF  }
0xac: {  	[dreg:$0x1] =	wrdreg $0xFFFFFFFF  }
0xad: {  	[dreg:$0x0] =	wrdreg $0x60  }
0xae: {  	[dreg:$0x2] =	wrdreg s24  }
0xaf: {  	[dreg:$0x3] =	wrdreg s2  }
0xb0: {  	[dreg:$0x4] =	wrdreg $0xA8000  }
0xb1: {  	[dreg:$0x5] =	wrdreg $0x9  }
0xb2: {  	_ =	task.clear_ibuf [dreg:s7], $0x6FFFF;
	_ =	strace $0x90000052  }
0xb3: {  	s29 =	simm.s32 $0x9;
	_ =	strace $0x80000054  }
0xb4: {  	_ =	swait.ge [sflag:s29], $0x1  }
0xb5: {  	[sflag:s29] =	ssyncadd.s32 $0xFFFFFFFF  }
0xb6: {  	_ =	strace $0x90000054  }
0xb7: {  	_ =	sfence  }
0xb8: {  	s30 =	sld [smem:$0x0];
	_ =	sdelay $0x2  }
0xb9: {  	s31 =	sshll.u32 s1, $0xD;
	s1 =	sshrl.u32 s1, $0x2  }
0xba: {  	s3 =	sand.u32 $0x4000, s31;
	s1 =	sadd.s32 s1, s30  }
0xbb: {  	s0 =	sor.u32 s3, s0;
	s1 =	sshll.u32 s1, $0x11  }
0xbc: {  	s0 =	sor.u32 s1, s0  }
0xbd: {  	s0 =	sadd.s32 $0x8F2B, s0  }
0xbe: {  	[sflag:s0] =	ssyncadd.remote.s32 $0x1  }
0xbf: {  	_ =	sfence.sel $0xFFFF  }
0xc0: {  	[dreg:$0x0] =	wrdreg $0xFFFFFFFF;
	(pc) =	sbr.abs _section_cstart, $3  }
0xc1: {  	[dreg:$0x1] =	wrdreg $0xFFFFFFFF  }
0xc2: {  	_ =	task.clear_ibuf [dreg:s7], $0x2FFFF;
	_ =	strace $0x9FFFFFFF  }
0xc3: {  	(tm) =	ssettm $0x7FFFFFFF  }
tec
execute0_lowered:
.L_overlay_start_1:
0x0: {  	(tag) =	ssettag $0x1  }
0x1: {  	s6 =	rddreg [dreg:$0x0]  }
0x2: {  	s10 =	rddreg [dreg:$0x1]  }
0x3: {  	s1 =	rddreg [dreg:$0x2]  }
0x4: {  	s2 =	srdreg.scid;
	s0 =	rddreg [dreg:$0x3]  }
0x5: {  	s3 =	simm.s32 $0x0;
	s16 =	simm.s32 $0x1400;
	s17 =	simm.s32 $0x1  }
0x6: {  	s18 =	simm.s32 $0x7D;
	s19 =	simm.s32 $0x2800;
	s20 =	simm.s32 $0x6800  }
0x7: {  	s21 =	simm.s32 $0x2;
	s22 =	simm.s32 $0x1380;
	s23 =	simm.s32 $0x2700  }
0x8: {  	s24 =	simm.s32 $0x2780;
	s7 =	sand.u32 $0x1, s2;
	s2 =	stileid.u32  }
0x9: {  	[smem:$0x7FF] =	sst s3;
	s4 =	sadd.s32 $0x18200, s6;
	s8 =	smul.u32 $0x13C000, s7  }
0xa: {  	s11 =	sadd.s32 $0x4200, s6;
	s5 =	sadd.s32 $0x3F400, s6;
	s9 =	smul.u32 $0x13C00, s2  }
0xb: {  	_ =	strace $0x80000053;
	s25 =	sshll.u32 s2, $0x1;
	s12 =	ssub.s32 $0x2, s7  }
0xc: {  	s26 =	smul.u32 $0x4F000, s2;
	s7 =	sor.u32 s7, s25;
	s13 =	sshrl.u32 s12, $0x1  }
0xd: {  	s25 =	simm.s32 $0x0;
	s8 =	sadd.s32 s9, s8;
	s14 =	smul.u32 $0x2800, s7  }
0xe: {  	s13 =	ssub.s32 s12, s13;
	s28 =	sshrl.u32 s26, $0x2;
	s29 =	smul.u32 $0x500, s7  }
0xf: {  	s8 =	sshrl.u32 s8, $0x3;
	s31 =	sadd.s32 s28, s1;
	s13 =	smax.u32 s13, $0x1  }
0x10: {  	s15 =	sadd.s32 s8, s6;
	s6 =	sshll.u32 s2, $0x6;
	s30 =	sshrl.u32 s14, $0x3  }
0x11: {  	s8 =	sadd.s32 s10, s29;
	s9 =	sadd.s32 s11, s29;
	s12 =	sadd.s32 $0x280, s30  }
0x12: {  	s14 =	sshrl.u32 s31, $0x3;
	s7 =	sor.u32 $0x1C01, s6;
	s10 =	sadd.s32 s10, s12  }
0x13: {  	s11 =	sadd.s32 s11, s12;
	s12 =	sadd.s32 $0x41C00, s15;
	s15 =	simm.s32 $0x3  }
.LBB2_1:
0x14: {  	[spmem:s14], [sflag:s7] =	dma.local [hbm:s5], $0x2780  }
0x15: {  	[tilespmem:s3], [sflag:$0x3] =	stream.linear.gather [hbm4b:s8+s3], $0x1400, $0x38;
	[tilespmem:$0x1E400] =	vst v63  }
0x16: {  	_ =	swait.ge [sflag:s15], $0x1400  }
0x17: {  	[sflag:s15] =	ssyncset.done $0x0  }
0x18: {  	[sflag:s15] =	ssyncadd.s32 $0xFFFFEC00  }
0x19: {  	[tilespmem:s16], [sflag:$0x3] =	stream.linear.gather [hbm4b:s9+s3], $0x1400, $0x38;
	[tilespmem:$0x1E400] =	vst v63  }
0x1a: {  	_ =	swait.ge [sflag:s15], $0x1400  }
0x1b: {  	[sflag:s15] =	ssyncset.done $0x0  }
0x1c: {  	[sflag:s15] =	ssyncadd.s32 $0xFFFFEC00  }
0x1d: {  	_ =	swait.ge [sflag:s17], $0x2780  }
0x1e: {  	[sflag:s17] =	ssyncset.done $0x0  }
0x1f: {  	[sflag:s17] =	ssyncadd.s32 $0xFFFFD880  }
0x20: {  	[bflag:$0x0] =	sbarrier.arrive $0xFFFF  }
0x21: {  	[tilespmem:s19], [sflag:$0x1] =	stream.indirect.gather [hbm4b:s4+s18], $0x80, s3, s18, $0xb8;
	[tilespmem:$0x1E400] =	vst v63  }
0x22: {  	s26 =	simm.s32 $0x80  }
0x23: {  	[tilespmem:s20], [sflag:$0x2] =	stream.indirect.gather [hbm4b:s4+s18], $0x80, s26, s18, $0xb8;
	[tilespmem:$0x1E400] =	vst v63  }
0x24: {  	_ =	swait.ge [sflag:s17], $0x3E80  }
0x25: {  	[sflag:s17] =	ssyncset.done $0x0  }
0x26: {  	s29 =	simm.s32 $0x1400;
	[sflag:s17] =	ssyncadd.s32 $0xFFFFC180  }
0x27: {  	[spmem:s1] =	stream.indirect.scatter.add.f32 [tilespmem:s19], [sflag:$0x3], $0x80, s29, s18, $0xb8;
	[tilespmem:$0x1E400] =	vst v63  }
0x28: {  	_ =	swait.ge [sflag:s15], $0x3E80  }
0x29: {  	[sflag:s15] =	ssyncset.done $0x0  }
0x2a: {  	s30 =	simm.s32 $0x100;
	[sflag:s15] =	ssyncadd.s32 $0xFFFFC180  }
0x2b: {  	[tilespmem:s19], [sflag:$0x1] =	stream.indirect.gather [hbm4b:s4+s18], $0x80, s30, s18, $0xb8;
	[tilespmem:$0x1E400] =	vst v63  }
0x2c: {  	_ =	swait.ge [sflag:s21], $0x3E80  }
0x2d: {  	[sflag:s21] =	ssyncset.done $0x0  }
0x2e: {  	s31 =	simm.s32 $0x1480;
	[sflag:s21] =	ssyncadd.s32 $0xFFFFC180  }
0x2f: {  	[spmem:s1] =	stream.indirect.scatter.add.f32 [tilespmem:s20], [sflag:$0x3], $0x80, s31, s18, $0xb8;
	[tilespmem:$0x1E400] =	vst v63  }
0x30: {  	_ =	swait.ge [sflag:s15], $0x3E80  }
0x31: {  	s28 =	simm.s32 $0x800;
	s26 =	simm.s32 $0x100;
	[sflag:s15] =	ssyncset.done $0x0  }
.LBB2_2:
0x32: {  	s29 =	sadd.s32 $0x80, s26  }
0x33: {  	[sflag:s15] =	ssyncadd.s32 $0xFFFFC180;
	s30 =	smov.u32 s28;
	s31 =	sadd.s32 $0x400, s28  }
0x34: {  	[tilespmem:s20], [sflag:$0x2] =	stream.indirect.gather [hbm4b:s4+s18], $0x80, s29, s18, $0xb8;
	[tilespmem:$0x1E400] =	vst v63  }
0x35: {  	p0 =	sne.s32 s28, $0x4800;
	_ =	swait.ge [sflag:s17], $0x3E80  }
0x36: {  	[sflag:s17] =	ssyncset.done $0x0  }
0x37: {  	s28 =	sadd.s32 $0x1400, s26;
	[sflag:s17] =	ssyncadd.s32 $0xFFFFC180  }
0x38: {  	[spmem:s1] =	stream.indirect.scatter.add.f32 [tilespmem:s19], [sflag:$0x3], $0x80, s28, s18, $0xb8;
	[tilespmem:$0x1E400] =	vst v63  }
0x39: {  	_ =	swait.ge [sflag:s15], $0x3E80  }
0x3a: {  	[sflag:s15] =	ssyncset.done $0x0  }
0x3b: {  	s28 =	sadd.s32 $0x100, s26;
	[sflag:s15] =	ssyncadd.s32 $0xFFFFC180  }
0x3c: {  	[tilespmem:s19], [sflag:$0x1] =	stream.indirect.gather [hbm4b:s4+s18], $0x80, s28, s18, $0xb8;
	[tilespmem:$0x1E400] =	vst v63  }
0x3d: {  	_ =	swait.ge [sflag:s21], $0x3E80  }
.Ltmp0:
0x3e: {  	[sflag:s21] =	ssyncset.done $0x0;
	(pc) =	sbr.rel @p0 .LBB2_2-.Ltmp0, $4  }
0x3f: {  	s26 =	sadd.s32 $0x1480, s26;
	[sflag:s21] =	ssyncadd.s32 $0xFFFFC180  }
0x40: {  	[spmem:s1] =	stream.indirect.scatter.add.f32 [tilespmem:s20], [sflag:$0x3], $0x80, s26, s18, $0xb8;
	[tilespmem:$0x1E400] =	vst v63  }
0x41: {  	_ =	swait.ge [sflag:s15], $0x3E80  }
0x42: {  	s28 =	smov.u32 s31;
	s26 =	sshra.s32 s30, $0x2;
	[sflag:s15] =	ssyncset.done $0x0  }
0x43: {  	s28 =	sadd.s32 $0x80, s26;
	[sflag:s15] =	ssyncadd.s32 $0xFFFFC180  }
0x44: {  	[tilespmem:s20], [sflag:$0x2] =	stream.indirect.gather [hbm4b:s4+s18], $0x80, s28, s18, $0xb8;
	[tilespmem:$0x1E400] =	vst v63  }
0x45: {  	_ =	swait.ge [sflag:s17], $0x3E80  }
0x46: {  	[sflag:s17] =	ssyncset.done $0x0  }
0x47: {  	s28 =	sadd.s32 $0x1400, s26;
	[sflag:s17] =	ssyncadd.s32 $0xFFFFC180  }
0x48: {  	[spmem:s1] =	stream.indirect.scatter.add.f32 [tilespmem:s19], [sflag:$0x3], $0x80, s28, s18, $0xb8;
	[tilespmem:$0x1E400] =	vst v63  }
0x49: {  	_ =	swait.ge [sflag:s15], $0x3E80  }
0x4a: {  	[sflag:s15] =	ssyncset.done $0x0  }
0x4b: {  	s28 =	sadd.s32 $0x100, s26;
	[sflag:s15] =	ssyncadd.s32 $0xFFFFC180  }
0x4c: {  	[tilespmem:s19], [sflag:$0x1] =	stream.indirect.gather [hbm4b:s4+s18], $0x80, s28, s18, $0xb8;
	[tilespmem:$0x1E400] =	vst v63  }
0x4d: {  	_ =	swait.ge [sflag:s21], $0x3E80  }
0x4e: {  	[sflag:s21] =	ssyncset.done $0x0  }
0x4f: {  	s29 =	sadd.s32 $0x1480, s26;
	[sflag:s21] =	ssyncadd.s32 $0xFFFFC180  }
0x50: {  	[spmem:s1] =	stream.indirect.scatter.add.f32 [tilespmem:s20], [sflag:$0x3], $0x80, s29, s18, $0xb8;
	[tilespmem:$0x1E400] =	vst v63  }
0x51: {  	_ =	swait.ge [sflag:s15], $0x3E80  }
0x52: {  	[sflag:s15] =	ssyncset.done $0x0  }
0x53: {  	[sflag:s15] =	ssyncadd.s32 $0xFFFFC180  }
0x54: {  	[tilespmem:s20], [sflag:$0x2] =	stream.indirect.gather [hbm4b:s4+s18], $0x80, s22, s18, $0xb8;
	[tilespmem:$0x1E400] =	vst v63  }
0x55: {  	_ =	swait.ge [sflag:s17], $0x3E80  }
0x56: {  	[sflag:s17] =	ssyncset.done $0x0  }
0x57: {  	[sflag:s17] =	ssyncadd.s32 $0xFFFFC180  }
0x58: {  	[spmem:s1] =	stream.indirect.scatter.add.f32 [tilespmem:s19], [sflag:$0x3], $0x80, s23, s18, $0xb8;
	[tilespmem:$0x1E400] =	vst v63  }
0x59: {  	_ =	swait.ge [sflag:s15], $0x3E80  }
0x5a: {  	[sflag:s15] =	ssyncset.done $0x0  }
0x5b: {  	[sflag:s15] =	ssyncadd.s32 $0xFFFFC180  }
0x5c: {  	_ =	swait.ge [sflag:s21], $0x3E80  }
0x5d: {  	[sflag:s21] =	ssyncset.done $0x0  }
0x5e: {  	[sflag:s21] =	ssyncadd.s32 $0xFFFFC180  }
0x5f: {  	[spmem:s1] =	stream.indirect.scatter.add.f32 [tilespmem:s20], [sflag:$0x3], $0x80, s24, s18, $0xb8;
	[tilespmem:$0x1E400] =	vst v63  }
0x60: {  	_ =	swait.ge [sflag:s15], $0x3E80  }
0x61: {  	[sflag:s15] =	ssyncset.done $0x0  }
0x62: {  	s30 =	simm.s32 $0x0;
	[sflag:s15] =	ssyncadd.s32 $0xFFFFC180  }
0x63: {  	[tilespmem:s30], [sflag:$0x3] =	stream.linear.gather [hbm4b:s10+s30], $0x1400, $0x38;
	[tilespmem:$0x1E400] =	vst v63  }
0x64: {  	_ =	swait.ge [sflag:s15], $0x1400  }
0x65: {  	[sflag:s15] =	ssyncset.done $0x0  }
0x66: {  	[sflag:s15] =	ssyncadd.s32 $0xFFFFEC00  }
0x67: {  	[tilespmem:s16], [sflag:$0x3] =	stream.linear.gather [hbm4b:s11+s30], $0x1400, $0x38;
	[tilespmem:$0x1E400] =	vst v63  }
0x68: {  	_ =	swait.ge [sflag:s15], $0x1400  }
0x69: {  	[sflag:s15] =	ssyncset.done $0x0  }
0x6a: {  	[sflag:s15] =	ssyncadd.s32 $0xFFFFEC00  }
0x6b: {  	[tilespmem:s19], [sflag:$0x1] =	stream.indirect.gather [hbm4b:s4+s18], $0x80, s30, s18, $0xb8;
	[tilespmem:$0x1E400] =	vst v63  }
0x6c: {  	s31 =	simm.s32 $0x80  }
0x6d: {  	[tilespmem:s20], [sflag:$0x2] =	stream.indirect.gather [hbm4b:s4+s18], $0x80, s31, s18, $0xb8;
	[tilespmem:$0x1E400] =	vst v63  }
0x6e: {  	_ =	swait.ge [sflag:s17], $0x3E80  }
0x6f: {  	[sflag:s17] =	ssyncset.done $0x0  }
0x70: {  	s29 =	simm.s32 $0x1400;
	[sflag:s17] =	ssyncadd.s32 $0xFFFFC180  }
0x71: {  	[spmem:s1] =	stream.indirect.scatter.add.f32 [tilespmem:s19], [sflag:$0x3], $0x80, s29, s18, $0xb8;
	[tilespmem:$0x1E400] =	vst v63  }
0x72: {  	_ =	swait.ge [sflag:s15], $0x3E80  }
0x73: {  	[sflag:s15] =	ssyncset.done $0x0  }
0x74: {  	s30 =	simm.s32 $0x100;
	[sflag:s15] =	ssyncadd.s32 $0xFFFFC180  }
0x75: {  	[tilespmem:s19], [sflag:$0x1] =	stream.indirect.gather [hbm4b:s4+s18], $0x80, s30, s18, $0xb8;
	[tilespmem:$0x1E400] =	vst v63  }
0x76: {  	_ =	swait.ge [sflag:s21], $0x3E80  }
0x77: {  	[sflag:s21] =	ssyncset.done $0x0  }
0x78: {  	s31 =	simm.s32 $0x1480;
	[sflag:s21] =	ssyncadd.s32 $0xFFFFC180  }
0x79: {  	[spmem:s1] =	stream.indirect.scatter.add.f32 [tilespmem:s20], [sflag:$0x3], $0x80, s31, s18, $0xb8;
	[tilespmem:$0x1E400] =	vst v63  }
0x7a: {  	_ =	swait.ge [sflag:s15], $0x3E80  }
0x7b: {  	s26 =	simm.s32 $0x100;
	s28 =	simm.s32 $0x800;
	[sflag:s15] =	ssyncset.done $0x0  }
.LBB2_4:
0x7c: {  	s29 =	sadd.s32 $0x80, s26  }
0x7d: {  	[sflag:s15] =	ssyncadd.s32 $0xFFFFC180;
	s30 =	smov.u32 s28;
	s31 =	sadd.s32 $0x400, s28  }
0x7e: {  	[tilespmem:s20], [sflag:$0x2] =	stream.indirect.gather [hbm4b:s4+s18], $0x80, s29, s18, $0xb8;
	[tilespmem:$0x1E400] =	vst v63  }
0x7f: {  	p0 =	sne.s32 s28, $0x4800;
	_ =	swait.ge [sflag:s17], $0x3E80  }
0x80: {  	[sflag:s17] =	ssyncset.done $0x0  }
0x81: {  	s28 =	sadd.s32 $0x1400, s26;
	[sflag:s17] =	ssyncadd.s32 $0xFFFFC180  }
0x82: {  	[spmem:s1] =	stream.indirect.scatter.add.f32 [tilespmem:s19], [sflag:$0x3], $0x80, s28, s18, $0xb8;
	[tilespmem:$0x1E400] =	vst v63  }
0x83: {  	_ =	swait.ge [sflag:s15], $0x3E80  }
0x84: {  	[sflag:s15] =	ssyncset.done $0x0  }
0x85: {  	s28 =	sadd.s32 $0x100, s26;
	[sflag:s15] =	ssyncadd.s32 $0xFFFFC180  }
0x86: {  	[tilespmem:s19], [sflag:$0x1] =	stream.indirect.gather [hbm4b:s4+s18], $0x80, s28, s18, $0xb8;
	[tilespmem:$0x1E400] =	vst v63  }
0x87: {  	_ =	swait.ge [sflag:s21], $0x3E80  }
.Ltmp1:
0x88: {  	[sflag:s21] =	ssyncset.done $0x0;
	(pc) =	sbr.rel @p0 .LBB2_4-.Ltmp1, $4  }
0x89: {  	s26 =	sadd.s32 $0x1480, s26;
	[sflag:s21] =	ssyncadd.s32 $0xFFFFC180  }
0x8a: {  	[spmem:s1] =	stream.indirect.scatter.add.f32 [tilespmem:s20], [sflag:$0x3], $0x80, s26, s18, $0xb8;
	[tilespmem:$0x1E400] =	vst v63  }
0x8b: {  	_ =	swait.ge [sflag:s15], $0x3E80  }
0x8c: {  	s28 =	smov.u32 s31;
	s26 =	sshra.s32 s30, $0x2;
	[sflag:s15] =	ssyncset.done $0x0  }
0x8d: {  	s28 =	sadd.s32 $0x80, s26;
	[sflag:s15] =	ssyncadd.s32 $0xFFFFC180  }
0x8e: {  	[tilespmem:s20], [sflag:$0x2] =	stream.indirect.gather [hbm4b:s4+s18], $0x80, s28, s18, $0xb8;
	[tilespmem:$0x1E400] =	vst v63  }
0x8f: {  	_ =	swait.ge [sflag:s17], $0x3E80  }
0x90: {  	[sflag:s17] =	ssyncset.done $0x0  }
0x91: {  	s31 =	sadd.s32 $0x1400, s26;
	[sflag:s17] =	ssyncadd.s32 $0xFFFFC180  }
0x92: {  	[spmem:s1] =	stream.indirect.scatter.add.f32 [tilespmem:s19], [sflag:$0x3], $0x80, s31, s18, $0xb8;
	[tilespmem:$0x1E400] =	vst v63  }
0x93: {  	_ =	swait.ge [sflag:s15], $0x3E80  }
0x94: {  	[sflag:s15] =	ssyncset.done $0x0  }
0x95: {  	s29 =	sadd.s32 $0x100, s26;
	[sflag:s15] =	ssyncadd.s32 $0xFFFFC180  }
0x96: {  	[tilespmem:s19], [sflag:$0x1] =	stream.indirect.gather [hbm4b:s4+s18], $0x80, s29, s18, $0xb8;
	[tilespmem:$0x1E400] =	vst v63  }
0x97: {  	_ =	swait.ge [sflag:s21], $0x3E80  }
0x98: {  	[sflag:s21] =	ssyncset.done $0x0  }
0x99: {  	s30 =	sadd.s32 $0x1480, s26;
	[sflag:s21] =	ssyncadd.s32 $0xFFFFC180  }
0x9a: {  	[spmem:s1] =	stream.indirect.scatter.add.f32 [tilespmem:s20], [sflag:$0x3], $0x80, s30, s18, $0xb8;
	[tilespmem:$0x1E400] =	vst v63  }
0x9b: {  	_ =	swait.ge [sflag:s15], $0x3E80  }
0x9c: {  	[sflag:s15] =	ssyncset.done $0x0  }
0x9d: {  	[sflag:s15] =	ssyncadd.s32 $0xFFFFC180  }
0x9e: {  	[tilespmem:s20], [sflag:$0x2] =	stream.indirect.gather [hbm4b:s4+s18], $0x80, s22, s18, $0xb8;
	[tilespmem:$0x1E400] =	vst v63  }
0x9f: {  	_ =	swait.ge [sflag:s17], $0x3E80  }
0xa0: {  	[sflag:s17] =	ssyncset.done $0x0  }
0xa1: {  	[sflag:s17] =	ssyncadd.s32 $0xFFFFC180  }
0xa2: {  	[spmem:s1] =	stream.indirect.scatter.add.f32 [tilespmem:s19], [sflag:$0x3], $0x80, s23, s18, $0xb8;
	[tilespmem:$0x1E400] =	vst v63  }
0xa3: {  	_ =	swait.ge [sflag:s15], $0x3E80  }
0xa4: {  	[sflag:s15] =	ssyncset.done $0x0  }
0xa5: {  	[sflag:s15] =	ssyncadd.s32 $0xFFFFC180  }
0xa6: {  	_ =	swait.ge [sflag:s21], $0x3E80  }
0xa7: {  	[sflag:s21] =	ssyncset.done $0x0  }
0xa8: {  	[sflag:s21] =	ssyncadd.s32 $0xFFFFC180  }
0xa9: {  	[spmem:s1] =	stream.indirect.scatter.add.f32 [tilespmem:s20], [sflag:$0x3], $0x80, s24, s18, $0xb8;
	[tilespmem:$0x1E400] =	vst v63  }
0xaa: {  	_ =	swait.ge [sflag:s15], $0x3E80  }
0xab: {  	s25 =	sadd.s32 $0x1, s25;
	[sflag:s15] =	ssyncset.done $0x0  }
0xac: {  	p0 =	sne.s32 s25, s13;
	[sflag:s15] =	ssyncadd.s32 $0xFFFFC180  }
.Ltmp2:
0xad: {  	s31 =	sor.u32 $0x1C03, s6;
	[bflag:$0x0] =	sbarrier.arrive $0xFFFF;
	(pc) =	sbr.rel @p0 .LBB2_1-.Ltmp2, $4  }
0xae: {  	[hbm:s12], [sflag:s31] =	dma.local [spmem:s14], $0x2780  }
0xaf: {  	_ =	swait.ge [sflag:s15], $0x2780  }
0xb0: {  	[sflag:s15] =	ssyncset.done $0x0  }
0xb1: {  	[sflag:s15] =	ssyncadd.s32 $0xFFFFD880  }
0xb2: {  	_ =	sfence.sel $0x180000  }
0xb3: {  	[bflag:$0x0] =	sbarrier.arrive $0xFFFF  }
0xb4: {  	p0 =	sne.s32 s2, $0x0;
	_ =	strace $0x90000053  }
0xb5: {  	s0 =	sadd.s32 @!p0 $0x100000, s0;
	[bflag:$0x2] =	sbarrier.arrive $0xFFFF  }
0xb6: {  	[sflag:s0] =	ssyncadd.tile.s32 @!p0 $0x1;
	_ =	shalt  }
.Lfunc_end2:
_tile_overlayer_lowered:
.L_overlay_start_2:
0xb7: {  	(tag) =	ssettag $0x2  }
0xb8: {  	s0 =	rddreg [dreg:$0x0];
	s2 =	stileid.u32  }
0xb9: {  	s1 =	rddreg [dreg:$0x1];
	p0 =	sne.s32 s2, $0x0  }
0xba: {  	s3 =	rddreg [dreg:$0x2];
	[bflag:$0x3] =	sbarrier.arrive $0xFFFF;
	s2 =	simm.s32 @!p0 $0x1C03  }
0xbb: {  	[timem:s3], [sflag:s2] =	dma.local @!p0 [hbm:s0], s1  }
0xbc: {  	s0 =	simm.s32 @!p0 $0x3  }
0xbd: {  	_ =	swait.ge @!p0 [sflag:s0], s1  }
0xbe: {  	s1 =	ssub.s32 @!p0 $0x0, s1;
	[sflag:s0] =	ssyncset.done @!p0 $0x0  }
0xbf: {  	[sflag:s0] =	ssyncadd.s32 @!p0 s1  }
0xc0: {  	[bflag:$0x3] =	sbarrier.arrive $0xFFFF  }
0xc1: {  	_ =	shalt  }

// kernel: kernel.29.cloned.1.call-start
scs
__scs_entry_jumppad:
0x0: {  	(pc) =	sbr.rel $0x88, $3  }
0x1: {  	(tag) =	ssettag $0x0;
	lr =	simm.s32 $0x1  }
0x2: {  	[smem:$0x3F95] =	sst lr;
	_ =	strace $0xD0000000  }
0x3: {  	_ = 	snop  }
0x4: {  	_ = 	snop  }
0x5: {  	_ = 	snop  }
0x6: {  	_ = 	snop  }
0x7: {  	_ = 	snop  }
__scs_overlays_trampoline_lowered:
0x8: {  	[smem:$0x3FA4] =	sst s0  }
0x9: {  	[smem:$0x3FA5] =	sst s1  }
0xa: {  	[smem:$0x3FA6] =	sst s2  }
0xb: {  	[smem:$0x3FA7] =	sst s3  }
0xc: {  	[smem:$0x3FA8] =	sst s4  }
0xd: {  	[smem:$0x3FA9] =	sst s5  }
0xe: {  	[smem:$0x3FAA] =	sst s6  }
0xf: {  	[smem:$0x3FAB] =	sst s7  }
0x10: {  	[smem:$0x3FAC] =	sst s8  }
0x11: {  	[smem:$0x3FAD] =	sst s9;
	s0 =	simm.s32 @!p0 $0x0  }
0x12: {  	s1 =	sld [smem:$0x3F93];
	s0 =	simm.s32 @p0 $0x1  }
0x13: {  	[smem:$0x3FAE] =	sst s0;
	s0 =	simm.s32 @!p1 $0x0  }
0x14: {  	s2 =	sld [smem:$0x3F92];
	s0 =	simm.s32 @p1 $0x1  }
0x15: {  	[smem:$0x3FAF] =	sst s0;
	s0 =	simm.s32 @!p2 $0x0  }
0x16: {  	s3 =	sld [smem:$0x3FDB];
	s0 =	simm.s32 @p2 $0x1  }
0x17: {  	s4 =	simm.s32 $0x1BF5;
	[smem:$0x3FB1] =	sst s0  }
0x18: {  	s0 =	sld [smem:$0x3F94];
	_ =	swait.ge [sflag:s4], $0x0  }
0x19: {  	s7 =	sld [smem:$0x3F95]  }
0x1a: {  	s8 =	sadd.s32 $0xFFFFE003, lr  }
0x1b: {  	s9 =	sadd.s32 $0xFFFFFEF7, lr;
	s5 =	simm.s32 $0xFFFFFFFF;
	p2 =	slt.u32 s8, $0xFFFFF086  }
0x1c: {  	p1 =	slt.u32 s9, $0xF7A;
	s5 =	simm.s32 @!p2 $0x0  }
0x1d: {  	s5 =	simm.s32 @p1 $0x1;
	p0 =	seq.s32 s7, s2  }
0x1e: {  	s7 =	smul.u32 @!p0 $0xF7A, s2;
	p2 =	seq.s32 @!p0 s5, $0x0  }
0x1f: {  	s9 =	smul.u32 $0xF7A, s1;
	s8 =	simm.s32 @!p0 $0x1BF5;
	p2 =	por !p2, p0  }
0x20: {  	[sflag:s8] =	ssyncset.s32 @!p0 $0xFFFFF086;
	s6 =	sadd.s32 @!p0 s3, s7;
	s7 =	simm.s32 @!p0 $0x108  }
0x21: {  	s3 =	sadd.s32 s3, s9;
	s6 =	sadd.s32 @!p0 $0x88, s6;
	s7 =	simm.s32 @p2 $0x1082  }
0x22: {  	[simem:s7], [sflag:s8] =	dma.local @!p0 [hbm:s6], $0xF7A  }
0x23: {  	s9 =	sor.u32 $0xD0000000, s2;
	s6 =	simm.s32 $0x108;
	_ =	swait.ge @!p0 [sflag:s8], $0x0  }
0x24: {  	s3 =	sadd.s32 $0x88, s3;
	s6 =	simm.s32 @!p1 $0x1082;
	[sflag:s4] =	ssyncset.s32 $0xFFFFF086  }
0x25: {  	[simem:s6], [sflag:s4] =	dma.local [hbm:s3], $0xF7A  }
0x26: {  	[smem:$0x3F95] =	sst s1;
	(tag) =	ssettag s2;
	_ =	strace s9  }
0x27: {  	s1 =	sld [smem:$0x3FA5]  }
0x28: {  	s2 =	sld [smem:$0x3FA6]  }
0x29: {  	s4 =	sld [smem:$0x3FA8]  }
0x2a: {  	p0 =	seq.s32 s5, $0x0;
	s5 =	sld [smem:$0x3FA9]  }
0x2b: {  	s6 =	sld [smem:$0x3FAA]  }
0x2c: {  	s7 =	sld [smem:$0x3FAB]  }
0x2d: {  	s3 =	simm.s32 $0x108;
	s8 =	sld [smem:$0x3FAC]  }
0x2e: {  	s3 =	simm.s32 @!p0 $0x1082;
	s9 =	sld [smem:$0x3FAD]  }
0x2f: {  	lr =	sadd.s32 s0, s3;
	s0 =	sld [smem:$0x3FA4]  }
0x30: {  	s3 =	sld [smem:$0x3FA7]  }
0x31: {  	[smem:$0x3FB0] =	sst s10  }
0x32: {  	s10 =	sld [smem:$0x3FAE];
	_ =	sdelay $0x3  }
0x33: {  	p0 =	seq.s32 s10, $0x1;
	s10 =	sld [smem:$0x3FB0];
	_ =	sdelay $0x3  }
0x34: {  	[smem:$0x3FB0] =	sst s10  }
0x35: {  	s10 =	sld [smem:$0x3FAF];
	_ =	sdelay $0x3  }
0x36: {  	p1 =	seq.s32 s10, $0x1;
	s10 =	sld [smem:$0x3FB0];
	_ =	sdelay $0x3  }
0x37: {  	[smem:$0x3FB0] =	sst s10  }
0x38: {  	s10 =	sld [smem:$0x3FB1]  }
0x39: {  	_ = 	snop;
	(pc) =	sbr.ind lr, $3  }
0x3a: {  	_ = 	snop  }
0x3b: {  	_ = 	snop  }
0x3c: {  	p2 =	seq.s32 s10, $0x1;
	s10 =	sld [smem:$0x3FB0]  }
0x3d: {  	_ =	shalt  }
0x3e: {  	_ =	shalt  }
0x3f: {  	_ =	shalt  }
0x40: {  	_ =	shalt  }
0x41: {  	_ =	shalt  }
0x42: {  	_ =	shalt  }
0x43: {  	_ =	shalt  }
0x44: {  	_ =	shalt  }
0x45: {  	_ =	shalt  }
0x46: {  	_ =	shalt  }
0x47: {  	_ =	shalt  }
0x48: {  	_ =	shalt  }
0x49: {  	_ =	shalt  }
0x4a: {  	_ =	shalt  }
0x4b: {  	_ =	shalt  }
0x4c: {  	_ =	shalt  }
0x4d: {  	_ =	shalt  }
0x4e: {  	_ =	shalt  }
0x4f: {  	_ =	shalt  }
0x50: {  	_ =	shalt  }
0x51: {  	_ =	shalt  }
0x52: {  	_ =	shalt  }
0x53: {  	_ =	shalt  }
0x54: {  	_ =	shalt  }
0x55: {  	_ =	shalt  }
0x56: {  	_ =	shalt  }
0x57: {  	_ =	shalt  }
0x58: {  	_ =	shalt  }
0x59: {  	_ =	shalt  }
0x5a: {  	_ =	shalt  }
0x5b: {  	_ =	shalt  }
0x5c: {  	_ =	shalt  }
0x5d: {  	_ =	shalt  }
0x5e: {  	_ =	shalt  }
0x5f: {  	_ =	shalt  }
0x60: {  	_ =	shalt  }
0x61: {  	_ =	shalt  }
0x62: {  	_ =	shalt  }
0x63: {  	_ =	shalt  }
0x64: {  	_ =	shalt  }
0x65: {  	_ =	shalt  }
0x66: {  	_ =	shalt  }
0x67: {  	_ =	shalt  }
0x68: {  	_ =	shalt  }
0x69: {  	_ =	shalt  }
0x6a: {  	_ =	shalt  }
0x6b: {  	_ =	shalt  }
0x6c: {  	_ =	shalt  }
0x6d: {  	_ =	shalt  }
0x6e: {  	_ =	shalt  }
0x6f: {  	_ =	shalt  }
0x70: {  	_ =	shalt  }
0x71: {  	_ =	shalt  }
0x72: {  	_ =	shalt  }
0x73: {  	_ =	shalt  }
0x74: {  	_ =	shalt  }
0x75: {  	_ =	shalt  }
0x76: {  	_ =	shalt  }
0x77: {  	_ =	shalt  }
0x78: {  	_ =	shalt  }
0x79: {  	_ =	shalt  }
0x7a: {  	_ =	shalt  }
0x7b: {  	_ =	shalt  }
0x7c: {  	_ =	shalt  }
0x7d: {  	_ =	shalt  }
0x7e: {  	_ =	shalt  }
0x7f: {  	_ =	shalt  }
0x80: {  	_ =	shalt  }
0x81: {  	_ =	shalt  }
0x82: {  	_ =	shalt  }
0x83: {  	_ =	shalt  }
0x84: {  	_ =	shalt  }
0x85: {  	_ =	shalt  }
0x86: {  	_ =	shalt  }
0x87: {  	_ =	shalt  }
.Lfunc_end0:
.L_simem_size_0:
called_computation.5_lowered:
.L_overlay_start_0:
0x88: {  	s2 =	sld [smem:$0x3FD9]  }
0x89: {  	s3 =	sld [smem:$0x3FFE];
	_ =	sdelay $0x1  }
0x8a: {  	s1 =	srdreg.scid  }
0x8b: {  	s0 =	sand.u32 $0x1, s1  }
0x8c: {  	s17 =	sshll.u32 s0, $0xA;
	s2 =	sadd.s32 s3, s2  }
0x8d: {  	s2 =	sadd.s32 s2, s17  }
0x8e: {  	[smem:$0x3FBC] =	sst s2  }
0x8f: {  	_ = 	snop  }
0x90: {  	s2 =	sld [smem:$0x3FD0];
	(tm) =	ssettm $0x1  }
0x91: {  	s18 =	sld [smem:$0x3FFB];
	_ =	sdelay $0x3  }
0x92: {  	_ =	strace s18  }
0x93: {  	s3 =	sld [smem:$0x3FFC];
	_ =	sdelay $0x3  }
0x94: {  	_ =	strace s3  }
0x95: {  	s3 =	sld [smem:$0x3FFD];
	_ =	sdelay $0x3  }
0x96: {  	_ =	strace s3  }
0x97: {  	_ =	strace $0x8FFFFFFF  }
0x98: {  	s19 =	sld [smem:$0x3FDB];
	_ =	sdelay $0x1  }
0x99: {  	s4 =	simm.s32 $_scs_section_size  }
0x9a: {  	s5 =	simm.s32 $_size__tile_overlayer_lowered;
	s6 =	simm.s32 $_tile_overlayer_lowered  }
0x9b: {  	s22 =	simm.s32 $0x1BFF;
	s21 =	sshll.u32 s6, $0x1;
	s3 =	sadd.s32 s4, s19  }
0x9c: {  	s7 =	simm.s32 $0x0;
	s20 =	sshll.u32 s5, $0x1;
	s5 =	sadd.s32 s21, s3  }
0x9d: {  	[timem:s7], [sflag:s22] =	dma.local [hbm:s5], s20  }
0x9e: {  	_ =	swait.ge [sflag:s22], s20  }
0x9f: {  	s4 =	ssub.s32 $0x0, s20;
	[sflag:s22] =	ssyncset.done $0x0  }
0xa0: {  	[sflag:s22] =	ssyncadd.s32 s4;
	_ =	sdelay $0x1  }
0xa1: {  	s23 =	simm.s32 $0x1B8B  }
0xa2: {  	_ =	swait.ge [sflag:s23], $0x1  }
0xa3: {  	[sflag:s23] =	ssyncset.done $0x0  }
0xa4: {  	s25 =	simm.s32 $0x1B8E;
	s24 =	sld [smem:$0x3FFE];
	[sflag:s23] =	ssyncadd.s32 $0xFFFFFFFF  }
0xa5: {  	s26 =	simm.s32 $execute0_lowered;
	[smem:$0x3FD2] =	sst s25  }
0xa6: {  	s5 =	sshll.u32 s26, $0x1;
	_ =	strace $0x80000055;
	[dreg:$0x1] =	wrdreg $0xFFFFFFFF  }
0xa7: {  	s28 =	simm.s32 $_size_execute0_lowered;
	s3 =	sadd.s32 s3, s5;
	[dreg:$0x0] =	wrdreg $0x0  }
0xa8: {  	s5 =	sshll.u32 s28, $0x1;
	[dreg:$0x2] =	wrdreg s3  }
0xa9: {  	[dreg:$0x3] =	wrdreg s5  }
0xaa: {  	[dreg:$0x4] =	wrdreg $0xC0  }
0xab: {  	_ =	task [dreg:s7], $0x5FFFF  }
0xac: {  	[dreg:$0x1] =	wrdreg $0xFFFFFFFF  }
0xad: {  	[dreg:$0x0] =	wrdreg $0x60  }
0xae: {  	[dreg:$0x2] =	wrdreg s2  }
0xaf: {  	[dreg:$0x3] =	wrdreg s24  }
0xb0: {  	[dreg:$0x4] =	wrdreg $0x8E800  }
0xb1: {  	[dreg:$0x5] =	wrdreg $0x9  }
0xb2: {  	_ =	task.clear_ibuf [dreg:s7], $0x6FFFF;
	_ =	strace $0x90000055  }
0xb3: {  	s29 =	simm.s32 $0x9;
	_ =	strace $0x80000057  }
0xb4: {  	_ =	swait.ge [sflag:s29], $0x1  }
0xb5: {  	[sflag:s29] =	ssyncadd.s32 $0xFFFFFFFF  }
0xb6: {  	_ =	strace $0x90000057  }
0xb7: {  	_ =	sfence  }
0xb8: {  	s30 =	sld [smem:$0x0];
	_ =	sdelay $0x2  }
0xb9: {  	s31 =	sshll.u32 s1, $0xD;
	s1 =	sshrl.u32 s1, $0x2  }
0xba: {  	s3 =	sand.u32 $0x4000, s31;
	s1 =	sadd.s32 s1, s30  }
0xbb: {  	s0 =	sor.u32 s3, s0;
	s1 =	sshll.u32 s1, $0x11  }
0xbc: {  	s0 =	sor.u32 s1, s0  }
0xbd: {  	s0 =	sadd.s32 $0x8F2B, s0  }
0xbe: {  	[sflag:s0] =	ssyncadd.remote.s32 $0x1  }
0xbf: {  	_ =	sfence.sel $0xFFFF  }
0xc0: {  	[dreg:$0x0] =	wrdreg $0xFFFFFFFF;
	(pc) =	sbr.abs _section_cstart, $3  }
0xc1: {  	[dreg:$0x1] =	wrdreg $0xFFFFFFFF  }
0xc2: {  	_ =	task.clear_ibuf [dreg:s7], $0x2FFFF;
	_ =	strace $0x9FFFFFFF  }
0xc3: {  	(tm) =	ssettm $0x7FFFFFFF  }
tec
execute0_lowered:
.L_overlay_start_1:
0x0: {  	(tag) =	ssettag $0x1  }
0x1: {  	s1 =	rddreg [dreg:$0x0]  }
0x2: {  	s6 =	rddreg [dreg:$0x1]  }
0x3: {  	s3 =	rddreg [dreg:$0x2]  }
0x4: {  	s0 =	rddreg [dreg:$0x3]  }
0x5: {  	s4 =	srdreg.scid;
	s2 =	stileid.u32;
	s14 =	simm.s32 $0x1  }
0x6: {  	s15 =	simm.s32 $0x7D;
	s16 =	simm.s32 $0x5000;
	s17 =	simm.s32 $0x6F40  }
0x7: {  	s18 =	simm.s32 $0x2;
	s19 =	simm.s32 $0x2780;
	s20 =	simm.s32 $0x4F00  }
0x8: {  	s21 =	simm.s32 $0x4F80;
	s23 =	simm.s32 $0x0;
	s5 =	sand.u32 $0x1, s4  }
0x9: {  	s7 =	sshll.u32 s2, $0x1;
	s8 =	smul.u32 $0x9E00, s2;
	s4 =	simm.s32 $0x0  }
0xa: {  	s22 =	sshll.u32 s2, $0x6;
	s7 =	sor.u32 s5, s7;
	s9 =	smul.u32 $0x9E000, s5  }
0xb: {  	[smem:$0x7FF] =	sst s4;
	s30 =	ssub.s32 $0x2, s5;
	s5 =	sadd.s32 $0x4200, s6  }
0xc: {  	s7 =	smul.u32 $0x500, s7;
	_ =	strace $0x80000056;
	s9 =	sadd.s32 s8, s9  }
0xd: {  	s31 =	sshrl.u32 s30, $0x1;
	s13 =	sadd.s32 s8, s3;
	s29 =	sshrl.u32 s9, $0x3  }
0xe: {  	s12 =	ssub.s32 s30, s31;
	s10 =	sadd.s32 s7, s6;
	s11 =	sadd.s32 s29, s6  }
0xf: {  	s6 =	sor.u32 $0x1C01, s22;
	s7 =	sadd.s32 $0x90C00, s10;
	s8 =	sadd.s32 $0xE200, s10  }
0x10: {  	s10 =	smax.u32 s12, $0x1;
	s12 =	simm.s32 $0x3;
	s22 =	sor.u32 $0x1C03, s22  }
0x11: {  	s9 =	sadd.s32 $0x18200, s11;
	s11 =	sshrl.u32 s13, $0x3;
	s13 =	simm.s32 $0x2800  }
.LBB2_1:
0x12: {  	[spmem:s11], [sflag:s6] =	dma.local [hbm:s5], $0x13C0  }
0x13: {  	[tilespmem:s4], [sflag:$0x3] =	stream.linear.gather [hbm4b:s7+s4], $0x2800, $0x38;
	[tilespmem:$0x12C80] =	vst v63  }
0x14: {  	_ =	swait.ge [sflag:s12], $0x2800  }
0x15: {  	[sflag:s12] =	ssyncset.done $0x0  }
0x16: {  	[sflag:s12] =	ssyncadd.s32 $0xFFFFD800  }
0x17: {  	[tilespmem:s13], [sflag:$0x3] =	stream.linear.gather [hbm4b:s8+s4], $0x2800, $0x38;
	[tilespmem:$0x12C80] =	vst v63  }
0x18: {  	_ =	swait.ge [sflag:s12], $0x2800  }
0x19: {  	[sflag:s12] =	ssyncset.done $0x0  }
0x1a: {  	[sflag:s12] =	ssyncadd.s32 $0xFFFFD800  }
0x1b: {  	_ =	swait.ge [sflag:s14], $0x13C0  }
0x1c: {  	[sflag:s14] =	ssyncset.done $0x0  }
0x1d: {  	[sflag:s14] =	ssyncadd.s32 $0xFFFFEC40  }
0x1e: {  	[bflag:$0x0] =	sbarrier.arrive $0xFFFF  }
0x1f: {  	[tilespmem:s16], [sflag:$0x1] =	stream.indirect.gather [hbm4b:s1+s15], $0x40, s4, s15, $0xb8;
	[tilespmem:$0x12C80] =	vst v63  }
0x20: {  	s24 =	simm.s32 $0x80  }
0x21: {  	[tilespmem:s17], [sflag:$0x2] =	stream.indirect.gather [hbm4b:s1+s15], $0x40, s24, s15, $0xb8;
	[tilespmem:$0x12C80] =	vst v63  }
0x22: {  	_ =	swait.ge [sflag:s14], $0x1F40  }
0x23: {  	[sflag:s14] =	ssyncset.done $0x0  }
0x24: {  	s29 =	simm.s32 $0x2800;
	[sflag:s14] =	ssyncadd.s32 $0xFFFFE0C0  }
0x25: {  	[spmem:s3] =	stream.indirect.scatter.add.f32 [tilespmem:s16], [sflag:$0x3], $0x40, s29, s15, $0xb8;
	[tilespmem:$0x12C80] =	vst v63  }
0x26: {  	_ =	swait.ge [sflag:s12], $0x1F40  }
0x27: {  	[sflag:s12] =	ssyncset.done $0x0  }
0x28: {  	s30 =	simm.s32 $0x100;
	[sflag:s12] =	ssyncadd.s32 $0xFFFFE0C0  }
0x29: {  	[tilespmem:s16], [sflag:$0x1] =	stream.indirect.gather [hbm4b:s1+s15], $0x40, s30, s15, $0xb8;
	[tilespmem:$0x12C80] =	vst v63  }
0x2a: {  	_ =	swait.ge [sflag:s18], $0x1F40  }
0x2b: {  	[sflag:s18] =	ssyncset.done $0x0  }
0x2c: {  	s31 =	simm.s32 $0x2880;
	[sflag:s18] =	ssyncadd.s32 $0xFFFFE0C0  }
0x2d: {  	[spmem:s3] =	stream.indirect.scatter.add.f32 [tilespmem:s17], [sflag:$0x3], $0x40, s31, s15, $0xb8;
	[tilespmem:$0x12C80] =	vst v63  }
0x2e: {  	_ =	swait.ge [sflag:s12], $0x1F40  }
0x2f: {  	s25 =	simm.s32 $0x800;
	s24 =	simm.s32 $0x100;
	[sflag:s12] =	ssyncset.done $0x0  }
.LBB2_2:
0x30: {  	s26 =	sadd.s32 $0x80, s24  }
0x31: {  	[sflag:s12] =	ssyncadd.s32 $0xFFFFE0C0;
	s28 =	smov.u32 s25;
	s29 =	sadd.s32 $0x400, s25  }
0x32: {  	[tilespmem:s17], [sflag:$0x2] =	stream.indirect.gather [hbm4b:s1+s15], $0x40, s26, s15, $0xb8;
	[tilespmem:$0x12C80] =	vst v63  }
0x33: {  	p0 =	sne.s32 s25, $0x9800;
	_ =	swait.ge [sflag:s14], $0x1F40  }
0x34: {  	[sflag:s14] =	ssyncset.done $0x0  }
0x35: {  	s25 =	sadd.s32 $0x2800, s24;
	[sflag:s14] =	ssyncadd.s32 $0xFFFFE0C0  }
0x36: {  	[spmem:s3] =	stream.indirect.scatter.add.f32 [tilespmem:s16], [sflag:$0x3], $0x40, s25, s15, $0xb8;
	[tilespmem:$0x12C80] =	vst v63  }
0x37: {  	_ =	swait.ge [sflag:s12], $0x1F40  }
0x38: {  	[sflag:s12] =	ssyncset.done $0x0  }
0x39: {  	s25 =	sadd.s32 $0x100, s24;
	[sflag:s12] =	ssyncadd.s32 $0xFFFFE0C0  }
0x3a: {  	[tilespmem:s16], [sflag:$0x1] =	stream.indirect.gather [hbm4b:s1+s15], $0x40, s25, s15, $0xb8;
	[tilespmem:$0x12C80] =	vst v63  }
0x3b: {  	_ =	swait.ge [sflag:s18], $0x1F40  }
.Ltmp0:
0x3c: {  	[sflag:s18] =	ssyncset.done $0x0;
	(pc) =	sbr.rel @p0 .LBB2_2-.Ltmp0, $4  }
0x3d: {  	s24 =	sadd.s32 $0x2880, s24;
	[sflag:s18] =	ssyncadd.s32 $0xFFFFE0C0  }
0x3e: {  	[spmem:s3] =	stream.indirect.scatter.add.f32 [tilespmem:s17], [sflag:$0x3], $0x40, s24, s15, $0xb8;
	[tilespmem:$0x12C80] =	vst v63  }
0x3f: {  	_ =	swait.ge [sflag:s12], $0x1F40  }
0x40: {  	s25 =	smov.u32 s29;
	s24 =	sshra.s32 s28, $0x2;
	[sflag:s12] =	ssyncset.done $0x0  }
0x41: {  	s25 =	sadd.s32 $0x80, s24;
	[sflag:s12] =	ssyncadd.s32 $0xFFFFE0C0  }
0x42: {  	[tilespmem:s17], [sflag:$0x2] =	stream.indirect.gather [hbm4b:s1+s15], $0x40, s25, s15, $0xb8;
	[tilespmem:$0x12C80] =	vst v63  }
0x43: {  	_ =	swait.ge [sflag:s14], $0x1F40  }
0x44: {  	[sflag:s14] =	ssyncset.done $0x0  }
0x45: {  	s29 =	sadd.s32 $0x2800, s24;
	[sflag:s14] =	ssyncadd.s32 $0xFFFFE0C0  }
0x46: {  	[spmem:s3] =	stream.indirect.scatter.add.f32 [tilespmem:s16], [sflag:$0x3], $0x40, s29, s15, $0xb8;
	[tilespmem:$0x12C80] =	vst v63  }
0x47: {  	_ =	swait.ge [sflag:s12], $0x1F40  }
0x48: {  	[sflag:s12] =	ssyncset.done $0x0  }
0x49: {  	s30 =	sadd.s32 $0x100, s24;
	[sflag:s12] =	ssyncadd.s32 $0xFFFFE0C0  }
0x4a: {  	[tilespmem:s16], [sflag:$0x1] =	stream.indirect.gather [hbm4b:s1+s15], $0x40, s30, s15, $0xb8;
	[tilespmem:$0x12C80] =	vst v63  }
0x4b: {  	_ =	swait.ge [sflag:s18], $0x1F40  }
0x4c: {  	[sflag:s18] =	ssyncset.done $0x0  }
0x4d: {  	s31 =	sadd.s32 $0x2880, s24;
	[sflag:s18] =	ssyncadd.s32 $0xFFFFE0C0  }
0x4e: {  	[spmem:s3] =	stream.indirect.scatter.add.f32 [tilespmem:s17], [sflag:$0x3], $0x40, s31, s15, $0xb8;
	[tilespmem:$0x12C80] =	vst v63  }
0x4f: {  	_ =	swait.ge [sflag:s12], $0x1F40  }
0x50: {  	[sflag:s12] =	ssyncset.done $0x0  }
0x51: {  	[sflag:s12] =	ssyncadd.s32 $0xFFFFE0C0  }
0x52: {  	[tilespmem:s17], [sflag:$0x2] =	stream.indirect.gather [hbm4b:s1+s15], $0x40, s19, s15, $0xb8;
	[tilespmem:$0x12C80] =	vst v63  }
0x53: {  	_ =	swait.ge [sflag:s14], $0x1F40  }
0x54: {  	[sflag:s14] =	ssyncset.done $0x0  }
0x55: {  	[sflag:s14] =	ssyncadd.s32 $0xFFFFE0C0  }
0x56: {  	[spmem:s3] =	stream.indirect.scatter.add.f32 [tilespmem:s16], [sflag:$0x3], $0x40, s20, s15, $0xb8;
	[tilespmem:$0x12C80] =	vst v63  }
0x57: {  	_ =	swait.ge [sflag:s12], $0x1F40  }
0x58: {  	[sflag:s12] =	ssyncset.done $0x0  }
0x59: {  	[sflag:s12] =	ssyncadd.s32 $0xFFFFE0C0  }
0x5a: {  	_ =	swait.ge [sflag:s18], $0x1F40  }
0x5b: {  	[sflag:s18] =	ssyncset.done $0x0  }
0x5c: {  	[sflag:s18] =	ssyncadd.s32 $0xFFFFE0C0  }
0x5d: {  	[spmem:s3] =	stream.indirect.scatter.add.f32 [tilespmem:s17], [sflag:$0x3], $0x40, s21, s15, $0xb8;
	[tilespmem:$0x12C80] =	vst v63  }
0x5e: {  	_ =	swait.ge [sflag:s12], $0x1F40  }
0x5f: {  	s23 =	sadd.s32 $0x1, s23;
	[sflag:s12] =	ssyncset.done $0x0  }
0x60: {  	p0 =	sne.s32 s23, s10;
	[sflag:s12] =	ssyncadd.s32 $0xFFFFE0C0  }
.Ltmp1:
0x61: {  	[bflag:$0x0] =	sbarrier.arrive $0xFFFF;
	(pc) =	sbr.rel @p0 .LBB2_1-.Ltmp1, $4  }
0x62: {  	[hbm:s9], [sflag:s22] =	dma.local [spmem:s11], $0x13C0  }
0x63: {  	_ =	swait.ge [sflag:s12], $0x13C0  }
0x64: {  	[sflag:s12] =	ssyncset.done $0x0  }
0x65: {  	[sflag:s12] =	ssyncadd.s32 $0xFFFFEC40  }
0x66: {  	_ =	sfence.sel $0x180000  }
0x67: {  	[bflag:$0x0] =	sbarrier.arrive $0xFFFF  }
0x68: {  	p0 =	sne.s32 s2, $0x0;
	_ =	strace $0x90000056  }
0x69: {  	s0 =	sadd.s32 @!p0 $0x100000, s0;
	[bflag:$0x2] =	sbarrier.arrive $0xFFFF  }
0x6a: {  	[sflag:s0] =	ssyncadd.tile.s32 @!p0 $0x1;
	_ =	shalt  }
.Lfunc_end2:
_tile_overlayer_lowered:
.L_overlay_start_2:
0x6b: {  	(tag) =	ssettag $0x2  }
0x6c: {  	s0 =	rddreg [dreg:$0x0];
	s2 =	stileid.u32  }
0x6d: {  	s1 =	rddreg [dreg:$0x1];
	p0 =	sne.s32 s2, $0x0  }
0x6e: {  	s3 =	rddreg [dreg:$0x2];
	[bflag:$0x3] =	sbarrier.arrive $0xFFFF;
	s2 =	simm.s32 @!p0 $0x1C03  }
0x6f: {  	[timem:s3], [sflag:s2] =	dma.local @!p0 [hbm:s0], s1  }
0x70: {  	s0 =	simm.s32 @!p0 $0x3  }
0x71: {  	_ =	swait.ge @!p0 [sflag:s0], s1  }
0x72: {  	s1 =	ssub.s32 @!p0 $0x0, s1;
	[sflag:s0] =	ssyncset.done @!p0 $0x0  }
0x73: {  	[sflag:s0] =	ssyncadd.s32 @!p0 s1  }
0x74: {  	[bflag:$0x3] =	sbarrier.arrive $0xFFFF  }
0x75: {  	_ =	shalt  }

</sc_bundles>
